<compile_context>
chip_gen: v7x
topology: tpu7x:2x2x1
jax: 0.10.2.dev20260603
libtpu: 0.0.44.dev20260713+nightly
codegen_flags: <defaults>
</compile_context>

<pallas_src>
import functools

import numpy as np

import jax
import jax.numpy as jnp
from jax import lax
from jax.experimental import pallas as pl
from jax.experimental.pallas import tpu as pltpu
from jax.experimental.pallas import tpu_sc as plsc

NNODE = 10000
NEDGE = 320000
DIM = 128

NC = 2
NS = 16
NW = NC * NS
LANES = 16

NPAD = 10240
KCH = 128
CPT_A = 80
CPT_B = 80
TOT_CH = NS * (CPT_A + CPT_B)
EPAD = TOT_CH * KCH
EPT_DEG = EPAD // NW
RPT = NPAD // NS

_PAD_E = np.tile(NNODE + (np.arange(EPAD - NEDGE) % (NPAD - NNODE)),
                 (2, 1)).astype(np.int32)
_ZEROS_ND = np.zeros((NPAD, DIM), np.float32)

_mesh = plsc.VectorSubcoreMesh(
    core_axis_name="c", subcore_axis_name="s", num_cores=NC, num_subcores=NS)


@functools.partial(
    pl.kernel,
    out_type=jax.ShapeDtypeStruct((NW, NPAD), jnp.float32),
    mesh=_mesh,
    scratch_types=[
        pltpu.VMEM((EPT_DEG // KCH, 1, KCH), jnp.int32),
        pltpu.VMEM((NPAD,), jnp.float32),
    ],
    compiler_params=pltpu.CompilerParams(needs_layout_passes=False),
)
def _deg_kernel(ei_hbm, out_hbm, dst_v, deg_v):
    cid = lax.axis_index("c")
    sid = lax.axis_index("s")
    wid = sid * NC + cid
    cpt = EPT_DEG // KCH
    pltpu.sync_copy(ei_hbm.at[1, pl.ds(wid * cpt, cpt)], dst_v)

    @pl.loop(0, NPAD // LANES)
    def _zero(i):
        deg_v[pl.ds(i * LANES, LANES)] = jnp.zeros((LANES,), jnp.float32)

    ones = jnp.ones((LANES,), jnp.float32)

    @pl.loop(0, cpt)
    def _acc(r):
        for k in range(KCH // LANES):
            idx = dst_v[r, 0, pl.ds(k * LANES, LANES)]
            plsc.addupdate_scatter(deg_v, [idx], ones)

    pltpu.sync_copy(deg_v, out_hbm.at[wid])


@functools.partial(
    pl.kernel,
    out_type=jax.ShapeDtypeStruct((NC, NPAD, DIM), jnp.float32),
    mesh=_mesh,
    scratch_types=[
        pltpu.VMEM((CPT_A, 1, KCH), jnp.int32),
        pltpu.VMEM((4, 1, KCH), jnp.int32),
        pltpu.VMEM((2, KCH, DIM), jnp.float32),
        pltpu.VMEM_SHARED((NPAD, DIM), jnp.float32),
        pltpu.SemaphoreType.DMA,
        pltpu.SemaphoreType.DMA,
        pltpu.SemaphoreType.DMA,
        pltpu.SemaphoreType.DMA,
        pltpu.SemaphoreType.DMA,
        pltpu.SemaphoreType.DMA,
    ],
    compiler_params=pltpu.CompilerParams(needs_layout_passes=False),
)
def _spmm_kernel(g_hbm, ei_hbm, zero_hbm, out_hbm,
                 src_v, dst_v, rows_v, acc_sh, sg0, sg1, sd0, sd1, sd2, sd3):
    cid = lax.axis_index("c")
    sid = lax.axis_index("s")
    row0 = sid * RPT
    sg = (sg0, sg1)
    sd = (sd0, sd1, sd2, sd3)

    def edge_pipeline(cbase, cpt):
        pltpu.sync_copy(ei_hbm.at[0, pl.ds(cbase, cpt)],
                        src_v.at[pl.ds(0, cpt)])
        for c in range(4):
            pltpu.async_copy(ei_hbm.at[1, cbase + c], dst_v.at[c], sd[c])
        pltpu.async_copy(g_hbm.at[src_v.at[0, 0]], rows_v.at[0], sg[0])
        pltpu.async_copy(g_hbm.at[src_v.at[1, 0]], rows_v.at[1], sg[1])
        plsc.subcore_barrier()

        @pl.loop(0, cpt, step=4)
        def _quad(j):
            for b in range(4):
                cur = j + b
                rb = b % 2
                pltpu.make_async_copy(g_hbm.at[src_v.at[0, 0]], rows_v.at[rb],
                                      sg[rb]).wait()
                pltpu.make_async_copy(ei_hbm.at[1, cbase], dst_v.at[b],
                                      sd[b]).wait()
                pltpu.sync_copy(rows_v.at[rb], acc_sh.at[dst_v.at[b, 0]],
                                add=True)

                @pl.when(cur + 2 < cpt)
                def _():
                    pltpu.async_copy(g_hbm.at[src_v.at[cur + 2, 0]],
                                     rows_v.at[rb], sg[rb])

                @pl.when(cur + 4 < cpt)
                def _():
                    pltpu.async_copy(ei_hbm.at[1, cbase + cur + 4],
                                     dst_v.at[b], sd[b])

    @pl.when(cid == 0)
    def _():
        pltpu.sync_copy(g_hbm.at[pl.ds(row0, RPT)], acc_sh.at[pl.ds(row0, RPT)])
        edge_pipeline(sid * CPT_A, CPT_A)

    @pl.when(cid != 0)
    def _():
        pltpu.sync_copy(zero_hbm.at[pl.ds(row0, RPT)],
                        acc_sh.at[pl.ds(row0, RPT)])
        edge_pipeline(NS * CPT_A + sid * CPT_B, CPT_B)

    plsc.subcore_barrier()
    pltpu.sync_copy(acc_sh.at[pl.ds(row0, RPT)],
                    out_hbm.at[cid, pl.ds(row0, RPT)])


_RB = 1024


def _mm1_body(x_ref, w_ref, degp_ref, g_ref, dinv_ref):
    deg = jnp.sum(degp_ref[...], axis=0) + 1.0
    dinv = lax.rsqrt(deg)
    h = jnp.dot(x_ref[...], w_ref[...], preferred_element_type=jnp.float32)
    g_ref[...] = h * dinv[:, None]
    dinv_ref[...] = dinv[:, None]


def _mid_body(t_ref, dinv_ref, w_ref, b_ref, g_ref):
    t = t_ref[0] + t_ref[1]
    dinv = dinv_ref[...]
    y = t * dinv + b_ref[...]
    h = jnp.dot(y, w_ref[...], preferred_element_type=jnp.float32)
    g_ref[...] = h * dinv


def _fin_body(t_ref, dinv_ref, b_ref, o_ref):
    t = t_ref[0] + t_ref[1]
    o_ref[...] = t * dinv_ref[...] + b_ref[...]


_GRID = NPAD // _RB

_mm1 = pl.pallas_call(
    _mm1_body,
    grid=(_GRID,),
    in_specs=[
        pl.BlockSpec((_RB, DIM), lambda i: (i, 0)),
        pl.BlockSpec((DIM, DIM), lambda i: (0, 0)),
        pl.BlockSpec((NW, _RB), lambda i: (0, i)),
    ],
    out_specs=[
        pl.BlockSpec((_RB, DIM), lambda i: (i, 0)),
        pl.BlockSpec((_RB, 1), lambda i: (i, 0)),
    ],
    out_shape=[
        jax.ShapeDtypeStruct((NPAD, DIM), jnp.float32),
        jax.ShapeDtypeStruct((NPAD, 1), jnp.float32),
    ],
)

_mid = pl.pallas_call(
    _mid_body,
    grid=(_GRID,),
    in_specs=[
        pl.BlockSpec((NC, _RB, DIM), lambda i: (0, i, 0)),
        pl.BlockSpec((_RB, 1), lambda i: (i, 0)),
        pl.BlockSpec((DIM, DIM), lambda i: (0, 0)),
        pl.BlockSpec((1, DIM), lambda i: (0, 0)),
    ],
    out_specs=pl.BlockSpec((_RB, DIM), lambda i: (i, 0)),
    out_shape=jax.ShapeDtypeStruct((NPAD, DIM), jnp.float32),
)

_FB = 400

_fin = pl.pallas_call(
    _fin_body,
    grid=(NNODE // _FB,),
    in_specs=[
        pl.BlockSpec((NC, _FB, DIM), lambda i: (0, i, 0)),
        pl.BlockSpec((_FB, 1), lambda i: (i, 0)),
        pl.BlockSpec((1, DIM), lambda i: (0, 0)),
    ],
    out_specs=pl.BlockSpec((_FB, DIM), lambda i: (i, 0)),
    out_shape=jax.ShapeDtypeStruct((NNODE, DIM), jnp.float32),
)


def kernel(node_features, edge_index, W1, b1, W2, b2):
    xpad = jnp.zeros((NPAD, DIM), jnp.float32).at[:NNODE].set(node_features)
    ei = jnp.concatenate([edge_index, _PAD_E], axis=1)
    ei4 = ei.reshape(2, TOT_CH, 1, KCH)

    degp = _deg_kernel(ei4)
    g1, dinv = _mm1(xpad, W1, degp)
    t1 = _spmm_kernel(g1, ei4, _ZEROS_ND)
    g2 = _mid(t1, dinv, W2, b1.reshape(1, DIM))
    t2 = _spmm_kernel(g2, ei4, _ZEROS_ND)
    return _fin(t2, dinv, b2.reshape(1, DIM))

# --- scband reference (transcript-rebuilt; emitter-appended) ---
"""Pipeline reference for scband-gcnmodel-8435315769613 (READ-ONLY COPY).

The authoritative reference and input builder live on the scoring server;
editing this copy changes nothing except your own understanding.
"""

import jax, jax.numpy as jnp
import numpy as np

N = 10000
E = 320000
D_IN = 128
D_H = 128


def setup_inputs(seed: int = 0) -> dict:
    key = jax.random.key(seed)
    k1, k2, k3, k4, k5, k6 = jax.random.split(key, 6)
    node_features = jax.random.normal(k1, (N, D_IN), dtype=jnp.float32)
    edge_index = jax.random.randint(k2, (2, E), 0, N, dtype=jnp.int32)
    # GCNConv layer params (PyG default: glorot weight, zero bias)
    W1 = jax.random.normal(k3, (D_IN, D_H), dtype=jnp.float32) * (1.0 / np.sqrt(D_IN))
    b1 = jnp.zeros((D_H,), dtype=jnp.float32)
    W2 = jax.random.normal(k4, (D_H, D_H), dtype=jnp.float32) * (1.0 / np.sqrt(D_H))
    b2 = jnp.zeros((D_H,), dtype=jnp.float32)
    return {"node_features": node_features, "edge_index": edge_index, "W1": W1, "b1": b1, "W2": W2, "b2": b2}


def gcn_conv(x, src, dst, W, b):
    # PyG GCNConv: add self-loops, symmetric normalization D^-1/2 A_hat D^-1/2,
    # linear transform, message = norm * x_src, aggregate sum at dst, add bias.
    deg = jnp.zeros((N,), dtype=x.dtype).at[dst].add(1.0)
    deg_inv_sqrt = jnp.where(deg > 0, 1.0 / jnp.sqrt(deg), 0.0)
    norm = deg_inv_sqrt[src] * deg_inv_sqrt[dst]
    h = x @ W
    msg = norm[:, None] * jnp.take(h, src, axis=0)
    out = jax.ops.segment_sum(msg, dst, num_segments=N)
    return out + b


def reference(node_features, edge_index, W1, b1, W2, b2):
    loop = jnp.arange(N, dtype=edge_index.dtype)
    src = jnp.concatenate([edge_index[0], loop])
    dst = jnp.concatenate([edge_index[1], loop])
    h = gcn_conv(node_features, src, dst, W1, b1)
    h = gcn_conv(h, src, dst, W2, b2)
    return h

if __name__ == "__main__":
    import jax
    _d = setup_inputs()
    print(jax.jit(kernel)(*tuple(_d.values())))

</pallas_src>

<mosaic_0001>
#map = affine_map<(d0, d1) -> (0, 0)>
#map1 = affine_map<(d0, d1) -> (0, 0, 0, 0)>
#map2 = affine_map<(d0, d1) -> (0, 0, 0)>
module attributes {stable_mosaic.version = 14 : i64} {
  func.func @_spmm_kernel(%arg0: i32, %arg1: i32, %arg2: memref<10240x128xf32, #tpu.memory_space<hbm>>, %arg3: memref<2x2560x1x128xi32, #tpu.memory_space<hbm>>, %arg4: memref<10240x128xf32, #tpu.memory_space<hbm>>, %arg5: memref<2x10240x128xf32, #tpu.memory_space<hbm>>, %arg6: memref<80x1x128xi32, #tpu.memory_space<vmem>>, %arg7: memref<4x1x128xi32, #tpu.memory_space<vmem>>, %arg8: memref<2x128x128xf32, #tpu.memory_space<vmem>>, %arg9: memref<10240x128xf32, #tpu.memory_space<vmem_shared>>, %arg10: memref<!tpu.dma_semaphore, #tpu.memory_space<semaphore_mem>>, %arg11: memref<!tpu.dma_semaphore, #tpu.memory_space<semaphore_mem>>, %arg12: memref<!tpu.dma_semaphore, #tpu.memory_space<semaphore_mem>>, %arg13: memref<!tpu.dma_semaphore, #tpu.memory_space<semaphore_mem>>, %arg14: memref<!tpu.dma_semaphore, #tpu.memory_space<semaphore_mem>>, %arg15: memref<!tpu.dma_semaphore, #tpu.memory_space<semaphore_mem>>) attributes {dimension_semantics = [#tpu.dimension_semantics<core_parallel>, #tpu.dimension_semantics<subcore_parallel>], iteration_bounds = array<i64: 2, 16>, scalar_prefetch = 0 : i64, scratch_operands = 10 : i64, tpu.core_type = #tpu.core_type<sc_vector_subcore>, window_params = [{transform_indices = #map}, {transform_indices = #map1}, {transform_indices = #map}, {transform_indices = #map2}]} {
    %mul3A = arith.constant 640 : i32
    %mul3A_0 = arith.muli %arg1, %mul3A : i32
    %eq3A = arith.constant 0 : i32
    %eq3A_1 = arith.cmpi eq, %arg0, %eq3A : i32
    %convert_element_type3A = arith.extui %eq3A_1 : i1 to i32
    %cond3A = arith.constant 0 : i32
    %cond3A_2 = arith.cmpi ne, %convert_element_type3A, %cond3A : i32
    scf.if %cond3A_2 {
      "tpu.region"() ({
        %run_scoped3A_118 = tpu.sem_alloc : memref<!tpu.dma_semaphore, #tpu.memory_space<semaphore_mem>>
        %dma_start3A_119 = arith.constant 0 : i32
        %dma_start3A_120 = tpu.memref_slice %arg9[%mul3A_0, %dma_start3A_119] : memref<10240x128xf32, #tpu.memory_space<vmem_shared>> -> memref<640x128xf32, #tpu.memory_space<vmem_shared>>
        %dma_start3A_121 = arith.constant 0 : i32
        %dma_start3A_122 = tpu.memref_slice %arg2[%mul3A_0, %dma_start3A_121] : memref<10240x128xf32, #tpu.memory_space<hbm>> -> memref<640x128xf32, #tpu.memory_space<hbm>>
        tpu.enqueue_dma source(%dma_start3A_122 : memref<640x128xf32, #tpu.memory_space<hbm>>) target(%dma_start3A_120 : memref<640x128xf32, #tpu.memory_space<vmem_shared>>) target_semaphore(%run_scoped3A_118 : memref<!tpu.dma_semaphore, #tpu.memory_space<semaphore_mem>>)
        %dma_wait3A = arith.constant 0 : i32
        %dma_wait3A_123 = tpu.memref_slice %arg9[%mul3A_0, %dma_wait3A] : memref<10240x128xf32, #tpu.memory_space<vmem_shared>> -> memref<640x128xf32, #tpu.memory_space<vmem_shared>>
        %dma_wait3A_124 = arith.constant 0 : i32
        %dma_wait3A_125 = tpu.memref_slice %arg2[%mul3A_0, %dma_wait3A_124] : memref<10240x128xf32, #tpu.memory_space<hbm>> -> memref<640x128xf32, #tpu.memory_space<hbm>>
        tpu.wait_dma2 semaphore(%run_scoped3A_118 : memref<!tpu.dma_semaphore, #tpu.memory_space<semaphore_mem>>) src(%dma_wait3A_125 : memref<640x128xf32, #tpu.memory_space<hbm>>) dst(%dma_wait3A_123 : memref<640x128xf32, #tpu.memory_space<vmem_shared>>)
        tpu.yield
      }) : () -> ()
      %mul3A_7 = arith.constant 80 : i32
      %mul3A_8 = arith.muli %arg1, %mul3A_7 : i32
      %run_scoped3A = arith.constant 0 : i32
      "tpu.region"() ({
        %run_scoped3A_118 = tpu.sem_alloc : memref<!tpu.dma_semaphore, #tpu.memory_space<semaphore_mem>>
        %dma_start3A_119 = arith.constant 0 : i32
        %dma_start3A_120 = arith.constant 0 : i32
        %dma_start3A_121 = arith.constant 0 : i32
        %dma_start3A_122 = tpu.memref_slice %arg6[%dma_start3A_119, %dma_start3A_120, %dma_start3A_121] : memref<80x1x128xi32, #tpu.memory_space<vmem>> -> memref<80x1x128xi32, #tpu.memory_space<vmem>>
        %dma_start3A_123 = arith.constant 0 : i32
        %dma_start3A_124 = arith.constant 0 : i32
        %dma_start3A_125 = tpu.memref_slice %arg3[%run_scoped3A, %mul3A_8, %dma_start3A_123, %dma_start3A_124] : memref<2x2560x1x128xi32, #tpu.memory_space<hbm>> -> memref<1x80x1x128xi32, #tpu.memory_space<hbm>>
        %dma_start3A_126 = tpu.memref_squeeze %dma_start3A_125 : memref<1x80x1x128xi32, #tpu.memory_space<hbm>> -> memref<80x1x128xi32, #tpu.memory_space<hbm>>
        %dma_start3A_127 = arith.constant 0 : i32
        %dma_start3A_128 = arith.constant 0 : i32
        %dma_start3A_129 = arith.constant 0 : i32
        %dma_start3A_130 = tpu.memref_slice %arg6[%dma_start3A_127, %dma_start3A_128, %dma_start3A_129] : memref<80x1x128xi32, #tpu.memory_space<vmem>> -> memref<80x1x128xi32, #tpu.memory_space<vmem>>
        %dma_start3A_131 = arith.constant 0 : i32
        %dma_start3A_132 = arith.constant 0 : i32
        %dma_start3A_133 = tpu.memref_slice %arg3[%run_scoped3A, %mul3A_8, %dma_start3A_131, %dma_start3A_132] : memref<2x2560x1x128xi32, #tpu.memory_space<hbm>> -> memref<1x80x1x128xi32, #tpu.memory_space<hbm>>
        %dma_start3A_134 = tpu.memref_squeeze %dma_start3A_133 : memref<1x80x1x128xi32, #tpu.memory_space<hbm>> -> memref<80x1x128xi32, #tpu.memory_space<hbm>>
        tpu.enqueue_dma source(%dma_start3A_134 : memref<80x1x128xi32, #tpu.memory_space<hbm>>) target(%dma_start3A_130 : memref<80x1x128xi32, #tpu.memory_space<vmem>>) target_semaphore(%run_scoped3A_118 : memref<!tpu.dma_semaphore, #tpu.memory_space<semaphore_mem>>)
        %dma_wait3A = arith.constant 0 : i32
        %dma_wait3A_135 = arith.constant 0 : i32
        %dma_wait3A_136 = arith.constant 0 : i32
        %dma_wait3A_137 = tpu.memref_slice %arg6[%dma_wait3A, %dma_wait3A_135, %dma_wait3A_136] : memref<80x1x128xi32, #tpu.memory_space<vmem>> -> memref<80x1x128xi32, #tpu.memory_space<vmem>>
        %dma_wait3A_138 = arith.constant 0 : i32
        %dma_wait3A_139 = arith.constant 0 : i32
        %dma_wait3A_140 = tpu.memref_slice %arg3[%run_scoped3A, %mul3A_8, %dma_wait3A_138, %dma_wait3A_139] : memref<2x2560x1x128xi32, #tpu.memory_space<hbm>> -> memref<1x80x1x128xi32, #tpu.memory_space<hbm>>
        %dma_wait3A_141 = tpu.memref_squeeze %dma_wait3A_140 : memref<1x80x1x128xi32, #tpu.memory_space<hbm>> -> memref<80x1x128xi32, #tpu.memory_space<hbm>>
        %dma_wait3A_142 = arith.constant 0 : i32
        %dma_wait3A_143 = arith.constant 0 : i32
        %dma_wait3A_144 = arith.constant 0 : i32
        %dma_wait3A_145 = tpu.memref_slice %arg6[%dma_wait3A_142, %dma_wait3A_143, %dma_wait3A_144] : memref<80x1x128xi32, #tpu.memory_space<vmem>> -> memref<80x1x128xi32, #tpu.memory_space<vmem>>
        %dma_wait3A_146 = arith.constant 0 : i32
        %dma_wait3A_147 = arith.constant 0 : i32
        %dma_wait3A_148 = tpu.memref_slice %arg3[%run_scoped3A, %mul3A_8, %dma_wait3A_146, %dma_wait3A_147] : memref<2x2560x1x128xi32, #tpu.memory_space<hbm>> -> memref<1x80x1x128xi32, #tpu.memory_space<hbm>>
        %dma_wait3A_149 = tpu.memref_squeeze %dma_wait3A_148 : memref<1x80x1x128xi32, #tpu.memory_space<hbm>> -> memref<80x1x128xi32, #tpu.memory_space<hbm>>
        tpu.wait_dma2 semaphore(%run_scoped3A_118 : memref<!tpu.dma_semaphore, #tpu.memory_space<semaphore_mem>>) src(%dma_wait3A_149 : memref<80x1x128xi32, #tpu.memory_space<hbm>>) dst(%dma_wait3A_145 : memref<80x1x128xi32, #tpu.memory_space<vmem>>)
        tpu.yield
      }) : () -> ()
      %add3A = arith.constant 0 : i32
      %add3A_9 = arith.addi %mul3A_8, %add3A : i32
      %dma_start3A = arith.constant 1 : i32
      %dma_start3A_10 = arith.constant 0 : i32
      %dma_start3A_11 = arith.constant 0 : i32
      %dma_start3A_12 = arith.constant 0 : i32
      %dma_start3A_13 = tpu.memref_slice %arg7[%dma_start3A_10, %dma_start3A_11, %dma_start3A_12] : memref<4x1x128xi32, #tpu.memory_space<vmem>> -> memref<1x1x128xi32, #tpu.memory_space<vmem>>
      %dma_start3A_14 = tpu.memref_squeeze %dma_start3A_13 : memref<1x1x128xi32, #tpu.memory_space<vmem>> -> memref<1x128xi32, #tpu.memory_space<vmem>>
      %dma_start3A_15 = arith.constant 0 : i32
      %dma_start3A_16 = arith.constant 0 : i32
      %dma_start3A_17 = tpu.memref_slice %arg3[%dma_start3A, %add3A_9, %dma_start3A_15, %dma_start3A_16] : memref<2x2560x1x128xi32, #tpu.memory_space<hbm>> -> memref<1x1x1x128xi32, #tpu.memory_space<hbm>>
      %dma_start3A_18 = tpu.memref_squeeze %dma_start3A_17 : memref<1x1x1x128xi32, #tpu.memory_space<hbm>> -> memref<1x128xi32, #tpu.memory_space<hbm>>
      %dma_start3A_19 = arith.constant 0 : i32
      %dma_start3A_20 = arith.constant 0 : i32
      %dma_start3A_21 = tpu.memref_slice %arg7[%dma_start3A_10, %dma_start3A_19, %dma_start3A_20] : memref<4x1x128xi32, #tpu.memory_space<vmem>> -> memref<1x1x128xi32, #tpu.memory_space<vmem>>
      %dma_start3A_22 = tpu.memref_squeeze %dma_start3A_21 : memref<1x1x128xi32, #tpu.memory_space<vmem>> -> memref<1x128xi32, #tpu.memory_space<vmem>>
      %dma_start3A_23 = arith.constant 0 : i32
      %dma_start3A_24 = arith.constant 0 : i32
      %dma_start3A_25 = tpu.memref_slice %arg3[%dma_start3A, %add3A_9, %dma_start3A_23, %dma_start3A_24] : memref<2x2560x1x128xi32, #tpu.memory_space<hbm>> -> memref<1x1x1x128xi32, #tpu.memory_space<hbm>>
      %dma_start3A_26 = tpu.memref_squeeze %dma_start3A_25 : memref<1x1x1x128xi32, #tpu.memory_space<hbm>> -> memref<1x128xi32, #tpu.memory_space<hbm>>
      tpu.enqueue_dma source(%dma_start3A_26 : memref<1x128xi32, #tpu.memory_space<hbm>>) target(%dma_start3A_22 : memref<1x128xi32, #tpu.memory_space<vmem>>) target_semaphore(%arg12 : memref<!tpu.dma_semaphore, #tpu.memory_space<semaphore_mem>>)
      %add3A_27 = arith.constant 1 : i32
      %add3A_28 = arith.addi %mul3A_8, %add3A_27 : i32
      %dma_start3A_29 = arith.constant 1 : i32
      %dma_start3A_30 = arith.constant 1 : i32
      %dma_start3A_31 = arith.constant 0 : i32
      %dma_start3A_32 = arith.constant 0 : i32
      %dma_start3A_33 = tpu.memref_slice %arg7[%dma_start3A_30, %dma_start3A_31, %dma_start3A_32] : memref<4x1x128xi32, #tpu.memory_space<vmem>> -> memref<1x1x128xi32, #tpu.memory_space<vmem>>
      %dma_start3A_34 = tpu.memref_squeeze %dma_start3A_33 : memref<1x1x128xi32, #tpu.memory_space<vmem>> -> memref<1x128xi32, #tpu.memory_space<vmem>>
      %dma_start3A_35 = arith.constant 0 : i32
      %dma_start3A_36 = arith.constant 0 : i32
      %dma_start3A_37 = tpu.memref_slice %arg3[%dma_start3A_29, %add3A_28, %dma_start3A_35, %dma_start3A_36] : memref<2x2560x1x128xi32, #tpu.memory_space<hbm>> -> memref<1x1x1x128xi32, #tpu.memory_space<hbm>>
      %dma_start3A_38 = tpu.memref_squeeze %dma_start3A_37 : memref<1x1x1x128xi32, #tpu.memory_space<hbm>> -> memref<1x128xi32, #tpu.memory_space<hbm>>
      %dma_start3A_39 = arith.constant 0 : i32
      %dma_start3A_40 = arith.constant 0 : i32
      %dma_start3A_41 = tpu.memref_slice %arg7[%dma_start3A_30, %dma_start3A_39, %dma_start3A_40] : memref<4x1x128xi32, #tpu.memory_space<vmem>> -> memref<1x1x128xi32, #tpu.memory_space<vmem>>
      %dma_start3A_42 = tpu.memref_squeeze %dma_start3A_41 : memref<1x1x128xi32, #tpu.memory_space<vmem>> -> memref<1x128xi32, #tpu.memory_space<vmem>>
      %dma_start3A_43 = arith.constant 0 : i32
      %dma_start3A_44 = arith.constant 0 : i32
      %dma_start3A_45 = tpu.memref_slice %arg3[%dma_start3A_29, %add3A_28, %dma_start3A_43, %dma_start3A_44] : memref<2x2560x1x128xi32, #tpu.memory_space<hbm>> -> memref<1x1x1x128xi32, #tpu.memory_space<hbm>>
      %dma_start3A_46 = tpu.memref_squeeze %dma_start3A_45 : memref<1x1x1x128xi32, #tpu.memory_space<hbm>> -> memref<1x128xi32, #tpu.memory_space<hbm>>
      tpu.enqueue_dma source(%dma_start3A_46 : memref<1x128xi32, #tpu.memory_space<hbm>>) target(%dma_start3A_42 : memref<1x128xi32, #tpu.memory_space<vmem>>) target_semaphore(%arg13 : memref<!tpu.dma_semaphore, #tpu.memory_space<semaphore_mem>>)
      %add3A_47 = arith.constant 2 : i32
      %add3A_48 = arith.addi %mul3A_8, %add3A_47 : i32
      %dma_start3A_49 = arith.constant 1 : i32
      %dma_start3A_50 = arith.constant 2 : i32
      %dma_start3A_51 = arith.constant 0 : i32
      %dma_start3A_52 = arith.constant 0 : i32
      %dma_start3A_53 = tpu.memref_slice %arg7[%dma_start3A_50, %dma_start3A_51, %dma_start3A_52] : memref<4x1x128xi32, #tpu.memory_space<vmem>> -> memref<1x1x128xi32, #tpu.memory_space<vmem>>
      %dma_start3A_54 = tpu.memref_squeeze %dma_start3A_53 : memref<1x1x128xi32, #tpu.memory_space<vmem>> -> memref<1x128xi32, #tpu.memory_space<vmem>>
      %dma_start3A_55 = arith.constant 0 : i32
      %dma_start3A_56 = arith.constant 0 : i32
      %dma_start3A_57 = tpu.memref_slice %arg3[%dma_start3A_49, %add3A_48, %dma_start3A_55, %dma_start3A_56] : memref<2x2560x1x128xi32, #tpu.memory_space<hbm>> -> memref<1x1x1x128xi32, #tpu.memory_space<hbm>>
      %dma_start3A_58 = tpu.memref_squeeze %dma_start3A_57 : memref<1x1x1x128xi32, #tpu.memory_space<hbm>> -> memref<1x128xi32, #tpu.memory_space<hbm>>
      %dma_start3A_59 = arith.constant 0 : i32
      %dma_start3A_60 = arith.constant 0 : i32
      %dma_start3A_61 = tpu.memref_slice %arg7[%dma_start3A_50, %dma_start3A_59, %dma_start3A_60] : memref<4x1x128xi32, #tpu.memory_space<vmem>> -> memref<1x1x128xi32, #tpu.memory_space<vmem>>
      %dma_start3A_62 = tpu.memref_squeeze %dma_start3A_61 : memref<1x1x128xi32, #tpu.memory_space<vmem>> -> memref<1x128xi32, #tpu.memory_space<vmem>>
      %dma_start3A_63 = arith.constant 0 : i32
      %dma_start3A_64 = arith.constant 0 : i32
      %dma_start3A_65 = tpu.memref_slice %arg3[%dma_start3A_49, %add3A_48, %dma_start3A_63, %dma_start3A_64] : memref<2x2560x1x128xi32, #tpu.memory_space<hbm>> -> memref<1x1x1x128xi32, #tpu.memory_space<hbm>>
      %dma_start3A_66 = tpu.memref_squeeze %dma_start3A_65 : memref<1x1x1x128xi32, #tpu.memory_space<hbm>> -> memref<1x128xi32, #tpu.memory_space<hbm>>
      tpu.enqueue_dma source(%dma_start3A_66 : memref<1x128xi32, #tpu.memory_space<hbm>>) target(%dma_start3A_62 : memref<1x128xi32, #tpu.memory_space<vmem>>) target_semaphore(%arg14 : memref<!tpu.dma_semaphore, #tpu.memory_space<semaphore_mem>>)
      %add3A_67 = arith.constant 3 : i32
      %add3A_68 = arith.addi %mul3A_8, %add3A_67 : i32
      %dma_start3A_69 = arith.constant 1 : i32
      %dma_start3A_70 = arith.constant 3 : i32
      %dma_start3A_71 = arith.constant 0 : i32
      %dma_start3A_72 = arith.constant 0 : i32
      %dma_start3A_73 = tpu.memref_slice %arg7[%dma_start3A_70, %dma_start3A_71, %dma_start3A_72] : memref<4x1x128xi32, #tpu.memory_space<vmem>> -> memref<1x1x128xi32, #tpu.memory_space<vmem>>
      %dma_start3A_74 = tpu.memref_squeeze %dma_start3A_73 : memref<1x1x128xi32, #tpu.memory_space<vmem>> -> memref<1x128xi32, #tpu.memory_space<vmem>>
      %dma_start3A_75 = arith.constant 0 : i32
      %dma_start3A_76 = arith.constant 0 : i32
      %dma_start3A_77 = tpu.memref_slice %arg3[%dma_start3A_69, %add3A_68, %dma_start3A_75, %dma_start3A_76] : memref<2x2560x1x128xi32, #tpu.memory_space<hbm>> -> memref<1x1x1x128xi32, #tpu.memory_space<hbm>>
      %dma_start3A_78 = tpu.memref_squeeze %dma_start3A_77 : memref<1x1x1x128xi32, #tpu.memory_space<hbm>> -> memref<1x128xi32, #tpu.memory_space<hbm>>
      %dma_start3A_79 = arith.constant 0 : i32
      %dma_start3A_80 = arith.constant 0 : i32
      %dma_start3A_81 = tpu.memref_slice %arg7[%dma_start3A_70, %dma_start3A_79, %dma_start3A_80] : memref<4x1x128xi32, #tpu.memory_space<vmem>> -> memref<1x1x128xi32, #tpu.memory_space<vmem>>
      %dma_start3A_82 = tpu.memref_squeeze %dma_start3A_81 : memref<1x1x128xi32, #tpu.memory_space<vmem>> -> memref<1x128xi32, #tpu.memory_space<vmem>>
      %dma_start3A_83 = arith.constant 0 : i32
      %dma_start3A_84 = arith.constant 0 : i32
      %dma_start3A_85 = tpu.memref_slice %arg3[%dma_start3A_69, %add3A_68, %dma_start3A_83, %dma_start3A_84] : memref<2x2560x1x128xi32, #tpu.memory_space<hbm>> -> memref<1x1x1x128xi32, #tpu.memory_space<hbm>>
      %dma_start3A_86 = tpu.memref_squeeze %dma_start3A_85 : memref<1x1x1x128xi32, #tpu.memory_space<hbm>> -> memref<1x128xi32, #tpu.memory_space<hbm>>
      tpu.enqueue_dma source(%dma_start3A_86 : memref<1x128xi32, #tpu.memory_space<hbm>>) target(%dma_start3A_82 : memref<1x128xi32, #tpu.memory_space<vmem>>) target_semaphore(%arg15 : memref<!tpu.dma_semaphore, #tpu.memory_space<semaphore_mem>>)
      %dma_start3A_87 = arith.constant 0 : i32
      %dma_start3A_88 = arith.constant 0 : i32
      %dma_start3A_89 = arith.constant 0 : i32
      %dma_start3A_90 = arith.constant 0 : i32
      %dma_start3A_91 = arith.constant 0 : i32
      %dma_start3A_92 = tpu.memref_slice %arg8[%dma_start3A_89, %dma_start3A_90, %dma_start3A_91] : memref<2x128x128xf32, #tpu.memory_space<vmem>> -> memref<1x128x128xf32, #tpu.memory_space<vmem>>
      %dma_start3A_93 = tpu.memref_squeeze %dma_start3A_92 : memref<1x128x128xf32, #tpu.memory_space<vmem>> -> memref<128x128xf32, #tpu.memory_space<vmem>>
      %dma_start3A_94 = arith.constant 0 : i32
      %dma_start3A_95 = tpu.memref_slice %arg6[%dma_start3A_87, %dma_start3A_88, %dma_start3A_94] : memref<80x1x128xi32, #tpu.memory_space<vmem>> -> memref<1x1x128xi32, #tpu.memory_space<vmem>>
      %dma_start3A_96 = tpu.memref_squeeze %dma_start3A_95 : memref<1x1x128xi32, #tpu.memory_space<vmem>> -> memref<128xi32, #tpu.memory_space<vmem>>
      %dma_start3A_97 = arith.constant 0 : i32
      %dma_start3A_98 = arith.constant 0 : i32
      %dma_start3A_99 = tpu.memref_slice %arg2[%dma_start3A_97, %dma_start3A_98] : memref<10240x128xf32, #tpu.memory_space<hbm>> -> memref<10240x128xf32, #tpu.memory_space<hbm>>
      tpu.enqueue_indirect_dma source(%dma_start3A_99 : memref<10240x128xf32, #tpu.memory_space<hbm>>) target(%dma_start3A_93 : memref<128x128xf32, #tpu.memory_space<vmem>>) offsets(%dma_start3A_96 : memref<128xi32, #tpu.memory_space<vmem>>) semaphore(%arg10 : memref<!tpu.dma_semaphore, #tpu.memory_space<semaphore_mem>>)
      %dma_start3A_100 = arith.constant 1 : i32
      %dma_start3A_101 = arith.constant 0 : i32
      %dma_start3A_102 = arith.constant 1 : i32
      %dma_start3A_103 = arith.constant 0 : i32
      %dma_start3A_104 = arith.constant 0 : i32
      %dma_start3A_105 = tpu.memref_slice %arg8[%dma_start3A_102, %dma_start3A_103, %dma_start3A_104] : memref<2x128x128xf32, #tpu.memory_space<vmem>> -> memref<1x128x128xf32, #tpu.memory_space<vmem>>
      %dma_start3A_106 = tpu.memref_squeeze %dma_start3A_105 : memref<1x128x128xf32, #tpu.memory_space<vmem>> -> memref<128x128xf32, #tpu.memory_space<vmem>>
      %dma_start3A_107 = arith.constant 0 : i32
      %dma_start3A_108 = tpu.memref_slice %arg6[%dma_start3A_100, %dma_start3A_101, %dma_start3A_107] : memref<80x1x128xi32, #tpu.memory_space<vmem>> -> memref<1x1x128xi32, #tpu.memory_space<vmem>>
      %dma_start3A_109 = tpu.memref_squeeze %dma_start3A_108 : memref<1x1x128xi32, #tpu.memory_space<vmem>> -> memref<128xi32, #tpu.memory_space<vmem>>
      %dma_start3A_110 = arith.constant 0 : i32
      %dma_start3A_111 = arith.constant 0 : i32
      %dma_start3A_112 = tpu.memref_slice %arg2[%dma_start3A_110, %dma_start3A_111] : memref<10240x128xf32, #tpu.memory_space<hbm>> -> memref<10240x128xf32, #tpu.memory_space<hbm>>
      tpu.enqueue_indirect_dma source(%dma_start3A_112 : memref<10240x128xf32, #tpu.memory_space<hbm>>) target(%dma_start3A_106 : memref<128x128xf32, #tpu.memory_space<vmem>>) offsets(%dma_start3A_109 : memref<128xi32, #tpu.memory_space<vmem>>) semaphore(%arg11 : memref<!tpu.dma_semaphore, #tpu.memory_space<semaphore_mem>>)
      %barrier3A_113 = arith.constant 0 : index
      tpu.barrier barrier_id(%barrier3A_113)
      %scan3A = arith.constant 0 : i32
      %scan3A_114 = arith.constant 20 : i32
      %scan3A_115 = arith.addi %scan3A, %scan3A_114 : i32
      %scan3A_116 = arith.constant 1 : i32
      scf.for %scan3A_118 = %scan3A to %scan3A_115 step %scan3A_116  : i32 {
        %mul3A_119 = arith.constant 4 : i32
        %mul3A_120 = arith.muli %scan3A_118, %mul3A_119 : i32
        %add3A_121 = arith.constant 0 : i32
        %add3A_122 = arith.addi %add3A_121, %mul3A_120 : i32
        %add3A_123 = arith.constant 0 : i32
        %add3A_124 = arith.addi %add3A_122, %add3A_123 : i32
        %dma_wait3A = arith.constant 0 : i32
        %dma_wait3A_125 = arith.constant 0 : i32
        %dma_wait3A_126 = arith.constant 0 : i32
        %dma_wait3A_127 = arith.constant 0 : i32
        %dma_wait3A_128 = arith.constant 0 : i32
        %dma_wait3A_129 = tpu.memref_slice %arg8[%dma_wait3A_126, %dma_wait3A_127, %dma_wait3A_128] : memref<2x128x128xf32, #tpu.memory_space<vmem>> -> memref<1x128x128xf32, #tpu.memory_space<vmem>>
        %dma_wait3A_130 = tpu.memref_squeeze %dma_wait3A_129 : memref<1x128x128xf32, #tpu.memory_space<vmem>> -> memref<128x128xf32, #tpu.memory_space<vmem>>
        %dma_wait3A_131 = arith.constant 0 : i32
        %dma_wait3A_132 = tpu.memref_slice %arg6[%dma_wait3A, %dma_wait3A_125, %dma_wait3A_131] : memref<80x1x128xi32, #tpu.memory_space<vmem>> -> memref<1x1x128xi32, #tpu.memory_space<vmem>>
        %dma_wait3A_133 = tpu.memref_squeeze %dma_wait3A_132 : memref<1x1x128xi32, #tpu.memory_space<vmem>> -> memref<128xi32, #tpu.memory_space<vmem>>
        %dma_wait3A_134 = arith.constant 0 : i32
        %dma_wait3A_135 = arith.constant 0 : i32
        %dma_wait3A_136 = tpu.memref_slice %arg2[%dma_wait3A_134, %dma_wait3A_135] : memref<10240x128xf32, #tpu.memory_space<hbm>> -> memref<10240x128xf32, #tpu.memory_space<hbm>>
        tpu.wait_indirect_dma semaphore(%arg10 : memref<!tpu.dma_semaphore, #tpu.memory_space<semaphore_mem>>) src(%dma_wait3A_136 : memref<10240x128xf32, #tpu.memory_space<hbm>>) dst(%dma_wait3A_130 : memref<128x128xf32, #tpu.memory_space<vmem>>)
        %dma_wait3A_137 = arith.constant 1 : i32
        %dma_wait3A_138 = arith.constant 0 : i32
        %dma_wait3A_139 = arith.constant 0 : i32
        %dma_wait3A_140 = arith.constant 0 : i32
        %dma_wait3A_141 = tpu.memref_slice %arg7[%dma_wait3A_138, %dma_wait3A_139, %dma_wait3A_140] : memref<4x1x128xi32, #tpu.memory_space<vmem>> -> memref<1x1x128xi32, #tpu.memory_space<vmem>>
        %dma_wait3A_142 = tpu.memref_squeeze %dma_wait3A_141 : memref<1x1x128xi32, #tpu.memory_space<vmem>> -> memref<1x128xi32, #tpu.memory_space<vmem>>
        %dma_wait3A_143 = arith.constant 0 : i32
        %dma_wait3A_144 = arith.constant 0 : i32
        %dma_wait3A_145 = tpu.memref_slice %arg3[%dma_wait3A_137, %mul3A_8, %dma_wait3A_143, %dma_wait3A_144] : memref<2x2560x1x128xi32, #tpu.memory_space<hbm>> -> memref<1x1x1x128xi32, #tpu.memory_space<hbm>>
        %dma_wait3A_146 = tpu.memref_squeeze %dma_wait3A_145 : memref<1x1x1x128xi32, #tpu.memory_space<hbm>> -> memref<1x128xi32, #tpu.memory_space<hbm>>
        %dma_wait3A_147 = arith.constant 0 : i32
        %dma_wait3A_148 = arith.constant 0 : i32
        %dma_wait3A_149 = tpu.memref_slice %arg7[%dma_wait3A_138, %dma_wait3A_147, %dma_wait3A_148] : memref<4x1x128xi32, #tpu.memory_space<vmem>> -> memref<1x1x128xi32, #tpu.memory_space<vmem>>
        %dma_wait3A_150 = tpu.memref_squeeze %dma_wait3A_149 : memref<1x1x128xi32, #tpu.memory_space<vmem>> -> memref<1x128xi32, #tpu.memory_space<vmem>>
        %dma_wait3A_151 = arith.constant 0 : i32
        %dma_wait3A_152 = arith.constant 0 : i32
        %dma_wait3A_153 = tpu.memref_slice %arg3[%dma_wait3A_137, %mul3A_8, %dma_wait3A_151, %dma_wait3A_152] : memref<2x2560x1x128xi32, #tpu.memory_space<hbm>> -> memref<1x1x1x128xi32, #tpu.memory_space<hbm>>
        %dma_wait3A_154 = tpu.memref_squeeze %dma_wait3A_153 : memref<1x1x1x128xi32, #tpu.memory_space<hbm>> -> memref<1x128xi32, #tpu.memory_space<hbm>>
        tpu.wait_dma2 semaphore(%arg12 : memref<!tpu.dma_semaphore, #tpu.memory_space<semaphore_mem>>) src(%dma_wait3A_154 : memref<1x128xi32, #tpu.memory_space<hbm>>) dst(%dma_wait3A_150 : memref<1x128xi32, #tpu.memory_space<vmem>>)
        %run_scoped3A_155 = arith.constant 0 : i32
        %run_scoped3A_156 = arith.constant 0 : i32
        %run_scoped3A_157 = arith.constant 0 : i32
        "tpu.region"() ({
          %run_scoped3A_321 = tpu.sem_alloc : memref<!tpu.dma_semaphore, #tpu.memory_space<semaphore_mem>>
          %dma_start3A_322 = arith.constant 0 : i32
          %dma_start3A_323 = arith.constant 0 : i32
          %dma_start3A_324 = tpu.memref_slice %arg8[%run_scoped3A_155, %dma_start3A_322, %dma_start3A_323] : memref<2x128x128xf32, #tpu.memory_space<vmem>> -> memref<1x128x128xf32, #tpu.memory_space<vmem>>
          %dma_start3A_325 = tpu.memref_squeeze %dma_start3A_324 : memref<1x128x128xf32, #tpu.memory_space<vmem>> -> memref<128x128xf32, #tpu.memory_space<vmem>>
          %dma_start3A_326 = arith.constant 0 : i32
          %dma_start3A_327 = tpu.memref_slice %arg7[%run_scoped3A_156, %run_scoped3A_157, %dma_start3A_326] : memref<4x1x128xi32, #tpu.memory_space<vmem>> -> memref<1x1x128xi32, #tpu.memory_space<vmem>>
          %dma_start3A_328 = tpu.memref_squeeze %dma_start3A_327 : memref<1x1x128xi32, #tpu.memory_space<vmem>> -> memref<128xi32, #tpu.memory_space<vmem>>
          %dma_start3A_329 = arith.constant 0 : i32
          %dma_start3A_330 = arith.constant 0 : i32
          %dma_start3A_331 = tpu.memref_slice %arg9[%dma_start3A_329, %dma_start3A_330] : memref<10240x128xf32, #tpu.memory_space<vmem_shared>> -> memref<10240x128xf32, #tpu.memory_space<vmem_shared>>
          tpu.enqueue_indirect_dma source(%dma_start3A_325 : memref<128x128xf32, #tpu.memory_space<vmem>>) target(%dma_start3A_331 : memref<10240x128xf32, #tpu.memory_space<vmem_shared>>) offsets(%dma_start3A_328 : memref<128xi32, #tpu.memory_space<vmem>>) semaphore(%run_scoped3A_321 : memref<!tpu.dma_semaphore, #tpu.memory_space<semaphore_mem>>) {add = true}
          %dma_wait3A_332 = arith.constant 0 : i32
          %dma_wait3A_333 = arith.constant 0 : i32
          %dma_wait3A_334 = tpu.memref_slice %arg8[%run_scoped3A_155, %dma_wait3A_332, %dma_wait3A_333] : memref<2x128x128xf32, #tpu.memory_space<vmem>> -> memref<1x128x128xf32, #tpu.memory_space<vmem>>
          %dma_wait3A_335 = tpu.memref_squeeze %dma_wait3A_334 : memref<1x128x128xf32, #tpu.memory_space<vmem>> -> memref<128x128xf32, #tpu.memory_space<vmem>>
          %dma_wait3A_336 = arith.constant 0 : i32
          %dma_wait3A_337 = tpu.memref_slice %arg7[%run_scoped3A_156, %run_scoped3A_157, %dma_wait3A_336] : memref<4x1x128xi32, #tpu.memory_space<vmem>> -> memref<1x1x128xi32, #tpu.memory_space<vmem>>
          %dma_wait3A_338 = tpu.memref_squeeze %dma_wait3A_337 : memref<1x1x128xi32, #tpu.memory_space<vmem>> -> memref<128xi32, #tpu.memory_space<vmem>>
          %dma_wait3A_339 = arith.constant 0 : i32
          %dma_wait3A_340 = arith.constant 0 : i32
          %dma_wait3A_341 = tpu.memref_slice %arg9[%dma_wait3A_339, %dma_wait3A_340] : memref<10240x128xf32, #tpu.memory_space<vmem_shared>> -> memref<10240x128xf32, #tpu.memory_space<vmem_shared>>
          tpu.wait_indirect_dma semaphore(%run_scoped3A_321 : memref<!tpu.dma_semaphore, #tpu.memory_space<semaphore_mem>>) src(%dma_wait3A_335 : memref<128x128xf32, #tpu.memory_space<vmem>>) dst(%dma_wait3A_341 : memref<10240x128xf32, #tpu.memory_space<vmem_shared>>)
          tpu.yield
        }) : () -> ()
        %add3A_158 = arith.constant 2 : i32
        %add3A_159 = arith.addi %add3A_124, %add3A_158 : i32
        %lt3A = arith.constant 80 : i32
        %lt3A_160 = arith.cmpi slt, %add3A_159, %lt3A : i32
        %convert_element_type3A_161 = arith.extui %lt3A_160 : i1 to i32
        %cond3A_162 = arith.constant 0 : i32
        %cond3A_163 = arith.cmpi ne, %convert_element_type3A_161, %cond3A_162 : i32
        scf.if %cond3A_163 {
          %add3A_321 = arith.constant 2 : i32
          %add3A_322 = arith.addi %add3A_124, %add3A_321 : i32
          %dma_start3A_323 = arith.constant 0 : i32
          %dma_start3A_324 = arith.constant 0 : i32
          %dma_start3A_325 = arith.constant 0 : i32
          %dma_start3A_326 = arith.constant 0 : i32
          %dma_start3A_327 = tpu.memref_slice %arg8[%dma_start3A_324, %dma_start3A_325, %dma_start3A_326] : memref<2x128x128xf32, #tpu.memory_space<vmem>> -> memref<1x128x128xf32, #tpu.memory_space<vmem>>
          %dma_start3A_328 = tpu.memref_squeeze %dma_start3A_327 : memref<1x128x128xf32, #tpu.memory_space<vmem>> -> memref<128x128xf32, #tpu.memory_space<vmem>>
          %dma_start3A_329 = arith.constant 0 : i32
          %dma_start3A_330 = tpu.memref_slice %arg6[%add3A_322, %dma_start3A_323, %dma_start3A_329] : memref<80x1x128xi32, #tpu.memory_space<vmem>> -> memref<1x1x128xi32, #tpu.memory_space<vmem>>
          %dma_start3A_331 = tpu.memref_squeeze %dma_start3A_330 : memref<1x1x128xi32, #tpu.memory_space<vmem>> -> memref<128xi32, #tpu.memory_space<vmem>>
          %dma_start3A_332 = arith.constant 0 : i32
          %dma_start3A_333 = arith.constant 0 : i32
          %dma_start3A_334 = tpu.memref_slice %arg2[%dma_start3A_332, %dma_start3A_333] : memref<10240x128xf32, #tpu.memory_space<hbm>> -> memref<10240x128xf32, #tpu.memory_space<hbm>>
          tpu.enqueue_indirect_dma source(%dma_start3A_334 : memref<10240x128xf32, #tpu.memory_space<hbm>>) target(%dma_start3A_328 : memref<128x128xf32, #tpu.memory_space<vmem>>) offsets(%dma_start3A_331 : memref<128xi32, #tpu.memory_space<vmem>>) semaphore(%arg10 : memref<!tpu.dma_semaphore, #tpu.memory_space<semaphore_mem>>)
        } else {
        }
        %add3A_164 = arith.constant 4 : i32
        %add3A_165 = arith.addi %add3A_124, %add3A_164 : i32
        %lt3A_166 = arith.constant 80 : i32
        %lt3A_167 = arith.cmpi slt, %add3A_165, %lt3A_166 : i32
        %convert_element_type3A_168 = arith.extui %lt3A_167 : i1 to i32
        %cond3A_169 = arith.constant 0 : i32
        %cond3A_170 = arith.cmpi ne, %convert_element_type3A_168, %cond3A_169 : i32
        scf.if %cond3A_170 {
          %add3A_321 = arith.addi %mul3A_8, %add3A_124 : i32
          %add3A_322 = arith.constant 4 : i32
          %add3A_323 = arith.addi %add3A_321, %add3A_322 : i32
          %dma_start3A_324 = arith.constant 1 : i32
          %dma_start3A_325 = arith.constant 0 : i32
          %dma_start3A_326 = arith.constant 0 : i32
          %dma_start3A_327 = arith.constant 0 : i32
          %dma_start3A_328 = tpu.memref_slice %arg7[%dma_start3A_325, %dma_start3A_326, %dma_start3A_327] : memref<4x1x128xi32, #tpu.memory_space<vmem>> -> memref<1x1x128xi32, #tpu.memory_space<vmem>>
          %dma_start3A_329 = tpu.memref_squeeze %dma_start3A_328 : memref<1x1x128xi32, #tpu.memory_space<vmem>> -> memref<1x128xi32, #tpu.memory_space<vmem>>
          %dma_start3A_330 = arith.constant 0 : i32
          %dma_start3A_331 = arith.constant 0 : i32
          %dma_start3A_332 = tpu.memref_slice %arg3[%dma_start3A_324, %add3A_323, %dma_start3A_330, %dma_start3A_331] : memref<2x2560x1x128xi32, #tpu.memory_space<hbm>> -> memref<1x1x1x128xi32, #tpu.memory_space<hbm>>
          %dma_start3A_333 = tpu.memref_squeeze %dma_start3A_332 : memref<1x1x1x128xi32, #tpu.memory_space<hbm>> -> memref<1x128xi32, #tpu.memory_space<hbm>>
          %dma_start3A_334 = arith.constant 0 : i32
          %dma_start3A_335 = arith.constant 0 : i32
          %dma_start3A_336 = tpu.memref_slice %arg7[%dma_start3A_325, %dma_start3A_334, %dma_start3A_335] : memref<4x1x128xi32, #tpu.memory_space<vmem>> -> memref<1x1x128xi32, #tpu.memory_space<vmem>>
          %dma_start3A_337 = tpu.memref_squeeze %dma_start3A_336 : memref<1x1x128xi32, #tpu.memory_space<vmem>> -> memref<1x128xi32, #tpu.memory_space<vmem>>
          %dma_start3A_338 = arith.constant 0 : i32
          %dma_start3A_339 = arith.constant 0 : i32
          %dma_start3A_340 = tpu.memref_slice %arg3[%dma_start3A_324, %add3A_323, %dma_start3A_338, %dma_start3A_339] : memref<2x2560x1x128xi32, #tpu.memory_space<hbm>> -> memref<1x1x1x128xi32, #tpu.memory_space<hbm>>
          %dma_start3A_341 = tpu.memref_squeeze %dma_start3A_340 : memref<1x1x1x128xi32, #tpu.memory_space<hbm>> -> memref<1x128xi32, #tpu.memory_space<hbm>>
          tpu.enqueue_dma source(%dma_start3A_341 : memref<1x128xi32, #tpu.memory_space<hbm>>) target(%dma_start3A_337 : memref<1x128xi32, #tpu.memory_space<vmem>>) target_semaphore(%arg12 : memref<!tpu.dma_semaphore, #tpu.memory_space<semaphore_mem>>)
        } else {
        }
        %add3A_171 = arith.constant 1 : i32
        %add3A_172 = arith.addi %add3A_122, %add3A_171 : i32
        %dma_wait3A_173 = arith.constant 0 : i32
        %dma_wait3A_174 = arith.constant 0 : i32
        %dma_wait3A_175 = arith.constant 1 : i32
        %dma_wait3A_176 = arith.constant 0 : i32
        %dma_wait3A_177 = arith.constant 0 : i32
        %dma_wait3A_178 = tpu.memref_slice %arg8[%dma_wait3A_175, %dma_wait3A_176, %dma_wait3A_177] : memref<2x128x128xf32, #tpu.memory_space<vmem>> -> memref<1x128x128xf32, #tpu.memory_space<vmem>>
        %dma_wait3A_179 = tpu.memref_squeeze %dma_wait3A_178 : memref<1x128x128xf32, #tpu.memory_space<vmem>> -> memref<128x128xf32, #tpu.memory_space<vmem>>
        %dma_wait3A_180 = arith.constant 0 : i32
        %dma_wait3A_181 = tpu.memref_slice %arg6[%dma_wait3A_173, %dma_wait3A_174, %dma_wait3A_180] : memref<80x1x128xi32, #tpu.memory_space<vmem>> -> memref<1x1x128xi32, #tpu.memory_space<vmem>>
        %dma_wait3A_182 = tpu.memref_squeeze %dma_wait3A_181 : memref<1x1x128xi32, #tpu.memory_space<vmem>> -> memref<128xi32, #tpu.memory_space<vmem>>
        %dma_wait3A_183 = arith.constant 0 : i32
        %dma_wait3A_184 = arith.constant 0 : i32
        %dma_wait3A_185 = tpu.memref_slice %arg2[%dma_wait3A_183, %dma_wait3A_184] : memref<10240x128xf32, #tpu.memory_space<hbm>> -> memref<10240x128xf32, #tpu.memory_space<hbm>>
        tpu.wait_indirect_dma semaphore(%arg11 : memref<!tpu.dma_semaphore, #tpu.memory_space<semaphore_mem>>) src(%dma_wait3A_185 : memref<10240x128xf32, #tpu.memory_space<hbm>>) dst(%dma_wait3A_179 : memref<128x128xf32, #tpu.memory_space<vmem>>)
        %dma_wait3A_186 = arith.constant 1 : i32
        %dma_wait3A_187 = arith.constant 1 : i32
        %dma_wait3A_188 = arith.constant 0 : i32
        %dma_wait3A_189 = arith.constant 0 : i32
        %dma_wait3A_190 = tpu.memref_slice %arg7[%dma_wait3A_187, %dma_wait3A_188, %dma_wait3A_189] : memref<4x1x128xi32, #tpu.memory_space<vmem>> -> memref<1x1x128xi32, #tpu.memory_space<vmem>>
        %dma_wait3A_191 = tpu.memref_squeeze %dma_wait3A_190 : memref<1x1x128xi32, #tpu.memory_space<vmem>> -> memref<1x128xi32, #tpu.memory_space<vmem>>
        %dma_wait3A_192 = arith.constant 0 : i32
        %dma_wait3A_193 = arith.constant 0 : i32
        %dma_wait3A_194 = tpu.memref_slice %arg3[%dma_wait3A_186, %mul3A_8, %dma_wait3A_192, %dma_wait3A_193] : memref<2x2560x1x128xi32, #tpu.memory_space<hbm>> -> memref<1x1x1x128xi32, #tpu.memory_space<hbm>>
        %dma_wait3A_195 = tpu.memref_squeeze %dma_wait3A_194 : memref<1x1x1x128xi32, #tpu.memory_space<hbm>> -> memref<1x128xi32, #tpu.memory_space<hbm>>
        %dma_wait3A_196 = arith.constant 0 : i32
        %dma_wait3A_197 = arith.constant 0 : i32
        %dma_wait3A_198 = tpu.memref_slice %arg7[%dma_wait3A_187, %dma_wait3A_196, %dma_wait3A_197] : memref<4x1x128xi32, #tpu.memory_space<vmem>> -> memref<1x1x128xi32, #tpu.memory_space<vmem>>
        %dma_wait3A_199 = tpu.memref_squeeze %dma_wait3A_198 : memref<1x1x128xi32, #tpu.memory_space<vmem>> -> memref<1x128xi32, #tpu.memory_space<vmem>>
        %dma_wait3A_200 = arith.constant 0 : i32
        %dma_wait3A_201 = arith.constant 0 : i32
        %dma_wait3A_202 = tpu.memref_slice %arg3[%dma_wait3A_186, %mul3A_8, %dma_wait3A_200, %dma_wait3A_201] : memref<2x2560x1x128xi32, #tpu.memory_space<hbm>> -> memref<1x1x1x128xi32, #tpu.memory_space<hbm>>
        %dma_wait3A_203 = tpu.memref_squeeze %dma_wait3A_202 : memref<1x1x1x128xi32, #tpu.memory_space<hbm>> -> memref<1x128xi32, #tpu.memory_space<hbm>>
        tpu.wait_dma2 semaphore(%arg13 : memref<!tpu.dma_semaphore, #tpu.memory_space<semaphore_mem>>) src(%dma_wait3A_203 : memref<1x128xi32, #tpu.memory_space<hbm>>) dst(%dma_wait3A_199 : memref<1x128xi32, #tpu.memory_space<vmem>>)
        %run_scoped3A_204 = arith.constant 1 : i32
        %run_scoped3A_205 = arith.constant 1 : i32
        %run_scoped3A_206 = arith.constant 0 : i32
        "tpu.region"() ({
          %run_scoped3A_321 = tpu.sem_alloc : memref<!tpu.dma_semaphore, #tpu.memory_space<semaphore_mem>>
          %dma_start3A_322 = arith.constant 0 : i32
          %dma_start3A_323 = arith.constant 0 : i32
          %dma_start3A_324 = tpu.memref_slice %arg8[%run_scoped3A_204, %dma_start3A_322, %dma_start3A_323] : memref<2x128x128xf32, #tpu.memory_space<vmem>> -> memref<1x128x128xf32, #tpu.memory_space<vmem>>
          %dma_start3A_325 = tpu.memref_squeeze %dma_start3A_324 : memref<1x128x128xf32, #tpu.memory_space<vmem>> -> memref<128x128xf32, #tpu.memory_space<vmem>>
          %dma_start3A_326 = arith.constant 0 : i32
          %dma_start3A_327 = tpu.memref_slice %arg7[%run_scoped3A_205, %run_scoped3A_206, %dma_start3A_326] : memref<4x1x128xi32, #tpu.memory_space<vmem>> -> memref<1x1x128xi32, #tpu.memory_space<vmem>>
          %dma_start3A_328 = tpu.memref_squeeze %dma_start3A_327 : memref<1x1x128xi32, #tpu.memory_space<vmem>> -> memref<128xi32, #tpu.memory_space<vmem>>
          %dma_start3A_329 = arith.constant 0 : i32
          %dma_start3A_330 = arith.constant 0 : i32
          %dma_start3A_331 = tpu.memref_slice %arg9[%dma_start3A_329, %dma_start3A_330] : memref<10240x128xf32, #tpu.memory_space<vmem_shared>> -> memref<10240x128xf32, #tpu.memory_space<vmem_shared>>
          tpu.enqueue_indirect_dma source(%dma_start3A_325 : memref<128x128xf32, #tpu.memory_space<vmem>>) target(%dma_start3A_331 : memref<10240x128xf32, #tpu.memory_space<vmem_shared>>) offsets(%dma_start3A_328 : memref<128xi32, #tpu.memory_space<vmem>>) semaphore(%run_scoped3A_321 : memref<!tpu.dma_semaphore, #tpu.memory_space<semaphore_mem>>) {add = true}
          %dma_wait3A_332 = arith.constant 0 : i32
          %dma_wait3A_333 = arith.constant 0 : i32
          %dma_wait3A_334 = tpu.memref_slice %arg8[%run_scoped3A_204, %dma_wait3A_332, %dma_wait3A_333] : memref<2x128x128xf32, #tpu.memory_space<vmem>> -> memref<1x128x128xf32, #tpu.memory_space<vmem>>
          %dma_wait3A_335 = tpu.memref_squeeze %dma_wait3A_334 : memref<1x128x128xf32, #tpu.memory_space<vmem>> -> memref<128x128xf32, #tpu.memory_space<vmem>>
          %dma_wait3A_336 = arith.constant 0 : i32
          %dma_wait3A_337 = tpu.memref_slice %arg7[%run_scoped3A_205, %run_scoped3A_206, %dma_wait3A_336] : memref<4x1x128xi32, #tpu.memory_space<vmem>> -> memref<1x1x128xi32, #tpu.memory_space<vmem>>
          %dma_wait3A_338 = tpu.memref_squeeze %dma_wait3A_337 : memref<1x1x128xi32, #tpu.memory_space<vmem>> -> memref<128xi32, #tpu.memory_space<vmem>>
          %dma_wait3A_339 = arith.constant 0 : i32
          %dma_wait3A_340 = arith.constant 0 : i32
          %dma_wait3A_341 = tpu.memref_slice %arg9[%dma_wait3A_339, %dma_wait3A_340] : memref<10240x128xf32, #tpu.memory_space<vmem_shared>> -> memref<10240x128xf32, #tpu.memory_space<vmem_shared>>
          tpu.wait_indirect_dma semaphore(%run_scoped3A_321 : memref<!tpu.dma_semaphore, #tpu.memory_space<semaphore_mem>>) src(%dma_wait3A_335 : memref<128x128xf32, #tpu.memory_space<vmem>>) dst(%dma_wait3A_341 : memref<10240x128xf32, #tpu.memory_space<vmem_shared>>)
          tpu.yield
        }) : () -> ()
        %add3A_207 = arith.constant 2 : i32
        %add3A_208 = arith.addi %add3A_172, %add3A_207 : i32
        %lt3A_209 = arith.constant 80 : i32
        %lt3A_210 = arith.cmpi slt, %add3A_208, %lt3A_209 : i32
        %convert_element_type3A_211 = arith.extui %lt3A_210 : i1 to i32
        %cond3A_212 = arith.constant 0 : i32
        %cond3A_213 = arith.cmpi ne, %convert_element_type3A_211, %cond3A_212 : i32
        scf.if %cond3A_213 {
          %add3A_321 = arith.constant 2 : i32
          %add3A_322 = arith.addi %add3A_172, %add3A_321 : i32
          %dma_start3A_323 = arith.constant 0 : i32
          %dma_start3A_324 = arith.constant 1 : i32
          %dma_start3A_325 = arith.constant 0 : i32
          %dma_start3A_326 = arith.constant 0 : i32
          %dma_start3A_327 = tpu.memref_slice %arg8[%dma_start3A_324, %dma_start3A_325, %dma_start3A_326] : memref<2x128x128xf32, #tpu.memory_space<vmem>> -> memref<1x128x128xf32, #tpu.memory_space<vmem>>
          %dma_start3A_328 = tpu.memref_squeeze %dma_start3A_327 : memref<1x128x128xf32, #tpu.memory_space<vmem>> -> memref<128x128xf32, #tpu.memory_space<vmem>>
          %dma_start3A_329 = arith.constant 0 : i32
          %dma_start3A_330 = tpu.memref_slice %arg6[%add3A_322, %dma_start3A_323, %dma_start3A_329] : memref<80x1x128xi32, #tpu.memory_space<vmem>> -> memref<1x1x128xi32, #tpu.memory_space<vmem>>
          %dma_start3A_331 = tpu.memref_squeeze %dma_start3A_330 : memref<1x1x128xi32, #tpu.memory_space<vmem>> -> memref<128xi32, #tpu.memory_space<vmem>>
          %dma_start3A_332 = arith.constant 0 : i32
          %dma_start3A_333 = arith.constant 0 : i32
          %dma_start3A_334 = tpu.memref_slice %arg2[%dma_start3A_332, %dma_start3A_333] : memref<10240x128xf32, #tpu.memory_space<hbm>> -> memref<10240x128xf32, #tpu.memory_space<hbm>>
          tpu.enqueue_indirect_dma source(%dma_start3A_334 : memref<10240x128xf32, #tpu.memory_space<hbm>>) target(%dma_start3A_328 : memref<128x128xf32, #tpu.memory_space<vmem>>) offsets(%dma_start3A_331 : memref<128xi32, #tpu.memory_space<vmem>>) semaphore(%arg11 : memref<!tpu.dma_semaphore, #tpu.memory_space<semaphore_mem>>)
        } else {
        }
        %add3A_214 = arith.constant 4 : i32
        %add3A_215 = arith.addi %add3A_172, %add3A_214 : i32
        %lt3A_216 = arith.constant 80 : i32
        %lt3A_217 = arith.cmpi slt, %add3A_215, %lt3A_216 : i32
        %convert_element_type3A_218 = arith.extui %lt3A_217 : i1 to i32
        %cond3A_219 = arith.constant 0 : i32
        %cond3A_220 = arith.cmpi ne, %convert_element_type3A_218, %cond3A_219 : i32
        scf.if %cond3A_220 {
          %add3A_321 = arith.addi %mul3A_8, %add3A_172 : i32
          %add3A_322 = arith.constant 4 : i32
          %add3A_323 = arith.addi %add3A_321, %add3A_322 : i32
          %dma_start3A_324 = arith.constant 1 : i32
          %dma_start3A_325 = arith.constant 1 : i32
          %dma_start3A_326 = arith.constant 0 : i32
          %dma_start3A_327 = arith.constant 0 : i32
          %dma_start3A_328 = tpu.memref_slice %arg7[%dma_start3A_325, %dma_start3A_326, %dma_start3A_327] : memref<4x1x128xi32, #tpu.memory_space<vmem>> -> memref<1x1x128xi32, #tpu.memory_space<vmem>>
          %dma_start3A_329 = tpu.memref_squeeze %dma_start3A_328 : memref<1x1x128xi32, #tpu.memory_space<vmem>> -> memref<1x128xi32, #tpu.memory_space<vmem>>
          %dma_start3A_330 = arith.constant 0 : i32
          %dma_start3A_331 = arith.constant 0 : i32
          %dma_start3A_332 = tpu.memref_slice %arg3[%dma_start3A_324, %add3A_323, %dma_start3A_330, %dma_start3A_331] : memref<2x2560x1x128xi32, #tpu.memory_space<hbm>> -> memref<1x1x1x128xi32, #tpu.memory_space<hbm>>
          %dma_start3A_333 = tpu.memref_squeeze %dma_start3A_332 : memref<1x1x1x128xi32, #tpu.memory_space<hbm>> -> memref<1x128xi32, #tpu.memory_space<hbm>>
          %dma_start3A_334 = arith.constant 0 : i32
          %dma_start3A_335 = arith.constant 0 : i32
          %dma_start3A_336 = tpu.memref_slice %arg7[%dma_start3A_325, %dma_start3A_334, %dma_start3A_335] : memref<4x1x128xi32, #tpu.memory_space<vmem>> -> memref<1x1x128xi32, #tpu.memory_space<vmem>>
          %dma_start3A_337 = tpu.memref_squeeze %dma_start3A_336 : memref<1x1x128xi32, #tpu.memory_space<vmem>> -> memref<1x128xi32, #tpu.memory_space<vmem>>
          %dma_start3A_338 = arith.constant 0 : i32
          %dma_start3A_339 = arith.constant 0 : i32
          %dma_start3A_340 = tpu.memref_slice %arg3[%dma_start3A_324, %add3A_323, %dma_start3A_338, %dma_start3A_339] : memref<2x2560x1x128xi32, #tpu.memory_space<hbm>> -> memref<1x1x1x128xi32, #tpu.memory_space<hbm>>
          %dma_start3A_341 = tpu.memref_squeeze %dma_start3A_340 : memref<1x1x1x128xi32, #tpu.memory_space<hbm>> -> memref<1x128xi32, #tpu.memory_space<hbm>>
          tpu.enqueue_dma source(%dma_start3A_341 : memref<1x128xi32, #tpu.memory_space<hbm>>) target(%dma_start3A_337 : memref<1x128xi32, #tpu.memory_space<vmem>>) target_semaphore(%arg13 : memref<!tpu.dma_semaphore, #tpu.memory_space<semaphore_mem>>)
        } else {
        }
        %add3A_221 = arith.constant 2 : i32
        %add3A_222 = arith.addi %add3A_122, %add3A_221 : i32
        %dma_wait3A_223 = arith.constant 0 : i32
        %dma_wait3A_224 = arith.constant 0 : i32
        %dma_wait3A_225 = arith.constant 0 : i32
        %dma_wait3A_226 = arith.constant 0 : i32
        %dma_wait3A_227 = arith.constant 0 : i32
        %dma_wait3A_228 = tpu.memref_slice %arg8[%dma_wait3A_225, %dma_wait3A_226, %dma_wait3A_227] : memref<2x128x128xf32, #tpu.memory_space<vmem>> -> memref<1x128x128xf32, #tpu.memory_space<vmem>>
        %dma_wait3A_229 = tpu.memref_squeeze %dma_wait3A_228 : memref<1x128x128xf32, #tpu.memory_space<vmem>> -> memref<128x128xf32, #tpu.memory_space<vmem>>
        %dma_wait3A_230 = arith.constant 0 : i32
        %dma_wait3A_231 = tpu.memref_slice %arg6[%dma_wait3A_223, %dma_wait3A_224, %dma_wait3A_230] : memref<80x1x128xi32, #tpu.memory_space<vmem>> -> memref<1x1x128xi32, #tpu.memory_space<vmem>>
        %dma_wait3A_232 = tpu.memref_squeeze %dma_wait3A_231 : memref<1x1x128xi32, #tpu.memory_space<vmem>> -> memref<128xi32, #tpu.memory_space<vmem>>
        %dma_wait3A_233 = arith.constant 0 : i32
        %dma_wait3A_234 = arith.constant 0 : i32
        %dma_wait3A_235 = tpu.memref_slice %arg2[%dma_wait3A_233, %dma_wait3A_234] : memref<10240x128xf32, #tpu.memory_space<hbm>> -> memref<10240x128xf32, #tpu.memory_space<hbm>>
        tpu.wait_indirect_dma semaphore(%arg10 : memref<!tpu.dma_semaphore, #tpu.memory_space<semaphore_mem>>) src(%dma_wait3A_235 : memref<10240x128xf32, #tpu.memory_space<hbm>>) dst(%dma_wait3A_229 : memref<128x128xf32, #tpu.memory_space<vmem>>)
        %dma_wait3A_236 = arith.constant 1 : i32
        %dma_wait3A_237 = arith.constant 2 : i32
        %dma_wait3A_238 = arith.constant 0 : i32
        %dma_wait3A_239 = arith.constant 0 : i32
        %dma_wait3A_240 = tpu.memref_slice %arg7[%dma_wait3A_237, %dma_wait3A_238, %dma_wait3A_239] : memref<4x1x128xi32, #tpu.memory_space<vmem>> -> memref<1x1x128xi32, #tpu.memory_space<vmem>>
        %dma_wait3A_241 = tpu.memref_squeeze %dma_wait3A_240 : memref<1x1x128xi32, #tpu.memory_space<vmem>> -> memref<1x128xi32, #tpu.memory_space<vmem>>
        %dma_wait3A_242 = arith.constant 0 : i32
        %dma_wait3A_243 = arith.constant 0 : i32
        %dma_wait3A_244 = tpu.memref_slice %arg3[%dma_wait3A_236, %mul3A_8, %dma_wait3A_242, %dma_wait3A_243] : memref<2x2560x1x128xi32, #tpu.memory_space<hbm>> -> memref<1x1x1x128xi32, #tpu.memory_space<hbm>>
        %dma_wait3A_245 = tpu.memref_squeeze %dma_wait3A_244 : memref<1x1x1x128xi32, #tpu.memory_space<hbm>> -> memref<1x128xi32, #tpu.memory_space<hbm>>
        %dma_wait3A_246 = arith.constant 0 : i32
        %dma_wait3A_247 = arith.constant 0 : i32
        %dma_wait3A_248 = tpu.memref_slice %arg7[%dma_wait3A_237, %dma_wait3A_246, %dma_wait3A_247] : memref<4x1x128xi32, #tpu.memory_space<vmem>> -> memref<1x1x128xi32, #tpu.memory_space<vmem>>
        %dma_wait3A_249 = tpu.memref_squeeze %dma_wait3A_248 : memref<1x1x128xi32, #tpu.memory_space<vmem>> -> memref<1x128xi32, #tpu.memory_space<vmem>>
        %dma_wait3A_250 = arith.constant 0 : i32
        %dma_wait3A_251 = arith.constant 0 : i32
        %dma_wait3A_252 = tpu.memref_slice %arg3[%dma_wait3A_236, %mul3A_8, %dma_wait3A_250, %dma_wait3A_251] : memref<2x2560x1x128xi32, #tpu.memory_space<hbm>> -> memref<1x1x1x128xi32, #tpu.memory_space<hbm>>
        %dma_wait3A_253 = tpu.memref_squeeze %dma_wait3A_252 : memref<1x1x1x128xi32, #tpu.memory_space<hbm>> -> memref<1x128xi32, #tpu.memory_space<hbm>>
        tpu.wait_dma2 semaphore(%arg14 : memref<!tpu.dma_semaphore, #tpu.memory_space<semaphore_mem>>) src(%dma_wait3A_253 : memref<1x128xi32, #tpu.memory_space<hbm>>) dst(%dma_wait3A_249 : memref<1x128xi32, #tpu.memory_space<vmem>>)
        %run_scoped3A_254 = arith.constant 0 : i32
        %run_scoped3A_255 = arith.constant 2 : i32
        %run_scoped3A_256 = arith.constant 0 : i32
        "tpu.region"() ({
          %run_scoped3A_321 = tpu.sem_alloc : memref<!tpu.dma_semaphore, #tpu.memory_space<semaphore_mem>>
          %dma_start3A_322 = arith.constant 0 : i32
          %dma_start3A_323 = arith.constant 0 : i32
          %dma_start3A_324 = tpu.memref_slice %arg8[%run_scoped3A_254, %dma_start3A_322, %dma_start3A_323] : memref<2x128x128xf32, #tpu.memory_space<vmem>> -> memref<1x128x128xf32, #tpu.memory_space<vmem>>
          %dma_start3A_325 = tpu.memref_squeeze %dma_start3A_324 : memref<1x128x128xf32, #tpu.memory_space<vmem>> -> memref<128x128xf32, #tpu.memory_space<vmem>>
          %dma_start3A_326 = arith.constant 0 : i32
          %dma_start3A_327 = tpu.memref_slice %arg7[%run_scoped3A_255, %run_scoped3A_256, %dma_start3A_326] : memref<4x1x128xi32, #tpu.memory_space<vmem>> -> memref<1x1x128xi32, #tpu.memory_space<vmem>>
          %dma_start3A_328 = tpu.memref_squeeze %dma_start3A_327 : memref<1x1x128xi32, #tpu.memory_space<vmem>> -> memref<128xi32, #tpu.memory_space<vmem>>
          %dma_start3A_329 = arith.constant 0 : i32
          %dma_start3A_330 = arith.constant 0 : i32
          %dma_start3A_331 = tpu.memref_slice %arg9[%dma_start3A_329, %dma_start3A_330] : memref<10240x128xf32, #tpu.memory_space<vmem_shared>> -> memref<10240x128xf32, #tpu.memory_space<vmem_shared>>
          tpu.enqueue_indirect_dma source(%dma_start3A_325 : memref<128x128xf32, #tpu.memory_space<vmem>>) target(%dma_start3A_331 : memref<10240x128xf32, #tpu.memory_space<vmem_shared>>) offsets(%dma_start3A_328 : memref<128xi32, #tpu.memory_space<vmem>>) semaphore(%run_scoped3A_321 : memref<!tpu.dma_semaphore, #tpu.memory_space<semaphore_mem>>) {add = true}
          %dma_wait3A_332 = arith.constant 0 : i32
          %dma_wait3A_333 = arith.constant 0 : i32
          %dma_wait3A_334 = tpu.memref_slice %arg8[%run_scoped3A_254, %dma_wait3A_332, %dma_wait3A_333] : memref<2x128x128xf32, #tpu.memory_space<vmem>> -> memref<1x128x128xf32, #tpu.memory_space<vmem>>
          %dma_wait3A_335 = tpu.memref_squeeze %dma_wait3A_334 : memref<1x128x128xf32, #tpu.memory_space<vmem>> -> memref<128x128xf32, #tpu.memory_space<vmem>>
          %dma_wait3A_336 = arith.constant 0 : i32
          %dma_wait3A_337 = tpu.memref_slice %arg7[%run_scoped3A_255, %run_scoped3A_256, %dma_wait3A_336] : memref<4x1x128xi32, #tpu.memory_space<vmem>> -> memref<1x1x128xi32, #tpu.memory_space<vmem>>
          %dma_wait3A_338 = tpu.memref_squeeze %dma_wait3A_337 : memref<1x1x128xi32, #tpu.memory_space<vmem>> -> memref<128xi32, #tpu.memory_space<vmem>>
          %dma_wait3A_339 = arith.constant 0 : i32
          %dma_wait3A_340 = arith.constant 0 : i32
          %dma_wait3A_341 = tpu.memref_slice %arg9[%dma_wait3A_339, %dma_wait3A_340] : memref<10240x128xf32, #tpu.memory_space<vmem_shared>> -> memref<10240x128xf32, #tpu.memory_space<vmem_shared>>
          tpu.wait_indirect_dma semaphore(%run_scoped3A_321 : memref<!tpu.dma_semaphore, #tpu.memory_space<semaphore_mem>>) src(%dma_wait3A_335 : memref<128x128xf32, #tpu.memory_space<vmem>>) dst(%dma_wait3A_341 : memref<10240x128xf32, #tpu.memory_space<vmem_shared>>)
          tpu.yield
        }) : () -> ()
        %add3A_257 = arith.constant 2 : i32
        %add3A_258 = arith.addi %add3A_222, %add3A_257 : i32
        %lt3A_259 = arith.constant 80 : i32
        %lt3A_260 = arith.cmpi slt, %add3A_258, %lt3A_259 : i32
        %convert_element_type3A_261 = arith.extui %lt3A_260 : i1 to i32
        %cond3A_262 = arith.constant 0 : i32
        %cond3A_263 = arith.cmpi ne, %convert_element_type3A_261, %cond3A_262 : i32
        scf.if %cond3A_263 {
          %add3A_321 = arith.constant 2 : i32
          %add3A_322 = arith.addi %add3A_222, %add3A_321 : i32
          %dma_start3A_323 = arith.constant 0 : i32
          %dma_start3A_324 = arith.constant 0 : i32
          %dma_start3A_325 = arith.constant 0 : i32
          %dma_start3A_326 = arith.constant 0 : i32
          %dma_start3A_327 = tpu.memref_slice %arg8[%dma_start3A_324, %dma_start3A_325, %dma_start3A_326] : memref<2x128x128xf32, #tpu.memory_space<vmem>> -> memref<1x128x128xf32, #tpu.memory_space<vmem>>
          %dma_start3A_328 = tpu.memref_squeeze %dma_start3A_327 : memref<1x128x128xf32, #tpu.memory_space<vmem>> -> memref<128x128xf32, #tpu.memory_space<vmem>>
          %dma_start3A_329 = arith.constant 0 : i32
          %dma_start3A_330 = tpu.memref_slice %arg6[%add3A_322, %dma_start3A_323, %dma_start3A_329] : memref<80x1x128xi32, #tpu.memory_space<vmem>> -> memref<1x1x128xi32, #tpu.memory_space<vmem>>
          %dma_start3A_331 = tpu.memref_squeeze %dma_start3A_330 : memref<1x1x128xi32, #tpu.memory_space<vmem>> -> memref<128xi32, #tpu.memory_space<vmem>>
          %dma_start3A_332 = arith.constant 0 : i32
          %dma_start3A_333 = arith.constant 0 : i32
          %dma_start3A_334 = tpu.memref_slice %arg2[%dma_start3A_332, %dma_start3A_333] : memref<10240x128xf32, #tpu.memory_space<hbm>> -> memref<10240x128xf32, #tpu.memory_space<hbm>>
          tpu.enqueue_indirect_dma source(%dma_start3A_334 : memref<10240x128xf32, #tpu.memory_space<hbm>>) target(%dma_start3A_328 : memref<128x128xf32, #tpu.memory_space<vmem>>) offsets(%dma_start3A_331 : memref<128xi32, #tpu.memory_space<vmem>>) semaphore(%arg10 : memref<!tpu.dma_semaphore, #tpu.memory_space<semaphore_mem>>)
        } else {
        }
        %add3A_264 = arith.constant 4 : i32
        %add3A_265 = arith.addi %add3A_222, %add3A_264 : i32
        %lt3A_266 = arith.constant 80 : i32
        %lt3A_267 = arith.cmpi slt, %add3A_265, %lt3A_266 : i32
        %convert_element_type3A_268 = arith.extui %lt3A_267 : i1 to i32
        %cond3A_269 = arith.constant 0 : i32
        %cond3A_270 = arith.cmpi ne, %convert_element_type3A_268, %cond3A_269 : i32
        scf.if %cond3A_270 {
          %add3A_321 = arith.addi %mul3A_8, %add3A_222 : i32
          %add3A_322 = arith.constant 4 : i32
          %add3A_323 = arith.addi %add3A_321, %add3A_322 : i32
          %dma_start3A_324 = arith.constant 1 : i32
          %dma_start3A_325 = arith.constant 2 : i32
          %dma_start3A_326 = arith.constant 0 : i32
          %dma_start3A_327 = arith.constant 0 : i32
          %dma_start3A_328 = tpu.memref_slice %arg7[%dma_start3A_325, %dma_start3A_326, %dma_start3A_327] : memref<4x1x128xi32, #tpu.memory_space<vmem>> -> memref<1x1x128xi32, #tpu.memory_space<vmem>>
          %dma_start3A_329 = tpu.memref_squeeze %dma_start3A_328 : memref<1x1x128xi32, #tpu.memory_space<vmem>> -> memref<1x128xi32, #tpu.memory_space<vmem>>
          %dma_start3A_330 = arith.constant 0 : i32
          %dma_start3A_331 = arith.constant 0 : i32
          %dma_start3A_332 = tpu.memref_slice %arg3[%dma_start3A_324, %add3A_323, %dma_start3A_330, %dma_start3A_331] : memref<2x2560x1x128xi32, #tpu.memory_space<hbm>> -> memref<1x1x1x128xi32, #tpu.memory_space<hbm>>
          %dma_start3A_333 = tpu.memref_squeeze %dma_start3A_332 : memref<1x1x1x128xi32, #tpu.memory_space<hbm>> -> memref<1x128xi32, #tpu.memory_space<hbm>>
          %dma_start3A_334 = arith.constant 0 : i32
          %dma_start3A_335 = arith.constant 0 : i32
          %dma_start3A_336 = tpu.memref_slice %arg7[%dma_start3A_325, %dma_start3A_334, %dma_start3A_335] : memref<4x1x128xi32, #tpu.memory_space<vmem>> -> memref<1x1x128xi32, #tpu.memory_space<vmem>>
          %dma_start3A_337 = tpu.memref_squeeze %dma_start3A_336 : memref<1x1x128xi32, #tpu.memory_space<vmem>> -> memref<1x128xi32, #tpu.memory_space<vmem>>
          %dma_start3A_338 = arith.constant 0 : i32
          %dma_start3A_339 = arith.constant 0 : i32
          %dma_start3A_340 = tpu.memref_slice %arg3[%dma_start3A_324, %add3A_323, %dma_start3A_338, %dma_start3A_339] : memref<2x2560x1x128xi32, #tpu.memory_space<hbm>> -> memref<1x1x1x128xi32, #tpu.memory_space<hbm>>
          %dma_start3A_341 = tpu.memref_squeeze %dma_start3A_340 : memref<1x1x1x128xi32, #tpu.memory_space<hbm>> -> memref<1x128xi32, #tpu.memory_space<hbm>>
          tpu.enqueue_dma source(%dma_start3A_341 : memref<1x128xi32, #tpu.memory_space<hbm>>) target(%dma_start3A_337 : memref<1x128xi32, #tpu.memory_space<vmem>>) target_semaphore(%arg14 : memref<!tpu.dma_semaphore, #tpu.memory_space<semaphore_mem>>)
        } else {
        }
        %add3A_271 = arith.constant 3 : i32
        %add3A_272 = arith.addi %add3A_122, %add3A_271 : i32
        %dma_wait3A_273 = arith.constant 0 : i32
        %dma_wait3A_274 = arith.constant 0 : i32
        %dma_wait3A_275 = arith.constant 1 : i32
        %dma_wait3A_276 = arith.constant 0 : i32
        %dma_wait3A_277 = arith.constant 0 : i32
        %dma_wait3A_278 = tpu.memref_slice %arg8[%dma_wait3A_275, %dma_wait3A_276, %dma_wait3A_277] : memref<2x128x128xf32, #tpu.memory_space<vmem>> -> memref<1x128x128xf32, #tpu.memory_space<vmem>>
        %dma_wait3A_279 = tpu.memref_squeeze %dma_wait3A_278 : memref<1x128x128xf32, #tpu.memory_space<vmem>> -> memref<128x128xf32, #tpu.memory_space<vmem>>
        %dma_wait3A_280 = arith.constant 0 : i32
        %dma_wait3A_281 = tpu.memref_slice %arg6[%dma_wait3A_273, %dma_wait3A_274, %dma_wait3A_280] : memref<80x1x128xi32, #tpu.memory_space<vmem>> -> memref<1x1x128xi32, #tpu.memory_space<vmem>>
        %dma_wait3A_282 = tpu.memref_squeeze %dma_wait3A_281 : memref<1x1x128xi32, #tpu.memory_space<vmem>> -> memref<128xi32, #tpu.memory_space<vmem>>
        %dma_wait3A_283 = arith.constant 0 : i32
        %dma_wait3A_284 = arith.constant 0 : i32
        %dma_wait3A_285 = tpu.memref_slice %arg2[%dma_wait3A_283, %dma_wait3A_284] : memref<10240x128xf32, #tpu.memory_space<hbm>> -> memref<10240x128xf32, #tpu.memory_space<hbm>>
        tpu.wait_indirect_dma semaphore(%arg11 : memref<!tpu.dma_semaphore, #tpu.memory_space<semaphore_mem>>) src(%dma_wait3A_285 : memref<10240x128xf32, #tpu.memory_space<hbm>>) dst(%dma_wait3A_279 : memref<128x128xf32, #tpu.memory_space<vmem>>)
        %dma_wait3A_286 = arith.constant 1 : i32
        %dma_wait3A_287 = arith.constant 3 : i32
        %dma_wait3A_288 = arith.constant 0 : i32
        %dma_wait3A_289 = arith.constant 0 : i32
        %dma_wait3A_290 = tpu.memref_slice %arg7[%dma_wait3A_287, %dma_wait3A_288, %dma_wait3A_289] : memref<4x1x128xi32, #tpu.memory_space<vmem>> -> memref<1x1x128xi32, #tpu.memory_space<vmem>>
        %dma_wait3A_291 = tpu.memref_squeeze %dma_wait3A_290 : memref<1x1x128xi32, #tpu.memory_space<vmem>> -> memref<1x128xi32, #tpu.memory_space<vmem>>
        %dma_wait3A_292 = arith.constant 0 : i32
        %dma_wait3A_293 = arith.constant 0 : i32
        %dma_wait3A_294 = tpu.memref_slice %arg3[%dma_wait3A_286, %mul3A_8, %dma_wait3A_292, %dma_wait3A_293] : memref<2x2560x1x128xi32, #tpu.memory_space<hbm>> -> memref<1x1x1x128xi32, #tpu.memory_space<hbm>>
        %dma_wait3A_295 = tpu.memref_squeeze %dma_wait3A_294 : memref<1x1x1x128xi32, #tpu.memory_space<hbm>> -> memref<1x128xi32, #tpu.memory_space<hbm>>
        %dma_wait3A_296 = arith.constant 0 : i32
        %dma_wait3A_297 = arith.constant 0 : i32
        %dma_wait3A_298 = tpu.memref_slice %arg7[%dma_wait3A_287, %dma_wait3A_296, %dma_wait3A_297] : memref<4x1x128xi32, #tpu.memory_space<vmem>> -> memref<1x1x128xi32, #tpu.memory_space<vmem>>
        %dma_wait3A_299 = tpu.memref_squeeze %dma_wait3A_298 : memref<1x1x128xi32, #tpu.memory_space<vmem>> -> memref<1x128xi32, #tpu.memory_space<vmem>>
        %dma_wait3A_300 = arith.constant 0 : i32
        %dma_wait3A_301 = arith.constant 0 : i32
        %dma_wait3A_302 = tpu.memref_slice %arg3[%dma_wait3A_286, %mul3A_8, %dma_wait3A_300, %dma_wait3A_301] : memref<2x2560x1x128xi32, #tpu.memory_space<hbm>> -> memref<1x1x1x128xi32, #tpu.memory_space<hbm>>
        %dma_wait3A_303 = tpu.memref_squeeze %dma_wait3A_302 : memref<1x1x1x128xi32, #tpu.memory_space<hbm>> -> memref<1x128xi32, #tpu.memory_space<hbm>>
        tpu.wait_dma2 semaphore(%arg15 : memref<!tpu.dma_semaphore, #tpu.memory_space<semaphore_mem>>) src(%dma_wait3A_303 : memref<1x128xi32, #tpu.memory_space<hbm>>) dst(%dma_wait3A_299 : memref<1x128xi32, #tpu.memory_space<vmem>>)
        %run_scoped3A_304 = arith.constant 1 : i32
        %run_scoped3A_305 = arith.constant 3 : i32
        %run_scoped3A_306 = arith.constant 0 : i32
        "tpu.region"() ({
          %run_scoped3A_321 = tpu.sem_alloc : memref<!tpu.dma_semaphore, #tpu.memory_space<semaphore_mem>>
          %dma_start3A_322 = arith.constant 0 : i32
          %dma_start3A_323 = arith.constant 0 : i32
          %dma_start3A_324 = tpu.memref_slice %arg8[%run_scoped3A_304, %dma_start3A_322, %dma_start3A_323] : memref<2x128x128xf32, #tpu.memory_space<vmem>> -> memref<1x128x128xf32, #tpu.memory_space<vmem>>
          %dma_start3A_325 = tpu.memref_squeeze %dma_start3A_324 : memref<1x128x128xf32, #tpu.memory_space<vmem>> -> memref<128x128xf32, #tpu.memory_space<vmem>>
          %dma_start3A_326 = arith.constant 0 : i32
          %dma_start3A_327 = tpu.memref_slice %arg7[%run_scoped3A_305, %run_scoped3A_306, %dma_start3A_326] : memref<4x1x128xi32, #tpu.memory_space<vmem>> -> memref<1x1x128xi32, #tpu.memory_space<vmem>>
          %dma_start3A_328 = tpu.memref_squeeze %dma_start3A_327 : memref<1x1x128xi32, #tpu.memory_space<vmem>> -> memref<128xi32, #tpu.memory_space<vmem>>
          %dma_start3A_329 = arith.constant 0 : i32
          %dma_start3A_330 = arith.constant 0 : i32
          %dma_start3A_331 = tpu.memref_slice %arg9[%dma_start3A_329, %dma_start3A_330] : memref<10240x128xf32, #tpu.memory_space<vmem_shared>> -> memref<10240x128xf32, #tpu.memory_space<vmem_shared>>
          tpu.enqueue_indirect_dma source(%dma_start3A_325 : memref<128x128xf32, #tpu.memory_space<vmem>>) target(%dma_start3A_331 : memref<10240x128xf32, #tpu.memory_space<vmem_shared>>) offsets(%dma_start3A_328 : memref<128xi32, #tpu.memory_space<vmem>>) semaphore(%run_scoped3A_321 : memref<!tpu.dma_semaphore, #tpu.memory_space<semaphore_mem>>) {add = true}
          %dma_wait3A_332 = arith.constant 0 : i32
          %dma_wait3A_333 = arith.constant 0 : i32
          %dma_wait3A_334 = tpu.memref_slice %arg8[%run_scoped3A_304, %dma_wait3A_332, %dma_wait3A_333] : memref<2x128x128xf32, #tpu.memory_space<vmem>> -> memref<1x128x128xf32, #tpu.memory_space<vmem>>
          %dma_wait3A_335 = tpu.memref_squeeze %dma_wait3A_334 : memref<1x128x128xf32, #tpu.memory_space<vmem>> -> memref<128x128xf32, #tpu.memory_space<vmem>>
          %dma_wait3A_336 = arith.constant 0 : i32
          %dma_wait3A_337 = tpu.memref_slice %arg7[%run_scoped3A_305, %run_scoped3A_306, %dma_wait3A_336] : memref<4x1x128xi32, #tpu.memory_space<vmem>> -> memref<1x1x128xi32, #tpu.memory_space<vmem>>
          %dma_wait3A_338 = tpu.memref_squeeze %dma_wait3A_337 : memref<1x1x128xi32, #tpu.memory_space<vmem>> -> memref<128xi32, #tpu.memory_space<vmem>>
          %dma_wait3A_339 = arith.constant 0 : i32
          %dma_wait3A_340 = arith.constant 0 : i32
          %dma_wait3A_341 = tpu.memref_slice %arg9[%dma_wait3A_339, %dma_wait3A_340] : memref<10240x128xf32, #tpu.memory_space<vmem_shared>> -> memref<10240x128xf32, #tpu.memory_space<vmem_shared>>
          tpu.wait_indirect_dma semaphore(%run_scoped3A_321 : memref<!tpu.dma_semaphore, #tpu.memory_space<semaphore_mem>>) src(%dma_wait3A_335 : memref<128x128xf32, #tpu.memory_space<vmem>>) dst(%dma_wait3A_341 : memref<10240x128xf32, #tpu.memory_space<vmem_shared>>)
          tpu.yield
        }) : () -> ()
        %add3A_307 = arith.constant 2 : i32
        %add3A_308 = arith.addi %add3A_272, %add3A_307 : i32
        %lt3A_309 = arith.constant 80 : i32
        %lt3A_310 = arith.cmpi slt, %add3A_308, %lt3A_309 : i32
        %convert_element_type3A_311 = arith.extui %lt3A_310 : i1 to i32
        %cond3A_312 = arith.constant 0 : i32
        %cond3A_313 = arith.cmpi ne, %convert_element_type3A_311, %cond3A_312 : i32
        scf.if %cond3A_313 {
          %add3A_321 = arith.constant 2 : i32
          %add3A_322 = arith.addi %add3A_272, %add3A_321 : i32
          %dma_start3A_323 = arith.constant 0 : i32
          %dma_start3A_324 = arith.constant 1 : i32
          %dma_start3A_325 = arith.constant 0 : i32
          %dma_start3A_326 = arith.constant 0 : i32
          %dma_start3A_327 = tpu.memref_slice %arg8[%dma_start3A_324, %dma_start3A_325, %dma_start3A_326] : memref<2x128x128xf32, #tpu.memory_space<vmem>> -> memref<1x128x128xf32, #tpu.memory_space<vmem>>
          %dma_start3A_328 = tpu.memref_squeeze %dma_start3A_327 : memref<1x128x128xf32, #tpu.memory_space<vmem>> -> memref<128x128xf32, #tpu.memory_space<vmem>>
          %dma_start3A_329 = arith.constant 0 : i32
          %dma_start3A_330 = tpu.memref_slice %arg6[%add3A_322, %dma_start3A_323, %dma_start3A_329] : memref<80x1x128xi32, #tpu.memory_space<vmem>> -> memref<1x1x128xi32, #tpu.memory_space<vmem>>
          %dma_start3A_331 = tpu.memref_squeeze %dma_start3A_330 : memref<1x1x128xi32, #tpu.memory_space<vmem>> -> memref<128xi32, #tpu.memory_space<vmem>>
          %dma_start3A_332 = arith.constant 0 : i32
          %dma_start3A_333 = arith.constant 0 : i32
          %dma_start3A_334 = tpu.memref_slice %arg2[%dma_start3A_332, %dma_start3A_333] : memref<10240x128xf32, #tpu.memory_space<hbm>> -> memref<10240x128xf32, #tpu.memory_space<hbm>>
          tpu.enqueue_indirect_dma source(%dma_start3A_334 : memref<10240x128xf32, #tpu.memory_space<hbm>>) target(%dma_start3A_328 : memref<128x128xf32, #tpu.memory_space<vmem>>) offsets(%dma_start3A_331 : memref<128xi32, #tpu.memory_space<vmem>>) semaphore(%arg11 : memref<!tpu.dma_semaphore, #tpu.memory_space<semaphore_mem>>)
        } else {
        }
        %add3A_314 = arith.constant 4 : i32
        %add3A_315 = arith.addi %add3A_272, %add3A_314 : i32
        %lt3A_316 = arith.constant 80 : i32
        %lt3A_317 = arith.cmpi slt, %add3A_315, %lt3A_316 : i32
        %convert_element_type3A_318 = arith.extui %lt3A_317 : i1 to i32
        %cond3A_319 = arith.constant 0 : i32
        %cond3A_320 = arith.cmpi ne, %convert_element_type3A_318, %cond3A_319 : i32
        scf.if %cond3A_320 {
          %add3A_321 = arith.addi %mul3A_8, %add3A_272 : i32
          %add3A_322 = arith.constant 4 : i32
          %add3A_323 = arith.addi %add3A_321, %add3A_322 : i32
          %dma_start3A_324 = arith.constant 1 : i32
          %dma_start3A_325 = arith.constant 3 : i32
          %dma_start3A_326 = arith.constant 0 : i32
          %dma_start3A_327 = arith.constant 0 : i32
          %dma_start3A_328 = tpu.memref_slice %arg7[%dma_start3A_325, %dma_start3A_326, %dma_start3A_327] : memref<4x1x128xi32, #tpu.memory_space<vmem>> -> memref<1x1x128xi32, #tpu.memory_space<vmem>>
          %dma_start3A_329 = tpu.memref_squeeze %dma_start3A_328 : memref<1x1x128xi32, #tpu.memory_space<vmem>> -> memref<1x128xi32, #tpu.memory_space<vmem>>
          %dma_start3A_330 = arith.constant 0 : i32
          %dma_start3A_331 = arith.constant 0 : i32
          %dma_start3A_332 = tpu.memref_slice %arg3[%dma_start3A_324, %add3A_323, %dma_start3A_330, %dma_start3A_331] : memref<2x2560x1x128xi32, #tpu.memory_space<hbm>> -> memref<1x1x1x128xi32, #tpu.memory_space<hbm>>
          %dma_start3A_333 = tpu.memref_squeeze %dma_start3A_332 : memref<1x1x1x128xi32, #tpu.memory_space<hbm>> -> memref<1x128xi32, #tpu.memory_space<hbm>>
          %dma_start3A_334 = arith.constant 0 : i32
          %dma_start3A_335 = arith.constant 0 : i32
          %dma_start3A_336 = tpu.memref_slice %arg7[%dma_start3A_325, %dma_start3A_334, %dma_start3A_335] : memref<4x1x128xi32, #tpu.memory_space<vmem>> -> memref<1x1x128xi32, #tpu.memory_space<vmem>>
          %dma_start3A_337 = tpu.memref_squeeze %dma_start3A_336 : memref<1x1x128xi32, #tpu.memory_space<vmem>> -> memref<1x128xi32, #tpu.memory_space<vmem>>
          %dma_start3A_338 = arith.constant 0 : i32
          %dma_start3A_339 = arith.constant 0 : i32
          %dma_start3A_340 = tpu.memref_slice %arg3[%dma_start3A_324, %add3A_323, %dma_start3A_338, %dma_start3A_339] : memref<2x2560x1x128xi32, #tpu.memory_space<hbm>> -> memref<1x1x1x128xi32, #tpu.memory_space<hbm>>
          %dma_start3A_341 = tpu.memref_squeeze %dma_start3A_340 : memref<1x1x1x128xi32, #tpu.memory_space<hbm>> -> memref<1x128xi32, #tpu.memory_space<hbm>>
          tpu.enqueue_dma source(%dma_start3A_341 : memref<1x128xi32, #tpu.memory_space<hbm>>) target(%dma_start3A_337 : memref<1x128xi32, #tpu.memory_space<vmem>>) target_semaphore(%arg15 : memref<!tpu.dma_semaphore, #tpu.memory_space<semaphore_mem>>)
        } else {
        }
      }
      %scan3A_117 = arith.constant 20 : i32
    } else {
    }
    %ne3A = arith.constant 0 : i32
    %ne3A_3 = arith.cmpi ne, %arg0, %ne3A : i32
    %convert_element_type3A_4 = arith.extui %ne3A_3 : i1 to i32
    %cond3A_5 = arith.constant 0 : i32
    %cond3A_6 = arith.cmpi ne, %convert_element_type3A_4, %cond3A_5 : i32
    scf.if %cond3A_6 {
      "tpu.region"() ({
        %run_scoped3A_120 = tpu.sem_alloc : memref<!tpu.dma_semaphore, #tpu.memory_space<semaphore_mem>>
        %dma_start3A_121 = arith.constant 0 : i32
        %dma_start3A_122 = tpu.memref_slice %arg9[%mul3A_0, %dma_start3A_121] : memref<10240x128xf32, #tpu.memory_space<vmem_shared>> -> memref<640x128xf32, #tpu.memory_space<vmem_shared>>
        %dma_start3A_123 = arith.constant 0 : i32
        %dma_start3A_124 = tpu.memref_slice %arg4[%mul3A_0, %dma_start3A_123] : memref<10240x128xf32, #tpu.memory_space<hbm>> -> memref<640x128xf32, #tpu.memory_space<hbm>>
        tpu.enqueue_dma source(%dma_start3A_124 : memref<640x128xf32, #tpu.memory_space<hbm>>) target(%dma_start3A_122 : memref<640x128xf32, #tpu.memory_space<vmem_shared>>) target_semaphore(%run_scoped3A_120 : memref<!tpu.dma_semaphore, #tpu.memory_space<semaphore_mem>>)
        %dma_wait3A = arith.constant 0 : i32
        %dma_wait3A_125 = tpu.memref_slice %arg9[%mul3A_0, %dma_wait3A] : memref<10240x128xf32, #tpu.memory_space<vmem_shared>> -> memref<640x128xf32, #tpu.memory_space<vmem_shared>>
        %dma_wait3A_126 = arith.constant 0 : i32
        %dma_wait3A_127 = tpu.memref_slice %arg4[%mul3A_0, %dma_wait3A_126] : memref<10240x128xf32, #tpu.memory_space<hbm>> -> memref<640x128xf32, #tpu.memory_space<hbm>>
        tpu.wait_dma2 semaphore(%run_scoped3A_120 : memref<!tpu.dma_semaphore, #tpu.memory_space<semaphore_mem>>) src(%dma_wait3A_127 : memref<640x128xf32, #tpu.memory_space<hbm>>) dst(%dma_wait3A_125 : memref<640x128xf32, #tpu.memory_space<vmem_shared>>)
        tpu.yield
      }) : () -> ()
      %mul3A_7 = arith.constant 80 : i32
      %mul3A_8 = arith.muli %arg1, %mul3A_7 : i32
      %add3A = arith.constant 1280 : i32
      %add3A_9 = arith.addi %add3A, %mul3A_8 : i32
      %run_scoped3A = arith.constant 0 : i32
      "tpu.region"() ({
        %run_scoped3A_120 = tpu.sem_alloc : memref<!tpu.dma_semaphore, #tpu.memory_space<semaphore_mem>>
        %dma_start3A_121 = arith.constant 0 : i32
        %dma_start3A_122 = arith.constant 0 : i32
        %dma_start3A_123 = arith.constant 0 : i32
        %dma_start3A_124 = tpu.memref_slice %arg6[%dma_start3A_121, %dma_start3A_122, %dma_start3A_123] : memref<80x1x128xi32, #tpu.memory_space<vmem>> -> memref<80x1x128xi32, #tpu.memory_space<vmem>>
        %dma_start3A_125 = arith.constant 0 : i32
        %dma_start3A_126 = arith.constant 0 : i32
        %dma_start3A_127 = tpu.memref_slice %arg3[%run_scoped3A, %add3A_9, %dma_start3A_125, %dma_start3A_126] : memref<2x2560x1x128xi32, #tpu.memory_space<hbm>> -> memref<1x80x1x128xi32, #tpu.memory_space<hbm>>
        %dma_start3A_128 = tpu.memref_squeeze %dma_start3A_127 : memref<1x80x1x128xi32, #tpu.memory_space<hbm>> -> memref<80x1x128xi32, #tpu.memory_space<hbm>>
        %dma_start3A_129 = arith.constant 0 : i32
        %dma_start3A_130 = arith.constant 0 : i32
        %dma_start3A_131 = arith.constant 0 : i32
        %dma_start3A_132 = tpu.memref_slice %arg6[%dma_start3A_129, %dma_start3A_130, %dma_start3A_131] : memref<80x1x128xi32, #tpu.memory_space<vmem>> -> memref<80x1x128xi32, #tpu.memory_space<vmem>>
        %dma_start3A_133 = arith.constant 0 : i32
        %dma_start3A_134 = arith.constant 0 : i32
        %dma_start3A_135 = tpu.memref_slice %arg3[%run_scoped3A, %add3A_9, %dma_start3A_133, %dma_start3A_134] : memref<2x2560x1x128xi32, #tpu.memory_space<hbm>> -> memref<1x80x1x128xi32, #tpu.memory_space<hbm>>
        %dma_start3A_136 = tpu.memref_squeeze %dma_start3A_135 : memref<1x80x1x128xi32, #tpu.memory_space<hbm>> -> memref<80x1x128xi32, #tpu.memory_space<hbm>>
        tpu.enqueue_dma source(%dma_start3A_136 : memref<80x1x128xi32, #tpu.memory_space<hbm>>) target(%dma_start3A_132 : memref<80x1x128xi32, #tpu.memory_space<vmem>>) target_semaphore(%run_scoped3A_120 : memref<!tpu.dma_semaphore, #tpu.memory_space<semaphore_mem>>)
        %dma_wait3A = arith.constant 0 : i32
        %dma_wait3A_137 = arith.constant 0 : i32
        %dma_wait3A_138 = arith.constant 0 : i32
        %dma_wait3A_139 = tpu.memref_slice %arg6[%dma_wait3A, %dma_wait3A_137, %dma_wait3A_138] : memref<80x1x128xi32, #tpu.memory_space<vmem>> -> memref<80x1x128xi32, #tpu.memory_space<vmem>>
        %dma_wait3A_140 = arith.constant 0 : i32
        %dma_wait3A_141 = arith.constant 0 : i32
        %dma_wait3A_142 = tpu.memref_slice %arg3[%run_scoped3A, %add3A_9, %dma_wait3A_140, %dma_wait3A_141] : memref<2x2560x1x128xi32, #tpu.memory_space<hbm>> -> memref<1x80x1x128xi32, #tpu.memory_space<hbm>>
        %dma_wait3A_143 = tpu.memref_squeeze %dma_wait3A_142 : memref<1x80x1x128xi32, #tpu.memory_space<hbm>> -> memref<80x1x128xi32, #tpu.memory_space<hbm>>
        %dma_wait3A_144 = arith.constant 0 : i32
        %dma_wait3A_145 = arith.constant 0 : i32
        %dma_wait3A_146 = arith.constant 0 : i32
        %dma_wait3A_147 = tpu.memref_slice %arg6[%dma_wait3A_144, %dma_wait3A_145, %dma_wait3A_146] : memref<80x1x128xi32, #tpu.memory_space<vmem>> -> memref<80x1x128xi32, #tpu.memory_space<vmem>>
        %dma_wait3A_148 = arith.constant 0 : i32
        %dma_wait3A_149 = arith.constant 0 : i32
        %dma_wait3A_150 = tpu.memref_slice %arg3[%run_scoped3A, %add3A_9, %dma_wait3A_148, %dma_wait3A_149] : memref<2x2560x1x128xi32, #tpu.memory_space<hbm>> -> memref<1x80x1x128xi32, #tpu.memory_space<hbm>>
        %dma_wait3A_151 = tpu.memref_squeeze %dma_wait3A_150 : memref<1x80x1x128xi32, #tpu.memory_space<hbm>> -> memref<80x1x128xi32, #tpu.memory_space<hbm>>
        tpu.wait_dma2 semaphore(%run_scoped3A_120 : memref<!tpu.dma_semaphore, #tpu.memory_space<semaphore_mem>>) src(%dma_wait3A_151 : memref<80x1x128xi32, #tpu.memory_space<hbm>>) dst(%dma_wait3A_147 : memref<80x1x128xi32, #tpu.memory_space<vmem>>)
        tpu.yield
      }) : () -> ()
      %add3A_10 = arith.constant 0 : i32
      %add3A_11 = arith.addi %add3A_9, %add3A_10 : i32
      %dma_start3A = arith.constant 1 : i32
      %dma_start3A_12 = arith.constant 0 : i32
      %dma_start3A_13 = arith.constant 0 : i32
      %dma_start3A_14 = arith.constant 0 : i32
      %dma_start3A_15 = tpu.memref_slice %arg7[%dma_start3A_12, %dma_start3A_13, %dma_start3A_14] : memref<4x1x128xi32, #tpu.memory_space<vmem>> -> memref<1x1x128xi32, #tpu.memory_space<vmem>>
      %dma_start3A_16 = tpu.memref_squeeze %dma_start3A_15 : memref<1x1x128xi32, #tpu.memory_space<vmem>> -> memref<1x128xi32, #tpu.memory_space<vmem>>
      %dma_start3A_17 = arith.constant 0 : i32
      %dma_start3A_18 = arith.constant 0 : i32
      %dma_start3A_19 = tpu.memref_slice %arg3[%dma_start3A, %add3A_11, %dma_start3A_17, %dma_start3A_18] : memref<2x2560x1x128xi32, #tpu.memory_space<hbm>> -> memref<1x1x1x128xi32, #tpu.memory_space<hbm>>
      %dma_start3A_20 = tpu.memref_squeeze %dma_start3A_19 : memref<1x1x1x128xi32, #tpu.memory_space<hbm>> -> memref<1x128xi32, #tpu.memory_space<hbm>>
      %dma_start3A_21 = arith.constant 0 : i32
      %dma_start3A_22 = arith.constant 0 : i32
      %dma_start3A_23 = tpu.memref_slice %arg7[%dma_start3A_12, %dma_start3A_21, %dma_start3A_22] : memref<4x1x128xi32, #tpu.memory_space<vmem>> -> memref<1x1x128xi32, #tpu.memory_space<vmem>>
      %dma_start3A_24 = tpu.memref_squeeze %dma_start3A_23 : memref<1x1x128xi32, #tpu.memory_space<vmem>> -> memref<1x128xi32, #tpu.memory_space<vmem>>
      %dma_start3A_25 = arith.constant 0 : i32
      %dma_start3A_26 = arith.constant 0 : i32
      %dma_start3A_27 = tpu.memref_slice %arg3[%dma_start3A, %add3A_11, %dma_start3A_25, %dma_start3A_26] : memref<2x2560x1x128xi32, #tpu.memory_space<hbm>> -> memref<1x1x1x128xi32, #tpu.memory_space<hbm>>
      %dma_start3A_28 = tpu.memref_squeeze %dma_start3A_27 : memref<1x1x1x128xi32, #tpu.memory_space<hbm>> -> memref<1x128xi32, #tpu.memory_space<hbm>>
      tpu.enqueue_dma source(%dma_start3A_28 : memref<1x128xi32, #tpu.memory_space<hbm>>) target(%dma_start3A_24 : memref<1x128xi32, #tpu.memory_space<vmem>>) target_semaphore(%arg12 : memref<!tpu.dma_semaphore, #tpu.memory_space<semaphore_mem>>)
      %add3A_29 = arith.constant 1 : i32
      %add3A_30 = arith.addi %add3A_9, %add3A_29 : i32
      %dma_start3A_31 = arith.constant 1 : i32
      %dma_start3A_32 = arith.constant 1 : i32
      %dma_start3A_33 = arith.constant 0 : i32
      %dma_start3A_34 = arith.constant 0 : i32
      %dma_start3A_35 = tpu.memref_slice %arg7[%dma_start3A_32, %dma_start3A_33, %dma_start3A_34] : memref<4x1x128xi32, #tpu.memory_space<vmem>> -> memref<1x1x128xi32, #tpu.memory_space<vmem>>
      %dma_start3A_36 = tpu.memref_squeeze %dma_start3A_35 : memref<1x1x128xi32, #tpu.memory_space<vmem>> -> memref<1x128xi32, #tpu.memory_space<vmem>>
      %dma_start3A_37 = arith.constant 0 : i32
      %dma_start3A_38 = arith.constant 0 : i32
      %dma_start3A_39 = tpu.memref_slice %arg3[%dma_start3A_31, %add3A_30, %dma_start3A_37, %dma_start3A_38] : memref<2x2560x1x128xi32, #tpu.memory_space<hbm>> -> memref<1x1x1x128xi32, #tpu.memory_space<hbm>>
      %dma_start3A_40 = tpu.memref_squeeze %dma_start3A_39 : memref<1x1x1x128xi32, #tpu.memory_space<hbm>> -> memref<1x128xi32, #tpu.memory_space<hbm>>
      %dma_start3A_41 = arith.constant 0 : i32
      %dma_start3A_42 = arith.constant 0 : i32
      %dma_start3A_43 = tpu.memref_slice %arg7[%dma_start3A_32, %dma_start3A_41, %dma_start3A_42] : memref<4x1x128xi32, #tpu.memory_space<vmem>> -> memref<1x1x128xi32, #tpu.memory_space<vmem>>
      %dma_start3A_44 = tpu.memref_squeeze %dma_start3A_43 : memref<1x1x128xi32, #tpu.memory_space<vmem>> -> memref<1x128xi32, #tpu.memory_space<vmem>>
      %dma_start3A_45 = arith.constant 0 : i32
      %dma_start3A_46 = arith.constant 0 : i32
      %dma_start3A_47 = tpu.memref_slice %arg3[%dma_start3A_31, %add3A_30, %dma_start3A_45, %dma_start3A_46] : memref<2x2560x1x128xi32, #tpu.memory_space<hbm>> -> memref<1x1x1x128xi32, #tpu.memory_space<hbm>>
      %dma_start3A_48 = tpu.memref_squeeze %dma_start3A_47 : memref<1x1x1x128xi32, #tpu.memory_space<hbm>> -> memref<1x128xi32, #tpu.memory_space<hbm>>
      tpu.enqueue_dma source(%dma_start3A_48 : memref<1x128xi32, #tpu.memory_space<hbm>>) target(%dma_start3A_44 : memref<1x128xi32, #tpu.memory_space<vmem>>) target_semaphore(%arg13 : memref<!tpu.dma_semaphore, #tpu.memory_space<semaphore_mem>>)
      %add3A_49 = arith.constant 2 : i32
      %add3A_50 = arith.addi %add3A_9, %add3A_49 : i32
      %dma_start3A_51 = arith.constant 1 : i32
      %dma_start3A_52 = arith.constant 2 : i32
      %dma_start3A_53 = arith.constant 0 : i32
      %dma_start3A_54 = arith.constant 0 : i32
      %dma_start3A_55 = tpu.memref_slice %arg7[%dma_start3A_52, %dma_start3A_53, %dma_start3A_54] : memref<4x1x128xi32, #tpu.memory_space<vmem>> -> memref<1x1x128xi32, #tpu.memory_space<vmem>>
      %dma_start3A_56 = tpu.memref_squeeze %dma_start3A_55 : memref<1x1x128xi32, #tpu.memory_space<vmem>> -> memref<1x128xi32, #tpu.memory_space<vmem>>
      %dma_start3A_57 = arith.constant 0 : i32
      %dma_start3A_58 = arith.constant 0 : i32
      %dma_start3A_59 = tpu.memref_slice %arg3[%dma_start3A_51, %add3A_50, %dma_start3A_57, %dma_start3A_58] : memref<2x2560x1x128xi32, #tpu.memory_space<hbm>> -> memref<1x1x1x128xi32, #tpu.memory_space<hbm>>
      %dma_start3A_60 = tpu.memref_squeeze %dma_start3A_59 : memref<1x1x1x128xi32, #tpu.memory_space<hbm>> -> memref<1x128xi32, #tpu.memory_space<hbm>>
      %dma_start3A_61 = arith.constant 0 : i32
      %dma_start3A_62 = arith.constant 0 : i32
      %dma_start3A_63 = tpu.memref_slice %arg7[%dma_start3A_52, %dma_start3A_61, %dma_start3A_62] : memref<4x1x128xi32, #tpu.memory_space<vmem>> -> memref<1x1x128xi32, #tpu.memory_space<vmem>>
      %dma_start3A_64 = tpu.memref_squeeze %dma_start3A_63 : memref<1x1x128xi32, #tpu.memory_space<vmem>> -> memref<1x128xi32, #tpu.memory_space<vmem>>
      %dma_start3A_65 = arith.constant 0 : i32
      %dma_start3A_66 = arith.constant 0 : i32
      %dma_start3A_67 = tpu.memref_slice %arg3[%dma_start3A_51, %add3A_50, %dma_start3A_65, %dma_start3A_66] : memref<2x2560x1x128xi32, #tpu.memory_space<hbm>> -> memref<1x1x1x128xi32, #tpu.memory_space<hbm>>
      %dma_start3A_68 = tpu.memref_squeeze %dma_start3A_67 : memref<1x1x1x128xi32, #tpu.memory_space<hbm>> -> memref<1x128xi32, #tpu.memory_space<hbm>>
      tpu.enqueue_dma source(%dma_start3A_68 : memref<1x128xi32, #tpu.memory_space<hbm>>) target(%dma_start3A_64 : memref<1x128xi32, #tpu.memory_space<vmem>>) target_semaphore(%arg14 : memref<!tpu.dma_semaphore, #tpu.memory_space<semaphore_mem>>)
      %add3A_69 = arith.constant 3 : i32
      %add3A_70 = arith.addi %add3A_9, %add3A_69 : i32
      %dma_start3A_71 = arith.constant 1 : i32
      %dma_start3A_72 = arith.constant 3 : i32
      %dma_start3A_73 = arith.constant 0 : i32
      %dma_start3A_74 = arith.constant 0 : i32
      %dma_start3A_75 = tpu.memref_slice %arg7[%dma_start3A_72, %dma_start3A_73, %dma_start3A_74] : memref<4x1x128xi32, #tpu.memory_space<vmem>> -> memref<1x1x128xi32, #tpu.memory_space<vmem>>
      %dma_start3A_76 = tpu.memref_squeeze %dma_start3A_75 : memref<1x1x128xi32, #tpu.memory_space<vmem>> -> memref<1x128xi32, #tpu.memory_space<vmem>>
      %dma_start3A_77 = arith.constant 0 : i32
      %dma_start3A_78 = arith.constant 0 : i32
      %dma_start3A_79 = tpu.memref_slice %arg3[%dma_start3A_71, %add3A_70, %dma_start3A_77, %dma_start3A_78] : memref<2x2560x1x128xi32, #tpu.memory_space<hbm>> -> memref<1x1x1x128xi32, #tpu.memory_space<hbm>>
      %dma_start3A_80 = tpu.memref_squeeze %dma_start3A_79 : memref<1x1x1x128xi32, #tpu.memory_space<hbm>> -> memref<1x128xi32, #tpu.memory_space<hbm>>
      %dma_start3A_81 = arith.constant 0 : i32
      %dma_start3A_82 = arith.constant 0 : i32
      %dma_start3A_83 = tpu.memref_slice %arg7[%dma_start3A_72, %dma_start3A_81, %dma_start3A_82] : memref<4x1x128xi32, #tpu.memory_space<vmem>> -> memref<1x1x128xi32, #tpu.memory_space<vmem>>
      %dma_start3A_84 = tpu.memref_squeeze %dma_start3A_83 : memref<1x1x128xi32, #tpu.memory_space<vmem>> -> memref<1x128xi32, #tpu.memory_space<vmem>>
      %dma_start3A_85 = arith.constant 0 : i32
      %dma_start3A_86 = arith.constant 0 : i32
      %dma_start3A_87 = tpu.memref_slice %arg3[%dma_start3A_71, %add3A_70, %dma_start3A_85, %dma_start3A_86] : memref<2x2560x1x128xi32, #tpu.memory_space<hbm>> -> memref<1x1x1x128xi32, #tpu.memory_space<hbm>>
      %dma_start3A_88 = tpu.memref_squeeze %dma_start3A_87 : memref<1x1x1x128xi32, #tpu.memory_space<hbm>> -> memref<1x128xi32, #tpu.memory_space<hbm>>
      tpu.enqueue_dma source(%dma_start3A_88 : memref<1x128xi32, #tpu.memory_space<hbm>>) target(%dma_start3A_84 : memref<1x128xi32, #tpu.memory_space<vmem>>) target_semaphore(%arg15 : memref<!tpu.dma_semaphore, #tpu.memory_space<semaphore_mem>>)
      %dma_start3A_89 = arith.constant 0 : i32
      %dma_start3A_90 = arith.constant 0 : i32
      %dma_start3A_91 = arith.constant 0 : i32
      %dma_start3A_92 = arith.constant 0 : i32
      %dma_start3A_93 = arith.constant 0 : i32
      %dma_start3A_94 = tpu.memref_slice %arg8[%dma_start3A_91, %dma_start3A_92, %dma_start3A_93] : memref<2x128x128xf32, #tpu.memory_space<vmem>> -> memref<1x128x128xf32, #tpu.memory_space<vmem>>
      %dma_start3A_95 = tpu.memref_squeeze %dma_start3A_94 : memref<1x128x128xf32, #tpu.memory_space<vmem>> -> memref<128x128xf32, #tpu.memory_space<vmem>>
      %dma_start3A_96 = arith.constant 0 : i32
      %dma_start3A_97 = tpu.memref_slice %arg6[%dma_start3A_89, %dma_start3A_90, %dma_start3A_96] : memref<80x1x128xi32, #tpu.memory_space<vmem>> -> memref<1x1x128xi32, #tpu.memory_space<vmem>>
      %dma_start3A_98 = tpu.memref_squeeze %dma_start3A_97 : memref<1x1x128xi32, #tpu.memory_space<vmem>> -> memref<128xi32, #tpu.memory_space<vmem>>
      %dma_start3A_99 = arith.constant 0 : i32
      %dma_start3A_100 = arith.constant 0 : i32
      %dma_start3A_101 = tpu.memref_slice %arg2[%dma_start3A_99, %dma_start3A_100] : memref<10240x128xf32, #tpu.memory_space<hbm>> -> memref<10240x128xf32, #tpu.memory_space<hbm>>
      tpu.enqueue_indirect_dma source(%dma_start3A_101 : memref<10240x128xf32, #tpu.memory_space<hbm>>) target(%dma_start3A_95 : memref<128x128xf32, #tpu.memory_space<vmem>>) offsets(%dma_start3A_98 : memref<128xi32, #tpu.memory_space<vmem>>) semaphore(%arg10 : memref<!tpu.dma_semaphore, #tpu.memory_space<semaphore_mem>>)
      %dma_start3A_102 = arith.constant 1 : i32
      %dma_start3A_103 = arith.constant 0 : i32
      %dma_start3A_104 = arith.constant 1 : i32
      %dma_start3A_105 = arith.constant 0 : i32
      %dma_start3A_106 = arith.constant 0 : i32
      %dma_start3A_107 = tpu.memref_slice %arg8[%dma_start3A_104, %dma_start3A_105, %dma_start3A_106] : memref<2x128x128xf32, #tpu.memory_space<vmem>> -> memref<1x128x128xf32, #tpu.memory_space<vmem>>
      %dma_start3A_108 = tpu.memref_squeeze %dma_start3A_107 : memref<1x128x128xf32, #tpu.memory_space<vmem>> -> memref<128x128xf32, #tpu.memory_space<vmem>>
      %dma_start3A_109 = arith.constant 0 : i32
      %dma_start3A_110 = tpu.memref_slice %arg6[%dma_start3A_102, %dma_start3A_103, %dma_start3A_109] : memref<80x1x128xi32, #tpu.memory_space<vmem>> -> memref<1x1x128xi32, #tpu.memory_space<vmem>>
      %dma_start3A_111 = tpu.memref_squeeze %dma_start3A_110 : memref<1x1x128xi32, #tpu.memory_space<vmem>> -> memref<128xi32, #tpu.memory_space<vmem>>
      %dma_start3A_112 = arith.constant 0 : i32
      %dma_start3A_113 = arith.constant 0 : i32
      %dma_start3A_114 = tpu.memref_slice %arg2[%dma_start3A_112, %dma_start3A_113] : memref<10240x128xf32, #tpu.memory_space<hbm>> -> memref<10240x128xf32, #tpu.memory_space<hbm>>
      tpu.enqueue_indirect_dma source(%dma_start3A_114 : memref<10240x128xf32, #tpu.memory_space<hbm>>) target(%dma_start3A_108 : memref<128x128xf32, #tpu.memory_space<vmem>>) offsets(%dma_start3A_111 : memref<128xi32, #tpu.memory_space<vmem>>) semaphore(%arg11 : memref<!tpu.dma_semaphore, #tpu.memory_space<semaphore_mem>>)
      %barrier3A_115 = arith.constant 0 : index
      tpu.barrier barrier_id(%barrier3A_115)
      %scan3A = arith.constant 0 : i32
      %scan3A_116 = arith.constant 20 : i32
      %scan3A_117 = arith.addi %scan3A, %scan3A_116 : i32
      %scan3A_118 = arith.constant 1 : i32
      scf.for %scan3A_120 = %scan3A to %scan3A_117 step %scan3A_118  : i32 {
        %mul3A_121 = arith.constant 4 : i32
        %mul3A_122 = arith.muli %scan3A_120, %mul3A_121 : i32
        %add3A_123 = arith.constant 0 : i32
        %add3A_124 = arith.addi %add3A_123, %mul3A_122 : i32
        %add3A_125 = arith.constant 0 : i32
        %add3A_126 = arith.addi %add3A_124, %add3A_125 : i32
        %dma_wait3A = arith.constant 0 : i32
        %dma_wait3A_127 = arith.constant 0 : i32
        %dma_wait3A_128 = arith.constant 0 : i32
        %dma_wait3A_129 = arith.constant 0 : i32
        %dma_wait3A_130 = arith.constant 0 : i32
        %dma_wait3A_131 = tpu.memref_slice %arg8[%dma_wait3A_128, %dma_wait3A_129, %dma_wait3A_130] : memref<2x128x128xf32, #tpu.memory_space<vmem>> -> memref<1x128x128xf32, #tpu.memory_space<vmem>>
        %dma_wait3A_132 = tpu.memref_squeeze %dma_wait3A_131 : memref<1x128x128xf32, #tpu.memory_space<vmem>> -> memref<128x128xf32, #tpu.memory_space<vmem>>
        %dma_wait3A_133 = arith.constant 0 : i32
        %dma_wait3A_134 = tpu.memref_slice %arg6[%dma_wait3A, %dma_wait3A_127, %dma_wait3A_133] : memref<80x1x128xi32, #tpu.memory_space<vmem>> -> memref<1x1x128xi32, #tpu.memory_space<vmem>>
        %dma_wait3A_135 = tpu.memref_squeeze %dma_wait3A_134 : memref<1x1x128xi32, #tpu.memory_space<vmem>> -> memref<128xi32, #tpu.memory_space<vmem>>
        %dma_wait3A_136 = arith.constant 0 : i32
        %dma_wait3A_137 = arith.constant 0 : i32
        %dma_wait3A_138 = tpu.memref_slice %arg2[%dma_wait3A_136, %dma_wait3A_137] : memref<10240x128xf32, #tpu.memory_space<hbm>> -> memref<10240x128xf32, #tpu.memory_space<hbm>>
        tpu.wait_indirect_dma semaphore(%arg10 : memref<!tpu.dma_semaphore, #tpu.memory_space<semaphore_mem>>) src(%dma_wait3A_138 : memref<10240x128xf32, #tpu.memory_space<hbm>>) dst(%dma_wait3A_132 : memref<128x128xf32, #tpu.memory_space<vmem>>)
        %dma_wait3A_139 = arith.constant 1 : i32
        %dma_wait3A_140 = arith.constant 0 : i32
        %dma_wait3A_141 = arith.constant 0 : i32
        %dma_wait3A_142 = arith.constant 0 : i32
        %dma_wait3A_143 = tpu.memref_slice %arg7[%dma_wait3A_140, %dma_wait3A_141, %dma_wait3A_142] : memref<4x1x128xi32, #tpu.memory_space<vmem>> -> memref<1x1x128xi32, #tpu.memory_space<vmem>>
        %dma_wait3A_144 = tpu.memref_squeeze %dma_wait3A_143 : memref<1x1x128xi32, #tpu.memory_space<vmem>> -> memref<1x128xi32, #tpu.memory_space<vmem>>
        %dma_wait3A_145 = arith.constant 0 : i32
        %dma_wait3A_146 = arith.constant 0 : i32
        %dma_wait3A_147 = tpu.memref_slice %arg3[%dma_wait3A_139, %add3A_9, %dma_wait3A_145, %dma_wait3A_146] : memref<2x2560x1x128xi32, #tpu.memory_space<hbm>> -> memref<1x1x1x128xi32, #tpu.memory_space<hbm>>
        %dma_wait3A_148 = tpu.memref_squeeze %dma_wait3A_147 : memref<1x1x1x128xi32, #tpu.memory_space<hbm>> -> memref<1x128xi32, #tpu.memory_space<hbm>>
        %dma_wait3A_149 = arith.constant 0 : i32
        %dma_wait3A_150 = arith.constant 0 : i32
        %dma_wait3A_151 = tpu.memref_slice %arg7[%dma_wait3A_140, %dma_wait3A_149, %dma_wait3A_150] : memref<4x1x128xi32, #tpu.memory_space<vmem>> -> memref<1x1x128xi32, #tpu.memory_space<vmem>>
        %dma_wait3A_152 = tpu.memref_squeeze %dma_wait3A_151 : memref<1x1x128xi32, #tpu.memory_space<vmem>> -> memref<1x128xi32, #tpu.memory_space<vmem>>
        %dma_wait3A_153 = arith.constant 0 : i32
        %dma_wait3A_154 = arith.constant 0 : i32
        %dma_wait3A_155 = tpu.memref_slice %arg3[%dma_wait3A_139, %add3A_9, %dma_wait3A_153, %dma_wait3A_154] : memref<2x2560x1x128xi32, #tpu.memory_space<hbm>> -> memref<1x1x1x128xi32, #tpu.memory_space<hbm>>
        %dma_wait3A_156 = tpu.memref_squeeze %dma_wait3A_155 : memref<1x1x1x128xi32, #tpu.memory_space<hbm>> -> memref<1x128xi32, #tpu.memory_space<hbm>>
        tpu.wait_dma2 semaphore(%arg12 : memref<!tpu.dma_semaphore, #tpu.memory_space<semaphore_mem>>) src(%dma_wait3A_156 : memref<1x128xi32, #tpu.memory_space<hbm>>) dst(%dma_wait3A_152 : memref<1x128xi32, #tpu.memory_space<vmem>>)
        %run_scoped3A_157 = arith.constant 0 : i32
        %run_scoped3A_158 = arith.constant 0 : i32
        %run_scoped3A_159 = arith.constant 0 : i32
        "tpu.region"() ({
          %run_scoped3A_323 = tpu.sem_alloc : memref<!tpu.dma_semaphore, #tpu.memory_space<semaphore_mem>>
          %dma_start3A_324 = arith.constant 0 : i32
          %dma_start3A_325 = arith.constant 0 : i32
          %dma_start3A_326 = tpu.memref_slice %arg8[%run_scoped3A_157, %dma_start3A_324, %dma_start3A_325] : memref<2x128x128xf32, #tpu.memory_space<vmem>> -> memref<1x128x128xf32, #tpu.memory_space<vmem>>
          %dma_start3A_327 = tpu.memref_squeeze %dma_start3A_326 : memref<1x128x128xf32, #tpu.memory_space<vmem>> -> memref<128x128xf32, #tpu.memory_space<vmem>>
          %dma_start3A_328 = arith.constant 0 : i32
          %dma_start3A_329 = tpu.memref_slice %arg7[%run_scoped3A_158, %run_scoped3A_159, %dma_start3A_328] : memref<4x1x128xi32, #tpu.memory_space<vmem>> -> memref<1x1x128xi32, #tpu.memory_space<vmem>>
          %dma_start3A_330 = tpu.memref_squeeze %dma_start3A_329 : memref<1x1x128xi32, #tpu.memory_space<vmem>> -> memref<128xi32, #tpu.memory_space<vmem>>
          %dma_start3A_331 = arith.constant 0 : i32
          %dma_start3A_332 = arith.constant 0 : i32
          %dma_start3A_333 = tpu.memref_slice %arg9[%dma_start3A_331, %dma_start3A_332] : memref<10240x128xf32, #tpu.memory_space<vmem_shared>> -> memref<10240x128xf32, #tpu.memory_space<vmem_shared>>
          tpu.enqueue_indirect_dma source(%dma_start3A_327 : memref<128x128xf32, #tpu.memory_space<vmem>>) target(%dma_start3A_333 : memref<10240x128xf32, #tpu.memory_space<vmem_shared>>) offsets(%dma_start3A_330 : memref<128xi32, #tpu.memory_space<vmem>>) semaphore(%run_scoped3A_323 : memref<!tpu.dma_semaphore, #tpu.memory_space<semaphore_mem>>) {add = true}
          %dma_wait3A_334 = arith.constant 0 : i32
          %dma_wait3A_335 = arith.constant 0 : i32
          %dma_wait3A_336 = tpu.memref_slice %arg8[%run_scoped3A_157, %dma_wait3A_334, %dma_wait3A_335] : memref<2x128x128xf32, #tpu.memory_space<vmem>> -> memref<1x128x128xf32, #tpu.memory_space<vmem>>
          %dma_wait3A_337 = tpu.memref_squeeze %dma_wait3A_336 : memref<1x128x128xf32, #tpu.memory_space<vmem>> -> memref<128x128xf32, #tpu.memory_space<vmem>>
          %dma_wait3A_338 = arith.constant 0 : i32
          %dma_wait3A_339 = tpu.memref_slice %arg7[%run_scoped3A_158, %run_scoped3A_159, %dma_wait3A_338] : memref<4x1x128xi32, #tpu.memory_space<vmem>> -> memref<1x1x128xi32, #tpu.memory_space<vmem>>
          %dma_wait3A_340 = tpu.memref_squeeze %dma_wait3A_339 : memref<1x1x128xi32, #tpu.memory_space<vmem>> -> memref<128xi32, #tpu.memory_space<vmem>>
          %dma_wait3A_341 = arith.constant 0 : i32
          %dma_wait3A_342 = arith.constant 0 : i32
          %dma_wait3A_343 = tpu.memref_slice %arg9[%dma_wait3A_341, %dma_wait3A_342] : memref<10240x128xf32, #tpu.memory_space<vmem_shared>> -> memref<10240x128xf32, #tpu.memory_space<vmem_shared>>
          tpu.wait_indirect_dma semaphore(%run_scoped3A_323 : memref<!tpu.dma_semaphore, #tpu.memory_space<semaphore_mem>>) src(%dma_wait3A_337 : memref<128x128xf32, #tpu.memory_space<vmem>>) dst(%dma_wait3A_343 : memref<10240x128xf32, #tpu.memory_space<vmem_shared>>)
          tpu.yield
        }) : () -> ()
        %add3A_160 = arith.constant 2 : i32
        %add3A_161 = arith.addi %add3A_126, %add3A_160 : i32
        %lt3A = arith.constant 80 : i32
        %lt3A_162 = arith.cmpi slt, %add3A_161, %lt3A : i32
        %convert_element_type3A_163 = arith.extui %lt3A_162 : i1 to i32
        %cond3A_164 = arith.constant 0 : i32
        %cond3A_165 = arith.cmpi ne, %convert_element_type3A_163, %cond3A_164 : i32
        scf.if %cond3A_165 {
          %add3A_323 = arith.constant 2 : i32
          %add3A_324 = arith.addi %add3A_126, %add3A_323 : i32
          %dma_start3A_325 = arith.constant 0 : i32
          %dma_start3A_326 = arith.constant 0 : i32
          %dma_start3A_327 = arith.constant 0 : i32
          %dma_start3A_328 = arith.constant 0 : i32
          %dma_start3A_329 = tpu.memref_slice %arg8[%dma_start3A_326, %dma_start3A_327, %dma_start3A_328] : memref<2x128x128xf32, #tpu.memory_space<vmem>> -> memref<1x128x128xf32, #tpu.memory_space<vmem>>
          %dma_start3A_330 = tpu.memref_squeeze %dma_start3A_329 : memref<1x128x128xf32, #tpu.memory_space<vmem>> -> memref<128x128xf32, #tpu.memory_space<vmem>>
          %dma_start3A_331 = arith.constant 0 : i32
          %dma_start3A_332 = tpu.memref_slice %arg6[%add3A_324, %dma_start3A_325, %dma_start3A_331] : memref<80x1x128xi32, #tpu.memory_space<vmem>> -> memref<1x1x128xi32, #tpu.memory_space<vmem>>
          %dma_start3A_333 = tpu.memref_squeeze %dma_start3A_332 : memref<1x1x128xi32, #tpu.memory_space<vmem>> -> memref<128xi32, #tpu.memory_space<vmem>>
          %dma_start3A_334 = arith.constant 0 : i32
          %dma_start3A_335 = arith.constant 0 : i32
          %dma_start3A_336 = tpu.memref_slice %arg2[%dma_start3A_334, %dma_start3A_335] : memref<10240x128xf32, #tpu.memory_space<hbm>> -> memref<10240x128xf32, #tpu.memory_space<hbm>>
          tpu.enqueue_indirect_dma source(%dma_start3A_336 : memref<10240x128xf32, #tpu.memory_space<hbm>>) target(%dma_start3A_330 : memref<128x128xf32, #tpu.memory_space<vmem>>) offsets(%dma_start3A_333 : memref<128xi32, #tpu.memory_space<vmem>>) semaphore(%arg10 : memref<!tpu.dma_semaphore, #tpu.memory_space<semaphore_mem>>)
        } else {
        }
        %add3A_166 = arith.constant 4 : i32
        %add3A_167 = arith.addi %add3A_126, %add3A_166 : i32
        %lt3A_168 = arith.constant 80 : i32
        %lt3A_169 = arith.cmpi slt, %add3A_167, %lt3A_168 : i32
        %convert_element_type3A_170 = arith.extui %lt3A_169 : i1 to i32
        %cond3A_171 = arith.constant 0 : i32
        %cond3A_172 = arith.cmpi ne, %convert_element_type3A_170, %cond3A_171 : i32
        scf.if %cond3A_172 {
          %add3A_323 = arith.addi %add3A_9, %add3A_126 : i32
          %add3A_324 = arith.constant 4 : i32
          %add3A_325 = arith.addi %add3A_323, %add3A_324 : i32
          %dma_start3A_326 = arith.constant 1 : i32
          %dma_start3A_327 = arith.constant 0 : i32
          %dma_start3A_328 = arith.constant 0 : i32
          %dma_start3A_329 = arith.constant 0 : i32
          %dma_start3A_330 = tpu.memref_slice %arg7[%dma_start3A_327, %dma_start3A_328, %dma_start3A_329] : memref<4x1x128xi32, #tpu.memory_space<vmem>> -> memref<1x1x128xi32, #tpu.memory_space<vmem>>
          %dma_start3A_331 = tpu.memref_squeeze %dma_start3A_330 : memref<1x1x128xi32, #tpu.memory_space<vmem>> -> memref<1x128xi32, #tpu.memory_space<vmem>>
          %dma_start3A_332 = arith.constant 0 : i32
          %dma_start3A_333 = arith.constant 0 : i32
          %dma_start3A_334 = tpu.memref_slice %arg3[%dma_start3A_326, %add3A_325, %dma_start3A_332, %dma_start3A_333] : memref<2x2560x1x128xi32, #tpu.memory_space<hbm>> -> memref<1x1x1x128xi32, #tpu.memory_space<hbm>>
          %dma_start3A_335 = tpu.memref_squeeze %dma_start3A_334 : memref<1x1x1x128xi32, #tpu.memory_space<hbm>> -> memref<1x128xi32, #tpu.memory_space<hbm>>
          %dma_start3A_336 = arith.constant 0 : i32
          %dma_start3A_337 = arith.constant 0 : i32
          %dma_start3A_338 = tpu.memref_slice %arg7[%dma_start3A_327, %dma_start3A_336, %dma_start3A_337] : memref<4x1x128xi32, #tpu.memory_space<vmem>> -> memref<1x1x128xi32, #tpu.memory_space<vmem>>
          %dma_start3A_339 = tpu.memref_squeeze %dma_start3A_338 : memref<1x1x128xi32, #tpu.memory_space<vmem>> -> memref<1x128xi32, #tpu.memory_space<vmem>>
          %dma_start3A_340 = arith.constant 0 : i32
          %dma_start3A_341 = arith.constant 0 : i32
          %dma_start3A_342 = tpu.memref_slice %arg3[%dma_start3A_326, %add3A_325, %dma_start3A_340, %dma_start3A_341] : memref<2x2560x1x128xi32, #tpu.memory_space<hbm>> -> memref<1x1x1x128xi32, #tpu.memory_space<hbm>>
          %dma_start3A_343 = tpu.memref_squeeze %dma_start3A_342 : memref<1x1x1x128xi32, #tpu.memory_space<hbm>> -> memref<1x128xi32, #tpu.memory_space<hbm>>
          tpu.enqueue_dma source(%dma_start3A_343 : memref<1x128xi32, #tpu.memory_space<hbm>>) target(%dma_start3A_339 : memref<1x128xi32, #tpu.memory_space<vmem>>) target_semaphore(%arg12 : memref<!tpu.dma_semaphore, #tpu.memory_space<semaphore_mem>>)
        } else {
        }
        %add3A_173 = arith.constant 1 : i32
        %add3A_174 = arith.addi %add3A_124, %add3A_173 : i32
        %dma_wait3A_175 = arith.constant 0 : i32
        %dma_wait3A_176 = arith.constant 0 : i32
        %dma_wait3A_177 = arith.constant 1 : i32
        %dma_wait3A_178 = arith.constant 0 : i32
        %dma_wait3A_179 = arith.constant 0 : i32
        %dma_wait3A_180 = tpu.memref_slice %arg8[%dma_wait3A_177, %dma_wait3A_178, %dma_wait3A_179] : memref<2x128x128xf32, #tpu.memory_space<vmem>> -> memref<1x128x128xf32, #tpu.memory_space<vmem>>
        %dma_wait3A_181 = tpu.memref_squeeze %dma_wait3A_180 : memref<1x128x128xf32, #tpu.memory_space<vmem>> -> memref<128x128xf32, #tpu.memory_space<vmem>>
        %dma_wait3A_182 = arith.constant 0 : i32
        %dma_wait3A_183 = tpu.memref_slice %arg6[%dma_wait3A_175, %dma_wait3A_176, %dma_wait3A_182] : memref<80x1x128xi32, #tpu.memory_space<vmem>> -> memref<1x1x128xi32, #tpu.memory_space<vmem>>
        %dma_wait3A_184 = tpu.memref_squeeze %dma_wait3A_183 : memref<1x1x128xi32, #tpu.memory_space<vmem>> -> memref<128xi32, #tpu.memory_space<vmem>>
        %dma_wait3A_185 = arith.constant 0 : i32
        %dma_wait3A_186 = arith.constant 0 : i32
        %dma_wait3A_187 = tpu.memref_slice %arg2[%dma_wait3A_185, %dma_wait3A_186] : memref<10240x128xf32, #tpu.memory_space<hbm>> -> memref<10240x128xf32, #tpu.memory_space<hbm>>
        tpu.wait_indirect_dma semaphore(%arg11 : memref<!tpu.dma_semaphore, #tpu.memory_space<semaphore_mem>>) src(%dma_wait3A_187 : memref<10240x128xf32, #tpu.memory_space<hbm>>) dst(%dma_wait3A_181 : memref<128x128xf32, #tpu.memory_space<vmem>>)
        %dma_wait3A_188 = arith.constant 1 : i32
        %dma_wait3A_189 = arith.constant 1 : i32
        %dma_wait3A_190 = arith.constant 0 : i32
        %dma_wait3A_191 = arith.constant 0 : i32
        %dma_wait3A_192 = tpu.memref_slice %arg7[%dma_wait3A_189, %dma_wait3A_190, %dma_wait3A_191] : memref<4x1x128xi32, #tpu.memory_space<vmem>> -> memref<1x1x128xi32, #tpu.memory_space<vmem>>
        %dma_wait3A_193 = tpu.memref_squeeze %dma_wait3A_192 : memref<1x1x128xi32, #tpu.memory_space<vmem>> -> memref<1x128xi32, #tpu.memory_space<vmem>>
        %dma_wait3A_194 = arith.constant 0 : i32
        %dma_wait3A_195 = arith.constant 0 : i32
        %dma_wait3A_196 = tpu.memref_slice %arg3[%dma_wait3A_188, %add3A_9, %dma_wait3A_194, %dma_wait3A_195] : memref<2x2560x1x128xi32, #tpu.memory_space<hbm>> -> memref<1x1x1x128xi32, #tpu.memory_space<hbm>>
        %dma_wait3A_197 = tpu.memref_squeeze %dma_wait3A_196 : memref<1x1x1x128xi32, #tpu.memory_space<hbm>> -> memref<1x128xi32, #tpu.memory_space<hbm>>
        %dma_wait3A_198 = arith.constant 0 : i32
        %dma_wait3A_199 = arith.constant 0 : i32
        %dma_wait3A_200 = tpu.memref_slice %arg7[%dma_wait3A_189, %dma_wait3A_198, %dma_wait3A_199] : memref<4x1x128xi32, #tpu.memory_space<vmem>> -> memref<1x1x128xi32, #tpu.memory_space<vmem>>
        %dma_wait3A_201 = tpu.memref_squeeze %dma_wait3A_200 : memref<1x1x128xi32, #tpu.memory_space<vmem>> -> memref<1x128xi32, #tpu.memory_space<vmem>>
        %dma_wait3A_202 = arith.constant 0 : i32
        %dma_wait3A_203 = arith.constant 0 : i32
        %dma_wait3A_204 = tpu.memref_slice %arg3[%dma_wait3A_188, %add3A_9, %dma_wait3A_202, %dma_wait3A_203] : memref<2x2560x1x128xi32, #tpu.memory_space<hbm>> -> memref<1x1x1x128xi32, #tpu.memory_space<hbm>>
        %dma_wait3A_205 = tpu.memref_squeeze %dma_wait3A_204 : memref<1x1x1x128xi32, #tpu.memory_space<hbm>> -> memref<1x128xi32, #tpu.memory_space<hbm>>
        tpu.wait_dma2 semaphore(%arg13 : memref<!tpu.dma_semaphore, #tpu.memory_space<semaphore_mem>>) src(%dma_wait3A_205 : memref<1x128xi32, #tpu.memory_space<hbm>>) dst(%dma_wait3A_201 : memref<1x128xi32, #tpu.memory_space<vmem>>)
        %run_scoped3A_206 = arith.constant 1 : i32
        %run_scoped3A_207 = arith.constant 1 : i32
        %run_scoped3A_208 = arith.constant 0 : i32
        "tpu.region"() ({
          %run_scoped3A_323 = tpu.sem_alloc : memref<!tpu.dma_semaphore, #tpu.memory_space<semaphore_mem>>
          %dma_start3A_324 = arith.constant 0 : i32
          %dma_start3A_325 = arith.constant 0 : i32
          %dma_start3A_326 = tpu.memref_slice %arg8[%run_scoped3A_206, %dma_start3A_324, %dma_start3A_325] : memref<2x128x128xf32, #tpu.memory_space<vmem>> -> memref<1x128x128xf32, #tpu.memory_space<vmem>>
          %dma_start3A_327 = tpu.memref_squeeze %dma_start3A_326 : memref<1x128x128xf32, #tpu.memory_space<vmem>> -> memref<128x128xf32, #tpu.memory_space<vmem>>
          %dma_start3A_328 = arith.constant 0 : i32
          %dma_start3A_329 = tpu.memref_slice %arg7[%run_scoped3A_207, %run_scoped3A_208, %dma_start3A_328] : memref<4x1x128xi32, #tpu.memory_space<vmem>> -> memref<1x1x128xi32, #tpu.memory_space<vmem>>
          %dma_start3A_330 = tpu.memref_squeeze %dma_start3A_329 : memref<1x1x128xi32, #tpu.memory_space<vmem>> -> memref<128xi32, #tpu.memory_space<vmem>>
          %dma_start3A_331 = arith.constant 0 : i32
          %dma_start3A_332 = arith.constant 0 : i32
          %dma_start3A_333 = tpu.memref_slice %arg9[%dma_start3A_331, %dma_start3A_332] : memref<10240x128xf32, #tpu.memory_space<vmem_shared>> -> memref<10240x128xf32, #tpu.memory_space<vmem_shared>>
          tpu.enqueue_indirect_dma source(%dma_start3A_327 : memref<128x128xf32, #tpu.memory_space<vmem>>) target(%dma_start3A_333 : memref<10240x128xf32, #tpu.memory_space<vmem_shared>>) offsets(%dma_start3A_330 : memref<128xi32, #tpu.memory_space<vmem>>) semaphore(%run_scoped3A_323 : memref<!tpu.dma_semaphore, #tpu.memory_space<semaphore_mem>>) {add = true}
          %dma_wait3A_334 = arith.constant 0 : i32
          %dma_wait3A_335 = arith.constant 0 : i32
          %dma_wait3A_336 = tpu.memref_slice %arg8[%run_scoped3A_206, %dma_wait3A_334, %dma_wait3A_335] : memref<2x128x128xf32, #tpu.memory_space<vmem>> -> memref<1x128x128xf32, #tpu.memory_space<vmem>>
          %dma_wait3A_337 = tpu.memref_squeeze %dma_wait3A_336 : memref<1x128x128xf32, #tpu.memory_space<vmem>> -> memref<128x128xf32, #tpu.memory_space<vmem>>
          %dma_wait3A_338 = arith.constant 0 : i32
          %dma_wait3A_339 = tpu.memref_slice %arg7[%run_scoped3A_207, %run_scoped3A_208, %dma_wait3A_338] : memref<4x1x128xi32, #tpu.memory_space<vmem>> -> memref<1x1x128xi32, #tpu.memory_space<vmem>>
          %dma_wait3A_340 = tpu.memref_squeeze %dma_wait3A_339 : memref<1x1x128xi32, #tpu.memory_space<vmem>> -> memref<128xi32, #tpu.memory_space<vmem>>
          %dma_wait3A_341 = arith.constant 0 : i32
          %dma_wait3A_342 = arith.constant 0 : i32
          %dma_wait3A_343 = tpu.memref_slice %arg9[%dma_wait3A_341, %dma_wait3A_342] : memref<10240x128xf32, #tpu.memory_space<vmem_shared>> -> memref<10240x128xf32, #tpu.memory_space<vmem_shared>>
          tpu.wait_indirect_dma semaphore(%run_scoped3A_323 : memref<!tpu.dma_semaphore, #tpu.memory_space<semaphore_mem>>) src(%dma_wait3A_337 : memref<128x128xf32, #tpu.memory_space<vmem>>) dst(%dma_wait3A_343 : memref<10240x128xf32, #tpu.memory_space<vmem_shared>>)
          tpu.yield
        }) : () -> ()
        %add3A_209 = arith.constant 2 : i32
        %add3A_210 = arith.addi %add3A_174, %add3A_209 : i32
        %lt3A_211 = arith.constant 80 : i32
        %lt3A_212 = arith.cmpi slt, %add3A_210, %lt3A_211 : i32
        %convert_element_type3A_213 = arith.extui %lt3A_212 : i1 to i32
        %cond3A_214 = arith.constant 0 : i32
        %cond3A_215 = arith.cmpi ne, %convert_element_type3A_213, %cond3A_214 : i32
        scf.if %cond3A_215 {
          %add3A_323 = arith.constant 2 : i32
          %add3A_324 = arith.addi %add3A_174, %add3A_323 : i32
          %dma_start3A_325 = arith.constant 0 : i32
          %dma_start3A_326 = arith.constant 1 : i32
          %dma_start3A_327 = arith.constant 0 : i32
          %dma_start3A_328 = arith.constant 0 : i32
          %dma_start3A_329 = tpu.memref_slice %arg8[%dma_start3A_326, %dma_start3A_327, %dma_start3A_328] : memref<2x128x128xf32, #tpu.memory_space<vmem>> -> memref<1x128x128xf32, #tpu.memory_space<vmem>>
          %dma_start3A_330 = tpu.memref_squeeze %dma_start3A_329 : memref<1x128x128xf32, #tpu.memory_space<vmem>> -> memref<128x128xf32, #tpu.memory_space<vmem>>
          %dma_start3A_331 = arith.constant 0 : i32
          %dma_start3A_332 = tpu.memref_slice %arg6[%add3A_324, %dma_start3A_325, %dma_start3A_331] : memref<80x1x128xi32, #tpu.memory_space<vmem>> -> memref<1x1x128xi32, #tpu.memory_space<vmem>>
          %dma_start3A_333 = tpu.memref_squeeze %dma_start3A_332 : memref<1x1x128xi32, #tpu.memory_space<vmem>> -> memref<128xi32, #tpu.memory_space<vmem>>
          %dma_start3A_334 = arith.constant 0 : i32
          %dma_start3A_335 = arith.constant 0 : i32
          %dma_start3A_336 = tpu.memref_slice %arg2[%dma_start3A_334, %dma_start3A_335] : memref<10240x128xf32, #tpu.memory_space<hbm>> -> memref<10240x128xf32, #tpu.memory_space<hbm>>
          tpu.enqueue_indirect_dma source(%dma_start3A_336 : memref<10240x128xf32, #tpu.memory_space<hbm>>) target(%dma_start3A_330 : memref<128x128xf32, #tpu.memory_space<vmem>>) offsets(%dma_start3A_333 : memref<128xi32, #tpu.memory_space<vmem>>) semaphore(%arg11 : memref<!tpu.dma_semaphore, #tpu.memory_space<semaphore_mem>>)
        } else {
        }
        %add3A_216 = arith.constant 4 : i32
        %add3A_217 = arith.addi %add3A_174, %add3A_216 : i32
        %lt3A_218 = arith.constant 80 : i32
        %lt3A_219 = arith.cmpi slt, %add3A_217, %lt3A_218 : i32
        %convert_element_type3A_220 = arith.extui %lt3A_219 : i1 to i32
        %cond3A_221 = arith.constant 0 : i32
        %cond3A_222 = arith.cmpi ne, %convert_element_type3A_220, %cond3A_221 : i32
        scf.if %cond3A_222 {
          %add3A_323 = arith.addi %add3A_9, %add3A_174 : i32
          %add3A_324 = arith.constant 4 : i32
          %add3A_325 = arith.addi %add3A_323, %add3A_324 : i32
          %dma_start3A_326 = arith.constant 1 : i32
          %dma_start3A_327 = arith.constant 1 : i32
          %dma_start3A_328 = arith.constant 0 : i32
          %dma_start3A_329 = arith.constant 0 : i32
          %dma_start3A_330 = tpu.memref_slice %arg7[%dma_start3A_327, %dma_start3A_328, %dma_start3A_329] : memref<4x1x128xi32, #tpu.memory_space<vmem>> -> memref<1x1x128xi32, #tpu.memory_space<vmem>>
          %dma_start3A_331 = tpu.memref_squeeze %dma_start3A_330 : memref<1x1x128xi32, #tpu.memory_space<vmem>> -> memref<1x128xi32, #tpu.memory_space<vmem>>
          %dma_start3A_332 = arith.constant 0 : i32
          %dma_start3A_333 = arith.constant 0 : i32
          %dma_start3A_334 = tpu.memref_slice %arg3[%dma_start3A_326, %add3A_325, %dma_start3A_332, %dma_start3A_333] : memref<2x2560x1x128xi32, #tpu.memory_space<hbm>> -> memref<1x1x1x128xi32, #tpu.memory_space<hbm>>
          %dma_start3A_335 = tpu.memref_squeeze %dma_start3A_334 : memref<1x1x1x128xi32, #tpu.memory_space<hbm>> -> memref<1x128xi32, #tpu.memory_space<hbm>>
          %dma_start3A_336 = arith.constant 0 : i32
          %dma_start3A_337 = arith.constant 0 : i32
          %dma_start3A_338 = tpu.memref_slice %arg7[%dma_start3A_327, %dma_start3A_336, %dma_start3A_337] : memref<4x1x128xi32, #tpu.memory_space<vmem>> -> memref<1x1x128xi32, #tpu.memory_space<vmem>>
          %dma_start3A_339 = tpu.memref_squeeze %dma_start3A_338 : memref<1x1x128xi32, #tpu.memory_space<vmem>> -> memref<1x128xi32, #tpu.memory_space<vmem>>
          %dma_start3A_340 = arith.constant 0 : i32
          %dma_start3A_341 = arith.constant 0 : i32
          %dma_start3A_342 = tpu.memref_slice %arg3[%dma_start3A_326, %add3A_325, %dma_start3A_340, %dma_start3A_341] : memref<2x2560x1x128xi32, #tpu.memory_space<hbm>> -> memref<1x1x1x128xi32, #tpu.memory_space<hbm>>
          %dma_start3A_343 = tpu.memref_squeeze %dma_start3A_342 : memref<1x1x1x128xi32, #tpu.memory_space<hbm>> -> memref<1x128xi32, #tpu.memory_space<hbm>>
          tpu.enqueue_dma source(%dma_start3A_343 : memref<1x128xi32, #tpu.memory_space<hbm>>) target(%dma_start3A_339 : memref<1x128xi32, #tpu.memory_space<vmem>>) target_semaphore(%arg13 : memref<!tpu.dma_semaphore, #tpu.memory_space<semaphore_mem>>)
        } else {
        }
        %add3A_223 = arith.constant 2 : i32
        %add3A_224 = arith.addi %add3A_124, %add3A_223 : i32
        %dma_wait3A_225 = arith.constant 0 : i32
        %dma_wait3A_226 = arith.constant 0 : i32
        %dma_wait3A_227 = arith.constant 0 : i32
        %dma_wait3A_228 = arith.constant 0 : i32
        %dma_wait3A_229 = arith.constant 0 : i32
        %dma_wait3A_230 = tpu.memref_slice %arg8[%dma_wait3A_227, %dma_wait3A_228, %dma_wait3A_229] : memref<2x128x128xf32, #tpu.memory_space<vmem>> -> memref<1x128x128xf32, #tpu.memory_space<vmem>>
        %dma_wait3A_231 = tpu.memref_squeeze %dma_wait3A_230 : memref<1x128x128xf32, #tpu.memory_space<vmem>> -> memref<128x128xf32, #tpu.memory_space<vmem>>
        %dma_wait3A_232 = arith.constant 0 : i32
        %dma_wait3A_233 = tpu.memref_slice %arg6[%dma_wait3A_225, %dma_wait3A_226, %dma_wait3A_232] : memref<80x1x128xi32, #tpu.memory_space<vmem>> -> memref<1x1x128xi32, #tpu.memory_space<vmem>>
        %dma_wait3A_234 = tpu.memref_squeeze %dma_wait3A_233 : memref<1x1x128xi32, #tpu.memory_space<vmem>> -> memref<128xi32, #tpu.memory_space<vmem>>
        %dma_wait3A_235 = arith.constant 0 : i32
        %dma_wait3A_236 = arith.constant 0 : i32
        %dma_wait3A_237 = tpu.memref_slice %arg2[%dma_wait3A_235, %dma_wait3A_236] : memref<10240x128xf32, #tpu.memory_space<hbm>> -> memref<10240x128xf32, #tpu.memory_space<hbm>>
        tpu.wait_indirect_dma semaphore(%arg10 : memref<!tpu.dma_semaphore, #tpu.memory_space<semaphore_mem>>) src(%dma_wait3A_237 : memref<10240x128xf32, #tpu.memory_space<hbm>>) dst(%dma_wait3A_231 : memref<128x128xf32, #tpu.memory_space<vmem>>)
        %dma_wait3A_238 = arith.constant 1 : i32
        %dma_wait3A_239 = arith.constant 2 : i32
        %dma_wait3A_240 = arith.constant 0 : i32
        %dma_wait3A_241 = arith.constant 0 : i32
        %dma_wait3A_242 = tpu.memref_slice %arg7[%dma_wait3A_239, %dma_wait3A_240, %dma_wait3A_241] : memref<4x1x128xi32, #tpu.memory_space<vmem>> -> memref<1x1x128xi32, #tpu.memory_space<vmem>>
        %dma_wait3A_243 = tpu.memref_squeeze %dma_wait3A_242 : memref<1x1x128xi32, #tpu.memory_space<vmem>> -> memref<1x128xi32, #tpu.memory_space<vmem>>
        %dma_wait3A_244 = arith.constant 0 : i32
        %dma_wait3A_245 = arith.constant 0 : i32
        %dma_wait3A_246 = tpu.memref_slice %arg3[%dma_wait3A_238, %add3A_9, %dma_wait3A_244, %dma_wait3A_245] : memref<2x2560x1x128xi32, #tpu.memory_space<hbm>> -> memref<1x1x1x128xi32, #tpu.memory_space<hbm>>
        %dma_wait3A_247 = tpu.memref_squeeze %dma_wait3A_246 : memref<1x1x1x128xi32, #tpu.memory_space<hbm>> -> memref<1x128xi32, #tpu.memory_space<hbm>>
        %dma_wait3A_248 = arith.constant 0 : i32
        %dma_wait3A_249 = arith.constant 0 : i32
        %dma_wait3A_250 = tpu.memref_slice %arg7[%dma_wait3A_239, %dma_wait3A_248, %dma_wait3A_249] : memref<4x1x128xi32, #tpu.memory_space<vmem>> -> memref<1x1x128xi32, #tpu.memory_space<vmem>>
        %dma_wait3A_251 = tpu.memref_squeeze %dma_wait3A_250 : memref<1x1x128xi32, #tpu.memory_space<vmem>> -> memref<1x128xi32, #tpu.memory_space<vmem>>
        %dma_wait3A_252 = arith.constant 0 : i32
        %dma_wait3A_253 = arith.constant 0 : i32
        %dma_wait3A_254 = tpu.memref_slice %arg3[%dma_wait3A_238, %add3A_9, %dma_wait3A_252, %dma_wait3A_253] : memref<2x2560x1x128xi32, #tpu.memory_space<hbm>> -> memref<1x1x1x128xi32, #tpu.memory_space<hbm>>
        %dma_wait3A_255 = tpu.memref_squeeze %dma_wait3A_254 : memref<1x1x1x128xi32, #tpu.memory_space<hbm>> -> memref<1x128xi32, #tpu.memory_space<hbm>>
        tpu.wait_dma2 semaphore(%arg14 : memref<!tpu.dma_semaphore, #tpu.memory_space<semaphore_mem>>) src(%dma_wait3A_255 : memref<1x128xi32, #tpu.memory_space<hbm>>) dst(%dma_wait3A_251 : memref<1x128xi32, #tpu.memory_space<vmem>>)
        %run_scoped3A_256 = arith.constant 0 : i32
        %run_scoped3A_257 = arith.constant 2 : i32
        %run_scoped3A_258 = arith.constant 0 : i32
        "tpu.region"() ({
          %run_scoped3A_323 = tpu.sem_alloc : memref<!tpu.dma_semaphore, #tpu.memory_space<semaphore_mem>>
          %dma_start3A_324 = arith.constant 0 : i32
          %dma_start3A_325 = arith.constant 0 : i32
          %dma_start3A_326 = tpu.memref_slice %arg8[%run_scoped3A_256, %dma_start3A_324, %dma_start3A_325] : memref<2x128x128xf32, #tpu.memory_space<vmem>> -> memref<1x128x128xf32, #tpu.memory_space<vmem>>
          %dma_start3A_327 = tpu.memref_squeeze %dma_start3A_326 : memref<1x128x128xf32, #tpu.memory_space<vmem>> -> memref<128x128xf32, #tpu.memory_space<vmem>>
          %dma_start3A_328 = arith.constant 0 : i32
          %dma_start3A_329 = tpu.memref_slice %arg7[%run_scoped3A_257, %run_scoped3A_258, %dma_start3A_328] : memref<4x1x128xi32, #tpu.memory_space<vmem>> -> memref<1x1x128xi32, #tpu.memory_space<vmem>>
          %dma_start3A_330 = tpu.memref_squeeze %dma_start3A_329 : memref<1x1x128xi32, #tpu.memory_space<vmem>> -> memref<128xi32, #tpu.memory_space<vmem>>
          %dma_start3A_331 = arith.constant 0 : i32
          %dma_start3A_332 = arith.constant 0 : i32
          %dma_start3A_333 = tpu.memref_slice %arg9[%dma_start3A_331, %dma_start3A_332] : memref<10240x128xf32, #tpu.memory_space<vmem_shared>> -> memref<10240x128xf32, #tpu.memory_space<vmem_shared>>
          tpu.enqueue_indirect_dma source(%dma_start3A_327 : memref<128x128xf32, #tpu.memory_space<vmem>>) target(%dma_start3A_333 : memref<10240x128xf32, #tpu.memory_space<vmem_shared>>) offsets(%dma_start3A_330 : memref<128xi32, #tpu.memory_space<vmem>>) semaphore(%run_scoped3A_323 : memref<!tpu.dma_semaphore, #tpu.memory_space<semaphore_mem>>) {add = true}
          %dma_wait3A_334 = arith.constant 0 : i32
          %dma_wait3A_335 = arith.constant 0 : i32
          %dma_wait3A_336 = tpu.memref_slice %arg8[%run_scoped3A_256, %dma_wait3A_334, %dma_wait3A_335] : memref<2x128x128xf32, #tpu.memory_space<vmem>> -> memref<1x128x128xf32, #tpu.memory_space<vmem>>
          %dma_wait3A_337 = tpu.memref_squeeze %dma_wait3A_336 : memref<1x128x128xf32, #tpu.memory_space<vmem>> -> memref<128x128xf32, #tpu.memory_space<vmem>>
          %dma_wait3A_338 = arith.constant 0 : i32
          %dma_wait3A_339 = tpu.memref_slice %arg7[%run_scoped3A_257, %run_scoped3A_258, %dma_wait3A_338] : memref<4x1x128xi32, #tpu.memory_space<vmem>> -> memref<1x1x128xi32, #tpu.memory_space<vmem>>
          %dma_wait3A_340 = tpu.memref_squeeze %dma_wait3A_339 : memref<1x1x128xi32, #tpu.memory_space<vmem>> -> memref<128xi32, #tpu.memory_space<vmem>>
          %dma_wait3A_341 = arith.constant 0 : i32
          %dma_wait3A_342 = arith.constant 0 : i32
          %dma_wait3A_343 = tpu.memref_slice %arg9[%dma_wait3A_341, %dma_wait3A_342] : memref<10240x128xf32, #tpu.memory_space<vmem_shared>> -> memref<10240x128xf32, #tpu.memory_space<vmem_shared>>
          tpu.wait_indirect_dma semaphore(%run_scoped3A_323 : memref<!tpu.dma_semaphore, #tpu.memory_space<semaphore_mem>>) src(%dma_wait3A_337 : memref<128x128xf32, #tpu.memory_space<vmem>>) dst(%dma_wait3A_343 : memref<10240x128xf32, #tpu.memory_space<vmem_shared>>)
          tpu.yield
        }) : () -> ()
        %add3A_259 = arith.constant 2 : i32
        %add3A_260 = arith.addi %add3A_224, %add3A_259 : i32
        %lt3A_261 = arith.constant 80 : i32
        %lt3A_262 = arith.cmpi slt, %add3A_260, %lt3A_261 : i32
        %convert_element_type3A_263 = arith.extui %lt3A_262 : i1 to i32
        %cond3A_264 = arith.constant 0 : i32
        %cond3A_265 = arith.cmpi ne, %convert_element_type3A_263, %cond3A_264 : i32
        scf.if %cond3A_265 {
          %add3A_323 = arith.constant 2 : i32
          %add3A_324 = arith.addi %add3A_224, %add3A_323 : i32
          %dma_start3A_325 = arith.constant 0 : i32
          %dma_start3A_326 = arith.constant 0 : i32
          %dma_start3A_327 = arith.constant 0 : i32
          %dma_start3A_328 = arith.constant 0 : i32
          %dma_start3A_329 = tpu.memref_slice %arg8[%dma_start3A_326, %dma_start3A_327, %dma_start3A_328] : memref<2x128x128xf32, #tpu.memory_space<vmem>> -> memref<1x128x128xf32, #tpu.memory_space<vmem>>
          %dma_start3A_330 = tpu.memref_squeeze %dma_start3A_329 : memref<1x128x128xf32, #tpu.memory_space<vmem>> -> memref<128x128xf32, #tpu.memory_space<vmem>>
          %dma_start3A_331 = arith.constant 0 : i32
          %dma_start3A_332 = tpu.memref_slice %arg6[%add3A_324, %dma_start3A_325, %dma_start3A_331] : memref<80x1x128xi32, #tpu.memory_space<vmem>> -> memref<1x1x128xi32, #tpu.memory_space<vmem>>
          %dma_start3A_333 = tpu.memref_squeeze %dma_start3A_332 : memref<1x1x128xi32, #tpu.memory_space<vmem>> -> memref<128xi32, #tpu.memory_space<vmem>>
          %dma_start3A_334 = arith.constant 0 : i32
          %dma_start3A_335 = arith.constant 0 : i32
          %dma_start3A_336 = tpu.memref_slice %arg2[%dma_start3A_334, %dma_start3A_335] : memref<10240x128xf32, #tpu.memory_space<hbm>> -> memref<10240x128xf32, #tpu.memory_space<hbm>>
          tpu.enqueue_indirect_dma source(%dma_start3A_336 : memref<10240x128xf32, #tpu.memory_space<hbm>>) target(%dma_start3A_330 : memref<128x128xf32, #tpu.memory_space<vmem>>) offsets(%dma_start3A_333 : memref<128xi32, #tpu.memory_space<vmem>>) semaphore(%arg10 : memref<!tpu.dma_semaphore, #tpu.memory_space<semaphore_mem>>)
        } else {
        }
        %add3A_266 = arith.constant 4 : i32
        %add3A_267 = arith.addi %add3A_224, %add3A_266 : i32
        %lt3A_268 = arith.constant 80 : i32
        %lt3A_269 = arith.cmpi slt, %add3A_267, %lt3A_268 : i32
        %convert_element_type3A_270 = arith.extui %lt3A_269 : i1 to i32
        %cond3A_271 = arith.constant 0 : i32
        %cond3A_272 = arith.cmpi ne, %convert_element_type3A_270, %cond3A_271 : i32
        scf.if %cond3A_272 {
          %add3A_323 = arith.addi %add3A_9, %add3A_224 : i32
          %add3A_324 = arith.constant 4 : i32
          %add3A_325 = arith.addi %add3A_323, %add3A_324 : i32
          %dma_start3A_326 = arith.constant 1 : i32
          %dma_start3A_327 = arith.constant 2 : i32
          %dma_start3A_328 = arith.constant 0 : i32
          %dma_start3A_329 = arith.constant 0 : i32
          %dma_start3A_330 = tpu.memref_slice %arg7[%dma_start3A_327, %dma_start3A_328, %dma_start3A_329] : memref<4x1x128xi32, #tpu.memory_space<vmem>> -> memref<1x1x128xi32, #tpu.memory_space<vmem>>
          %dma_start3A_331 = tpu.memref_squeeze %dma_start3A_330 : memref<1x1x128xi32, #tpu.memory_space<vmem>> -> memref<1x128xi32, #tpu.memory_space<vmem>>
          %dma_start3A_332 = arith.constant 0 : i32
          %dma_start3A_333 = arith.constant 0 : i32
          %dma_start3A_334 = tpu.memref_slice %arg3[%dma_start3A_326, %add3A_325, %dma_start3A_332, %dma_start3A_333] : memref<2x2560x1x128xi32, #tpu.memory_space<hbm>> -> memref<1x1x1x128xi32, #tpu.memory_space<hbm>>
          %dma_start3A_335 = tpu.memref_squeeze %dma_start3A_334 : memref<1x1x1x128xi32, #tpu.memory_space<hbm>> -> memref<1x128xi32, #tpu.memory_space<hbm>>
          %dma_start3A_336 = arith.constant 0 : i32
          %dma_start3A_337 = arith.constant 0 : i32
          %dma_start3A_338 = tpu.memref_slice %arg7[%dma_start3A_327, %dma_start3A_336, %dma_start3A_337] : memref<4x1x128xi32, #tpu.memory_space<vmem>> -> memref<1x1x128xi32, #tpu.memory_space<vmem>>
          %dma_start3A_339 = tpu.memref_squeeze %dma_start3A_338 : memref<1x1x128xi32, #tpu.memory_space<vmem>> -> memref<1x128xi32, #tpu.memory_space<vmem>>
          %dma_start3A_340 = arith.constant 0 : i32
          %dma_start3A_341 = arith.constant 0 : i32
          %dma_start3A_342 = tpu.memref_slice %arg3[%dma_start3A_326, %add3A_325, %dma_start3A_340, %dma_start3A_341] : memref<2x2560x1x128xi32, #tpu.memory_space<hbm>> -> memref<1x1x1x128xi32, #tpu.memory_space<hbm>>
          %dma_start3A_343 = tpu.memref_squeeze %dma_start3A_342 : memref<1x1x1x128xi32, #tpu.memory_space<hbm>> -> memref<1x128xi32, #tpu.memory_space<hbm>>
          tpu.enqueue_dma source(%dma_start3A_343 : memref<1x128xi32, #tpu.memory_space<hbm>>) target(%dma_start3A_339 : memref<1x128xi32, #tpu.memory_space<vmem>>) target_semaphore(%arg14 : memref<!tpu.dma_semaphore, #tpu.memory_space<semaphore_mem>>)
        } else {
        }
        %add3A_273 = arith.constant 3 : i32
        %add3A_274 = arith.addi %add3A_124, %add3A_273 : i32
        %dma_wait3A_275 = arith.constant 0 : i32
        %dma_wait3A_276 = arith.constant 0 : i32
        %dma_wait3A_277 = arith.constant 1 : i32
        %dma_wait3A_278 = arith.constant 0 : i32
        %dma_wait3A_279 = arith.constant 0 : i32
        %dma_wait3A_280 = tpu.memref_slice %arg8[%dma_wait3A_277, %dma_wait3A_278, %dma_wait3A_279] : memref<2x128x128xf32, #tpu.memory_space<vmem>> -> memref<1x128x128xf32, #tpu.memory_space<vmem>>
        %dma_wait3A_281 = tpu.memref_squeeze %dma_wait3A_280 : memref<1x128x128xf32, #tpu.memory_space<vmem>> -> memref<128x128xf32, #tpu.memory_space<vmem>>
        %dma_wait3A_282 = arith.constant 0 : i32
        %dma_wait3A_283 = tpu.memref_slice %arg6[%dma_wait3A_275, %dma_wait3A_276, %dma_wait3A_282] : memref<80x1x128xi32, #tpu.memory_space<vmem>> -> memref<1x1x128xi32, #tpu.memory_space<vmem>>
        %dma_wait3A_284 = tpu.memref_squeeze %dma_wait3A_283 : memref<1x1x128xi32, #tpu.memory_space<vmem>> -> memref<128xi32, #tpu.memory_space<vmem>>
        %dma_wait3A_285 = arith.constant 0 : i32
        %dma_wait3A_286 = arith.constant 0 : i32
        %dma_wait3A_287 = tpu.memref_slice %arg2[%dma_wait3A_285, %dma_wait3A_286] : memref<10240x128xf32, #tpu.memory_space<hbm>> -> memref<10240x128xf32, #tpu.memory_space<hbm>>
        tpu.wait_indirect_dma semaphore(%arg11 : memref<!tpu.dma_semaphore, #tpu.memory_space<semaphore_mem>>) src(%dma_wait3A_287 : memref<10240x128xf32, #tpu.memory_space<hbm>>) dst(%dma_wait3A_281 : memref<128x128xf32, #tpu.memory_space<vmem>>)
        %dma_wait3A_288 = arith.constant 1 : i32
        %dma_wait3A_289 = arith.constant 3 : i32
        %dma_wait3A_290 = arith.constant 0 : i32
        %dma_wait3A_291 = arith.constant 0 : i32
        %dma_wait3A_292 = tpu.memref_slice %arg7[%dma_wait3A_289, %dma_wait3A_290, %dma_wait3A_291] : memref<4x1x128xi32, #tpu.memory_space<vmem>> -> memref<1x1x128xi32, #tpu.memory_space<vmem>>
        %dma_wait3A_293 = tpu.memref_squeeze %dma_wait3A_292 : memref<1x1x128xi32, #tpu.memory_space<vmem>> -> memref<1x128xi32, #tpu.memory_space<vmem>>
        %dma_wait3A_294 = arith.constant 0 : i32
        %dma_wait3A_295 = arith.constant 0 : i32
        %dma_wait3A_296 = tpu.memref_slice %arg3[%dma_wait3A_288, %add3A_9, %dma_wait3A_294, %dma_wait3A_295] : memref<2x2560x1x128xi32, #tpu.memory_space<hbm>> -> memref<1x1x1x128xi32, #tpu.memory_space<hbm>>
        %dma_wait3A_297 = tpu.memref_squeeze %dma_wait3A_296 : memref<1x1x1x128xi32, #tpu.memory_space<hbm>> -> memref<1x128xi32, #tpu.memory_space<hbm>>
        %dma_wait3A_298 = arith.constant 0 : i32
        %dma_wait3A_299 = arith.constant 0 : i32
        %dma_wait3A_300 = tpu.memref_slice %arg7[%dma_wait3A_289, %dma_wait3A_298, %dma_wait3A_299] : memref<4x1x128xi32, #tpu.memory_space<vmem>> -> memref<1x1x128xi32, #tpu.memory_space<vmem>>
        %dma_wait3A_301 = tpu.memref_squeeze %dma_wait3A_300 : memref<1x1x128xi32, #tpu.memory_space<vmem>> -> memref<1x128xi32, #tpu.memory_space<vmem>>
        %dma_wait3A_302 = arith.constant 0 : i32
        %dma_wait3A_303 = arith.constant 0 : i32
        %dma_wait3A_304 = tpu.memref_slice %arg3[%dma_wait3A_288, %add3A_9, %dma_wait3A_302, %dma_wait3A_303] : memref<2x2560x1x128xi32, #tpu.memory_space<hbm>> -> memref<1x1x1x128xi32, #tpu.memory_space<hbm>>
        %dma_wait3A_305 = tpu.memref_squeeze %dma_wait3A_304 : memref<1x1x1x128xi32, #tpu.memory_space<hbm>> -> memref<1x128xi32, #tpu.memory_space<hbm>>
        tpu.wait_dma2 semaphore(%arg15 : memref<!tpu.dma_semaphore, #tpu.memory_space<semaphore_mem>>) src(%dma_wait3A_305 : memref<1x128xi32, #tpu.memory_space<hbm>>) dst(%dma_wait3A_301 : memref<1x128xi32, #tpu.memory_space<vmem>>)
        %run_scoped3A_306 = arith.constant 1 : i32
        %run_scoped3A_307 = arith.constant 3 : i32
        %run_scoped3A_308 = arith.constant 0 : i32
        "tpu.region"() ({
          %run_scoped3A_323 = tpu.sem_alloc : memref<!tpu.dma_semaphore, #tpu.memory_space<semaphore_mem>>
          %dma_start3A_324 = arith.constant 0 : i32
          %dma_start3A_325 = arith.constant 0 : i32
          %dma_start3A_326 = tpu.memref_slice %arg8[%run_scoped3A_306, %dma_start3A_324, %dma_start3A_325] : memref<2x128x128xf32, #tpu.memory_space<vmem>> -> memref<1x128x128xf32, #tpu.memory_space<vmem>>
          %dma_start3A_327 = tpu.memref_squeeze %dma_start3A_326 : memref<1x128x128xf32, #tpu.memory_space<vmem>> -> memref<128x128xf32, #tpu.memory_space<vmem>>
          %dma_start3A_328 = arith.constant 0 : i32
          %dma_start3A_329 = tpu.memref_slice %arg7[%run_scoped3A_307, %run_scoped3A_308, %dma_start3A_328] : memref<4x1x128xi32, #tpu.memory_space<vmem>> -> memref<1x1x128xi32, #tpu.memory_space<vmem>>
          %dma_start3A_330 = tpu.memref_squeeze %dma_start3A_329 : memref<1x1x128xi32, #tpu.memory_space<vmem>> -> memref<128xi32, #tpu.memory_space<vmem>>
          %dma_start3A_331 = arith.constant 0 : i32
          %dma_start3A_332 = arith.constant 0 : i32
          %dma_start3A_333 = tpu.memref_slice %arg9[%dma_start3A_331, %dma_start3A_332] : memref<10240x128xf32, #tpu.memory_space<vmem_shared>> -> memref<10240x128xf32, #tpu.memory_space<vmem_shared>>
          tpu.enqueue_indirect_dma source(%dma_start3A_327 : memref<128x128xf32, #tpu.memory_space<vmem>>) target(%dma_start3A_333 : memref<10240x128xf32, #tpu.memory_space<vmem_shared>>) offsets(%dma_start3A_330 : memref<128xi32, #tpu.memory_space<vmem>>) semaphore(%run_scoped3A_323 : memref<!tpu.dma_semaphore, #tpu.memory_space<semaphore_mem>>) {add = true}
          %dma_wait3A_334 = arith.constant 0 : i32
          %dma_wait3A_335 = arith.constant 0 : i32
          %dma_wait3A_336 = tpu.memref_slice %arg8[%run_scoped3A_306, %dma_wait3A_334, %dma_wait3A_335] : memref<2x128x128xf32, #tpu.memory_space<vmem>> -> memref<1x128x128xf32, #tpu.memory_space<vmem>>
          %dma_wait3A_337 = tpu.memref_squeeze %dma_wait3A_336 : memref<1x128x128xf32, #tpu.memory_space<vmem>> -> memref<128x128xf32, #tpu.memory_space<vmem>>
          %dma_wait3A_338 = arith.constant 0 : i32
          %dma_wait3A_339 = tpu.memref_slice %arg7[%run_scoped3A_307, %run_scoped3A_308, %dma_wait3A_338] : memref<4x1x128xi32, #tpu.memory_space<vmem>> -> memref<1x1x128xi32, #tpu.memory_space<vmem>>
          %dma_wait3A_340 = tpu.memref_squeeze %dma_wait3A_339 : memref<1x1x128xi32, #tpu.memory_space<vmem>> -> memref<128xi32, #tpu.memory_space<vmem>>
          %dma_wait3A_341 = arith.constant 0 : i32
          %dma_wait3A_342 = arith.constant 0 : i32
          %dma_wait3A_343 = tpu.memref_slice %arg9[%dma_wait3A_341, %dma_wait3A_342] : memref<10240x128xf32, #tpu.memory_space<vmem_shared>> -> memref<10240x128xf32, #tpu.memory_space<vmem_shared>>
          tpu.wait_indirect_dma semaphore(%run_scoped3A_323 : memref<!tpu.dma_semaphore, #tpu.memory_space<semaphore_mem>>) src(%dma_wait3A_337 : memref<128x128xf32, #tpu.memory_space<vmem>>) dst(%dma_wait3A_343 : memref<10240x128xf32, #tpu.memory_space<vmem_shared>>)
          tpu.yield
        }) : () -> ()
        %add3A_309 = arith.constant 2 : i32
        %add3A_310 = arith.addi %add3A_274, %add3A_309 : i32
        %lt3A_311 = arith.constant 80 : i32
        %lt3A_312 = arith.cmpi slt, %add3A_310, %lt3A_311 : i32
        %convert_element_type3A_313 = arith.extui %lt3A_312 : i1 to i32
        %cond3A_314 = arith.constant 0 : i32
        %cond3A_315 = arith.cmpi ne, %convert_element_type3A_313, %cond3A_314 : i32
        scf.if %cond3A_315 {
          %add3A_323 = arith.constant 2 : i32
          %add3A_324 = arith.addi %add3A_274, %add3A_323 : i32
          %dma_start3A_325 = arith.constant 0 : i32
          %dma_start3A_326 = arith.constant 1 : i32
          %dma_start3A_327 = arith.constant 0 : i32
          %dma_start3A_328 = arith.constant 0 : i32
          %dma_start3A_329 = tpu.memref_slice %arg8[%dma_start3A_326, %dma_start3A_327, %dma_start3A_328] : memref<2x128x128xf32, #tpu.memory_space<vmem>> -> memref<1x128x128xf32, #tpu.memory_space<vmem>>
          %dma_start3A_330 = tpu.memref_squeeze %dma_start3A_329 : memref<1x128x128xf32, #tpu.memory_space<vmem>> -> memref<128x128xf32, #tpu.memory_space<vmem>>
          %dma_start3A_331 = arith.constant 0 : i32
          %dma_start3A_332 = tpu.memref_slice %arg6[%add3A_324, %dma_start3A_325, %dma_start3A_331] : memref<80x1x128xi32, #tpu.memory_space<vmem>> -> memref<1x1x128xi32, #tpu.memory_space<vmem>>
          %dma_start3A_333 = tpu.memref_squeeze %dma_start3A_332 : memref<1x1x128xi32, #tpu.memory_space<vmem>> -> memref<128xi32, #tpu.memory_space<vmem>>
          %dma_start3A_334 = arith.constant 0 : i32
          %dma_start3A_335 = arith.constant 0 : i32
          %dma_start3A_336 = tpu.memref_slice %arg2[%dma_start3A_334, %dma_start3A_335] : memref<10240x128xf32, #tpu.memory_space<hbm>> -> memref<10240x128xf32, #tpu.memory_space<hbm>>
          tpu.enqueue_indirect_dma source(%dma_start3A_336 : memref<10240x128xf32, #tpu.memory_space<hbm>>) target(%dma_start3A_330 : memref<128x128xf32, #tpu.memory_space<vmem>>) offsets(%dma_start3A_333 : memref<128xi32, #tpu.memory_space<vmem>>) semaphore(%arg11 : memref<!tpu.dma_semaphore, #tpu.memory_space<semaphore_mem>>)
        } else {
        }
        %add3A_316 = arith.constant 4 : i32
        %add3A_317 = arith.addi %add3A_274, %add3A_316 : i32
        %lt3A_318 = arith.constant 80 : i32
        %lt3A_319 = arith.cmpi slt, %add3A_317, %lt3A_318 : i32
        %convert_element_type3A_320 = arith.extui %lt3A_319 : i1 to i32
        %cond3A_321 = arith.constant 0 : i32
        %cond3A_322 = arith.cmpi ne, %convert_element_type3A_320, %cond3A_321 : i32
        scf.if %cond3A_322 {
          %add3A_323 = arith.addi %add3A_9, %add3A_274 : i32
          %add3A_324 = arith.constant 4 : i32
          %add3A_325 = arith.addi %add3A_323, %add3A_324 : i32
          %dma_start3A_326 = arith.constant 1 : i32
          %dma_start3A_327 = arith.constant 3 : i32
          %dma_start3A_328 = arith.constant 0 : i32
          %dma_start3A_329 = arith.constant 0 : i32
          %dma_start3A_330 = tpu.memref_slice %arg7[%dma_start3A_327, %dma_start3A_328, %dma_start3A_329] : memref<4x1x128xi32, #tpu.memory_space<vmem>> -> memref<1x1x128xi32, #tpu.memory_space<vmem>>
          %dma_start3A_331 = tpu.memref_squeeze %dma_start3A_330 : memref<1x1x128xi32, #tpu.memory_space<vmem>> -> memref<1x128xi32, #tpu.memory_space<vmem>>
          %dma_start3A_332 = arith.constant 0 : i32
          %dma_start3A_333 = arith.constant 0 : i32
          %dma_start3A_334 = tpu.memref_slice %arg3[%dma_start3A_326, %add3A_325, %dma_start3A_332, %dma_start3A_333] : memref<2x2560x1x128xi32, #tpu.memory_space<hbm>> -> memref<1x1x1x128xi32, #tpu.memory_space<hbm>>
          %dma_start3A_335 = tpu.memref_squeeze %dma_start3A_334 : memref<1x1x1x128xi32, #tpu.memory_space<hbm>> -> memref<1x128xi32, #tpu.memory_space<hbm>>
          %dma_start3A_336 = arith.constant 0 : i32
          %dma_start3A_337 = arith.constant 0 : i32
          %dma_start3A_338 = tpu.memref_slice %arg7[%dma_start3A_327, %dma_start3A_336, %dma_start3A_337] : memref<4x1x128xi32, #tpu.memory_space<vmem>> -> memref<1x1x128xi32, #tpu.memory_space<vmem>>
          %dma_start3A_339 = tpu.memref_squeeze %dma_start3A_338 : memref<1x1x128xi32, #tpu.memory_space<vmem>> -> memref<1x128xi32, #tpu.memory_space<vmem>>
          %dma_start3A_340 = arith.constant 0 : i32
          %dma_start3A_341 = arith.constant 0 : i32
          %dma_start3A_342 = tpu.memref_slice %arg3[%dma_start3A_326, %add3A_325, %dma_start3A_340, %dma_start3A_341] : memref<2x2560x1x128xi32, #tpu.memory_space<hbm>> -> memref<1x1x1x128xi32, #tpu.memory_space<hbm>>
          %dma_start3A_343 = tpu.memref_squeeze %dma_start3A_342 : memref<1x1x1x128xi32, #tpu.memory_space<hbm>> -> memref<1x128xi32, #tpu.memory_space<hbm>>
          tpu.enqueue_dma source(%dma_start3A_343 : memref<1x128xi32, #tpu.memory_space<hbm>>) target(%dma_start3A_339 : memref<1x128xi32, #tpu.memory_space<vmem>>) target_semaphore(%arg15 : memref<!tpu.dma_semaphore, #tpu.memory_space<semaphore_mem>>)
        } else {
        }
      }
      %scan3A_119 = arith.constant 20 : i32
    } else {
    }
    %barrier3A = arith.constant 0 : index
    tpu.barrier barrier_id(%barrier3A)
    "tpu.region"() ({
      %run_scoped3A = tpu.sem_alloc : memref<!tpu.dma_semaphore, #tpu.memory_space<semaphore_mem>>
      %dma_start3A = arith.constant 0 : i32
      %dma_start3A_7 = tpu.memref_slice %arg5[%arg0, %mul3A_0, %dma_start3A] : memref<2x10240x128xf32, #tpu.memory_space<hbm>> -> memref<1x640x128xf32, #tpu.memory_space<hbm>>
      %dma_start3A_8 = tpu.memref_squeeze %dma_start3A_7 : memref<1x640x128xf32, #tpu.memory_space<hbm>> -> memref<640x128xf32, #tpu.memory_space<hbm>>
      %dma_start3A_9 = arith.constant 0 : i32
      %dma_start3A_10 = tpu.memref_slice %arg9[%mul3A_0, %dma_start3A_9] : memref<10240x128xf32, #tpu.memory_space<vmem_shared>> -> memref<640x128xf32, #tpu.memory_space<vmem_shared>>
      tpu.enqueue_dma source(%dma_start3A_10 : memref<640x128xf32, #tpu.memory_space<vmem_shared>>) target(%dma_start3A_8 : memref<640x128xf32, #tpu.memory_space<hbm>>) target_semaphore(%run_scoped3A : memref<!tpu.dma_semaphore, #tpu.memory_space<semaphore_mem>>)
      %dma_wait3A = arith.constant 0 : i32
      %dma_wait3A_11 = tpu.memref_slice %arg5[%arg0, %mul3A_0, %dma_wait3A] : memref<2x10240x128xf32, #tpu.memory_space<hbm>> -> memref<1x640x128xf32, #tpu.memory_space<hbm>>
      %dma_wait3A_12 = tpu.memref_squeeze %dma_wait3A_11 : memref<1x640x128xf32, #tpu.memory_space<hbm>> -> memref<640x128xf32, #tpu.memory_space<hbm>>
      %dma_wait3A_13 = arith.constant 0 : i32
      %dma_wait3A_14 = tpu.memref_slice %arg9[%mul3A_0, %dma_wait3A_13] : memref<10240x128xf32, #tpu.memory_space<vmem_shared>> -> memref<640x128xf32, #tpu.memory_space<vmem_shared>>
      tpu.wait_dma2 semaphore(%run_scoped3A : memref<!tpu.dma_semaphore, #tpu.memory_space<semaphore_mem>>) src(%dma_wait3A_14 : memref<640x128xf32, #tpu.memory_space<vmem_shared>>) dst(%dma_wait3A_12 : memref<640x128xf32, #tpu.memory_space<hbm>>)
      tpu.yield
    }) : () -> ()
    return
  }
}

#map = affine_map<(d0, d1) -> (0, 0)>
#map1 = affine_map<(d0, d1) -> (0, 0, 0, 0)>
#map2 = affine_map<(d0, d1) -> (0, 0, 0)>
module attributes {stable_mosaic.version = 14 : i64} {
  func.func @_spmm_kernel(%arg0: i32, %arg1: i32, %arg2: memref<10240x128xf32, #tpu.memory_space<hbm>>, %arg3: memref<2x2560x1x128xi32, #tpu.memory_space<hbm>>, %arg4: memref<10240x128xf32, #tpu.memory_space<hbm>>, %arg5: memref<2x10240x128xf32, #tpu.memory_space<hbm>>, %arg6: memref<80x1x128xi32, #tpu.memory_space<vmem>>, %arg7: memref<4x1x128xi32, #tpu.memory_space<vmem>>, %arg8: memref<2x128x128xf32, #tpu.memory_space<vmem>>, %arg9: memref<10240x128xf32, #tpu.memory_space<vmem_shared>>, %arg10: memref<!tpu.dma_semaphore, #tpu.memory_space<semaphore_mem>>, %arg11: memref<!tpu.dma_semaphore, #tpu.memory_space<semaphore_mem>>, %arg12: memref<!tpu.dma_semaphore, #tpu.memory_space<semaphore_mem>>, %arg13: memref<!tpu.dma_semaphore, #tpu.memory_space<semaphore_mem>>, %arg14: memref<!tpu.dma_semaphore, #tpu.memory_space<semaphore_mem>>, %arg15: memref<!tpu.dma_semaphore, #tpu.memory_space<semaphore_mem>>) attributes {dimension_semantics = [#tpu.dimension_semantics<core_parallel>, #tpu.dimension_semantics<subcore_parallel>], iteration_bounds = array<i64: 2, 16>, scalar_prefetch = 0 : i64, scratch_operands = 10 : i64, tpu.core_type = #tpu.core_type<sc_vector_subcore>, window_params = [{transform_indices = #map}, {transform_indices = #map1}, {transform_indices = #map}, {transform_indices = #map2}]} {
    %mul3A = arith.constant 640 : i32
    %mul3A_0 = arith.muli %arg1, %mul3A : i32
    %eq3A = arith.constant 0 : i32
    %eq3A_1 = arith.cmpi eq, %arg0, %eq3A : i32
    %convert_element_type3A = arith.extui %eq3A_1 : i1 to i32
    %cond3A = arith.constant 0 : i32
    %cond3A_2 = arith.cmpi ne, %convert_element_type3A, %cond3A : i32
    scf.if %cond3A_2 {
      "tpu.region"() ({
        %run_scoped3A_118 = tpu.sem_alloc : memref<!tpu.dma_semaphore, #tpu.memory_space<semaphore_mem>>
        %dma_start3A_119 = arith.constant 0 : i32
        %dma_start3A_120 = tpu.memref_slice %arg9[%mul3A_0, %dma_start3A_119] : memref<10240x128xf32, #tpu.memory_space<vmem_shared>> -> memref<640x128xf32, #tpu.memory_space<vmem_shared>>
        %dma_start3A_121 = arith.constant 0 : i32
        %dma_start3A_122 = tpu.memref_slice %arg2[%mul3A_0, %dma_start3A_121] : memref<10240x128xf32, #tpu.memory_space<hbm>> -> memref<640x128xf32, #tpu.memory_space<hbm>>
        tpu.enqueue_dma source(%dma_start3A_122 : memref<640x128xf32, #tpu.memory_space<hbm>>) target(%dma_start3A_120 : memref<640x128xf32, #tpu.memory_space<vmem_shared>>) target_semaphore(%run_scoped3A_118 : memref<!tpu.dma_semaphore, #tpu.memory_space<semaphore_mem>>)
        %dma_wait3A = arith.constant 0 : i32
        %dma_wait3A_123 = tpu.memref_slice %arg9[%mul3A_0, %dma_wait3A] : memref<10240x128xf32, #tpu.memory_space<vmem_shared>> -> memref<640x128xf32, #tpu.memory_space<vmem_shared>>
        %dma_wait3A_124 = arith.constant 0 : i32
        %dma_wait3A_125 = tpu.memref_slice %arg2[%mul3A_0, %dma_wait3A_124] : memref<10240x128xf32, #tpu.memory_space<hbm>> -> memref<640x128xf32, #tpu.memory_space<hbm>>
        tpu.wait_dma2 semaphore(%run_scoped3A_118 : memref<!tpu.dma_semaphore, #tpu.memory_space<semaphore_mem>>) src(%dma_wait3A_125 : memref<640x128xf32, #tpu.memory_space<hbm>>) dst(%dma_wait3A_123 : memref<640x128xf32, #tpu.memory_space<vmem_shared>>)
        tpu.yield
      }) : () -> ()
      %mul3A_7 = arith.constant 80 : i32
      %mul3A_8 = arith.muli %arg1, %mul3A_7 : i32
      %run_scoped3A = arith.constant 0 : i32
      "tpu.region"() ({
        %run_scoped3A_118 = tpu.sem_alloc : memref<!tpu.dma_semaphore, #tpu.memory_space<semaphore_mem>>
        %dma_start3A_119 = arith.constant 0 : i32
        %dma_start3A_120 = arith.constant 0 : i32
        %dma_start3A_121 = arith.constant 0 : i32
        %dma_start3A_122 = tpu.memref_slice %arg6[%dma_start3A_119, %dma_start3A_120, %dma_start3A_121] : memref<80x1x128xi32, #tpu.memory_space<vmem>> -> memref<80x1x128xi32, #tpu.memory_space<vmem>>
        %dma_start3A_123 = arith.constant 0 : i32
        %dma_start3A_124 = arith.constant 0 : i32
        %dma_start3A_125 = tpu.memref_slice %arg3[%run_scoped3A, %mul3A_8, %dma_start3A_123, %dma_start3A_124] : memref<2x2560x1x128xi32, #tpu.memory_space<hbm>> -> memref<1x80x1x128xi32, #tpu.memory_space<hbm>>
        %dma_start3A_126 = tpu.memref_squeeze %dma_start3A_125 : memref<1x80x1x128xi32, #tpu.memory_space<hbm>> -> memref<80x1x128xi32, #tpu.memory_space<hbm>>
        %dma_start3A_127 = arith.constant 0 : i32
        %dma_start3A_128 = arith.constant 0 : i32
        %dma_start3A_129 = arith.constant 0 : i32
        %dma_start3A_130 = tpu.memref_slice %arg6[%dma_start3A_127, %dma_start3A_128, %dma_start3A_129] : memref<80x1x128xi32, #tpu.memory_space<vmem>> -> memref<80x1x128xi32, #tpu.memory_space<vmem>>
        %dma_start3A_131 = arith.constant 0 : i32
        %dma_start3A_132 = arith.constant 0 : i32
        %dma_start3A_133 = tpu.memref_slice %arg3[%run_scoped3A, %mul3A_8, %dma_start3A_131, %dma_start3A_132] : memref<2x2560x1x128xi32, #tpu.memory_space<hbm>> -> memref<1x80x1x128xi32, #tpu.memory_space<hbm>>
        %dma_start3A_134 = tpu.memref_squeeze %dma_start3A_133 : memref<1x80x1x128xi32, #tpu.memory_space<hbm>> -> memref<80x1x128xi32, #tpu.memory_space<hbm>>
        tpu.enqueue_dma source(%dma_start3A_134 : memref<80x1x128xi32, #tpu.memory_space<hbm>>) target(%dma_start3A_130 : memref<80x1x128xi32, #tpu.memory_space<vmem>>) target_semaphore(%run_scoped3A_118 : memref<!tpu.dma_semaphore, #tpu.memory_space<semaphore_mem>>)
        %dma_wait3A = arith.constant 0 : i32
        %dma_wait3A_135 = arith.constant 0 : i32
        %dma_wait3A_136 = arith.constant 0 : i32
        %dma_wait3A_137 = tpu.memref_slice %arg6[%dma_wait3A, %dma_wait3A_135, %dma_wait3A_136] : memref<80x1x128xi32, #tpu.memory_space<vmem>> -> memref<80x1x128xi32, #tpu.memory_space<vmem>>
        %dma_wait3A_138 = arith.constant 0 : i32
        %dma_wait3A_139 = arith.constant 0 : i32
        %dma_wait3A_140 = tpu.memref_slice %arg3[%run_scoped3A, %mul3A_8, %dma_wait3A_138, %dma_wait3A_139] : memref<2x2560x1x128xi32, #tpu.memory_space<hbm>> -> memref<1x80x1x128xi32, #tpu.memory_space<hbm>>
        %dma_wait3A_141 = tpu.memref_squeeze %dma_wait3A_140 : memref<1x80x1x128xi32, #tpu.memory_space<hbm>> -> memref<80x1x128xi32, #tpu.memory_space<hbm>>
        %dma_wait3A_142 = arith.constant 0 : i32
        %dma_wait3A_143 = arith.constant 0 : i32
        %dma_wait3A_144 = arith.constant 0 : i32
        %dma_wait3A_145 = tpu.memref_slice %arg6[%dma_wait3A_142, %dma_wait3A_143, %dma_wait3A_144] : memref<80x1x128xi32, #tpu.memory_space<vmem>> -> memref<80x1x128xi32, #tpu.memory_space<vmem>>
        %dma_wait3A_146 = arith.constant 0 : i32
        %dma_wait3A_147 = arith.constant 0 : i32
        %dma_wait3A_148 = tpu.memref_slice %arg3[%run_scoped3A, %mul3A_8, %dma_wait3A_146, %dma_wait3A_147] : memref<2x2560x1x128xi32, #tpu.memory_space<hbm>> -> memref<1x80x1x128xi32, #tpu.memory_space<hbm>>
        %dma_wait3A_149 = tpu.memref_squeeze %dma_wait3A_148 : memref<1x80x1x128xi32, #tpu.memory_space<hbm>> -> memref<80x1x128xi32, #tpu.memory_space<hbm>>
        tpu.wait_dma2 semaphore(%run_scoped3A_118 : memref<!tpu.dma_semaphore, #tpu.memory_space<semaphore_mem>>) src(%dma_wait3A_149 : memref<80x1x128xi32, #tpu.memory_space<hbm>>) dst(%dma_wait3A_145 : memref<80x1x128xi32, #tpu.memory_space<vmem>>)
        tpu.yield
      }) : () -> ()
      %add3A = arith.constant 0 : i32
      %add3A_9 = arith.addi %mul3A_8, %add3A : i32
      %dma_start3A = arith.constant 1 : i32
      %dma_start3A_10 = arith.constant 0 : i32
      %dma_start3A_11 = arith.constant 0 : i32
      %dma_start3A_12 = arith.constant 0 : i32
      %dma_start3A_13 = tpu.memref_slice %arg7[%dma_start3A_10, %dma_start3A_11, %dma_start3A_12] : memref<4x1x128xi32, #tpu.memory_space<vmem>> -> memref<1x1x128xi32, #tpu.memory_space<vmem>>
      %dma_start3A_14 = tpu.memref_squeeze %dma_start3A_13 : memref<1x1x128xi32, #tpu.memory_space<vmem>> -> memref<1x128xi32, #tpu.memory_space<vmem>>
      %dma_start3A_15 = arith.constant 0 : i32
      %dma_start3A_16 = arith.constant 0 : i32
      %dma_start3A_17 = tpu.memref_slice %arg3[%dma_start3A, %add3A_9, %dma_start3A_15, %dma_start3A_16] : memref<2x2560x1x128xi32, #tpu.memory_space<hbm>> -> memref<1x1x1x128xi32, #tpu.memory_space<hbm>>
      %dma_start3A_18 = tpu.memref_squeeze %dma_start3A_17 : memref<1x1x1x128xi32, #tpu.memory_space<hbm>> -> memref<1x128xi32, #tpu.memory_space<hbm>>
      %dma_start3A_19 = arith.constant 0 : i32
      %dma_start3A_20 = arith.constant 0 : i32
      %dma_start3A_21 = tpu.memref_slice %arg7[%dma_start3A_10, %dma_start3A_19, %dma_start3A_20] : memref<4x1x128xi32, #tpu.memory_space<vmem>> -> memref<1x1x128xi32, #tpu.memory_space<vmem>>
      %dma_start3A_22 = tpu.memref_squeeze %dma_start3A_21 : memref<1x1x128xi32, #tpu.memory_space<vmem>> -> memref<1x128xi32, #tpu.memory_space<vmem>>
      %dma_start3A_23 = arith.constant 0 : i32
      %dma_start3A_24 = arith.constant 0 : i32
      %dma_start3A_25 = tpu.memref_slice %arg3[%dma_start3A, %add3A_9, %dma_start3A_23, %dma_start3A_24] : memref<2x2560x1x128xi32, #tpu.memory_space<hbm>> -> memref<1x1x1x128xi32, #tpu.memory_space<hbm>>
      %dma_start3A_26 = tpu.memref_squeeze %dma_start3A_25 : memref<1x1x1x128xi32, #tpu.memory_space<hbm>> -> memref<1x128xi32, #tpu.memory_space<hbm>>
      tpu.enqueue_dma source(%dma_start3A_26 : memref<1x128xi32, #tpu.memory_space<hbm>>) target(%dma_start3A_22 : memref<1x128xi32, #tpu.memory_space<vmem>>) target_semaphore(%arg12 : memref<!tpu.dma_semaphore, #tpu.memory_space<semaphore_mem>>)
      %add3A_27 = arith.constant 1 : i32
      %add3A_28 = arith.addi %mul3A_8, %add3A_27 : i32
      %dma_start3A_29 = arith.constant 1 : i32
      %dma_start3A_30 = arith.constant 1 : i32
      %dma_start3A_31 = arith.constant 0 : i32
      %dma_start3A_32 = arith.constant 0 : i32
      %dma_start3A_33 = tpu.memref_slice %arg7[%dma_start3A_30, %dma_start3A_31, %dma_start3A_32] : memref<4x1x128xi32, #tpu.memory_space<vmem>> -> memref<1x1x128xi32, #tpu.memory_space<vmem>>
      %dma_start3A_34 = tpu.memref_squeeze %dma_start3A_33 : memref<1x1x128xi32, #tpu.memory_space<vmem>> -> memref<1x128xi32, #tpu.memory_space<vmem>>
      %dma_start3A_35 = arith.constant 0 : i32
      %dma_start3A_36 = arith.constant 0 : i32
      %dma_start3A_37 = tpu.memref_slice %arg3[%dma_start3A_29, %add3A_28, %dma_start3A_35, %dma_start3A_36] : memref<2x2560x1x128xi32, #tpu.memory_space<hbm>> -> memref<1x1x1x128xi32, #tpu.memory_space<hbm>>
      %dma_start3A_38 = tpu.memref_squeeze %dma_start3A_37 : memref<1x1x1x128xi32, #tpu.memory_space<hbm>> -> memref<1x128xi32, #tpu.memory_space<hbm>>
      %dma_start3A_39 = arith.constant 0 : i32
      %dma_start3A_40 = arith.constant 0 : i32
      %dma_start3A_41 = tpu.memref_slice %arg7[%dma_start3A_30, %dma_start3A_39, %dma_start3A_40] : memref<4x1x128xi32, #tpu.memory_space<vmem>> -> memref<1x1x128xi32, #tpu.memory_space<vmem>>
      %dma_start3A_42 = tpu.memref_squeeze %dma_start3A_41 : memref<1x1x128xi32, #tpu.memory_space<vmem>> -> memref<1x128xi32, #tpu.memory_space<vmem>>
      %dma_start3A_43 = arith.constant 0 : i32
      %dma_start3A_44 = arith.constant 0 : i32
      %dma_start3A_45 = tpu.memref_slice %arg3[%dma_start3A_29, %add3A_28, %dma_start3A_43, %dma_start3A_44] : memref<2x2560x1x128xi32, #tpu.memory_space<hbm>> -> memref<1x1x1x128xi32, #tpu.memory_space<hbm>>
      %dma_start3A_46 = tpu.memref_squeeze %dma_start3A_45 : memref<1x1x1x128xi32, #tpu.memory_space<hbm>> -> memref<1x128xi32, #tpu.memory_space<hbm>>
      tpu.enqueue_dma source(%dma_start3A_46 : memref<1x128xi32, #tpu.memory_space<hbm>>) target(%dma_start3A_42 : memref<1x128xi32, #tpu.memory_space<vmem>>) target_semaphore(%arg13 : memref<!tpu.dma_semaphore, #tpu.memory_space<semaphore_mem>>)
      %add3A_47 = arith.constant 2 : i32
      %add3A_48 = arith.addi %mul3A_8, %add3A_47 : i32
      %dma_start3A_49 = arith.constant 1 : i32
      %dma_start3A_50 = arith.constant 2 : i32
      %dma_start3A_51 = arith.constant 0 : i32
      %dma_start3A_52 = arith.constant 0 : i32
      %dma_start3A_53 = tpu.memref_slice %arg7[%dma_start3A_50, %dma_start3A_51, %dma_start3A_52] : memref<4x1x128xi32, #tpu.memory_space<vmem>> -> memref<1x1x128xi32, #tpu.memory_space<vmem>>
      %dma_start3A_54 = tpu.memref_squeeze %dma_start3A_53 : memref<1x1x128xi32, #tpu.memory_space<vmem>> -> memref<1x128xi32, #tpu.memory_space<vmem>>
      %dma_start3A_55 = arith.constant 0 : i32
      %dma_start3A_56 = arith.constant 0 : i32
      %dma_start3A_57 = tpu.memref_slice %arg3[%dma_start3A_49, %add3A_48, %dma_start3A_55, %dma_start3A_56] : memref<2x2560x1x128xi32, #tpu.memory_space<hbm>> -> memref<1x1x1x128xi32, #tpu.memory_space<hbm>>
      %dma_start3A_58 = tpu.memref_squeeze %dma_start3A_57 : memref<1x1x1x128xi32, #tpu.memory_space<hbm>> -> memref<1x128xi32, #tpu.memory_space<hbm>>
      %dma_start3A_59 = arith.constant 0 : i32
      %dma_start3A_60 = arith.constant 0 : i32
      %dma_start3A_61 = tpu.memref_slice %arg7[%dma_start3A_50, %dma_start3A_59, %dma_start3A_60] : memref<4x1x128xi32, #tpu.memory_space<vmem>> -> memref<1x1x128xi32, #tpu.memory_space<vmem>>
      %dma_start3A_62 = tpu.memref_squeeze %dma_start3A_61 : memref<1x1x128xi32, #tpu.memory_space<vmem>> -> memref<1x128xi32, #tpu.memory_space<vmem>>
      %dma_start3A_63 = arith.constant 0 : i32
      %dma_start3A_64 = arith.constant 0 : i32
      %dma_start3A_65 = tpu.memref_slice %arg3[%dma_start3A_49, %add3A_48, %dma_start3A_63, %dma_start3A_64] : memref<2x2560x1x128xi32, #tpu.memory_space<hbm>> -> memref<1x1x1x128xi32, #tpu.memory_space<hbm>>
      %dma_start3A_66 = tpu.memref_squeeze %dma_start3A_65 : memref<1x1x1x128xi32, #tpu.memory_space<hbm>> -> memref<1x128xi32, #tpu.memory_space<hbm>>
      tpu.enqueue_dma source(%dma_start3A_66 : memref<1x128xi32, #tpu.memory_space<hbm>>) target(%dma_start3A_62 : memref<1x128xi32, #tpu.memory_space<vmem>>) target_semaphore(%arg14 : memref<!tpu.dma_semaphore, #tpu.memory_space<semaphore_mem>>)
      %add3A_67 = arith.constant 3 : i32
      %add3A_68 = arith.addi %mul3A_8, %add3A_67 : i32
      %dma_start3A_69 = arith.constant 1 : i32
      %dma_start3A_70 = arith.constant 3 : i32
      %dma_start3A_71 = arith.constant 0 : i32
      %dma_start3A_72 = arith.constant 0 : i32
      %dma_start3A_73 = tpu.memref_slice %arg7[%dma_start3A_70, %dma_start3A_71, %dma_start3A_72] : memref<4x1x128xi32, #tpu.memory_space<vmem>> -> memref<1x1x128xi32, #tpu.memory_space<vmem>>
      %dma_start3A_74 = tpu.memref_squeeze %dma_start3A_73 : memref<1x1x128xi32, #tpu.memory_space<vmem>> -> memref<1x128xi32, #tpu.memory_space<vmem>>
      %dma_start3A_75 = arith.constant 0 : i32
      %dma_start3A_76 = arith.constant 0 : i32
      %dma_start3A_77 = tpu.memref_slice %arg3[%dma_start3A_69, %add3A_68, %dma_start3A_75, %dma_start3A_76] : memref<2x2560x1x128xi32, #tpu.memory_space<hbm>> -> memref<1x1x1x128xi32, #tpu.memory_space<hbm>>
      %dma_start3A_78 = tpu.memref_squeeze %dma_start3A_77 : memref<1x1x1x128xi32, #tpu.memory_space<hbm>> -> memref<1x128xi32, #tpu.memory_space<hbm>>
      %dma_start3A_79 = arith.constant 0 : i32
      %dma_start3A_80 = arith.constant 0 : i32
      %dma_start3A_81 = tpu.memref_slice %arg7[%dma_start3A_70, %dma_start3A_79, %dma_start3A_80] : memref<4x1x128xi32, #tpu.memory_space<vmem>> -> memref<1x1x128xi32, #tpu.memory_space<vmem>>
      %dma_start3A_82 = tpu.memref_squeeze %dma_start3A_81 : memref<1x1x128xi32, #tpu.memory_space<vmem>> -> memref<1x128xi32, #tpu.memory_space<vmem>>
      %dma_start3A_83 = arith.constant 0 : i32
      %dma_start3A_84 = arith.constant 0 : i32
      %dma_start3A_85 = tpu.memref_slice %arg3[%dma_start3A_69, %add3A_68, %dma_start3A_83, %dma_start3A_84] : memref<2x2560x1x128xi32, #tpu.memory_space<hbm>> -> memref<1x1x1x128xi32, #tpu.memory_space<hbm>>
      %dma_start3A_86 = tpu.memref_squeeze %dma_start3A_85 : memref<1x1x1x128xi32, #tpu.memory_space<hbm>> -> memref<1x128xi32, #tpu.memory_space<hbm>>
      tpu.enqueue_dma source(%dma_start3A_86 : memref<1x128xi32, #tpu.memory_space<hbm>>) target(%dma_start3A_82 : memref<1x128xi32, #tpu.memory_space<vmem>>) target_semaphore(%arg15 : memref<!tpu.dma_semaphore, #tpu.memory_space<semaphore_mem>>)
      %dma_start3A_87 = arith.constant 0 : i32
      %dma_start3A_88 = arith.constant 0 : i32
      %dma_start3A_89 = arith.constant 0 : i32
      %dma_start3A_90 = arith.constant 0 : i32
      %dma_start3A_91 = arith.constant 0 : i32
      %dma_start3A_92 = tpu.memref_slice %arg8[%dma_start3A_89, %dma_start3A_90, %dma_start3A_91] : memref<2x128x128xf32, #tpu.memory_space<vmem>> -> memref<1x128x128xf32, #tpu.memory_space<vmem>>
      %dma_start3A_93 = tpu.memref_squeeze %dma_start3A_92 : memref<1x128x128xf32, #tpu.memory_space<vmem>> -> memref<128x128xf32, #tpu.memory_space<vmem>>
      %dma_start3A_94 = arith.constant 0 : i32
      %dma_start3A_95 = tpu.memref_slice %arg6[%dma_start3A_87, %dma_start3A_88, %dma_start3A_94] : memref<80x1x128xi32, #tpu.memory_space<vmem>> -> memref<1x1x128xi32, #tpu.memory_space<vmem>>
      %dma_start3A_96 = tpu.memref_squeeze %dma_start3A_95 : memref<1x1x128xi32, #tpu.memory_space<vmem>> -> memref<128xi32, #tpu.memory_space<vmem>>
      %dma_start3A_97 = arith.constant 0 : i32
      %dma_start3A_98 = arith.constant 0 : i32
      %dma_start3A_99 = tpu.memref_slice %arg2[%dma_start3A_97, %dma_start3A_98] : memref<10240x128xf32, #tpu.memory_space<hbm>> -> memref<10240x128xf32, #tpu.memory_space<hbm>>
      tpu.enqueue_indirect_dma source(%dma_start3A_99 : memref<10240x128xf32, #tpu.memory_space<hbm>>) target(%dma_start3A_93 : memref<128x128xf32, #tpu.memory_space<vmem>>) offsets(%dma_start3A_96 : memref<128xi32, #tpu.memory_space<vmem>>) semaphore(%arg10 : memref<!tpu.dma_semaphore, #tpu.memory_space<semaphore_mem>>)
      %dma_start3A_100 = arith.constant 1 : i32
      %dma_start3A_101 = arith.constant 0 : i32
      %dma_start3A_102 = arith.constant 1 : i32
      %dma_start3A_103 = arith.constant 0 : i32
      %dma_start3A_104 = arith.constant 0 : i32
      %dma_start3A_105 = tpu.memref_slice %arg8[%dma_start3A_102, %dma_start3A_103, %dma_start3A_104] : memref<2x128x128xf32, #tpu.memory_space<vmem>> -> memref<1x128x128xf32, #tpu.memory_space<vmem>>
      %dma_start3A_106 = tpu.memref_squeeze %dma_start3A_105 : memref<1x128x128xf32, #tpu.memory_space<vmem>> -> memref<128x128xf32, #tpu.memory_space<vmem>>
      %dma_start3A_107 = arith.constant 0 : i32
      %dma_start3A_108 = tpu.memref_slice %arg6[%dma_start3A_100, %dma_start3A_101, %dma_start3A_107] : memref<80x1x128xi32, #tpu.memory_space<vmem>> -> memref<1x1x128xi32, #tpu.memory_space<vmem>>
      %dma_start3A_109 = tpu.memref_squeeze %dma_start3A_108 : memref<1x1x128xi32, #tpu.memory_space<vmem>> -> memref<128xi32, #tpu.memory_space<vmem>>
      %dma_start3A_110 = arith.constant 0 : i32
      %dma_start3A_111 = arith.constant 0 : i32
      %dma_start3A_112 = tpu.memref_slice %arg2[%dma_start3A_110, %dma_start3A_111] : memref<10240x128xf32, #tpu.memory_space<hbm>> -> memref<10240x128xf32, #tpu.memory_space<hbm>>
      tpu.enqueue_indirect_dma source(%dma_start3A_112 : memref<10240x128xf32, #tpu.memory_space<hbm>>) target(%dma_start3A_106 : memref<128x128xf32, #tpu.memory_space<vmem>>) offsets(%dma_start3A_109 : memref<128xi32, #tpu.memory_space<vmem>>) semaphore(%arg11 : memref<!tpu.dma_semaphore, #tpu.memory_space<semaphore_mem>>)
      %barrier3A_113 = arith.constant 0 : index
      tpu.barrier barrier_id(%barrier3A_113)
      %scan3A = arith.constant 0 : i32
      %scan3A_114 = arith.constant 20 : i32
      %scan3A_115 = arith.addi %scan3A, %scan3A_114 : i32
      %scan3A_116 = arith.constant 1 : i32
      scf.for %scan3A_118 = %scan3A to %scan3A_115 step %scan3A_116  : i32 {
        %mul3A_119 = arith.constant 4 : i32
        %mul3A_120 = arith.muli %scan3A_118, %mul3A_119 : i32
        %add3A_121 = arith.constant 0 : i32
        %add3A_122 = arith.addi %add3A_121, %mul3A_120 : i32
        %add3A_123 = arith.constant 0 : i32
        %add3A_124 = arith.addi %add3A_122, %add3A_123 : i32
        %dma_wait3A = arith.constant 0 : i32
        %dma_wait3A_125 = arith.constant 0 : i32
        %dma_wait3A_126 = arith.constant 0 : i32
        %dma_wait3A_127 = arith.constant 0 : i32
        %dma_wait3A_128 = arith.constant 0 : i32
        %dma_wait3A_129 = tpu.memref_slice %arg8[%dma_wait3A_126, %dma_wait3A_127, %dma_wait3A_128] : memref<2x128x128xf32, #tpu.memory_space<vmem>> -> memref<1x128x128xf32, #tpu.memory_space<vmem>>
        %dma_wait3A_130 = tpu.memref_squeeze %dma_wait3A_129 : memref<1x128x128xf32, #tpu.memory_space<vmem>> -> memref<128x128xf32, #tpu.memory_space<vmem>>
        %dma_wait3A_131 = arith.constant 0 : i32
        %dma_wait3A_132 = tpu.memref_slice %arg6[%dma_wait3A, %dma_wait3A_125, %dma_wait3A_131] : memref<80x1x128xi32, #tpu.memory_space<vmem>> -> memref<1x1x128xi32, #tpu.memory_space<vmem>>
        %dma_wait3A_133 = tpu.memref_squeeze %dma_wait3A_132 : memref<1x1x128xi32, #tpu.memory_space<vmem>> -> memref<128xi32, #tpu.memory_space<vmem>>
        %dma_wait3A_134 = arith.constant 0 : i32
        %dma_wait3A_135 = arith.constant 0 : i32
        %dma_wait3A_136 = tpu.memref_slice %arg2[%dma_wait3A_134, %dma_wait3A_135] : memref<10240x128xf32, #tpu.memory_space<hbm>> -> memref<10240x128xf32, #tpu.memory_space<hbm>>
        tpu.wait_indirect_dma semaphore(%arg10 : memref<!tpu.dma_semaphore, #tpu.memory_space<semaphore_mem>>) src(%dma_wait3A_136 : memref<10240x128xf32, #tpu.memory_space<hbm>>) dst(%dma_wait3A_130 : memref<128x128xf32, #tpu.memory_space<vmem>>)
        %dma_wait3A_137 = arith.constant 1 : i32
        %dma_wait3A_138 = arith.constant 0 : i32
        %dma_wait3A_139 = arith.constant 0 : i32
        %dma_wait3A_140 = arith.constant 0 : i32
        %dma_wait3A_141 = tpu.memref_slice %arg7[%dma_wait3A_138, %dma_wait3A_139, %dma_wait3A_140] : memref<4x1x128xi32, #tpu.memory_space<vmem>> -> memref<1x1x128xi32, #tpu.memory_space<vmem>>
        %dma_wait3A_142 = tpu.memref_squeeze %dma_wait3A_141 : memref<1x1x128xi32, #tpu.memory_space<vmem>> -> memref<1x128xi32, #tpu.memory_space<vmem>>
        %dma_wait3A_143 = arith.constant 0 : i32
        %dma_wait3A_144 = arith.constant 0 : i32
        %dma_wait3A_145 = tpu.memref_slice %arg3[%dma_wait3A_137, %mul3A_8, %dma_wait3A_143, %dma_wait3A_144] : memref<2x2560x1x128xi32, #tpu.memory_space<hbm>> -> memref<1x1x1x128xi32, #tpu.memory_space<hbm>>
        %dma_wait3A_146 = tpu.memref_squeeze %dma_wait3A_145 : memref<1x1x1x128xi32, #tpu.memory_space<hbm>> -> memref<1x128xi32, #tpu.memory_space<hbm>>
        %dma_wait3A_147 = arith.constant 0 : i32
        %dma_wait3A_148 = arith.constant 0 : i32
        %dma_wait3A_149 = tpu.memref_slice %arg7[%dma_wait3A_138, %dma_wait3A_147, %dma_wait3A_148] : memref<4x1x128xi32, #tpu.memory_space<vmem>> -> memref<1x1x128xi32, #tpu.memory_space<vmem>>
        %dma_wait3A_150 = tpu.memref_squeeze %dma_wait3A_149 : memref<1x1x128xi32, #tpu.memory_space<vmem>> -> memref<1x128xi32, #tpu.memory_space<vmem>>
        %dma_wait3A_151 = arith.constant 0 : i32
        %dma_wait3A_152 = arith.constant 0 : i32
        %dma_wait3A_153 = tpu.memref_slice %arg3[%dma_wait3A_137, %mul3A_8, %dma_wait3A_151, %dma_wait3A_152] : memref<2x2560x1x128xi32, #tpu.memory_space<hbm>> -> memref<1x1x1x128xi32, #tpu.memory_space<hbm>>
        %dma_wait3A_154 = tpu.memref_squeeze %dma_wait3A_153 : memref<1x1x1x128xi32, #tpu.memory_space<hbm>> -> memref<1x128xi32, #tpu.memory_space<hbm>>
        tpu.wait_dma2 semaphore(%arg12 : memref<!tpu.dma_semaphore, #tpu.memory_space<semaphore_mem>>) src(%dma_wait3A_154 : memref<1x128xi32, #tpu.memory_space<hbm>>) dst(%dma_wait3A_150 : memref<1x128xi32, #tpu.memory_space<vmem>>)
        %run_scoped3A_155 = arith.constant 0 : i32
        %run_scoped3A_156 = arith.constant 0 : i32
        %run_scoped3A_157 = arith.constant 0 : i32
        "tpu.region"() ({
          %run_scoped3A_321 = tpu.sem_alloc : memref<!tpu.dma_semaphore, #tpu.memory_space<semaphore_mem>>
          %dma_start3A_322 = arith.constant 0 : i32
          %dma_start3A_323 = arith.constant 0 : i32
          %dma_start3A_324 = tpu.memref_slice %arg8[%run_scoped3A_155, %dma_start3A_322, %dma_start3A_323] : memref<2x128x128xf32, #tpu.memory_space<vmem>> -> memref<1x128x128xf32, #tpu.memory_space<vmem>>
          %dma_start3A_325 = tpu.memref_squeeze %dma_start3A_324 : memref<1x128x128xf32, #tpu.memory_space<vmem>> -> memref<128x128xf32, #tpu.memory_space<vmem>>
          %dma_start3A_326 = arith.constant 0 : i32
          %dma_start3A_327 = tpu.memref_slice %arg7[%run_scoped3A_156, %run_scoped3A_157, %dma_start3A_326] : memref<4x1x128xi32, #tpu.memory_space<vmem>> -> memref<1x1x128xi32, #tpu.memory_space<vmem>>
          %dma_start3A_328 = tpu.memref_squeeze %dma_start3A_327 : memref<1x1x128xi32, #tpu.memory_space<vmem>> -> memref<128xi32, #tpu.memory_space<vmem>>
          %dma_start3A_329 = arith.constant 0 : i32
          %dma_start3A_330 = arith.constant 0 : i32
          %dma_start3A_331 = tpu.memref_slice %arg9[%dma_start3A_329, %dma_start3A_330] : memref<10240x128xf32, #tpu.memory_space<vmem_shared>> -> memref<10240x128xf32, #tpu.memory_space<vmem_shared>>
          tpu.enqueue_indirect_dma source(%dma_start3A_325 : memref<128x128xf32, #tpu.memory_space<vmem>>) target(%dma_start3A_331 : memref<10240x128xf32, #tpu.memory_space<vmem_shared>>) offsets(%dma_start3A_328 : memref<128xi32, #tpu.memory_space<vmem>>) semaphore(%run_scoped3A_321 : memref<!tpu.dma_semaphore, #tpu.memory_space<semaphore_mem>>) {add = true}
          %dma_wait3A_332 = arith.constant 0 : i32
          %dma_wait3A_333 = arith.constant 0 : i32
          %dma_wait3A_334 = tpu.memref_slice %arg8[%run_scoped3A_155, %dma_wait3A_332, %dma_wait3A_333] : memref<2x128x128xf32, #tpu.memory_space<vmem>> -> memref<1x128x128xf32, #tpu.memory_space<vmem>>
          %dma_wait3A_335 = tpu.memref_squeeze %dma_wait3A_334 : memref<1x128x128xf32, #tpu.memory_space<vmem>> -> memref<128x128xf32, #tpu.memory_space<vmem>>
          %dma_wait3A_336 = arith.constant 0 : i32
          %dma_wait3A_337 = tpu.memref_slice %arg7[%run_scoped3A_156, %run_scoped3A_157, %dma_wait3A_336] : memref<4x1x128xi32, #tpu.memory_space<vmem>> -> memref<1x1x128xi32, #tpu.memory_space<vmem>>
          %dma_wait3A_338 = tpu.memref_squeeze %dma_wait3A_337 : memref<1x1x128xi32, #tpu.memory_space<vmem>> -> memref<128xi32, #tpu.memory_space<vmem>>
          %dma_wait3A_339 = arith.constant 0 : i32
          %dma_wait3A_340 = arith.constant 0 : i32
          %dma_wait3A_341 = tpu.memref_slice %arg9[%dma_wait3A_339, %dma_wait3A_340] : memref<10240x128xf32, #tpu.memory_space<vmem_shared>> -> memref<10240x128xf32, #tpu.memory_space<vmem_shared>>
          tpu.wait_indirect_dma semaphore(%run_scoped3A_321 : memref<!tpu.dma_semaphore, #tpu.memory_space<semaphore_mem>>) src(%dma_wait3A_335 : memref<128x128xf32, #tpu.memory_space<vmem>>) dst(%dma_wait3A_341 : memref<10240x128xf32, #tpu.memory_space<vmem_shared>>)
          tpu.yield
        }) : () -> ()
        %add3A_158 = arith.constant 2 : i32
        %add3A_159 = arith.addi %add3A_124, %add3A_158 : i32
        %lt3A = arith.constant 80 : i32
        %lt3A_160 = arith.cmpi slt, %add3A_159, %lt3A : i32
        %convert_element_type3A_161 = arith.extui %lt3A_160 : i1 to i32
        %cond3A_162 = arith.constant 0 : i32
        %cond3A_163 = arith.cmpi ne, %convert_element_type3A_161, %cond3A_162 : i32
        scf.if %cond3A_163 {
          %add3A_321 = arith.constant 2 : i32
          %add3A_322 = arith.addi %add3A_124, %add3A_321 : i32
          %dma_start3A_323 = arith.constant 0 : i32
          %dma_start3A_324 = arith.constant 0 : i32
          %dma_start3A_325 = arith.constant 0 : i32
          %dma_start3A_326 = arith.constant 0 : i32
          %dma_start3A_327 = tpu.memref_slice %arg8[%dma_start3A_324, %dma_start3A_325, %dma_start3A_326] : memref<2x128x128xf32, #tpu.memory_space<vmem>> -> memref<1x128x128xf32, #tpu.memory_space<vmem>>
          %dma_start3A_328 = tpu.memref_squeeze %dma_start3A_327 : memref<1x128x128xf32, #tpu.memory_space<vmem>> -> memref<128x128xf32, #tpu.memory_space<vmem>>
          %dma_start3A_329 = arith.constant 0 : i32
          %dma_start3A_330 = tpu.memref_slice %arg6[%add3A_322, %dma_start3A_323, %dma_start3A_329] : memref<80x1x128xi32, #tpu.memory_space<vmem>> -> memref<1x1x128xi32, #tpu.memory_space<vmem>>
          %dma_start3A_331 = tpu.memref_squeeze %dma_start3A_330 : memref<1x1x128xi32, #tpu.memory_space<vmem>> -> memref<128xi32, #tpu.memory_space<vmem>>
          %dma_start3A_332 = arith.constant 0 : i32
          %dma_start3A_333 = arith.constant 0 : i32
          %dma_start3A_334 = tpu.memref_slice %arg2[%dma_start3A_332, %dma_start3A_333] : memref<10240x128xf32, #tpu.memory_space<hbm>> -> memref<10240x128xf32, #tpu.memory_space<hbm>>
          tpu.enqueue_indirect_dma source(%dma_start3A_334 : memref<10240x128xf32, #tpu.memory_space<hbm>>) target(%dma_start3A_328 : memref<128x128xf32, #tpu.memory_space<vmem>>) offsets(%dma_start3A_331 : memref<128xi32, #tpu.memory_space<vmem>>) semaphore(%arg10 : memref<!tpu.dma_semaphore, #tpu.memory_space<semaphore_mem>>)
        } else {
        }
        %add3A_164 = arith.constant 4 : i32
        %add3A_165 = arith.addi %add3A_124, %add3A_164 : i32
        %lt3A_166 = arith.constant 80 : i32
        %lt3A_167 = arith.cmpi slt, %add3A_165, %lt3A_166 : i32
        %convert_element_type3A_168 = arith.extui %lt3A_167 : i1 to i32
        %cond3A_169 = arith.constant 0 : i32
        %cond3A_170 = arith.cmpi ne, %convert_element_type3A_168, %cond3A_169 : i32
        scf.if %cond3A_170 {
          %add3A_321 = arith.addi %mul3A_8, %add3A_124 : i32
          %add3A_322 = arith.constant 4 : i32
          %add3A_323 = arith.addi %add3A_321, %add3A_322 : i32
          %dma_start3A_324 = arith.constant 1 : i32
          %dma_start3A_325 = arith.constant 0 : i32
          %dma_start3A_326 = arith.constant 0 : i32
          %dma_start3A_327 = arith.constant 0 : i32
          %dma_start3A_328 = tpu.memref_slice %arg7[%dma_start3A_325, %dma_start3A_326, %dma_start3A_327] : memref<4x1x128xi32, #tpu.memory_space<vmem>> -> memref<1x1x128xi32, #tpu.memory_space<vmem>>
          %dma_start3A_329 = tpu.memref_squeeze %dma_start3A_328 : memref<1x1x128xi32, #tpu.memory_space<vmem>> -> memref<1x128xi32, #tpu.memory_space<vmem>>
          %dma_start3A_330 = arith.constant 0 : i32
          %dma_start3A_331 = arith.constant 0 : i32
          %dma_start3A_332 = tpu.memref_slice %arg3[%dma_start3A_324, %add3A_323, %dma_start3A_330, %dma_start3A_331] : memref<2x2560x1x128xi32, #tpu.memory_space<hbm>> -> memref<1x1x1x128xi32, #tpu.memory_space<hbm>>
          %dma_start3A_333 = tpu.memref_squeeze %dma_start3A_332 : memref<1x1x1x128xi32, #tpu.memory_space<hbm>> -> memref<1x128xi32, #tpu.memory_space<hbm>>
          %dma_start3A_334 = arith.constant 0 : i32
          %dma_start3A_335 = arith.constant 0 : i32
          %dma_start3A_336 = tpu.memref_slice %arg7[%dma_start3A_325, %dma_start3A_334, %dma_start3A_335] : memref<4x1x128xi32, #tpu.memory_space<vmem>> -> memref<1x1x128xi32, #tpu.memory_space<vmem>>
          %dma_start3A_337 = tpu.memref_squeeze %dma_start3A_336 : memref<1x1x128xi32, #tpu.memory_space<vmem>> -> memref<1x128xi32, #tpu.memory_space<vmem>>
          %dma_start3A_338 = arith.constant 0 : i32
          %dma_start3A_339 = arith.constant 0 : i32
          %dma_start3A_340 = tpu.memref_slice %arg3[%dma_start3A_324, %add3A_323, %dma_start3A_338, %dma_start3A_339] : memref<2x2560x1x128xi32, #tpu.memory_space<hbm>> -> memref<1x1x1x128xi32, #tpu.memory_space<hbm>>
          %dma_start3A_341 = tpu.memref_squeeze %dma_start3A_340 : memref<1x1x1x128xi32, #tpu.memory_space<hbm>> -> memref<1x128xi32, #tpu.memory_space<hbm>>
          tpu.enqueue_dma source(%dma_start3A_341 : memref<1x128xi32, #tpu.memory_space<hbm>>) target(%dma_start3A_337 : memref<1x128xi32, #tpu.memory_space<vmem>>) target_semaphore(%arg12 : memref<!tpu.dma_semaphore, #tpu.memory_space<semaphore_mem>>)
        } else {
        }
        %add3A_171 = arith.constant 1 : i32
        %add3A_172 = arith.addi %add3A_122, %add3A_171 : i32
        %dma_wait3A_173 = arith.constant 0 : i32
        %dma_wait3A_174 = arith.constant 0 : i32
        %dma_wait3A_175 = arith.constant 1 : i32
        %dma_wait3A_176 = arith.constant 0 : i32
        %dma_wait3A_177 = arith.constant 0 : i32
        %dma_wait3A_178 = tpu.memref_slice %arg8[%dma_wait3A_175, %dma_wait3A_176, %dma_wait3A_177] : memref<2x128x128xf32, #tpu.memory_space<vmem>> -> memref<1x128x128xf32, #tpu.memory_space<vmem>>
        %dma_wait3A_179 = tpu.memref_squeeze %dma_wait3A_178 : memref<1x128x128xf32, #tpu.memory_space<vmem>> -> memref<128x128xf32, #tpu.memory_space<vmem>>
        %dma_wait3A_180 = arith.constant 0 : i32
        %dma_wait3A_181 = tpu.memref_slice %arg6[%dma_wait3A_173, %dma_wait3A_174, %dma_wait3A_180] : memref<80x1x128xi32, #tpu.memory_space<vmem>> -> memref<1x1x128xi32, #tpu.memory_space<vmem>>
        %dma_wait3A_182 = tpu.memref_squeeze %dma_wait3A_181 : memref<1x1x128xi32, #tpu.memory_space<vmem>> -> memref<128xi32, #tpu.memory_space<vmem>>
        %dma_wait3A_183 = arith.constant 0 : i32
        %dma_wait3A_184 = arith.constant 0 : i32
        %dma_wait3A_185 = tpu.memref_slice %arg2[%dma_wait3A_183, %dma_wait3A_184] : memref<10240x128xf32, #tpu.memory_space<hbm>> -> memref<10240x128xf32, #tpu.memory_space<hbm>>
        tpu.wait_indirect_dma semaphore(%arg11 : memref<!tpu.dma_semaphore, #tpu.memory_space<semaphore_mem>>) src(%dma_wait3A_185 : memref<10240x128xf32, #tpu.memory_space<hbm>>) dst(%dma_wait3A_179 : memref<128x128xf32, #tpu.memory_space<vmem>>)
        %dma_wait3A_186 = arith.constant 1 : i32
        %dma_wait3A_187 = arith.constant 1 : i32
        %dma_wait3A_188 = arith.constant 0 : i32
        %dma_wait3A_189 = arith.constant 0 : i32
        %dma_wait3A_190 = tpu.memref_slice %arg7[%dma_wait3A_187, %dma_wait3A_188, %dma_wait3A_189] : memref<4x1x128xi32, #tpu.memory_space<vmem>> -> memref<1x1x128xi32, #tpu.memory_space<vmem>>
        %dma_wait3A_191 = tpu.memref_squeeze %dma_wait3A_190 : memref<1x1x128xi32, #tpu.memory_space<vmem>> -> memref<1x128xi32, #tpu.memory_space<vmem>>
        %dma_wait3A_192 = arith.constant 0 : i32
        %dma_wait3A_193 = arith.constant 0 : i32
        %dma_wait3A_194 = tpu.memref_slice %arg3[%dma_wait3A_186, %mul3A_8, %dma_wait3A_192, %dma_wait3A_193] : memref<2x2560x1x128xi32, #tpu.memory_space<hbm>> -> memref<1x1x1x128xi32, #tpu.memory_space<hbm>>
        %dma_wait3A_195 = tpu.memref_squeeze %dma_wait3A_194 : memref<1x1x1x128xi32, #tpu.memory_space<hbm>> -> memref<1x128xi32, #tpu.memory_space<hbm>>
        %dma_wait3A_196 = arith.constant 0 : i32
        %dma_wait3A_197 = arith.constant 0 : i32
        %dma_wait3A_198 = tpu.memref_slice %arg7[%dma_wait3A_187, %dma_wait3A_196, %dma_wait3A_197] : memref<4x1x128xi32, #tpu.memory_space<vmem>> -> memref<1x1x128xi32, #tpu.memory_space<vmem>>
        %dma_wait3A_199 = tpu.memref_squeeze %dma_wait3A_198 : memref<1x1x128xi32, #tpu.memory_space<vmem>> -> memref<1x128xi32, #tpu.memory_space<vmem>>
        %dma_wait3A_200 = arith.constant 0 : i32
        %dma_wait3A_201 = arith.constant 0 : i32
        %dma_wait3A_202 = tpu.memref_slice %arg3[%dma_wait3A_186, %mul3A_8, %dma_wait3A_200, %dma_wait3A_201] : memref<2x2560x1x128xi32, #tpu.memory_space<hbm>> -> memref<1x1x1x128xi32, #tpu.memory_space<hbm>>
        %dma_wait3A_203 = tpu.memref_squeeze %dma_wait3A_202 : memref<1x1x1x128xi32, #tpu.memory_space<hbm>> -> memref<1x128xi32, #tpu.memory_space<hbm>>
        tpu.wait_dma2 semaphore(%arg13 : memref<!tpu.dma_semaphore, #tpu.memory_space<semaphore_mem>>) src(%dma_wait3A_203 : memref<1x128xi32, #tpu.memory_space<hbm>>) dst(%dma_wait3A_199 : memref<1x128xi32, #tpu.memory_space<vmem>>)
        %run_scoped3A_204 = arith.constant 1 : i32
        %run_scoped3A_205 = arith.constant 1 : i32
        %run_scoped3A_206 = arith.constant 0 : i32
        "tpu.region"() ({
          %run_scoped3A_321 = tpu.sem_alloc : memref<!tpu.dma_semaphore, #tpu.memory_space<semaphore_mem>>
          %dma_start3A_322 = arith.constant 0 : i32
          %dma_start3A_323 = arith.constant 0 : i32
          %dma_start3A_324 = tpu.memref_slice %arg8[%run_scoped3A_204, %dma_start3A_322, %dma_start3A_323] : memref<2x128x128xf32, #tpu.memory_space<vmem>> -> memref<1x128x128xf32, #tpu.memory_space<vmem>>
          %dma_start3A_325 = tpu.memref_squeeze %dma_start3A_324 : memref<1x128x128xf32, #tpu.memory_space<vmem>> -> memref<128x128xf32, #tpu.memory_space<vmem>>
          %dma_start3A_326 = arith.constant 0 : i32
          %dma_start3A_327 = tpu.memref_slice %arg7[%run_scoped3A_205, %run_scoped3A_206, %dma_start3A_326] : memref<4x1x128xi32, #tpu.memory_space<vmem>> -> memref<1x1x128xi32, #tpu.memory_space<vmem>>
          %dma_start3A_328 = tpu.memref_squeeze %dma_start3A_327 : memref<1x1x128xi32, #tpu.memory_space<vmem>> -> memref<128xi32, #tpu.memory_space<vmem>>
          %dma_start3A_329 = arith.constant 0 : i32
          %dma_start3A_330 = arith.constant 0 : i32
          %dma_start3A_331 = tpu.memref_slice %arg9[%dma_start3A_329, %dma_start3A_330] : memref<10240x128xf32, #tpu.memory_space<vmem_shared>> -> memref<10240x128xf32, #tpu.memory_space<vmem_shared>>
          tpu.enqueue_indirect_dma source(%dma_start3A_325 : memref<128x128xf32, #tpu.memory_space<vmem>>) target(%dma_start3A_331 : memref<10240x128xf32, #tpu.memory_space<vmem_shared>>) offsets(%dma_start3A_328 : memref<128xi32, #tpu.memory_space<vmem>>) semaphore(%run_scoped3A_321 : memref<!tpu.dma_semaphore, #tpu.memory_space<semaphore_mem>>) {add = true}
          %dma_wait3A_332 = arith.constant 0 : i32
          %dma_wait3A_333 = arith.constant 0 : i32
          %dma_wait3A_334 = tpu.memref_slice %arg8[%run_scoped3A_204, %dma_wait3A_332, %dma_wait3A_333] : memref<2x128x128xf32, #tpu.memory_space<vmem>> -> memref<1x128x128xf32, #tpu.memory_space<vmem>>
          %dma_wait3A_335 = tpu.memref_squeeze %dma_wait3A_334 : memref<1x128x128xf32, #tpu.memory_space<vmem>> -> memref<128x128xf32, #tpu.memory_space<vmem>>
          %dma_wait3A_336 = arith.constant 0 : i32
          %dma_wait3A_337 = tpu.memref_slice %arg7[%run_scoped3A_205, %run_scoped3A_206, %dma_wait3A_336] : memref<4x1x128xi32, #tpu.memory_space<vmem>> -> memref<1x1x128xi32, #tpu.memory_space<vmem>>
          %dma_wait3A_338 = tpu.memref_squeeze %dma_wait3A_337 : memref<1x1x128xi32, #tpu.memory_space<vmem>> -> memref<128xi32, #tpu.memory_space<vmem>>
          %dma_wait3A_339 = arith.constant 0 : i32
          %dma_wait3A_340 = arith.constant 0 : i32
          %dma_wait3A_341 = tpu.memref_slice %arg9[%dma_wait3A_339, %dma_wait3A_340] : memref<10240x128xf32, #tpu.memory_space<vmem_shared>> -> memref<10240x128xf32, #tpu.memory_space<vmem_shared>>
          tpu.wait_indirect_dma semaphore(%run_scoped3A_321 : memref<!tpu.dma_semaphore, #tpu.memory_space<semaphore_mem>>) src(%dma_wait3A_335 : memref<128x128xf32, #tpu.memory_space<vmem>>) dst(%dma_wait3A_341 : memref<10240x128xf32, #tpu.memory_space<vmem_shared>>)
          tpu.yield
        }) : () -> ()
        %add3A_207 = arith.constant 2 : i32
        %add3A_208 = arith.addi %add3A_172, %add3A_207 : i32
        %lt3A_209 = arith.constant 80 : i32
        %lt3A_210 = arith.cmpi slt, %add3A_208, %lt3A_209 : i32
        %convert_element_type3A_211 = arith.extui %lt3A_210 : i1 to i32
        %cond3A_212 = arith.constant 0 : i32
        %cond3A_213 = arith.cmpi ne, %convert_element_type3A_211, %cond3A_212 : i32
        scf.if %cond3A_213 {
          %add3A_321 = arith.constant 2 : i32
          %add3A_322 = arith.addi %add3A_172, %add3A_321 : i32
          %dma_start3A_323 = arith.constant 0 : i32
          %dma_start3A_324 = arith.constant 1 : i32
          %dma_start3A_325 = arith.constant 0 : i32
          %dma_start3A_326 = arith.constant 0 : i32
          %dma_start3A_327 = tpu.memref_slice %arg8[%dma_start3A_324, %dma_start3A_325, %dma_start3A_326] : memref<2x128x128xf32, #tpu.memory_space<vmem>> -> memref<1x128x128xf32, #tpu.memory_space<vmem>>
          %dma_start3A_328 = tpu.memref_squeeze %dma_start3A_327 : memref<1x128x128xf32, #tpu.memory_space<vmem>> -> memref<128x128xf32, #tpu.memory_space<vmem>>
          %dma_start3A_329 = arith.constant 0 : i32
          %dma_start3A_330 = tpu.memref_slice %arg6[%add3A_322, %dma_start3A_323, %dma_start3A_329] : memref<80x1x128xi32, #tpu.memory_space<vmem>> -> memref<1x1x128xi32, #tpu.memory_space<vmem>>
          %dma_start3A_331 = tpu.memref_squeeze %dma_start3A_330 : memref<1x1x128xi32, #tpu.memory_space<vmem>> -> memref<128xi32, #tpu.memory_space<vmem>>
          %dma_start3A_332 = arith.constant 0 : i32
          %dma_start3A_333 = arith.constant 0 : i32
          %dma_start3A_334 = tpu.memref_slice %arg2[%dma_start3A_332, %dma_start3A_333] : memref<10240x128xf32, #tpu.memory_space<hbm>> -> memref<10240x128xf32, #tpu.memory_space<hbm>>
          tpu.enqueue_indirect_dma source(%dma_start3A_334 : memref<10240x128xf32, #tpu.memory_space<hbm>>) target(%dma_start3A_328 : memref<128x128xf32, #tpu.memory_space<vmem>>) offsets(%dma_start3A_331 : memref<128xi32, #tpu.memory_space<vmem>>) semaphore(%arg11 : memref<!tpu.dma_semaphore, #tpu.memory_space<semaphore_mem>>)
        } else {
        }
        %add3A_214 = arith.constant 4 : i32
        %add3A_215 = arith.addi %add3A_172, %add3A_214 : i32
        %lt3A_216 = arith.constant 80 : i32
        %lt3A_217 = arith.cmpi slt, %add3A_215, %lt3A_216 : i32
        %convert_element_type3A_218 = arith.extui %lt3A_217 : i1 to i32
        %cond3A_219 = arith.constant 0 : i32
        %cond3A_220 = arith.cmpi ne, %convert_element_type3A_218, %cond3A_219 : i32
        scf.if %cond3A_220 {
          %add3A_321 = arith.addi %mul3A_8, %add3A_172 : i32
          %add3A_322 = arith.constant 4 : i32
          %add3A_323 = arith.addi %add3A_321, %add3A_322 : i32
          %dma_start3A_324 = arith.constant 1 : i32
          %dma_start3A_325 = arith.constant 1 : i32
          %dma_start3A_326 = arith.constant 0 : i32
          %dma_start3A_327 = arith.constant 0 : i32
          %dma_start3A_328 = tpu.memref_slice %arg7[%dma_start3A_325, %dma_start3A_326, %dma_start3A_327] : memref<4x1x128xi32, #tpu.memory_space<vmem>> -> memref<1x1x128xi32, #tpu.memory_space<vmem>>
          %dma_start3A_329 = tpu.memref_squeeze %dma_start3A_328 : memref<1x1x128xi32, #tpu.memory_space<vmem>> -> memref<1x128xi32, #tpu.memory_space<vmem>>
          %dma_start3A_330 = arith.constant 0 : i32
          %dma_start3A_331 = arith.constant 0 : i32
          %dma_start3A_332 = tpu.memref_slice %arg3[%dma_start3A_324, %add3A_323, %dma_start3A_330, %dma_start3A_331] : memref<2x2560x1x128xi32, #tpu.memory_space<hbm>> -> memref<1x1x1x128xi32, #tpu.memory_space<hbm>>
          %dma_start3A_333 = tpu.memref_squeeze %dma_start3A_332 : memref<1x1x1x128xi32, #tpu.memory_space<hbm>> -> memref<1x128xi32, #tpu.memory_space<hbm>>
          %dma_start3A_334 = arith.constant 0 : i32
          %dma_start3A_335 = arith.constant 0 : i32
          %dma_start3A_336 = tpu.memref_slice %arg7[%dma_start3A_325, %dma_start3A_334, %dma_start3A_335] : memref<4x1x128xi32, #tpu.memory_space<vmem>> -> memref<1x1x128xi32, #tpu.memory_space<vmem>>
          %dma_start3A_337 = tpu.memref_squeeze %dma_start3A_336 : memref<1x1x128xi32, #tpu.memory_space<vmem>> -> memref<1x128xi32, #tpu.memory_space<vmem>>
          %dma_start3A_338 = arith.constant 0 : i32
          %dma_start3A_339 = arith.constant 0 : i32
          %dma_start3A_340 = tpu.memref_slice %arg3[%dma_start3A_324, %add3A_323, %dma_start3A_338, %dma_start3A_339] : memref<2x2560x1x128xi32, #tpu.memory_space<hbm>> -> memref<1x1x1x128xi32, #tpu.memory_space<hbm>>
          %dma_start3A_341 = tpu.memref_squeeze %dma_start3A_340 : memref<1x1x1x128xi32, #tpu.memory_space<hbm>> -> memref<1x128xi32, #tpu.memory_space<hbm>>
          tpu.enqueue_dma source(%dma_start3A_341 : memref<1x128xi32, #tpu.memory_space<hbm>>) target(%dma_start3A_337 : memref<1x128xi32, #tpu.memory_space<vmem>>) target_semaphore(%arg13 : memref<!tpu.dma_semaphore, #tpu.memory_space<semaphore_mem>>)
        } else {
        }
        %add3A_221 = arith.constant 2 : i32
        %add3A_222 = arith.addi %add3A_122, %add3A_221 : i32
        %dma_wait3A_223 = arith.constant 0 : i32
        %dma_wait3A_224 = arith.constant 0 : i32
        %dma_wait3A_225 = arith.constant 0 : i32
        %dma_wait3A_226 = arith.constant 0 : i32
        %dma_wait3A_227 = arith.constant 0 : i32
        %dma_wait3A_228 = tpu.memref_slice %arg8[%dma_wait3A_225, %dma_wait3A_226, %dma_wait3A_227] : memref<2x128x128xf32, #tpu.memory_space<vmem>> -> memref<1x128x128xf32, #tpu.memory_space<vmem>>
        %dma_wait3A_229 = tpu.memref_squeeze %dma_wait3A_228 : memref<1x128x128xf32, #tpu.memory_space<vmem>> -> memref<128x128xf32, #tpu.memory_space<vmem>>
        %dma_wait3A_230 = arith.constant 0 : i32
        %dma_wait3A_231 = tpu.memref_slice %arg6[%dma_wait3A_223, %dma_wait3A_224, %dma_wait3A_230] : memref<80x1x128xi32, #tpu.memory_space<vmem>> -> memref<1x1x128xi32, #tpu.memory_space<vmem>>
        %dma_wait3A_232 = tpu.memref_squeeze %dma_wait3A_231 : memref<1x1x128xi32, #tpu.memory_space<vmem>> -> memref<128xi32, #tpu.memory_space<vmem>>
        %dma_wait3A_233 = arith.constant 0 : i32
        %dma_wait3A_234 = arith.constant 0 : i32
        %dma_wait3A_235 = tpu.memref_slice %arg2[%dma_wait3A_233, %dma_wait3A_234] : memref<10240x128xf32, #tpu.memory_space<hbm>> -> memref<10240x128xf32, #tpu.memory_space<hbm>>
        tpu.wait_indirect_dma semaphore(%arg10 : memref<!tpu.dma_semaphore, #tpu.memory_space<semaphore_mem>>) src(%dma_wait3A_235 : memref<10240x128xf32, #tpu.memory_space<hbm>>) dst(%dma_wait3A_229 : memref<128x128xf32, #tpu.memory_space<vmem>>)
        %dma_wait3A_236 = arith.constant 1 : i32
        %dma_wait3A_237 = arith.constant 2 : i32
        %dma_wait3A_238 = arith.constant 0 : i32
        %dma_wait3A_239 = arith.constant 0 : i32
        %dma_wait3A_240 = tpu.memref_slice %arg7[%dma_wait3A_237, %dma_wait3A_238, %dma_wait3A_239] : memref<4x1x128xi32, #tpu.memory_space<vmem>> -> memref<1x1x128xi32, #tpu.memory_space<vmem>>
        %dma_wait3A_241 = tpu.memref_squeeze %dma_wait3A_240 : memref<1x1x128xi32, #tpu.memory_space<vmem>> -> memref<1x128xi32, #tpu.memory_space<vmem>>
        %dma_wait3A_242 = arith.constant 0 : i32
        %dma_wait3A_243 = arith.constant 0 : i32
        %dma_wait3A_244 = tpu.memref_slice %arg3[%dma_wait3A_236, %mul3A_8, %dma_wait3A_242, %dma_wait3A_243] : memref<2x2560x1x128xi32, #tpu.memory_space<hbm>> -> memref<1x1x1x128xi32, #tpu.memory_space<hbm>>
        %dma_wait3A_245 = tpu.memref_squeeze %dma_wait3A_244 : memref<1x1x1x128xi32, #tpu.memory_space<hbm>> -> memref<1x128xi32, #tpu.memory_space<hbm>>
        %dma_wait3A_246 = arith.constant 0 : i32
        %dma_wait3A_247 = arith.constant 0 : i32
        %dma_wait3A_248 = tpu.memref_slice %arg7[%dma_wait3A_237, %dma_wait3A_246, %dma_wait3A_247] : memref<4x1x128xi32, #tpu.memory_space<vmem>> -> memref<1x1x128xi32, #tpu.memory_space<vmem>>
        %dma_wait3A_249 = tpu.memref_squeeze %dma_wait3A_248 : memref<1x1x128xi32, #tpu.memory_space<vmem>> -> memref<1x128xi32, #tpu.memory_space<vmem>>
        %dma_wait3A_250 = arith.constant 0 : i32
        %dma_wait3A_251 = arith.constant 0 : i32
        %dma_wait3A_252 = tpu.memref_slice %arg3[%dma_wait3A_236, %mul3A_8, %dma_wait3A_250, %dma_wait3A_251] : memref<2x2560x1x128xi32, #tpu.memory_space<hbm>> -> memref<1x1x1x128xi32, #tpu.memory_space<hbm>>
        %dma_wait3A_253 = tpu.memref_squeeze %dma_wait3A_252 : memref<1x1x1x128xi32, #tpu.memory_space<hbm>> -> memref<1x128xi32, #tpu.memory_space<hbm>>
        tpu.wait_dma2 semaphore(%arg14 : memref<!tpu.dma_semaphore, #tpu.memory_space<semaphore_mem>>) src(%dma_wait3A_253 : memref<1x128xi32, #tpu.memory_space<hbm>>) dst(%dma_wait3A_249 : memref<1x128xi32, #tpu.memory_space<vmem>>)
        %run_scoped3A_254 = arith.constant 0 : i32
        %run_scoped3A_255 = arith.constant 2 : i32
        %run_scoped3A_256 = arith.constant 0 : i32
        "tpu.region"() ({
          %run_scoped3A_321 = tpu.sem_alloc : memref<!tpu.dma_semaphore, #tpu.memory_space<semaphore_mem>>
          %dma_start3A_322 = arith.constant 0 : i32
          %dma_start3A_323 = arith.constant 0 : i32
          %dma_start3A_324 = tpu.memref_slice %arg8[%run_scoped3A_254, %dma_start3A_322, %dma_start3A_323] : memref<2x128x128xf32, #tpu.memory_space<vmem>> -> memref<1x128x128xf32, #tpu.memory_space<vmem>>
          %dma_start3A_325 = tpu.memref_squeeze %dma_start3A_324 : memref<1x128x128xf32, #tpu.memory_space<vmem>> -> memref<128x128xf32, #tpu.memory_space<vmem>>
          %dma_start3A_326 = arith.constant 0 : i32
          %dma_start3A_327 = tpu.memref_slice %arg7[%run_scoped3A_255, %run_scoped3A_256, %dma_start3A_326] : memref<4x1x128xi32, #tpu.memory_space<vmem>> -> memref<1x1x128xi32, #tpu.memory_space<vmem>>
          %dma_start3A_328 = tpu.memref_squeeze %dma_start3A_327 : memref<1x1x128xi32, #tpu.memory_space<vmem>> -> memref<128xi32, #tpu.memory_space<vmem>>
          %dma_start3A_329 = arith.constant 0 : i32
          %dma_start3A_330 = arith.constant 0 : i32
          %dma_start3A_331 = tpu.memref_slice %arg9[%dma_start3A_329, %dma_start3A_330] : memref<10240x128xf32, #tpu.memory_space<vmem_shared>> -> memref<10240x128xf32, #tpu.memory_space<vmem_shared>>
          tpu.enqueue_indirect_dma source(%dma_start3A_325 : memref<128x128xf32, #tpu.memory_space<vmem>>) target(%dma_start3A_331 : memref<10240x128xf32, #tpu.memory_space<vmem_shared>>) offsets(%dma_start3A_328 : memref<128xi32, #tpu.memory_space<vmem>>) semaphore(%run_scoped3A_321 : memref<!tpu.dma_semaphore, #tpu.memory_space<semaphore_mem>>) {add = true}
          %dma_wait3A_332 = arith.constant 0 : i32
          %dma_wait3A_333 = arith.constant 0 : i32
          %dma_wait3A_334 = tpu.memref_slice %arg8[%run_scoped3A_254, %dma_wait3A_332, %dma_wait3A_333] : memref<2x128x128xf32, #tpu.memory_space<vmem>> -> memref<1x128x128xf32, #tpu.memory_space<vmem>>
          %dma_wait3A_335 = tpu.memref_squeeze %dma_wait3A_334 : memref<1x128x128xf32, #tpu.memory_space<vmem>> -> memref<128x128xf32, #tpu.memory_space<vmem>>
          %dma_wait3A_336 = arith.constant 0 : i32
          %dma_wait3A_337 = tpu.memref_slice %arg7[%run_scoped3A_255, %run_scoped3A_256, %dma_wait3A_336] : memref<4x1x128xi32, #tpu.memory_space<vmem>> -> memref<1x1x128xi32, #tpu.memory_space<vmem>>
          %dma_wait3A_338 = tpu.memref_squeeze %dma_wait3A_337 : memref<1x1x128xi32, #tpu.memory_space<vmem>> -> memref<128xi32, #tpu.memory_space<vmem>>
          %dma_wait3A_339 = arith.constant 0 : i32
          %dma_wait3A_340 = arith.constant 0 : i32
          %dma_wait3A_341 = tpu.memref_slice %arg9[%dma_wait3A_339, %dma_wait3A_340] : memref<10240x128xf32, #tpu.memory_space<vmem_shared>> -> memref<10240x128xf32, #tpu.memory_space<vmem_shared>>
          tpu.wait_indirect_dma semaphore(%run_scoped3A_321 : memref<!tpu.dma_semaphore, #tpu.memory_space<semaphore_mem>>) src(%dma_wait3A_335 : memref<128x128xf32, #tpu.memory_space<vmem>>) dst(%dma_wait3A_341 : memref<10240x128xf32, #tpu.memory_space<vmem_shared>>)
          tpu.yield
        }) : () -> ()
        %add3A_257 = arith.constant 2 : i32
        %add3A_258 = arith.addi %add3A_222, %add3A_257 : i32
        %lt3A_259 = arith.constant 80 : i32
        %lt3A_260 = arith.cmpi slt, %add3A_258, %lt3A_259 : i32
        %convert_element_type3A_261 = arith.extui %lt3A_260 : i1 to i32
        %cond3A_262 = arith.constant 0 : i32
        %cond3A_263 = arith.cmpi ne, %convert_element_type3A_261, %cond3A_262 : i32
        scf.if %cond3A_263 {
          %add3A_321 = arith.constant 2 : i32
          %add3A_322 = arith.addi %add3A_222, %add3A_321 : i32
          %dma_start3A_323 = arith.constant 0 : i32
          %dma_start3A_324 = arith.constant 0 : i32
          %dma_start3A_325 = arith.constant 0 : i32
          %dma_start3A_326 = arith.constant 0 : i32
          %dma_start3A_327 = tpu.memref_slice %arg8[%dma_start3A_324, %dma_start3A_325, %dma_start3A_326] : memref<2x128x128xf32, #tpu.memory_space<vmem>> -> memref<1x128x128xf32, #tpu.memory_space<vmem>>
          %dma_start3A_328 = tpu.memref_squeeze %dma_start3A_327 : memref<1x128x128xf32, #tpu.memory_space<vmem>> -> memref<128x128xf32, #tpu.memory_space<vmem>>
          %dma_start3A_329 = arith.constant 0 : i32
          %dma_start3A_330 = tpu.memref_slice %arg6[%add3A_322, %dma_start3A_323, %dma_start3A_329] : memref<80x1x128xi32, #tpu.memory_space<vmem>> -> memref<1x1x128xi32, #tpu.memory_space<vmem>>
          %dma_start3A_331 = tpu.memref_squeeze %dma_start3A_330 : memref<1x1x128xi32, #tpu.memory_space<vmem>> -> memref<128xi32, #tpu.memory_space<vmem>>
          %dma_start3A_332 = arith.constant 0 : i32
          %dma_start3A_333 = arith.constant 0 : i32
          %dma_start3A_334 = tpu.memref_slice %arg2[%dma_start3A_332, %dma_start3A_333] : memref<10240x128xf32, #tpu.memory_space<hbm>> -> memref<10240x128xf32, #tpu.memory_space<hbm>>
          tpu.enqueue_indirect_dma source(%dma_start3A_334 : memref<10240x128xf32, #tpu.memory_space<hbm>>) target(%dma_start3A_328 : memref<128x128xf32, #tpu.memory_space<vmem>>) offsets(%dma_start3A_331 : memref<128xi32, #tpu.memory_space<vmem>>) semaphore(%arg10 : memref<!tpu.dma_semaphore, #tpu.memory_space<semaphore_mem>>)
        } else {
        }
        %add3A_264 = arith.constant 4 : i32
        %add3A_265 = arith.addi %add3A_222, %add3A_264 : i32
        %lt3A_266 = arith.constant 80 : i32
        %lt3A_267 = arith.cmpi slt, %add3A_265, %lt3A_266 : i32
        %convert_element_type3A_268 = arith.extui %lt3A_267 : i1 to i32
        %cond3A_269 = arith.constant 0 : i32
        %cond3A_270 = arith.cmpi ne, %convert_element_type3A_268, %cond3A_269 : i32
        scf.if %cond3A_270 {
          %add3A_321 = arith.addi %mul3A_8, %add3A_222 : i32
          %add3A_322 = arith.constant 4 : i32
          %add3A_323 = arith.addi %add3A_321, %add3A_322 : i32
          %dma_start3A_324 = arith.constant 1 : i32
          %dma_start3A_325 = arith.constant 2 : i32
          %dma_start3A_326 = arith.constant 0 : i32
          %dma_start3A_327 = arith.constant 0 : i32
          %dma_start3A_328 = tpu.memref_slice %arg7[%dma_start3A_325, %dma_start3A_326, %dma_start3A_327] : memref<4x1x128xi32, #tpu.memory_space<vmem>> -> memref<1x1x128xi32, #tpu.memory_space<vmem>>
          %dma_start3A_329 = tpu.memref_squeeze %dma_start3A_328 : memref<1x1x128xi32, #tpu.memory_space<vmem>> -> memref<1x128xi32, #tpu.memory_space<vmem>>
          %dma_start3A_330 = arith.constant 0 : i32
          %dma_start3A_331 = arith.constant 0 : i32
          %dma_start3A_332 = tpu.memref_slice %arg3[%dma_start3A_324, %add3A_323, %dma_start3A_330, %dma_start3A_331] : memref<2x2560x1x128xi32, #tpu.memory_space<hbm>> -> memref<1x1x1x128xi32, #tpu.memory_space<hbm>>
          %dma_start3A_333 = tpu.memref_squeeze %dma_start3A_332 : memref<1x1x1x128xi32, #tpu.memory_space<hbm>> -> memref<1x128xi32, #tpu.memory_space<hbm>>
          %dma_start3A_334 = arith.constant 0 : i32
          %dma_start3A_335 = arith.constant 0 : i32
          %dma_start3A_336 = tpu.memref_slice %arg7[%dma_start3A_325, %dma_start3A_334, %dma_start3A_335] : memref<4x1x128xi32, #tpu.memory_space<vmem>> -> memref<1x1x128xi32, #tpu.memory_space<vmem>>
          %dma_start3A_337 = tpu.memref_squeeze %dma_start3A_336 : memref<1x1x128xi32, #tpu.memory_space<vmem>> -> memref<1x128xi32, #tpu.memory_space<vmem>>
          %dma_start3A_338 = arith.constant 0 : i32
          %dma_start3A_339 = arith.constant 0 : i32
          %dma_start3A_340 = tpu.memref_slice %arg3[%dma_start3A_324, %add3A_323, %dma_start3A_338, %dma_start3A_339] : memref<2x2560x1x128xi32, #tpu.memory_space<hbm>> -> memref<1x1x1x128xi32, #tpu.memory_space<hbm>>
          %dma_start3A_341 = tpu.memref_squeeze %dma_start3A_340 : memref<1x1x1x128xi32, #tpu.memory_space<hbm>> -> memref<1x128xi32, #tpu.memory_space<hbm>>
          tpu.enqueue_dma source(%dma_start3A_341 : memref<1x128xi32, #tpu.memory_space<hbm>>) target(%dma_start3A_337 : memref<1x128xi32, #tpu.memory_space<vmem>>) target_semaphore(%arg14 : memref<!tpu.dma_semaphore, #tpu.memory_space<semaphore_mem>>)
        } else {
        }
        %add3A_271 = arith.constant 3 : i32
        %add3A_272 = arith.addi %add3A_122, %add3A_271 : i32
        %dma_wait3A_273 = arith.constant 0 : i32
        %dma_wait3A_274 = arith.constant 0 : i32
        %dma_wait3A_275 = arith.constant 1 : i32
        %dma_wait3A_276 = arith.constant 0 : i32
        %dma_wait3A_277 = arith.constant 0 : i32
        %dma_wait3A_278 = tpu.memref_slice %arg8[%dma_wait3A_275, %dma_wait3A_276, %dma_wait3A_277] : memref<2x128x128xf32, #tpu.memory_space<vmem>> -> memref<1x128x128xf32, #tpu.memory_space<vmem>>
        %dma_wait3A_279 = tpu.memref_squeeze %dma_wait3A_278 : memref<1x128x128xf32, #tpu.memory_space<vmem>> -> memref<128x128xf32, #tpu.memory_space<vmem>>
        %dma_wait3A_280 = arith.constant 0 : i32
        %dma_wait3A_281 = tpu.memref_slice %arg6[%dma_wait3A_273, %dma_wait3A_274, %dma_wait3A_280] : memref<80x1x128xi32, #tpu.memory_space<vmem>> -> memref<1x1x128xi32, #tpu.memory_space<vmem>>
        %dma_wait3A_282 = tpu.memref_squeeze %dma_wait3A_281 : memref<1x1x128xi32, #tpu.memory_space<vmem>> -> memref<128xi32, #tpu.memory_space<vmem>>
        %dma_wait3A_283 = arith.constant 0 : i32
        %dma_wait3A_284 = arith.constant 0 : i32
        %dma_wait3A_285 = tpu.memref_slice %arg2[%dma_wait3A_283, %dma_wait3A_284] : memref<10240x128xf32, #tpu.memory_space<hbm>> -> memref<10240x128xf32, #tpu.memory_space<hbm>>
        tpu.wait_indirect_dma semaphore(%arg11 : memref<!tpu.dma_semaphore, #tpu.memory_space<semaphore_mem>>) src(%dma_wait3A_285 : memref<10240x128xf32, #tpu.memory_space<hbm>>) dst(%dma_wait3A_279 : memref<128x128xf32, #tpu.memory_space<vmem>>)
        %dma_wait3A_286 = arith.constant 1 : i32
        %dma_wait3A_287 = arith.constant 3 : i32
        %dma_wait3A_288 = arith.constant 0 : i32
        %dma_wait3A_289 = arith.constant 0 : i32
        %dma_wait3A_290 = tpu.memref_slice %arg7[%dma_wait3A_287, %dma_wait3A_288, %dma_wait3A_289] : memref<4x1x128xi32, #tpu.memory_space<vmem>> -> memref<1x1x128xi32, #tpu.memory_space<vmem>>
        %dma_wait3A_291 = tpu.memref_squeeze %dma_wait3A_290 : memref<1x1x128xi32, #tpu.memory_space<vmem>> -> memref<1x128xi32, #tpu.memory_space<vmem>>
        %dma_wait3A_292 = arith.constant 0 : i32
        %dma_wait3A_293 = arith.constant 0 : i32
        %dma_wait3A_294 = tpu.memref_slice %arg3[%dma_wait3A_286, %mul3A_8, %dma_wait3A_292, %dma_wait3A_293] : memref<2x2560x1x128xi32, #tpu.memory_space<hbm>> -> memref<1x1x1x128xi32, #tpu.memory_space<hbm>>
        %dma_wait3A_295 = tpu.memref_squeeze %dma_wait3A_294 : memref<1x1x1x128xi32, #tpu.memory_space<hbm>> -> memref<1x128xi32, #tpu.memory_space<hbm>>
        %dma_wait3A_296 = arith.constant 0 : i32
        %dma_wait3A_297 = arith.constant 0 : i32
        %dma_wait3A_298 = tpu.memref_slice %arg7[%dma_wait3A_287, %dma_wait3A_296, %dma_wait3A_297] : memref<4x1x128xi32, #tpu.memory_space<vmem>> -> memref<1x1x128xi32, #tpu.memory_space<vmem>>
        %dma_wait3A_299 = tpu.memref_squeeze %dma_wait3A_298 : memref<1x1x128xi32, #tpu.memory_space<vmem>> -> memref<1x128xi32, #tpu.memory_space<vmem>>
        %dma_wait3A_300 = arith.constant 0 : i32
        %dma_wait3A_301 = arith.constant 0 : i32
        %dma_wait3A_302 = tpu.memref_slice %arg3[%dma_wait3A_286, %mul3A_8, %dma_wait3A_300, %dma_wait3A_301] : memref<2x2560x1x128xi32, #tpu.memory_space<hbm>> -> memref<1x1x1x128xi32, #tpu.memory_space<hbm>>
        %dma_wait3A_303 = tpu.memref_squeeze %dma_wait3A_302 : memref<1x1x1x128xi32, #tpu.memory_space<hbm>> -> memref<1x128xi32, #tpu.memory_space<hbm>>
        tpu.wait_dma2 semaphore(%arg15 : memref<!tpu.dma_semaphore, #tpu.memory_space<semaphore_mem>>) src(%dma_wait3A_303 : memref<1x128xi32, #tpu.memory_space<hbm>>) dst(%dma_wait3A_299 : memref<1x128xi32, #tpu.memory_space<vmem>>)
        %run_scoped3A_304 = arith.constant 1 : i32
        %run_scoped3A_305 = arith.constant 3 : i32
        %run_scoped3A_306 = arith.constant 0 : i32
        "tpu.region"() ({
          %run_scoped3A_321 = tpu.sem_alloc : memref<!tpu.dma_semaphore, #tpu.memory_space<semaphore_mem>>
          %dma_start3A_322 = arith.constant 0 : i32
          %dma_start3A_323 = arith.constant 0 : i32
          %dma_start3A_324 = tpu.memref_slice %arg8[%run_scoped3A_304, %dma_start3A_322, %dma_start3A_323] : memref<2x128x128xf32, #tpu.memory_space<vmem>> -> memref<1x128x128xf32, #tpu.memory_space<vmem>>
          %dma_start3A_325 = tpu.memref_squeeze %dma_start3A_324 : memref<1x128x128xf32, #tpu.memory_space<vmem>> -> memref<128x128xf32, #tpu.memory_space<vmem>>
          %dma_start3A_326 = arith.constant 0 : i32
          %dma_start3A_327 = tpu.memref_slice %arg7[%run_scoped3A_305, %run_scoped3A_306, %dma_start3A_326] : memref<4x1x128xi32, #tpu.memory_space<vmem>> -> memref<1x1x128xi32, #tpu.memory_space<vmem>>
          %dma_start3A_328 = tpu.memref_squeeze %dma_start3A_327 : memref<1x1x128xi32, #tpu.memory_space<vmem>> -> memref<128xi32, #tpu.memory_space<vmem>>
          %dma_start3A_329 = arith.constant 0 : i32
          %dma_start3A_330 = arith.constant 0 : i32
          %dma_start3A_331 = tpu.memref_slice %arg9[%dma_start3A_329, %dma_start3A_330] : memref<10240x128xf32, #tpu.memory_space<vmem_shared>> -> memref<10240x128xf32, #tpu.memory_space<vmem_shared>>
          tpu.enqueue_indirect_dma source(%dma_start3A_325 : memref<128x128xf32, #tpu.memory_space<vmem>>) target(%dma_start3A_331 : memref<10240x128xf32, #tpu.memory_space<vmem_shared>>) offsets(%dma_start3A_328 : memref<128xi32, #tpu.memory_space<vmem>>) semaphore(%run_scoped3A_321 : memref<!tpu.dma_semaphore, #tpu.memory_space<semaphore_mem>>) {add = true}
          %dma_wait3A_332 = arith.constant 0 : i32
          %dma_wait3A_333 = arith.constant 0 : i32
          %dma_wait3A_334 = tpu.memref_slice %arg8[%run_scoped3A_304, %dma_wait3A_332, %dma_wait3A_333] : memref<2x128x128xf32, #tpu.memory_space<vmem>> -> memref<1x128x128xf32, #tpu.memory_space<vmem>>
          %dma_wait3A_335 = tpu.memref_squeeze %dma_wait3A_334 : memref<1x128x128xf32, #tpu.memory_space<vmem>> -> memref<128x128xf32, #tpu.memory_space<vmem>>
          %dma_wait3A_336 = arith.constant 0 : i32
          %dma_wait3A_337 = tpu.memref_slice %arg7[%run_scoped3A_305, %run_scoped3A_306, %dma_wait3A_336] : memref<4x1x128xi32, #tpu.memory_space<vmem>> -> memref<1x1x128xi32, #tpu.memory_space<vmem>>
          %dma_wait3A_338 = tpu.memref_squeeze %dma_wait3A_337 : memref<1x1x128xi32, #tpu.memory_space<vmem>> -> memref<128xi32, #tpu.memory_space<vmem>>
          %dma_wait3A_339 = arith.constant 0 : i32
          %dma_wait3A_340 = arith.constant 0 : i32
          %dma_wait3A_341 = tpu.memref_slice %arg9[%dma_wait3A_339, %dma_wait3A_340] : memref<10240x128xf32, #tpu.memory_space<vmem_shared>> -> memref<10240x128xf32, #tpu.memory_space<vmem_shared>>
          tpu.wait_indirect_dma semaphore(%run_scoped3A_321 : memref<!tpu.dma_semaphore, #tpu.memory_space<semaphore_mem>>) src(%dma_wait3A_335 : memref<128x128xf32, #tpu.memory_space<vmem>>) dst(%dma_wait3A_341 : memref<10240x128xf32, #tpu.memory_space<vmem_shared>>)
          tpu.yield
        }) : () -> ()
        %add3A_307 = arith.constant 2 : i32
        %add3A_308 = arith.addi %add3A_272, %add3A_307 : i32
        %lt3A_309 = arith.constant 80 : i32
        %lt3A_310 = arith.cmpi slt, %add3A_308, %lt3A_309 : i32
        %convert_element_type3A_311 = arith.extui %lt3A_310 : i1 to i32
        %cond3A_312 = arith.constant 0 : i32
        %cond3A_313 = arith.cmpi ne, %convert_element_type3A_311, %cond3A_312 : i32
        scf.if %cond3A_313 {
          %add3A_321 = arith.constant 2 : i32
          %add3A_322 = arith.addi %add3A_272, %add3A_321 : i32
          %dma_start3A_323 = arith.constant 0 : i32
          %dma_start3A_324 = arith.constant 1 : i32
          %dma_start3A_325 = arith.constant 0 : i32
          %dma_start3A_326 = arith.constant 0 : i32
          %dma_start3A_327 = tpu.memref_slice %arg8[%dma_start3A_324, %dma_start3A_325, %dma_start3A_326] : memref<2x128x128xf32, #tpu.memory_space<vmem>> -> memref<1x128x128xf32, #tpu.memory_space<vmem>>
          %dma_start3A_328 = tpu.memref_squeeze %dma_start3A_327 : memref<1x128x128xf32, #tpu.memory_space<vmem>> -> memref<128x128xf32, #tpu.memory_space<vmem>>
          %dma_start3A_329 = arith.constant 0 : i32
          %dma_start3A_330 = tpu.memref_slice %arg6[%add3A_322, %dma_start3A_323, %dma_start3A_329] : memref<80x1x128xi32, #tpu.memory_space<vmem>> -> memref<1x1x128xi32, #tpu.memory_space<vmem>>
          %dma_start3A_331 = tpu.memref_squeeze %dma_start3A_330 : memref<1x1x128xi32, #tpu.memory_space<vmem>> -> memref<128xi32, #tpu.memory_space<vmem>>
          %dma_start3A_332 = arith.constant 0 : i32
          %dma_start3A_333 = arith.constant 0 : i32
          %dma_start3A_334 = tpu.memref_slice %arg2[%dma_start3A_332, %dma_start3A_333] : memref<10240x128xf32, #tpu.memory_space<hbm>> -> memref<10240x128xf32, #tpu.memory_space<hbm>>
          tpu.enqueue_indirect_dma source(%dma_start3A_334 : memref<10240x128xf32, #tpu.memory_space<hbm>>) target(%dma_start3A_328 : memref<128x128xf32, #tpu.memory_space<vmem>>) offsets(%dma_start3A_331 : memref<128xi32, #tpu.memory_space<vmem>>) semaphore(%arg11 : memref<!tpu.dma_semaphore, #tpu.memory_space<semaphore_mem>>)
        } else {
        }
        %add3A_314 = arith.constant 4 : i32
        %add3A_315 = arith.addi %add3A_272, %add3A_314 : i32
        %lt3A_316 = arith.constant 80 : i32
        %lt3A_317 = arith.cmpi slt, %add3A_315, %lt3A_316 : i32
        %convert_element_type3A_318 = arith.extui %lt3A_317 : i1 to i32
        %cond3A_319 = arith.constant 0 : i32
        %cond3A_320 = arith.cmpi ne, %convert_element_type3A_318, %cond3A_319 : i32
        scf.if %cond3A_320 {
          %add3A_321 = arith.addi %mul3A_8, %add3A_272 : i32
          %add3A_322 = arith.constant 4 : i32
          %add3A_323 = arith.addi %add3A_321, %add3A_322 : i32
          %dma_start3A_324 = arith.constant 1 : i32
          %dma_start3A_325 = arith.constant 3 : i32
          %dma_start3A_326 = arith.constant 0 : i32
          %dma_start3A_327 = arith.constant 0 : i32
          %dma_start3A_328 = tpu.memref_slice %arg7[%dma_start3A_325, %dma_start3A_326, %dma_start3A_327] : memref<4x1x128xi32, #tpu.memory_space<vmem>> -> memref<1x1x128xi32, #tpu.memory_space<vmem>>
          %dma_start3A_329 = tpu.memref_squeeze %dma_start3A_328 : memref<1x1x128xi32, #tpu.memory_space<vmem>> -> memref<1x128xi32, #tpu.memory_space<vmem>>
          %dma_start3A_330 = arith.constant 0 : i32
          %dma_start3A_331 = arith.constant 0 : i32
          %dma_start3A_332 = tpu.memref_slice %arg3[%dma_start3A_324, %add3A_323, %dma_start3A_330, %dma_start3A_331] : memref<2x2560x1x128xi32, #tpu.memory_space<hbm>> -> memref<1x1x1x128xi32, #tpu.memory_space<hbm>>
          %dma_start3A_333 = tpu.memref_squeeze %dma_start3A_332 : memref<1x1x1x128xi32, #tpu.memory_space<hbm>> -> memref<1x128xi32, #tpu.memory_space<hbm>>
          %dma_start3A_334 = arith.constant 0 : i32
          %dma_start3A_335 = arith.constant 0 : i32
          %dma_start3A_336 = tpu.memref_slice %arg7[%dma_start3A_325, %dma_start3A_334, %dma_start3A_335] : memref<4x1x128xi32, #tpu.memory_space<vmem>> -> memref<1x1x128xi32, #tpu.memory_space<vmem>>
          %dma_start3A_337 = tpu.memref_squeeze %dma_start3A_336 : memref<1x1x128xi32, #tpu.memory_space<vmem>> -> memref<1x128xi32, #tpu.memory_space<vmem>>
          %dma_start3A_338 = arith.constant 0 : i32
          %dma_start3A_339 = arith.constant 0 : i32
          %dma_start3A_340 = tpu.memref_slice %arg3[%dma_start3A_324, %add3A_323, %dma_start3A_338, %dma_start3A_339] : memref<2x2560x1x128xi32, #tpu.memory_space<hbm>> -> memref<1x1x1x128xi32, #tpu.memory_space<hbm>>
          %dma_start3A_341 = tpu.memref_squeeze %dma_start3A_340 : memref<1x1x1x128xi32, #tpu.memory_space<hbm>> -> memref<1x128xi32, #tpu.memory_space<hbm>>
          tpu.enqueue_dma source(%dma_start3A_341 : memref<1x128xi32, #tpu.memory_space<hbm>>) target(%dma_start3A_337 : memref<1x128xi32, #tpu.memory_space<vmem>>) target_semaphore(%arg15 : memref<!tpu.dma_semaphore, #tpu.memory_space<semaphore_mem>>)
        } else {
        }
      }
      %scan3A_117 = arith.constant 20 : i32
    } else {
    }
    %ne3A = arith.constant 0 : i32
    %ne3A_3 = arith.cmpi ne, %arg0, %ne3A : i32
    %convert_element_type3A_4 = arith.extui %ne3A_3 : i1 to i32
    %cond3A_5 = arith.constant 0 : i32
    %cond3A_6 = arith.cmpi ne, %convert_element_type3A_4, %cond3A_5 : i32
    scf.if %cond3A_6 {
      "tpu.region"() ({
        %run_scoped3A_120 = tpu.sem_alloc : memref<!tpu.dma_semaphore, #tpu.memory_space<semaphore_mem>>
        %dma_start3A_121 = arith.constant 0 : i32
        %dma_start3A_122 = tpu.memref_slice %arg9[%mul3A_0, %dma_start3A_121] : memref<10240x128xf32, #tpu.memory_space<vmem_shared>> -> memref<640x128xf32, #tpu.memory_space<vmem_shared>>
        %dma_start3A_123 = arith.constant 0 : i32
        %dma_start3A_124 = tpu.memref_slice %arg4[%mul3A_0, %dma_start3A_123] : memref<10240x128xf32, #tpu.memory_space<hbm>> -> memref<640x128xf32, #tpu.memory_space<hbm>>
        tpu.enqueue_dma source(%dma_start3A_124 : memref<640x128xf32, #tpu.memory_space<hbm>>) target(%dma_start3A_122 : memref<640x128xf32, #tpu.memory_space<vmem_shared>>) target_semaphore(%run_scoped3A_120 : memref<!tpu.dma_semaphore, #tpu.memory_space<semaphore_mem>>)
        %dma_wait3A = arith.constant 0 : i32
        %dma_wait3A_125 = tpu.memref_slice %arg9[%mul3A_0, %dma_wait3A] : memref<10240x128xf32, #tpu.memory_space<vmem_shared>> -> memref<640x128xf32, #tpu.memory_space<vmem_shared>>
        %dma_wait3A_126 = arith.constant 0 : i32
        %dma_wait3A_127 = tpu.memref_slice %arg4[%mul3A_0, %dma_wait3A_126] : memref<10240x128xf32, #tpu.memory_space<hbm>> -> memref<640x128xf32, #tpu.memory_space<hbm>>
        tpu.wait_dma2 semaphore(%run_scoped3A_120 : memref<!tpu.dma_semaphore, #tpu.memory_space<semaphore_mem>>) src(%dma_wait3A_127 : memref<640x128xf32, #tpu.memory_space<hbm>>) dst(%dma_wait3A_125 : memref<640x128xf32, #tpu.memory_space<vmem_shared>>)
        tpu.yield
      }) : () -> ()
      %mul3A_7 = arith.constant 80 : i32
      %mul3A_8 = arith.muli %arg1, %mul3A_7 : i32
      %add3A = arith.constant 1280 : i32
      %add3A_9 = arith.addi %add3A, %mul3A_8 : i32
      %run_scoped3A = arith.constant 0 : i32
      "tpu.region"() ({
        %run_scoped3A_120 = tpu.sem_alloc : memref<!tpu.dma_semaphore, #tpu.memory_space<semaphore_mem>>
        %dma_start3A_121 = arith.constant 0 : i32
        %dma_start3A_122 = arith.constant 0 : i32
        %dma_start3A_123 = arith.constant 0 : i32
        %dma_start3A_124 = tpu.memref_slice %arg6[%dma_start3A_121, %dma_start3A_122, %dma_start3A_123] : memref<80x1x128xi32, #tpu.memory_space<vmem>> -> memref<80x1x128xi32, #tpu.memory_space<vmem>>
        %dma_start3A_125 = arith.constant 0 : i32
        %dma_start3A_126 = arith.constant 0 : i32
        %dma_start3A_127 = tpu.memref_slice %arg3[%run_scoped3A, %add3A_9, %dma_start3A_125, %dma_start3A_126] : memref<2x2560x1x128xi32, #tpu.memory_space<hbm>> -> memref<1x80x1x128xi32, #tpu.memory_space<hbm>>
        %dma_start3A_128 = tpu.memref_squeeze %dma_start3A_127 : memref<1x80x1x128xi32, #tpu.memory_space<hbm>> -> memref<80x1x128xi32, #tpu.memory_space<hbm>>
        %dma_start3A_129 = arith.constant 0 : i32
        %dma_start3A_130 = arith.constant 0 : i32
        %dma_start3A_131 = arith.constant 0 : i32
        %dma_start3A_132 = tpu.memref_slice %arg6[%dma_start3A_129, %dma_start3A_130, %dma_start3A_131] : memref<80x1x128xi32, #tpu.memory_space<vmem>> -> memref<80x1x128xi32, #tpu.memory_space<vmem>>
        %dma_start3A_133 = arith.constant 0 : i32
        %dma_start3A_134 = arith.constant 0 : i32
        %dma_start3A_135 = tpu.memref_slice %arg3[%run_scoped3A, %add3A_9, %dma_start3A_133, %dma_start3A_134] : memref<2x2560x1x128xi32, #tpu.memory_space<hbm>> -> memref<1x80x1x128xi32, #tpu.memory_space<hbm>>
        %dma_start3A_136 = tpu.memref_squeeze %dma_start3A_135 : memref<1x80x1x128xi32, #tpu.memory_space<hbm>> -> memref<80x1x128xi32, #tpu.memory_space<hbm>>
        tpu.enqueue_dma source(%dma_start3A_136 : memref<80x1x128xi32, #tpu.memory_space<hbm>>) target(%dma_start3A_132 : memref<80x1x128xi32, #tpu.memory_space<vmem>>) target_semaphore(%run_scoped3A_120 : memref<!tpu.dma_semaphore, #tpu.memory_space<semaphore_mem>>)
        %dma_wait3A = arith.constant 0 : i32
        %dma_wait3A_137 = arith.constant 0 : i32
        %dma_wait3A_138 = arith.constant 0 : i32
        %dma_wait3A_139 = tpu.memref_slice %arg6[%dma_wait3A, %dma_wait3A_137, %dma_wait3A_138] : memref<80x1x128xi32, #tpu.memory_space<vmem>> -> memref<80x1x128xi32, #tpu.memory_space<vmem>>
        %dma_wait3A_140 = arith.constant 0 : i32
        %dma_wait3A_141 = arith.constant 0 : i32
        %dma_wait3A_142 = tpu.memref_slice %arg3[%run_scoped3A, %add3A_9, %dma_wait3A_140, %dma_wait3A_141] : memref<2x2560x1x128xi32, #tpu.memory_space<hbm>> -> memref<1x80x1x128xi32, #tpu.memory_space<hbm>>
        %dma_wait3A_143 = tpu.memref_squeeze %dma_wait3A_142 : memref<1x80x1x128xi32, #tpu.memory_space<hbm>> -> memref<80x1x128xi32, #tpu.memory_space<hbm>>
        %dma_wait3A_144 = arith.constant 0 : i32
        %dma_wait3A_145 = arith.constant 0 : i32
        %dma_wait3A_146 = arith.constant 0 : i32
        %dma_wait3A_147 = tpu.memref_slice %arg6[%dma_wait3A_144, %dma_wait3A_145, %dma_wait3A_146] : memref<80x1x128xi32, #tpu.memory_space<vmem>> -> memref<80x1x128xi32, #tpu.memory_space<vmem>>
        %dma_wait3A_148 = arith.constant 0 : i32
        %dma_wait3A_149 = arith.constant 0 : i32
        %dma_wait3A_150 = tpu.memref_slice %arg3[%run_scoped3A, %add3A_9, %dma_wait3A_148, %dma_wait3A_149] : memref<2x2560x1x128xi32, #tpu.memory_space<hbm>> -> memref<1x80x1x128xi32, #tpu.memory_space<hbm>>
        %dma_wait3A_151 = tpu.memref_squeeze %dma_wait3A_150 : memref<1x80x1x128xi32, #tpu.memory_space<hbm>> -> memref<80x1x128xi32, #tpu.memory_space<hbm>>
        tpu.wait_dma2 semaphore(%run_scoped3A_120 : memref<!tpu.dma_semaphore, #tpu.memory_space<semaphore_mem>>) src(%dma_wait3A_151 : memref<80x1x128xi32, #tpu.memory_space<hbm>>) dst(%dma_wait3A_147 : memref<80x1x128xi32, #tpu.memory_space<vmem>>)
        tpu.yield
      }) : () -> ()
      %add3A_10 = arith.constant 0 : i32
      %add3A_11 = arith.addi %add3A_9, %add3A_10 : i32
      %dma_start3A = arith.constant 1 : i32
      %dma_start3A_12 = arith.constant 0 : i32
      %dma_start3A_13 = arith.constant 0 : i32
      %dma_start3A_14 = arith.constant 0 : i32
      %dma_start3A_15 = tpu.memref_slice %arg7[%dma_start3A_12, %dma_start3A_13, %dma_start3A_14] : memref<4x1x128xi32, #tpu.memory_space<vmem>> -> memref<1x1x128xi32, #tpu.memory_space<vmem>>
      %dma_start3A_16 = tpu.memref_squeeze %dma_start3A_15 : memref<1x1x128xi32, #tpu.memory_space<vmem>> -> memref<1x128xi32, #tpu.memory_space<vmem>>
      %dma_start3A_17 = arith.constant 0 : i32
      %dma_start3A_18 = arith.constant 0 : i32
      %dma_start3A_19 = tpu.memref_slice %arg3[%dma_start3A, %add3A_11, %dma_start3A_17, %dma_start3A_18] : memref<2x2560x1x128xi32, #tpu.memory_space<hbm>> -> memref<1x1x1x128xi32, #tpu.memory_space<hbm>>
      %dma_start3A_20 = tpu.memref_squeeze %dma_start3A_19 : memref<1x1x1x128xi32, #tpu.memory_space<hbm>> -> memref<1x128xi32, #tpu.memory_space<hbm>>
      %dma_start3A_21 = arith.constant 0 : i32
      %dma_start3A_22 = arith.constant 0 : i32
      %dma_start3A_23 = tpu.memref_slice %arg7[%dma_start3A_12, %dma_start3A_21, %dma_start3A_22] : memref<4x1x128xi32, #tpu.memory_space<vmem>> -> memref<1x1x128xi32, #tpu.memory_space<vmem>>
      %dma_start3A_24 = tpu.memref_squeeze %dma_start3A_23 : memref<1x1x128xi32, #tpu.memory_space<vmem>> -> memref<1x128xi32, #tpu.memory_space<vmem>>
      %dma_start3A_25 = arith.constant 0 : i32
      %dma_start3A_26 = arith.constant 0 : i32
      %dma_start3A_27 = tpu.memref_slice %arg3[%dma_start3A, %add3A_11, %dma_start3A_25, %dma_start3A_26] : memref<2x2560x1x128xi32, #tpu.memory_space<hbm>> -> memref<1x1x1x128xi32, #tpu.memory_space<hbm>>
      %dma_start3A_28 = tpu.memref_squeeze %dma_start3A_27 : memref<1x1x1x128xi32, #tpu.memory_space<hbm>> -> memref<1x128xi32, #tpu.memory_space<hbm>>
      tpu.enqueue_dma source(%dma_start3A_28 : memref<1x128xi32, #tpu.memory_space<hbm>>) target(%dma_start3A_24 : memref<1x128xi32, #tpu.memory_space<vmem>>) target_semaphore(%arg12 : memref<!tpu.dma_semaphore, #tpu.memory_space<semaphore_mem>>)
      %add3A_29 = arith.constant 1 : i32
      %add3A_30 = arith.addi %add3A_9, %add3A_29 : i32
      %dma_start3A_31 = arith.constant 1 : i32
      %dma_start3A_32 = arith.constant 1 : i32
      %dma_start3A_33 = arith.constant 0 : i32
      %dma_start3A_34 = arith.constant 0 : i32
      %dma_start3A_35 = tpu.memref_slice %arg7[%dma_start3A_32, %dma_start3A_33, %dma_start3A_34] : memref<4x1x128xi32, #tpu.memory_space<vmem>> -> memref<1x1x128xi32, #tpu.memory_space<vmem>>
      %dma_start3A_36 = tpu.memref_squeeze %dma_start3A_35 : memref<1x1x128xi32, #tpu.memory_space<vmem>> -> memref<1x128xi32, #tpu.memory_space<vmem>>
      %dma_start3A_37 = arith.constant 0 : i32
      %dma_start3A_38 = arith.constant 0 : i32
      %dma_start3A_39 = tpu.memref_slice %arg3[%dma_start3A_31, %add3A_30, %dma_start3A_37, %dma_start3A_38] : memref<2x2560x1x128xi32, #tpu.memory_space<hbm>> -> memref<1x1x1x128xi32, #tpu.memory_space<hbm>>
      %dma_start3A_40 = tpu.memref_squeeze %dma_start3A_39 : memref<1x1x1x128xi32, #tpu.memory_space<hbm>> -> memref<1x128xi32, #tpu.memory_space<hbm>>
      %dma_start3A_41 = arith.constant 0 : i32
      %dma_start3A_42 = arith.constant 0 : i32
      %dma_start3A_43 = tpu.memref_slice %arg7[%dma_start3A_32, %dma_start3A_41, %dma_start3A_42] : memref<4x1x128xi32, #tpu.memory_space<vmem>> -> memref<1x1x128xi32, #tpu.memory_space<vmem>>
      %dma_start3A_44 = tpu.memref_squeeze %dma_start3A_43 : memref<1x1x128xi32, #tpu.memory_space<vmem>> -> memref<1x128xi32, #tpu.memory_space<vmem>>
      %dma_start3A_45 = arith.constant 0 : i32
      %dma_start3A_46 = arith.constant 0 : i32
      %dma_start3A_47 = tpu.memref_slice %arg3[%dma_start3A_31, %add3A_30, %dma_start3A_45, %dma_start3A_46] : memref<2x2560x1x128xi32, #tpu.memory_space<hbm>> -> memref<1x1x1x128xi32, #tpu.memory_space<hbm>>
      %dma_start3A_48 = tpu.memref_squeeze %dma_start3A_47 : memref<1x1x1x128xi32, #tpu.memory_space<hbm>> -> memref<1x128xi32, #tpu.memory_space<hbm>>
      tpu.enqueue_dma source(%dma_start3A_48 : memref<1x128xi32, #tpu.memory_space<hbm>>) target(%dma_start3A_44 : memref<1x128xi32, #tpu.memory_space<vmem>>) target_semaphore(%arg13 : memref<!tpu.dma_semaphore, #tpu.memory_space<semaphore_mem>>)
      %add3A_49 = arith.constant 2 : i32
      %add3A_50 = arith.addi %add3A_9, %add3A_49 : i32
      %dma_start3A_51 = arith.constant 1 : i32
      %dma_start3A_52 = arith.constant 2 : i32
      %dma_start3A_53 = arith.constant 0 : i32
      %dma_start3A_54 = arith.constant 0 : i32
      %dma_start3A_55 = tpu.memref_slice %arg7[%dma_start3A_52, %dma_start3A_53, %dma_start3A_54] : memref<4x1x128xi32, #tpu.memory_space<vmem>> -> memref<1x1x128xi32, #tpu.memory_space<vmem>>
      %dma_start3A_56 = tpu.memref_squeeze %dma_start3A_55 : memref<1x1x128xi32, #tpu.memory_space<vmem>> -> memref<1x128xi32, #tpu.memory_space<vmem>>
      %dma_start3A_57 = arith.constant 0 : i32
      %dma_start3A_58 = arith.constant 0 : i32
      %dma_start3A_59 = tpu.memref_slice %arg3[%dma_start3A_51, %add3A_50, %dma_start3A_57, %dma_start3A_58] : memref<2x2560x1x128xi32, #tpu.memory_space<hbm>> -> memref<1x1x1x128xi32, #tpu.memory_space<hbm>>
      %dma_start3A_60 = tpu.memref_squeeze %dma_start3A_59 : memref<1x1x1x128xi32, #tpu.memory_space<hbm>> -> memref<1x128xi32, #tpu.memory_space<hbm>>
      %dma_start3A_61 = arith.constant 0 : i32
      %dma_start3A_62 = arith.constant 0 : i32
      %dma_start3A_63 = tpu.memref_slice %arg7[%dma_start3A_52, %dma_start3A_61, %dma_start3A_62] : memref<4x1x128xi32, #tpu.memory_space<vmem>> -> memref<1x1x128xi32, #tpu.memory_space<vmem>>
      %dma_start3A_64 = tpu.memref_squeeze %dma_start3A_63 : memref<1x1x128xi32, #tpu.memory_space<vmem>> -> memref<1x128xi32, #tpu.memory_space<vmem>>
      %dma_start3A_65 = arith.constant 0 : i32
      %dma_start3A_66 = arith.constant 0 : i32
      %dma_start3A_67 = tpu.memref_slice %arg3[%dma_start3A_51, %add3A_50, %dma_start3A_65, %dma_start3A_66] : memref<2x2560x1x128xi32, #tpu.memory_space<hbm>> -> memref<1x1x1x128xi32, #tpu.memory_space<hbm>>
      %dma_start3A_68 = tpu.memref_squeeze %dma_start3A_67 : memref<1x1x1x128xi32, #tpu.memory_space<hbm>> -> memref<1x128xi32, #tpu.memory_space<hbm>>
      tpu.enqueue_dma source(%dma_start3A_68 : memref<1x128xi32, #tpu.memory_space<hbm>>) target(%dma_start3A_64 : memref<1x128xi32, #tpu.memory_space<vmem>>) target_semaphore(%arg14 : memref<!tpu.dma_semaphore, #tpu.memory_space<semaphore_mem>>)
      %add3A_69 = arith.constant 3 : i32
      %add3A_70 = arith.addi %add3A_9, %add3A_69 : i32
      %dma_start3A_71 = arith.constant 1 : i32
      %dma_start3A_72 = arith.constant 3 : i32
      %dma_start3A_73 = arith.constant 0 : i32
      %dma_start3A_74 = arith.constant 0 : i32
      %dma_start3A_75 = tpu.memref_slice %arg7[%dma_start3A_72, %dma_start3A_73, %dma_start3A_74] : memref<4x1x128xi32, #tpu.memory_space<vmem>> -> memref<1x1x128xi32, #tpu.memory_space<vmem>>
      %dma_start3A_76 = tpu.memref_squeeze %dma_start3A_75 : memref<1x1x128xi32, #tpu.memory_space<vmem>> -> memref<1x128xi32, #tpu.memory_space<vmem>>
      %dma_start3A_77 = arith.constant 0 : i32
      %dma_start3A_78 = arith.constant 0 : i32
      %dma_start3A_79 = tpu.memref_slice %arg3[%dma_start3A_71, %add3A_70, %dma_start3A_77, %dma_start3A_78] : memref<2x2560x1x128xi32, #tpu.memory_space<hbm>> -> memref<1x1x1x128xi32, #tpu.memory_space<hbm>>
      %dma_start3A_80 = tpu.memref_squeeze %dma_start3A_79 : memref<1x1x1x128xi32, #tpu.memory_space<hbm>> -> memref<1x128xi32, #tpu.memory_space<hbm>>
      %dma_start3A_81 = arith.constant 0 : i32
      %dma_start3A_82 = arith.constant 0 : i32
      %dma_start3A_83 = tpu.memref_slice %arg7[%dma_start3A_72, %dma_start3A_81, %dma_start3A_82] : memref<4x1x128xi32, #tpu.memory_space<vmem>> -> memref<1x1x128xi32, #tpu.memory_space<vmem>>
      %dma_start3A_84 = tpu.memref_squeeze %dma_start3A_83 : memref<1x1x128xi32, #tpu.memory_space<vmem>> -> memref<1x128xi32, #tpu.memory_space<vmem>>
      %dma_start3A_85 = arith.constant 0 : i32
      %dma_start3A_86 = arith.constant 0 : i32
      %dma_start3A_87 = tpu.memref_slice %arg3[%dma_start3A_71, %add3A_70, %dma_start3A_85, %dma_start3A_86] : memref<2x2560x1x128xi32, #tpu.memory_space<hbm>> -> memref<1x1x1x128xi32, #tpu.memory_space<hbm>>
      %dma_start3A_88 = tpu.memref_squeeze %dma_start3A_87 : memref<1x1x1x128xi32, #tpu.memory_space<hbm>> -> memref<1x128xi32, #tpu.memory_space<hbm>>
      tpu.enqueue_dma source(%dma_start3A_88 : memref<1x128xi32, #tpu.memory_space<hbm>>) target(%dma_start3A_84 : memref<1x128xi32, #tpu.memory_space<vmem>>) target_semaphore(%arg15 : memref<!tpu.dma_semaphore, #tpu.memory_space<semaphore_mem>>)
      %dma_start3A_89 = arith.constant 0 : i32
      %dma_start3A_90 = arith.constant 0 : i32
      %dma_start3A_91 = arith.constant 0 : i32
      %dma_start3A_92 = arith.constant 0 : i32
      %dma_start3A_93 = arith.constant 0 : i32
      %dma_start3A_94 = tpu.memref_slice %arg8[%dma_start3A_91, %dma_start3A_92, %dma_start3A_93] : memref<2x128x128xf32, #tpu.memory_space<vmem>> -> memref<1x128x128xf32, #tpu.memory_space<vmem>>
      %dma_start3A_95 = tpu.memref_squeeze %dma_start3A_94 : memref<1x128x128xf32, #tpu.memory_space<vmem>> -> memref<128x128xf32, #tpu.memory_space<vmem>>
      %dma_start3A_96 = arith.constant 0 : i32
      %dma_start3A_97 = tpu.memref_slice %arg6[%dma_start3A_89, %dma_start3A_90, %dma_start3A_96] : memref<80x1x128xi32, #tpu.memory_space<vmem>> -> memref<1x1x128xi32, #tpu.memory_space<vmem>>
      %dma_start3A_98 = tpu.memref_squeeze %dma_start3A_97 : memref<1x1x128xi32, #tpu.memory_space<vmem>> -> memref<128xi32, #tpu.memory_space<vmem>>
      %dma_start3A_99 = arith.constant 0 : i32
      %dma_start3A_100 = arith.constant 0 : i32
      %dma_start3A_101 = tpu.memref_slice %arg2[%dma_start3A_99, %dma_start3A_100] : memref<10240x128xf32, #tpu.memory_space<hbm>> -> memref<10240x128xf32, #tpu.memory_space<hbm>>
      tpu.enqueue_indirect_dma source(%dma_start3A_101 : memref<10240x128xf32, #tpu.memory_space<hbm>>) target(%dma_start3A_95 : memref<128x128xf32, #tpu.memory_space<vmem>>) offsets(%dma_start3A_98 : memref<128xi32, #tpu.memory_space<vmem>>) semaphore(%arg10 : memref<!tpu.dma_semaphore, #tpu.memory_space<semaphore_mem>>)
      %dma_start3A_102 = arith.constant 1 : i32
      %dma_start3A_103 = arith.constant 0 : i32
      %dma_start3A_104 = arith.constant 1 : i32
      %dma_start3A_105 = arith.constant 0 : i32
      %dma_start3A_106 = arith.constant 0 : i32
      %dma_start3A_107 = tpu.memref_slice %arg8[%dma_start3A_104, %dma_start3A_105, %dma_start3A_106] : memref<2x128x128xf32, #tpu.memory_space<vmem>> -> memref<1x128x128xf32, #tpu.memory_space<vmem>>
      %dma_start3A_108 = tpu.memref_squeeze %dma_start3A_107 : memref<1x128x128xf32, #tpu.memory_space<vmem>> -> memref<128x128xf32, #tpu.memory_space<vmem>>
      %dma_start3A_109 = arith.constant 0 : i32
      %dma_start3A_110 = tpu.memref_slice %arg6[%dma_start3A_102, %dma_start3A_103, %dma_start3A_109] : memref<80x1x128xi32, #tpu.memory_space<vmem>> -> memref<1x1x128xi32, #tpu.memory_space<vmem>>
      %dma_start3A_111 = tpu.memref_squeeze %dma_start3A_110 : memref<1x1x128xi32, #tpu.memory_space<vmem>> -> memref<128xi32, #tpu.memory_space<vmem>>
      %dma_start3A_112 = arith.constant 0 : i32
      %dma_start3A_113 = arith.constant 0 : i32
      %dma_start3A_114 = tpu.memref_slice %arg2[%dma_start3A_112, %dma_start3A_113] : memref<10240x128xf32, #tpu.memory_space<hbm>> -> memref<10240x128xf32, #tpu.memory_space<hbm>>
      tpu.enqueue_indirect_dma source(%dma_start3A_114 : memref<10240x128xf32, #tpu.memory_space<hbm>>) target(%dma_start3A_108 : memref<128x128xf32, #tpu.memory_space<vmem>>) offsets(%dma_start3A_111 : memref<128xi32, #tpu.memory_space<vmem>>) semaphore(%arg11 : memref<!tpu.dma_semaphore, #tpu.memory_space<semaphore_mem>>)
      %barrier3A_115 = arith.constant 0 : index
      tpu.barrier barrier_id(%barrier3A_115)
      %scan3A = arith.constant 0 : i32
      %scan3A_116 = arith.constant 20 : i32
      %scan3A_117 = arith.addi %scan3A, %scan3A_116 : i32
      %scan3A_118 = arith.constant 1 : i32
      scf.for %scan3A_120 = %scan3A to %scan3A_117 step %scan3A_118  : i32 {
        %mul3A_121 = arith.constant 4 : i32
        %mul3A_122 = arith.muli %scan3A_120, %mul3A_121 : i32
        %add3A_123 = arith.constant 0 : i32
        %add3A_124 = arith.addi %add3A_123, %mul3A_122 : i32
        %add3A_125 = arith.constant 0 : i32
        %add3A_126 = arith.addi %add3A_124, %add3A_125 : i32
        %dma_wait3A = arith.constant 0 : i32
        %dma_wait3A_127 = arith.constant 0 : i32
        %dma_wait3A_128 = arith.constant 0 : i32
        %dma_wait3A_129 = arith.constant 0 : i32
        %dma_wait3A_130 = arith.constant 0 : i32
        %dma_wait3A_131 = tpu.memref_slice %arg8[%dma_wait3A_128, %dma_wait3A_129, %dma_wait3A_130] : memref<2x128x128xf32, #tpu.memory_space<vmem>> -> memref<1x128x128xf32, #tpu.memory_space<vmem>>
        %dma_wait3A_132 = tpu.memref_squeeze %dma_wait3A_131 : memref<1x128x128xf32, #tpu.memory_space<vmem>> -> memref<128x128xf32, #tpu.memory_space<vmem>>
        %dma_wait3A_133 = arith.constant 0 : i32
        %dma_wait3A_134 = tpu.memref_slice %arg6[%dma_wait3A, %dma_wait3A_127, %dma_wait3A_133] : memref<80x1x128xi32, #tpu.memory_space<vmem>> -> memref<1x1x128xi32, #tpu.memory_space<vmem>>
        %dma_wait3A_135 = tpu.memref_squeeze %dma_wait3A_134 : memref<1x1x128xi32, #tpu.memory_space<vmem>> -> memref<128xi32, #tpu.memory_space<vmem>>
        %dma_wait3A_136 = arith.constant 0 : i32
        %dma_wait3A_137 = arith.constant 0 : i32
        %dma_wait3A_138 = tpu.memref_slice %arg2[%dma_wait3A_136, %dma_wait3A_137] : memref<10240x128xf32, #tpu.memory_space<hbm>> -> memref<10240x128xf32, #tpu.memory_space<hbm>>
        tpu.wait_indirect_dma semaphore(%arg10 : memref<!tpu.dma_semaphore, #tpu.memory_space<semaphore_mem>>) src(%dma_wait3A_138 : memref<10240x128xf32, #tpu.memory_space<hbm>>) dst(%dma_wait3A_132 : memref<128x128xf32, #tpu.memory_space<vmem>>)
        %dma_wait3A_139 = arith.constant 1 : i32
        %dma_wait3A_140 = arith.constant 0 : i32
        %dma_wait3A_141 = arith.constant 0 : i32
        %dma_wait3A_142 = arith.constant 0 : i32
        %dma_wait3A_143 = tpu.memref_slice %arg7[%dma_wait3A_140, %dma_wait3A_141, %dma_wait3A_142] : memref<4x1x128xi32, #tpu.memory_space<vmem>> -> memref<1x1x128xi32, #tpu.memory_space<vmem>>
        %dma_wait3A_144 = tpu.memref_squeeze %dma_wait3A_143 : memref<1x1x128xi32, #tpu.memory_space<vmem>> -> memref<1x128xi32, #tpu.memory_space<vmem>>
        %dma_wait3A_145 = arith.constant 0 : i32
        %dma_wait3A_146 = arith.constant 0 : i32
        %dma_wait3A_147 = tpu.memref_slice %arg3[%dma_wait3A_139, %add3A_9, %dma_wait3A_145, %dma_wait3A_146] : memref<2x2560x1x128xi32, #tpu.memory_space<hbm>> -> memref<1x1x1x128xi32, #tpu.memory_space<hbm>>
        %dma_wait3A_148 = tpu.memref_squeeze %dma_wait3A_147 : memref<1x1x1x128xi32, #tpu.memory_space<hbm>> -> memref<1x128xi32, #tpu.memory_space<hbm>>
        %dma_wait3A_149 = arith.constant 0 : i32
        %dma_wait3A_150 = arith.constant 0 : i32
        %dma_wait3A_151 = tpu.memref_slice %arg7[%dma_wait3A_140, %dma_wait3A_149, %dma_wait3A_150] : memref<4x1x128xi32, #tpu.memory_space<vmem>> -> memref<1x1x128xi32, #tpu.memory_space<vmem>>
        %dma_wait3A_152 = tpu.memref_squeeze %dma_wait3A_151 : memref<1x1x128xi32, #tpu.memory_space<vmem>> -> memref<1x128xi32, #tpu.memory_space<vmem>>
        %dma_wait3A_153 = arith.constant 0 : i32
        %dma_wait3A_154 = arith.constant 0 : i32
        %dma_wait3A_155 = tpu.memref_slice %arg3[%dma_wait3A_139, %add3A_9, %dma_wait3A_153, %dma_wait3A_154] : memref<2x2560x1x128xi32, #tpu.memory_space<hbm>> -> memref<1x1x1x128xi32, #tpu.memory_space<hbm>>
        %dma_wait3A_156 = tpu.memref_squeeze %dma_wait3A_155 : memref<1x1x1x128xi32, #tpu.memory_space<hbm>> -> memref<1x128xi32, #tpu.memory_space<hbm>>
        tpu.wait_dma2 semaphore(%arg12 : memref<!tpu.dma_semaphore, #tpu.memory_space<semaphore_mem>>) src(%dma_wait3A_156 : memref<1x128xi32, #tpu.memory_space<hbm>>) dst(%dma_wait3A_152 : memref<1x128xi32, #tpu.memory_space<vmem>>)
        %run_scoped3A_157 = arith.constant 0 : i32
        %run_scoped3A_158 = arith.constant 0 : i32
        %run_scoped3A_159 = arith.constant 0 : i32
        "tpu.region"() ({
          %run_scoped3A_323 = tpu.sem_alloc : memref<!tpu.dma_semaphore, #tpu.memory_space<semaphore_mem>>
          %dma_start3A_324 = arith.constant 0 : i32
          %dma_start3A_325 = arith.constant 0 : i32
          %dma_start3A_326 = tpu.memref_slice %arg8[%run_scoped3A_157, %dma_start3A_324, %dma_start3A_325] : memref<2x128x128xf32, #tpu.memory_space<vmem>> -> memref<1x128x128xf32, #tpu.memory_space<vmem>>
          %dma_start3A_327 = tpu.memref_squeeze %dma_start3A_326 : memref<1x128x128xf32, #tpu.memory_space<vmem>> -> memref<128x128xf32, #tpu.memory_space<vmem>>
          %dma_start3A_328 = arith.constant 0 : i32
          %dma_start3A_329 = tpu.memref_slice %arg7[%run_scoped3A_158, %run_scoped3A_159, %dma_start3A_328] : memref<4x1x128xi32, #tpu.memory_space<vmem>> -> memref<1x1x128xi32, #tpu.memory_space<vmem>>
          %dma_start3A_330 = tpu.memref_squeeze %dma_start3A_329 : memref<1x1x128xi32, #tpu.memory_space<vmem>> -> memref<128xi32, #tpu.memory_space<vmem>>
          %dma_start3A_331 = arith.constant 0 : i32
          %dma_start3A_332 = arith.constant 0 : i32
          %dma_start3A_333 = tpu.memref_slice %arg9[%dma_start3A_331, %dma_start3A_332] : memref<10240x128xf32, #tpu.memory_space<vmem_shared>> -> memref<10240x128xf32, #tpu.memory_space<vmem_shared>>
          tpu.enqueue_indirect_dma source(%dma_start3A_327 : memref<128x128xf32, #tpu.memory_space<vmem>>) target(%dma_start3A_333 : memref<10240x128xf32, #tpu.memory_space<vmem_shared>>) offsets(%dma_start3A_330 : memref<128xi32, #tpu.memory_space<vmem>>) semaphore(%run_scoped3A_323 : memref<!tpu.dma_semaphore, #tpu.memory_space<semaphore_mem>>) {add = true}
          %dma_wait3A_334 = arith.constant 0 : i32
          %dma_wait3A_335 = arith.constant 0 : i32
          %dma_wait3A_336 = tpu.memref_slice %arg8[%run_scoped3A_157, %dma_wait3A_334, %dma_wait3A_335] : memref<2x128x128xf32, #tpu.memory_space<vmem>> -> memref<1x128x128xf32, #tpu.memory_space<vmem>>
          %dma_wait3A_337 = tpu.memref_squeeze %dma_wait3A_336 : memref<1x128x128xf32, #tpu.memory_space<vmem>> -> memref<128x128xf32, #tpu.memory_space<vmem>>
          %dma_wait3A_338 = arith.constant 0 : i32
          %dma_wait3A_339 = tpu.memref_slice %arg7[%run_scoped3A_158, %run_scoped3A_159, %dma_wait3A_338] : memref<4x1x128xi32, #tpu.memory_space<vmem>> -> memref<1x1x128xi32, #tpu.memory_space<vmem>>
          %dma_wait3A_340 = tpu.memref_squeeze %dma_wait3A_339 : memref<1x1x128xi32, #tpu.memory_space<vmem>> -> memref<128xi32, #tpu.memory_space<vmem>>
          %dma_wait3A_341 = arith.constant 0 : i32
          %dma_wait3A_342 = arith.constant 0 : i32
          %dma_wait3A_343 = tpu.memref_slice %arg9[%dma_wait3A_341, %dma_wait3A_342] : memref<10240x128xf32, #tpu.memory_space<vmem_shared>> -> memref<10240x128xf32, #tpu.memory_space<vmem_shared>>
          tpu.wait_indirect_dma semaphore(%run_scoped3A_323 : memref<!tpu.dma_semaphore, #tpu.memory_space<semaphore_mem>>) src(%dma_wait3A_337 : memref<128x128xf32, #tpu.memory_space<vmem>>) dst(%dma_wait3A_343 : memref<10240x128xf32, #tpu.memory_space<vmem_shared>>)
          tpu.yield
        }) : () -> ()
        %add3A_160 = arith.constant 2 : i32
        %add3A_161 = arith.addi %add3A_126, %add3A_160 : i32
        %lt3A = arith.constant 80 : i32
        %lt3A_162 = arith.cmpi slt, %add3A_161, %lt3A : i32
        %convert_element_type3A_163 = arith.extui %lt3A_162 : i1 to i32
        %cond3A_164 = arith.constant 0 : i32
        %cond3A_165 = arith.cmpi ne, %convert_element_type3A_163, %cond3A_164 : i32
        scf.if %cond3A_165 {
          %add3A_323 = arith.constant 2 : i32
          %add3A_324 = arith.addi %add3A_126, %add3A_323 : i32
          %dma_start3A_325 = arith.constant 0 : i32
          %dma_start3A_326 = arith.constant 0 : i32
          %dma_start3A_327 = arith.constant 0 : i32
          %dma_start3A_328 = arith.constant 0 : i32
          %dma_start3A_329 = tpu.memref_slice %arg8[%dma_start3A_326, %dma_start3A_327, %dma_start3A_328] : memref<2x128x128xf32, #tpu.memory_space<vmem>> -> memref<1x128x128xf32, #tpu.memory_space<vmem>>
          %dma_start3A_330 = tpu.memref_squeeze %dma_start3A_329 : memref<1x128x128xf32, #tpu.memory_space<vmem>> -> memref<128x128xf32, #tpu.memory_space<vmem>>
          %dma_start3A_331 = arith.constant 0 : i32
          %dma_start3A_332 = tpu.memref_slice %arg6[%add3A_324, %dma_start3A_325, %dma_start3A_331] : memref<80x1x128xi32, #tpu.memory_space<vmem>> -> memref<1x1x128xi32, #tpu.memory_space<vmem>>
          %dma_start3A_333 = tpu.memref_squeeze %dma_start3A_332 : memref<1x1x128xi32, #tpu.memory_space<vmem>> -> memref<128xi32, #tpu.memory_space<vmem>>
          %dma_start3A_334 = arith.constant 0 : i32
          %dma_start3A_335 = arith.constant 0 : i32
          %dma_start3A_336 = tpu.memref_slice %arg2[%dma_start3A_334, %dma_start3A_335] : memref<10240x128xf32, #tpu.memory_space<hbm>> -> memref<10240x128xf32, #tpu.memory_space<hbm>>
          tpu.enqueue_indirect_dma source(%dma_start3A_336 : memref<10240x128xf32, #tpu.memory_space<hbm>>) target(%dma_start3A_330 : memref<128x128xf32, #tpu.memory_space<vmem>>) offsets(%dma_start3A_333 : memref<128xi32, #tpu.memory_space<vmem>>) semaphore(%arg10 : memref<!tpu.dma_semaphore, #tpu.memory_space<semaphore_mem>>)
        } else {
        }
        %add3A_166 = arith.constant 4 : i32
        %add3A_167 = arith.addi %add3A_126, %add3A_166 : i32
        %lt3A_168 = arith.constant 80 : i32
        %lt3A_169 = arith.cmpi slt, %add3A_167, %lt3A_168 : i32
        %convert_element_type3A_170 = arith.extui %lt3A_169 : i1 to i32
        %cond3A_171 = arith.constant 0 : i32
        %cond3A_172 = arith.cmpi ne, %convert_element_type3A_170, %cond3A_171 : i32
        scf.if %cond3A_172 {
          %add3A_323 = arith.addi %add3A_9, %add3A_126 : i32
          %add3A_324 = arith.constant 4 : i32
          %add3A_325 = arith.addi %add3A_323, %add3A_324 : i32
          %dma_start3A_326 = arith.constant 1 : i32
          %dma_start3A_327 = arith.constant 0 : i32
          %dma_start3A_328 = arith.constant 0 : i32
          %dma_start3A_329 = arith.constant 0 : i32
          %dma_start3A_330 = tpu.memref_slice %arg7[%dma_start3A_327, %dma_start3A_328, %dma_start3A_329] : memref<4x1x128xi32, #tpu.memory_space<vmem>> -> memref<1x1x128xi32, #tpu.memory_space<vmem>>
          %dma_start3A_331 = tpu.memref_squeeze %dma_start3A_330 : memref<1x1x128xi32, #tpu.memory_space<vmem>> -> memref<1x128xi32, #tpu.memory_space<vmem>>
          %dma_start3A_332 = arith.constant 0 : i32
          %dma_start3A_333 = arith.constant 0 : i32
          %dma_start3A_334 = tpu.memref_slice %arg3[%dma_start3A_326, %add3A_325, %dma_start3A_332, %dma_start3A_333] : memref<2x2560x1x128xi32, #tpu.memory_space<hbm>> -> memref<1x1x1x128xi32, #tpu.memory_space<hbm>>
          %dma_start3A_335 = tpu.memref_squeeze %dma_start3A_334 : memref<1x1x1x128xi32, #tpu.memory_space<hbm>> -> memref<1x128xi32, #tpu.memory_space<hbm>>
          %dma_start3A_336 = arith.constant 0 : i32
          %dma_start3A_337 = arith.constant 0 : i32
          %dma_start3A_338 = tpu.memref_slice %arg7[%dma_start3A_327, %dma_start3A_336, %dma_start3A_337] : memref<4x1x128xi32, #tpu.memory_space<vmem>> -> memref<1x1x128xi32, #tpu.memory_space<vmem>>
          %dma_start3A_339 = tpu.memref_squeeze %dma_start3A_338 : memref<1x1x128xi32, #tpu.memory_space<vmem>> -> memref<1x128xi32, #tpu.memory_space<vmem>>
          %dma_start3A_340 = arith.constant 0 : i32
          %dma_start3A_341 = arith.constant 0 : i32
          %dma_start3A_342 = tpu.memref_slice %arg3[%dma_start3A_326, %add3A_325, %dma_start3A_340, %dma_start3A_341] : memref<2x2560x1x128xi32, #tpu.memory_space<hbm>> -> memref<1x1x1x128xi32, #tpu.memory_space<hbm>>
          %dma_start3A_343 = tpu.memref_squeeze %dma_start3A_342 : memref<1x1x1x128xi32, #tpu.memory_space<hbm>> -> memref<1x128xi32, #tpu.memory_space<hbm>>
          tpu.enqueue_dma source(%dma_start3A_343 : memref<1x128xi32, #tpu.memory_space<hbm>>) target(%dma_start3A_339 : memref<1x128xi32, #tpu.memory_space<vmem>>) target_semaphore(%arg12 : memref<!tpu.dma_semaphore, #tpu.memory_space<semaphore_mem>>)
        } else {
        }
        %add3A_173 = arith.constant 1 : i32
        %add3A_174 = arith.addi %add3A_124, %add3A_173 : i32
        %dma_wait3A_175 = arith.constant 0 : i32
        %dma_wait3A_176 = arith.constant 0 : i32
        %dma_wait3A_177 = arith.constant 1 : i32
        %dma_wait3A_178 = arith.constant 0 : i32
        %dma_wait3A_179 = arith.constant 0 : i32
        %dma_wait3A_180 = tpu.memref_slice %arg8[%dma_wait3A_177, %dma_wait3A_178, %dma_wait3A_179] : memref<2x128x128xf32, #tpu.memory_space<vmem>> -> memref<1x128x128xf32, #tpu.memory_space<vmem>>
        %dma_wait3A_181 = tpu.memref_squeeze %dma_wait3A_180 : memref<1x128x128xf32, #tpu.memory_space<vmem>> -> memref<128x128xf32, #tpu.memory_space<vmem>>
        %dma_wait3A_182 = arith.constant 0 : i32
        %dma_wait3A_183 = tpu.memref_slice %arg6[%dma_wait3A_175, %dma_wait3A_176, %dma_wait3A_182] : memref<80x1x128xi32, #tpu.memory_space<vmem>> -> memref<1x1x128xi32, #tpu.memory_space<vmem>>
        %dma_wait3A_184 = tpu.memref_squeeze %dma_wait3A_183 : memref<1x1x128xi32, #tpu.memory_space<vmem>> -> memref<128xi32, #tpu.memory_space<vmem>>
        %dma_wait3A_185 = arith.constant 0 : i32
        %dma_wait3A_186 = arith.constant 0 : i32
        %dma_wait3A_187 = tpu.memref_slice %arg2[%dma_wait3A_185, %dma_wait3A_186] : memref<10240x128xf32, #tpu.memory_space<hbm>> -> memref<10240x128xf32, #tpu.memory_space<hbm>>
        tpu.wait_indirect_dma semaphore(%arg11 : memref<!tpu.dma_semaphore, #tpu.memory_space<semaphore_mem>>) src(%dma_wait3A_187 : memref<10240x128xf32, #tpu.memory_space<hbm>>) dst(%dma_wait3A_181 : memref<128x128xf32, #tpu.memory_space<vmem>>)
        %dma_wait3A_188 = arith.constant 1 : i32
        %dma_wait3A_189 = arith.constant 1 : i32
        %dma_wait3A_190 = arith.constant 0 : i32
        %dma_wait3A_191 = arith.constant 0 : i32
        %dma_wait3A_192 = tpu.memref_slice %arg7[%dma_wait3A_189, %dma_wait3A_190, %dma_wait3A_191] : memref<4x1x128xi32, #tpu.memory_space<vmem>> -> memref<1x1x128xi32, #tpu.memory_space<vmem>>
        %dma_wait3A_193 = tpu.memref_squeeze %dma_wait3A_192 : memref<1x1x128xi32, #tpu.memory_space<vmem>> -> memref<1x128xi32, #tpu.memory_space<vmem>>
        %dma_wait3A_194 = arith.constant 0 : i32
        %dma_wait3A_195 = arith.constant 0 : i32
        %dma_wait3A_196 = tpu.memref_slice %arg3[%dma_wait3A_188, %add3A_9, %dma_wait3A_194, %dma_wait3A_195] : memref<2x2560x1x128xi32, #tpu.memory_space<hbm>> -> memref<1x1x1x128xi32, #tpu.memory_space<hbm>>
        %dma_wait3A_197 = tpu.memref_squeeze %dma_wait3A_196 : memref<1x1x1x128xi32, #tpu.memory_space<hbm>> -> memref<1x128xi32, #tpu.memory_space<hbm>>
        %dma_wait3A_198 = arith.constant 0 : i32
        %dma_wait3A_199 = arith.constant 0 : i32
        %dma_wait3A_200 = tpu.memref_slice %arg7[%dma_wait3A_189, %dma_wait3A_198, %dma_wait3A_199] : memref<4x1x128xi32, #tpu.memory_space<vmem>> -> memref<1x1x128xi32, #tpu.memory_space<vmem>>
        %dma_wait3A_201 = tpu.memref_squeeze %dma_wait3A_200 : memref<1x1x128xi32, #tpu.memory_space<vmem>> -> memref<1x128xi32, #tpu.memory_space<vmem>>
        %dma_wait3A_202 = arith.constant 0 : i32
        %dma_wait3A_203 = arith.constant 0 : i32
        %dma_wait3A_204 = tpu.memref_slice %arg3[%dma_wait3A_188, %add3A_9, %dma_wait3A_202, %dma_wait3A_203] : memref<2x2560x1x128xi32, #tpu.memory_space<hbm>> -> memref<1x1x1x128xi32, #tpu.memory_space<hbm>>
        %dma_wait3A_205 = tpu.memref_squeeze %dma_wait3A_204 : memref<1x1x1x128xi32, #tpu.memory_space<hbm>> -> memref<1x128xi32, #tpu.memory_space<hbm>>
        tpu.wait_dma2 semaphore(%arg13 : memref<!tpu.dma_semaphore, #tpu.memory_space<semaphore_mem>>) src(%dma_wait3A_205 : memref<1x128xi32, #tpu.memory_space<hbm>>) dst(%dma_wait3A_201 : memref<1x128xi32, #tpu.memory_space<vmem>>)
        %run_scoped3A_206 = arith.constant 1 : i32
        %run_scoped3A_207 = arith.constant 1 : i32
        %run_scoped3A_208 = arith.constant 0 : i32
        "tpu.region"() ({
          %run_scoped3A_323 = tpu.sem_alloc : memref<!tpu.dma_semaphore, #tpu.memory_space<semaphore_mem>>
          %dma_start3A_324 = arith.constant 0 : i32
          %dma_start3A_325 = arith.constant 0 : i32
          %dma_start3A_326 = tpu.memref_slice %arg8[%run_scoped3A_206, %dma_start3A_324, %dma_start3A_325] : memref<2x128x128xf32, #tpu.memory_space<vmem>> -> memref<1x128x128xf32, #tpu.memory_space<vmem>>
          %dma_start3A_327 = tpu.memref_squeeze %dma_start3A_326 : memref<1x128x128xf32, #tpu.memory_space<vmem>> -> memref<128x128xf32, #tpu.memory_space<vmem>>
          %dma_start3A_328 = arith.constant 0 : i32
          %dma_start3A_329 = tpu.memref_slice %arg7[%run_scoped3A_207, %run_scoped3A_208, %dma_start3A_328] : memref<4x1x128xi32, #tpu.memory_space<vmem>> -> memref<1x1x128xi32, #tpu.memory_space<vmem>>
          %dma_start3A_330 = tpu.memref_squeeze %dma_start3A_329 : memref<1x1x128xi32, #tpu.memory_space<vmem>> -> memref<128xi32, #tpu.memory_space<vmem>>
          %dma_start3A_331 = arith.constant 0 : i32
          %dma_start3A_332 = arith.constant 0 : i32
          %dma_start3A_333 = tpu.memref_slice %arg9[%dma_start3A_331, %dma_start3A_332] : memref<10240x128xf32, #tpu.memory_space<vmem_shared>> -> memref<10240x128xf32, #tpu.memory_space<vmem_shared>>
          tpu.enqueue_indirect_dma source(%dma_start3A_327 : memref<128x128xf32, #tpu.memory_space<vmem>>) target(%dma_start3A_333 : memref<10240x128xf32, #tpu.memory_space<vmem_shared>>) offsets(%dma_start3A_330 : memref<128xi32, #tpu.memory_space<vmem>>) semaphore(%run_scoped3A_323 : memref<!tpu.dma_semaphore, #tpu.memory_space<semaphore_mem>>) {add = true}
          %dma_wait3A_334 = arith.constant 0 : i32
          %dma_wait3A_335 = arith.constant 0 : i32
          %dma_wait3A_336 = tpu.memref_slice %arg8[%run_scoped3A_206, %dma_wait3A_334, %dma_wait3A_335] : memref<2x128x128xf32, #tpu.memory_space<vmem>> -> memref<1x128x128xf32, #tpu.memory_space<vmem>>
          %dma_wait3A_337 = tpu.memref_squeeze %dma_wait3A_336 : memref<1x128x128xf32, #tpu.memory_space<vmem>> -> memref<128x128xf32, #tpu.memory_space<vmem>>
          %dma_wait3A_338 = arith.constant 0 : i32
          %dma_wait3A_339 = tpu.memref_slice %arg7[%run_scoped3A_207, %run_scoped3A_208, %dma_wait3A_338] : memref<4x1x128xi32, #tpu.memory_space<vmem>> -> memref<1x1x128xi32, #tpu.memory_space<vmem>>
          %dma_wait3A_340 = tpu.memref_squeeze %dma_wait3A_339 : memref<1x1x128xi32, #tpu.memory_space<vmem>> -> memref<128xi32, #tpu.memory_space<vmem>>
          %dma_wait3A_341 = arith.constant 0 : i32
          %dma_wait3A_342 = arith.constant 0 : i32
          %dma_wait3A_343 = tpu.memref_slice %arg9[%dma_wait3A_341, %dma_wait3A_342] : memref<10240x128xf32, #tpu.memory_space<vmem_shared>> -> memref<10240x128xf32, #tpu.memory_space<vmem_shared>>
          tpu.wait_indirect_dma semaphore(%run_scoped3A_323 : memref<!tpu.dma_semaphore, #tpu.memory_space<semaphore_mem>>) src(%dma_wait3A_337 : memref<128x128xf32, #tpu.memory_space<vmem>>) dst(%dma_wait3A_343 : memref<10240x128xf32, #tpu.memory_space<vmem_shared>>)
          tpu.yield
        }) : () -> ()
        %add3A_209 = arith.constant 2 : i32
        %add3A_210 = arith.addi %add3A_174, %add3A_209 : i32
        %lt3A_211 = arith.constant 80 : i32
        %lt3A_212 = arith.cmpi slt, %add3A_210, %lt3A_211 : i32
        %convert_element_type3A_213 = arith.extui %lt3A_212 : i1 to i32
        %cond3A_214 = arith.constant 0 : i32
        %cond3A_215 = arith.cmpi ne, %convert_element_type3A_213, %cond3A_214 : i32
        scf.if %cond3A_215 {
          %add3A_323 = arith.constant 2 : i32
          %add3A_324 = arith.addi %add3A_174, %add3A_323 : i32
          %dma_start3A_325 = arith.constant 0 : i32
          %dma_start3A_326 = arith.constant 1 : i32
          %dma_start3A_327 = arith.constant 0 : i32
          %dma_start3A_328 = arith.constant 0 : i32
          %dma_start3A_329 = tpu.memref_slice %arg8[%dma_start3A_326, %dma_start3A_327, %dma_start3A_328] : memref<2x128x128xf32, #tpu.memory_space<vmem>> -> memref<1x128x128xf32, #tpu.memory_space<vmem>>
          %dma_start3A_330 = tpu.memref_squeeze %dma_start3A_329 : memref<1x128x128xf32, #tpu.memory_space<vmem>> -> memref<128x128xf32, #tpu.memory_space<vmem>>
          %dma_start3A_331 = arith.constant 0 : i32
          %dma_start3A_332 = tpu.memref_slice %arg6[%add3A_324, %dma_start3A_325, %dma_start3A_331] : memref<80x1x128xi32, #tpu.memory_space<vmem>> -> memref<1x1x128xi32, #tpu.memory_space<vmem>>
          %dma_start3A_333 = tpu.memref_squeeze %dma_start3A_332 : memref<1x1x128xi32, #tpu.memory_space<vmem>> -> memref<128xi32, #tpu.memory_space<vmem>>
          %dma_start3A_334 = arith.constant 0 : i32
          %dma_start3A_335 = arith.constant 0 : i32
          %dma_start3A_336 = tpu.memref_slice %arg2[%dma_start3A_334, %dma_start3A_335] : memref<10240x128xf32, #tpu.memory_space<hbm>> -> memref<10240x128xf32, #tpu.memory_space<hbm>>
          tpu.enqueue_indirect_dma source(%dma_start3A_336 : memref<10240x128xf32, #tpu.memory_space<hbm>>) target(%dma_start3A_330 : memref<128x128xf32, #tpu.memory_space<vmem>>) offsets(%dma_start3A_333 : memref<128xi32, #tpu.memory_space<vmem>>) semaphore(%arg11 : memref<!tpu.dma_semaphore, #tpu.memory_space<semaphore_mem>>)
        } else {
        }
        %add3A_216 = arith.constant 4 : i32
        %add3A_217 = arith.addi %add3A_174, %add3A_216 : i32
        %lt3A_218 = arith.constant 80 : i32
        %lt3A_219 = arith.cmpi slt, %add3A_217, %lt3A_218 : i32
        %convert_element_type3A_220 = arith.extui %lt3A_219 : i1 to i32
        %cond3A_221 = arith.constant 0 : i32
        %cond3A_222 = arith.cmpi ne, %convert_element_type3A_220, %cond3A_221 : i32
        scf.if %cond3A_222 {
          %add3A_323 = arith.addi %add3A_9, %add3A_174 : i32
          %add3A_324 = arith.constant 4 : i32
          %add3A_325 = arith.addi %add3A_323, %add3A_324 : i32
          %dma_start3A_326 = arith.constant 1 : i32
          %dma_start3A_327 = arith.constant 1 : i32
          %dma_start3A_328 = arith.constant 0 : i32
          %dma_start3A_329 = arith.constant 0 : i32
          %dma_start3A_330 = tpu.memref_slice %arg7[%dma_start3A_327, %dma_start3A_328, %dma_start3A_329] : memref<4x1x128xi32, #tpu.memory_space<vmem>> -> memref<1x1x128xi32, #tpu.memory_space<vmem>>
          %dma_start3A_331 = tpu.memref_squeeze %dma_start3A_330 : memref<1x1x128xi32, #tpu.memory_space<vmem>> -> memref<1x128xi32, #tpu.memory_space<vmem>>
          %dma_start3A_332 = arith.constant 0 : i32
          %dma_start3A_333 = arith.constant 0 : i32
          %dma_start3A_334 = tpu.memref_slice %arg3[%dma_start3A_326, %add3A_325, %dma_start3A_332, %dma_start3A_333] : memref<2x2560x1x128xi32, #tpu.memory_space<hbm>> -> memref<1x1x1x128xi32, #tpu.memory_space<hbm>>
          %dma_start3A_335 = tpu.memref_squeeze %dma_start3A_334 : memref<1x1x1x128xi32, #tpu.memory_space<hbm>> -> memref<1x128xi32, #tpu.memory_space<hbm>>
          %dma_start3A_336 = arith.constant 0 : i32
          %dma_start3A_337 = arith.constant 0 : i32
          %dma_start3A_338 = tpu.memref_slice %arg7[%dma_start3A_327, %dma_start3A_336, %dma_start3A_337] : memref<4x1x128xi32, #tpu.memory_space<vmem>> -> memref<1x1x128xi32, #tpu.memory_space<vmem>>
          %dma_start3A_339 = tpu.memref_squeeze %dma_start3A_338 : memref<1x1x128xi32, #tpu.memory_space<vmem>> -> memref<1x128xi32, #tpu.memory_space<vmem>>
          %dma_start3A_340 = arith.constant 0 : i32
          %dma_start3A_341 = arith.constant 0 : i32
          %dma_start3A_342 = tpu.memref_slice %arg3[%dma_start3A_326, %add3A_325, %dma_start3A_340, %dma_start3A_341] : memref<2x2560x1x128xi32, #tpu.memory_space<hbm>> -> memref<1x1x1x128xi32, #tpu.memory_space<hbm>>
          %dma_start3A_343 = tpu.memref_squeeze %dma_start3A_342 : memref<1x1x1x128xi32, #tpu.memory_space<hbm>> -> memref<1x128xi32, #tpu.memory_space<hbm>>
          tpu.enqueue_dma source(%dma_start3A_343 : memref<1x128xi32, #tpu.memory_space<hbm>>) target(%dma_start3A_339 : memref<1x128xi32, #tpu.memory_space<vmem>>) target_semaphore(%arg13 : memref<!tpu.dma_semaphore, #tpu.memory_space<semaphore_mem>>)
        } else {
        }
        %add3A_223 = arith.constant 2 : i32
        %add3A_224 = arith.addi %add3A_124, %add3A_223 : i32
        %dma_wait3A_225 = arith.constant 0 : i32
        %dma_wait3A_226 = arith.constant 0 : i32
        %dma_wait3A_227 = arith.constant 0 : i32
        %dma_wait3A_228 = arith.constant 0 : i32
        %dma_wait3A_229 = arith.constant 0 : i32
        %dma_wait3A_230 = tpu.memref_slice %arg8[%dma_wait3A_227, %dma_wait3A_228, %dma_wait3A_229] : memref<2x128x128xf32, #tpu.memory_space<vmem>> -> memref<1x128x128xf32, #tpu.memory_space<vmem>>
        %dma_wait3A_231 = tpu.memref_squeeze %dma_wait3A_230 : memref<1x128x128xf32, #tpu.memory_space<vmem>> -> memref<128x128xf32, #tpu.memory_space<vmem>>
        %dma_wait3A_232 = arith.constant 0 : i32
        %dma_wait3A_233 = tpu.memref_slice %arg6[%dma_wait3A_225, %dma_wait3A_226, %dma_wait3A_232] : memref<80x1x128xi32, #tpu.memory_space<vmem>> -> memref<1x1x128xi32, #tpu.memory_space<vmem>>
        %dma_wait3A_234 = tpu.memref_squeeze %dma_wait3A_233 : memref<1x1x128xi32, #tpu.memory_space<vmem>> -> memref<128xi32, #tpu.memory_space<vmem>>
        %dma_wait3A_235 = arith.constant 0 : i32
        %dma_wait3A_236 = arith.constant 0 : i32
        %dma_wait3A_237 = tpu.memref_slice %arg2[%dma_wait3A_235, %dma_wait3A_236] : memref<10240x128xf32, #tpu.memory_space<hbm>> -> memref<10240x128xf32, #tpu.memory_space<hbm>>
        tpu.wait_indirect_dma semaphore(%arg10 : memref<!tpu.dma_semaphore, #tpu.memory_space<semaphore_mem>>) src(%dma_wait3A_237 : memref<10240x128xf32, #tpu.memory_space<hbm>>) dst(%dma_wait3A_231 : memref<128x128xf32, #tpu.memory_space<vmem>>)
        %dma_wait3A_238 = arith.constant 1 : i32
        %dma_wait3A_239 = arith.constant 2 : i32
        %dma_wait3A_240 = arith.constant 0 : i32
        %dma_wait3A_241 = arith.constant 0 : i32
        %dma_wait3A_242 = tpu.memref_slice %arg7[%dma_wait3A_239, %dma_wait3A_240, %dma_wait3A_241] : memref<4x1x128xi32, #tpu.memory_space<vmem>> -> memref<1x1x128xi32, #tpu.memory_space<vmem>>
        %dma_wait3A_243 = tpu.memref_squeeze %dma_wait3A_242 : memref<1x1x128xi32, #tpu.memory_space<vmem>> -> memref<1x128xi32, #tpu.memory_space<vmem>>
        %dma_wait3A_244 = arith.constant 0 : i32
        %dma_wait3A_245 = arith.constant 0 : i32
        %dma_wait3A_246 = tpu.memref_slice %arg3[%dma_wait3A_238, %add3A_9, %dma_wait3A_244, %dma_wait3A_245] : memref<2x2560x1x128xi32, #tpu.memory_space<hbm>> -> memref<1x1x1x128xi32, #tpu.memory_space<hbm>>
        %dma_wait3A_247 = tpu.memref_squeeze %dma_wait3A_246 : memref<1x1x1x128xi32, #tpu.memory_space<hbm>> -> memref<1x128xi32, #tpu.memory_space<hbm>>
        %dma_wait3A_248 = arith.constant 0 : i32
        %dma_wait3A_249 = arith.constant 0 : i32
        %dma_wait3A_250 = tpu.memref_slice %arg7[%dma_wait3A_239, %dma_wait3A_248, %dma_wait3A_249] : memref<4x1x128xi32, #tpu.memory_space<vmem>> -> memref<1x1x128xi32, #tpu.memory_space<vmem>>
        %dma_wait3A_251 = tpu.memref_squeeze %dma_wait3A_250 : memref<1x1x128xi32, #tpu.memory_space<vmem>> -> memref<1x128xi32, #tpu.memory_space<vmem>>
        %dma_wait3A_252 = arith.constant 0 : i32
        %dma_wait3A_253 = arith.constant 0 : i32
        %dma_wait3A_254 = tpu.memref_slice %arg3[%dma_wait3A_238, %add3A_9, %dma_wait3A_252, %dma_wait3A_253] : memref<2x2560x1x128xi32, #tpu.memory_space<hbm>> -> memref<1x1x1x128xi32, #tpu.memory_space<hbm>>
        %dma_wait3A_255 = tpu.memref_squeeze %dma_wait3A_254 : memref<1x1x1x128xi32, #tpu.memory_space<hbm>> -> memref<1x128xi32, #tpu.memory_space<hbm>>
        tpu.wait_dma2 semaphore(%arg14 : memref<!tpu.dma_semaphore, #tpu.memory_space<semaphore_mem>>) src(%dma_wait3A_255 : memref<1x128xi32, #tpu.memory_space<hbm>>) dst(%dma_wait3A_251 : memref<1x128xi32, #tpu.memory_space<vmem>>)
        %run_scoped3A_256 = arith.constant 0 : i32
        %run_scoped3A_257 = arith.constant 2 : i32
        %run_scoped3A_258 = arith.constant 0 : i32
        "tpu.region"() ({
          %run_scoped3A_323 = tpu.sem_alloc : memref<!tpu.dma_semaphore, #tpu.memory_space<semaphore_mem>>
          %dma_start3A_324 = arith.constant 0 : i32
          %dma_start3A_325 = arith.constant 0 : i32
          %dma_start3A_326 = tpu.memref_slice %arg8[%run_scoped3A_256, %dma_start3A_324, %dma_start3A_325] : memref<2x128x128xf32, #tpu.memory_space<vmem>> -> memref<1x128x128xf32, #tpu.memory_space<vmem>>
          %dma_start3A_327 = tpu.memref_squeeze %dma_start3A_326 : memref<1x128x128xf32, #tpu.memory_space<vmem>> -> memref<128x128xf32, #tpu.memory_space<vmem>>
          %dma_start3A_328 = arith.constant 0 : i32
          %dma_start3A_329 = tpu.memref_slice %arg7[%run_scoped3A_257, %run_scoped3A_258, %dma_start3A_328] : memref<4x1x128xi32, #tpu.memory_space<vmem>> -> memref<1x1x128xi32, #tpu.memory_space<vmem>>
          %dma_start3A_330 = tpu.memref_squeeze %dma_start3A_329 : memref<1x1x128xi32, #tpu.memory_space<vmem>> -> memref<128xi32, #tpu.memory_space<vmem>>
          %dma_start3A_331 = arith.constant 0 : i32
          %dma_start3A_332 = arith.constant 0 : i32
          %dma_start3A_333 = tpu.memref_slice %arg9[%dma_start3A_331, %dma_start3A_332] : memref<10240x128xf32, #tpu.memory_space<vmem_shared>> -> memref<10240x128xf32, #tpu.memory_space<vmem_shared>>
          tpu.enqueue_indirect_dma source(%dma_start3A_327 : memref<128x128xf32, #tpu.memory_space<vmem>>) target(%dma_start3A_333 : memref<10240x128xf32, #tpu.memory_space<vmem_shared>>) offsets(%dma_start3A_330 : memref<128xi32, #tpu.memory_space<vmem>>) semaphore(%run_scoped3A_323 : memref<!tpu.dma_semaphore, #tpu.memory_space<semaphore_mem>>) {add = true}
          %dma_wait3A_334 = arith.constant 0 : i32
          %dma_wait3A_335 = arith.constant 0 : i32
          %dma_wait3A_336 = tpu.memref_slice %arg8[%run_scoped3A_256, %dma_wait3A_334, %dma_wait3A_335] : memref<2x128x128xf32, #tpu.memory_space<vmem>> -> memref<1x128x128xf32, #tpu.memory_space<vmem>>
          %dma_wait3A_337 = tpu.memref_squeeze %dma_wait3A_336 : memref<1x128x128xf32, #tpu.memory_space<vmem>> -> memref<128x128xf32, #tpu.memory_space<vmem>>
          %dma_wait3A_338 = arith.constant 0 : i32
          %dma_wait3A_339 = tpu.memref_slice %arg7[%run_scoped3A_257, %run_scoped3A_258, %dma_wait3A_338] : memref<4x1x128xi32, #tpu.memory_space<vmem>> -> memref<1x1x128xi32, #tpu.memory_space<vmem>>
          %dma_wait3A_340 = tpu.memref_squeeze %dma_wait3A_339 : memref<1x1x128xi32, #tpu.memory_space<vmem>> -> memref<128xi32, #tpu.memory_space<vmem>>
          %dma_wait3A_341 = arith.constant 0 : i32
          %dma_wait3A_342 = arith.constant 0 : i32
          %dma_wait3A_343 = tpu.memref_slice %arg9[%dma_wait3A_341, %dma_wait3A_342] : memref<10240x128xf32, #tpu.memory_space<vmem_shared>> -> memref<10240x128xf32, #tpu.memory_space<vmem_shared>>
          tpu.wait_indirect_dma semaphore(%run_scoped3A_323 : memref<!tpu.dma_semaphore, #tpu.memory_space<semaphore_mem>>) src(%dma_wait3A_337 : memref<128x128xf32, #tpu.memory_space<vmem>>) dst(%dma_wait3A_343 : memref<10240x128xf32, #tpu.memory_space<vmem_shared>>)
          tpu.yield
        }) : () -> ()
        %add3A_259 = arith.constant 2 : i32
        %add3A_260 = arith.addi %add3A_224, %add3A_259 : i32
        %lt3A_261 = arith.constant 80 : i32
        %lt3A_262 = arith.cmpi slt, %add3A_260, %lt3A_261 : i32
        %convert_element_type3A_263 = arith.extui %lt3A_262 : i1 to i32
        %cond3A_264 = arith.constant 0 : i32
        %cond3A_265 = arith.cmpi ne, %convert_element_type3A_263, %cond3A_264 : i32
        scf.if %cond3A_265 {
          %add3A_323 = arith.constant 2 : i32
          %add3A_324 = arith.addi %add3A_224, %add3A_323 : i32
          %dma_start3A_325 = arith.constant 0 : i32
          %dma_start3A_326 = arith.constant 0 : i32
          %dma_start3A_327 = arith.constant 0 : i32
          %dma_start3A_328 = arith.constant 0 : i32
          %dma_start3A_329 = tpu.memref_slice %arg8[%dma_start3A_326, %dma_start3A_327, %dma_start3A_328] : memref<2x128x128xf32, #tpu.memory_space<vmem>> -> memref<1x128x128xf32, #tpu.memory_space<vmem>>
          %dma_start3A_330 = tpu.memref_squeeze %dma_start3A_329 : memref<1x128x128xf32, #tpu.memory_space<vmem>> -> memref<128x128xf32, #tpu.memory_space<vmem>>
          %dma_start3A_331 = arith.constant 0 : i32
          %dma_start3A_332 = tpu.memref_slice %arg6[%add3A_324, %dma_start3A_325, %dma_start3A_331] : memref<80x1x128xi32, #tpu.memory_space<vmem>> -> memref<1x1x128xi32, #tpu.memory_space<vmem>>
          %dma_start3A_333 = tpu.memref_squeeze %dma_start3A_332 : memref<1x1x128xi32, #tpu.memory_space<vmem>> -> memref<128xi32, #tpu.memory_space<vmem>>
          %dma_start3A_334 = arith.constant 0 : i32
          %dma_start3A_335 = arith.constant 0 : i32
          %dma_start3A_336 = tpu.memref_slice %arg2[%dma_start3A_334, %dma_start3A_335] : memref<10240x128xf32, #tpu.memory_space<hbm>> -> memref<10240x128xf32, #tpu.memory_space<hbm>>
          tpu.enqueue_indirect_dma source(%dma_start3A_336 : memref<10240x128xf32, #tpu.memory_space<hbm>>) target(%dma_start3A_330 : memref<128x128xf32, #tpu.memory_space<vmem>>) offsets(%dma_start3A_333 : memref<128xi32, #tpu.memory_space<vmem>>) semaphore(%arg10 : memref<!tpu.dma_semaphore, #tpu.memory_space<semaphore_mem>>)
        } else {
        }
        %add3A_266 = arith.constant 4 : i32
        %add3A_267 = arith.addi %add3A_224, %add3A_266 : i32
        %lt3A_268 = arith.constant 80 : i32
        %lt3A_269 = arith.cmpi slt, %add3A_267, %lt3A_268 : i32
        %convert_element_type3A_270 = arith.extui %lt3A_269 : i1 to i32
        %cond3A_271 = arith.constant 0 : i32
        %cond3A_272 = arith.cmpi ne, %convert_element_type3A_270, %cond3A_271 : i32
        scf.if %cond3A_272 {
          %add3A_323 = arith.addi %add3A_9, %add3A_224 : i32
          %add3A_324 = arith.constant 4 : i32
          %add3A_325 = arith.addi %add3A_323, %add3A_324 : i32
          %dma_start3A_326 = arith.constant 1 : i32
          %dma_start3A_327 = arith.constant 2 : i32
          %dma_start3A_328 = arith.constant 0 : i32
          %dma_start3A_329 = arith.constant 0 : i32
          %dma_start3A_330 = tpu.memref_slice %arg7[%dma_start3A_327, %dma_start3A_328, %dma_start3A_329] : memref<4x1x128xi32, #tpu.memory_space<vmem>> -> memref<1x1x128xi32, #tpu.memory_space<vmem>>
          %dma_start3A_331 = tpu.memref_squeeze %dma_start3A_330 : memref<1x1x128xi32, #tpu.memory_space<vmem>> -> memref<1x128xi32, #tpu.memory_space<vmem>>
          %dma_start3A_332 = arith.constant 0 : i32
          %dma_start3A_333 = arith.constant 0 : i32
          %dma_start3A_334 = tpu.memref_slice %arg3[%dma_start3A_326, %add3A_325, %dma_start3A_332, %dma_start3A_333] : memref<2x2560x1x128xi32, #tpu.memory_space<hbm>> -> memref<1x1x1x128xi32, #tpu.memory_space<hbm>>
          %dma_start3A_335 = tpu.memref_squeeze %dma_start3A_334 : memref<1x1x1x128xi32, #tpu.memory_space<hbm>> -> memref<1x128xi32, #tpu.memory_space<hbm>>
          %dma_start3A_336 = arith.constant 0 : i32
          %dma_start3A_337 = arith.constant 0 : i32
          %dma_start3A_338 = tpu.memref_slice %arg7[%dma_start3A_327, %dma_start3A_336, %dma_start3A_337] : memref<4x1x128xi32, #tpu.memory_space<vmem>> -> memref<1x1x128xi32, #tpu.memory_space<vmem>>
          %dma_start3A_339 = tpu.memref_squeeze %dma_start3A_338 : memref<1x1x128xi32, #tpu.memory_space<vmem>> -> memref<1x128xi32, #tpu.memory_space<vmem>>
          %dma_start3A_340 = arith.constant 0 : i32
          %dma_start3A_341 = arith.constant 0 : i32
          %dma_start3A_342 = tpu.memref_slice %arg3[%dma_start3A_326, %add3A_325, %dma_start3A_340, %dma_start3A_341] : memref<2x2560x1x128xi32, #tpu.memory_space<hbm>> -> memref<1x1x1x128xi32, #tpu.memory_space<hbm>>
          %dma_start3A_343 = tpu.memref_squeeze %dma_start3A_342 : memref<1x1x1x128xi32, #tpu.memory_space<hbm>> -> memref<1x128xi32, #tpu.memory_space<hbm>>
          tpu.enqueue_dma source(%dma_start3A_343 : memref<1x128xi32, #tpu.memory_space<hbm>>) target(%dma_start3A_339 : memref<1x128xi32, #tpu.memory_space<vmem>>) target_semaphore(%arg14 : memref<!tpu.dma_semaphore, #tpu.memory_space<semaphore_mem>>)
        } else {
        }
        %add3A_273 = arith.constant 3 : i32
        %add3A_274 = arith.addi %add3A_124, %add3A_273 : i32
        %dma_wait3A_275 = arith.constant 0 : i32
        %dma_wait3A_276 = arith.constant 0 : i32
        %dma_wait3A_277 = arith.constant 1 : i32
        %dma_wait3A_278 = arith.constant 0 : i32
        %dma_wait3A_279 = arith.constant 0 : i32
        %dma_wait3A_280 = tpu.memref_slice %arg8[%dma_wait3A_277, %dma_wait3A_278, %dma_wait3A_279] : memref<2x128x128xf32, #tpu.memory_space<vmem>> -> memref<1x128x128xf32, #tpu.memory_space<vmem>>
        %dma_wait3A_281 = tpu.memref_squeeze %dma_wait3A_280 : memref<1x128x128xf32, #tpu.memory_space<vmem>> -> memref<128x128xf32, #tpu.memory_space<vmem>>
        %dma_wait3A_282 = arith.constant 0 : i32
        %dma_wait3A_283 = tpu.memref_slice %arg6[%dma_wait3A_275, %dma_wait3A_276, %dma_wait3A_282] : memref<80x1x128xi32, #tpu.memory_space<vmem>> -> memref<1x1x128xi32, #tpu.memory_space<vmem>>
        %dma_wait3A_284 = tpu.memref_squeeze %dma_wait3A_283 : memref<1x1x128xi32, #tpu.memory_space<vmem>> -> memref<128xi32, #tpu.memory_space<vmem>>
        %dma_wait3A_285 = arith.constant 0 : i32
        %dma_wait3A_286 = arith.constant 0 : i32
        %dma_wait3A_287 = tpu.memref_slice %arg2[%dma_wait3A_285, %dma_wait3A_286] : memref<10240x128xf32, #tpu.memory_space<hbm>> -> memref<10240x128xf32, #tpu.memory_space<hbm>>
        tpu.wait_indirect_dma semaphore(%arg11 : memref<!tpu.dma_semaphore, #tpu.memory_space<semaphore_mem>>) src(%dma_wait3A_287 : memref<10240x128xf32, #tpu.memory_space<hbm>>) dst(%dma_wait3A_281 : memref<128x128xf32, #tpu.memory_space<vmem>>)
        %dma_wait3A_288 = arith.constant 1 : i32
        %dma_wait3A_289 = arith.constant 3 : i32
        %dma_wait3A_290 = arith.constant 0 : i32
        %dma_wait3A_291 = arith.constant 0 : i32
        %dma_wait3A_292 = tpu.memref_slice %arg7[%dma_wait3A_289, %dma_wait3A_290, %dma_wait3A_291] : memref<4x1x128xi32, #tpu.memory_space<vmem>> -> memref<1x1x128xi32, #tpu.memory_space<vmem>>
        %dma_wait3A_293 = tpu.memref_squeeze %dma_wait3A_292 : memref<1x1x128xi32, #tpu.memory_space<vmem>> -> memref<1x128xi32, #tpu.memory_space<vmem>>
        %dma_wait3A_294 = arith.constant 0 : i32
        %dma_wait3A_295 = arith.constant 0 : i32
        %dma_wait3A_296 = tpu.memref_slice %arg3[%dma_wait3A_288, %add3A_9, %dma_wait3A_294, %dma_wait3A_295] : memref<2x2560x1x128xi32, #tpu.memory_space<hbm>> -> memref<1x1x1x128xi32, #tpu.memory_space<hbm>>
        %dma_wait3A_297 = tpu.memref_squeeze %dma_wait3A_296 : memref<1x1x1x128xi32, #tpu.memory_space<hbm>> -> memref<1x128xi32, #tpu.memory_space<hbm>>
        %dma_wait3A_298 = arith.constant 0 : i32
        %dma_wait3A_299 = arith.constant 0 : i32
        %dma_wait3A_300 = tpu.memref_slice %arg7[%dma_wait3A_289, %dma_wait3A_298, %dma_wait3A_299] : memref<4x1x128xi32, #tpu.memory_space<vmem>> -> memref<1x1x128xi32, #tpu.memory_space<vmem>>
        %dma_wait3A_301 = tpu.memref_squeeze %dma_wait3A_300 : memref<1x1x128xi32, #tpu.memory_space<vmem>> -> memref<1x128xi32, #tpu.memory_space<vmem>>
        %dma_wait3A_302 = arith.constant 0 : i32
        %dma_wait3A_303 = arith.constant 0 : i32
        %dma_wait3A_304 = tpu.memref_slice %arg3[%dma_wait3A_288, %add3A_9, %dma_wait3A_302, %dma_wait3A_303] : memref<2x2560x1x128xi32, #tpu.memory_space<hbm>> -> memref<1x1x1x128xi32, #tpu.memory_space<hbm>>
        %dma_wait3A_305 = tpu.memref_squeeze %dma_wait3A_304 : memref<1x1x1x128xi32, #tpu.memory_space<hbm>> -> memref<1x128xi32, #tpu.memory_space<hbm>>
        tpu.wait_dma2 semaphore(%arg15 : memref<!tpu.dma_semaphore, #tpu.memory_space<semaphore_mem>>) src(%dma_wait3A_305 : memref<1x128xi32, #tpu.memory_space<hbm>>) dst(%dma_wait3A_301 : memref<1x128xi32, #tpu.memory_space<vmem>>)
        %run_scoped3A_306 = arith.constant 1 : i32
        %run_scoped3A_307 = arith.constant 3 : i32
        %run_scoped3A_308 = arith.constant 0 : i32
        "tpu.region"() ({
          %run_scoped3A_323 = tpu.sem_alloc : memref<!tpu.dma_semaphore, #tpu.memory_space<semaphore_mem>>
          %dma_start3A_324 = arith.constant 0 : i32
          %dma_start3A_325 = arith.constant 0 : i32
          %dma_start3A_326 = tpu.memref_slice %arg8[%run_scoped3A_306, %dma_start3A_324, %dma_start3A_325] : memref<2x128x128xf32, #tpu.memory_space<vmem>> -> memref<1x128x128xf32, #tpu.memory_space<vmem>>
          %dma_start3A_327 = tpu.memref_squeeze %dma_start3A_326 : memref<1x128x128xf32, #tpu.memory_space<vmem>> -> memref<128x128xf32, #tpu.memory_space<vmem>>
          %dma_start3A_328 = arith.constant 0 : i32
          %dma_start3A_329 = tpu.memref_slice %arg7[%run_scoped3A_307, %run_scoped3A_308, %dma_start3A_328] : memref<4x1x128xi32, #tpu.memory_space<vmem>> -> memref<1x1x128xi32, #tpu.memory_space<vmem>>
          %dma_start3A_330 = tpu.memref_squeeze %dma_start3A_329 : memref<1x1x128xi32, #tpu.memory_space<vmem>> -> memref<128xi32, #tpu.memory_space<vmem>>
          %dma_start3A_331 = arith.constant 0 : i32
          %dma_start3A_332 = arith.constant 0 : i32
          %dma_start3A_333 = tpu.memref_slice %arg9[%dma_start3A_331, %dma_start3A_332] : memref<10240x128xf32, #tpu.memory_space<vmem_shared>> -> memref<10240x128xf32, #tpu.memory_space<vmem_shared>>
          tpu.enqueue_indirect_dma source(%dma_start3A_327 : memref<128x128xf32, #tpu.memory_space<vmem>>) target(%dma_start3A_333 : memref<10240x128xf32, #tpu.memory_space<vmem_shared>>) offsets(%dma_start3A_330 : memref<128xi32, #tpu.memory_space<vmem>>) semaphore(%run_scoped3A_323 : memref<!tpu.dma_semaphore, #tpu.memory_space<semaphore_mem>>) {add = true}
          %dma_wait3A_334 = arith.constant 0 : i32
          %dma_wait3A_335 = arith.constant 0 : i32
          %dma_wait3A_336 = tpu.memref_slice %arg8[%run_scoped3A_306, %dma_wait3A_334, %dma_wait3A_335] : memref<2x128x128xf32, #tpu.memory_space<vmem>> -> memref<1x128x128xf32, #tpu.memory_space<vmem>>
          %dma_wait3A_337 = tpu.memref_squeeze %dma_wait3A_336 : memref<1x128x128xf32, #tpu.memory_space<vmem>> -> memref<128x128xf32, #tpu.memory_space<vmem>>
          %dma_wait3A_338 = arith.constant 0 : i32
          %dma_wait3A_339 = tpu.memref_slice %arg7[%run_scoped3A_307, %run_scoped3A_308, %dma_wait3A_338] : memref<4x1x128xi32, #tpu.memory_space<vmem>> -> memref<1x1x128xi32, #tpu.memory_space<vmem>>
          %dma_wait3A_340 = tpu.memref_squeeze %dma_wait3A_339 : memref<1x1x128xi32, #tpu.memory_space<vmem>> -> memref<128xi32, #tpu.memory_space<vmem>>
          %dma_wait3A_341 = arith.constant 0 : i32
          %dma_wait3A_342 = arith.constant 0 : i32
          %dma_wait3A_343 = tpu.memref_slice %arg9[%dma_wait3A_341, %dma_wait3A_342] : memref<10240x128xf32, #tpu.memory_space<vmem_shared>> -> memref<10240x128xf32, #tpu.memory_space<vmem_shared>>
          tpu.wait_indirect_dma semaphore(%run_scoped3A_323 : memref<!tpu.dma_semaphore, #tpu.memory_space<semaphore_mem>>) src(%dma_wait3A_337 : memref<128x128xf32, #tpu.memory_space<vmem>>) dst(%dma_wait3A_343 : memref<10240x128xf32, #tpu.memory_space<vmem_shared>>)
          tpu.yield
        }) : () -> ()
        %add3A_309 = arith.constant 2 : i32
        %add3A_310 = arith.addi %add3A_274, %add3A_309 : i32
        %lt3A_311 = arith.constant 80 : i32
        %lt3A_312 = arith.cmpi slt, %add3A_310, %lt3A_311 : i32
        %convert_element_type3A_313 = arith.extui %lt3A_312 : i1 to i32
        %cond3A_314 = arith.constant 0 : i32
        %cond3A_315 = arith.cmpi ne, %convert_element_type3A_313, %cond3A_314 : i32
        scf.if %cond3A_315 {
          %add3A_323 = arith.constant 2 : i32
          %add3A_324 = arith.addi %add3A_274, %add3A_323 : i32
          %dma_start3A_325 = arith.constant 0 : i32
          %dma_start3A_326 = arith.constant 1 : i32
          %dma_start3A_327 = arith.constant 0 : i32
          %dma_start3A_328 = arith.constant 0 : i32
          %dma_start3A_329 = tpu.memref_slice %arg8[%dma_start3A_326, %dma_start3A_327, %dma_start3A_328] : memref<2x128x128xf32, #tpu.memory_space<vmem>> -> memref<1x128x128xf32, #tpu.memory_space<vmem>>
          %dma_start3A_330 = tpu.memref_squeeze %dma_start3A_329 : memref<1x128x128xf32, #tpu.memory_space<vmem>> -> memref<128x128xf32, #tpu.memory_space<vmem>>
          %dma_start3A_331 = arith.constant 0 : i32
          %dma_start3A_332 = tpu.memref_slice %arg6[%add3A_324, %dma_start3A_325, %dma_start3A_331] : memref<80x1x128xi32, #tpu.memory_space<vmem>> -> memref<1x1x128xi32, #tpu.memory_space<vmem>>
          %dma_start3A_333 = tpu.memref_squeeze %dma_start3A_332 : memref<1x1x128xi32, #tpu.memory_space<vmem>> -> memref<128xi32, #tpu.memory_space<vmem>>
          %dma_start3A_334 = arith.constant 0 : i32
          %dma_start3A_335 = arith.constant 0 : i32
          %dma_start3A_336 = tpu.memref_slice %arg2[%dma_start3A_334, %dma_start3A_335] : memref<10240x128xf32, #tpu.memory_space<hbm>> -> memref<10240x128xf32, #tpu.memory_space<hbm>>
          tpu.enqueue_indirect_dma source(%dma_start3A_336 : memref<10240x128xf32, #tpu.memory_space<hbm>>) target(%dma_start3A_330 : memref<128x128xf32, #tpu.memory_space<vmem>>) offsets(%dma_start3A_333 : memref<128xi32, #tpu.memory_space<vmem>>) semaphore(%arg11 : memref<!tpu.dma_semaphore, #tpu.memory_space<semaphore_mem>>)
        } else {
        }
        %add3A_316 = arith.constant 4 : i32
        %add3A_317 = arith.addi %add3A_274, %add3A_316 : i32
        %lt3A_318 = arith.constant 80 : i32
        %lt3A_319 = arith.cmpi slt, %add3A_317, %lt3A_318 : i32
        %convert_element_type3A_320 = arith.extui %lt3A_319 : i1 to i32
        %cond3A_321 = arith.constant 0 : i32
        %cond3A_322 = arith.cmpi ne, %convert_element_type3A_320, %cond3A_321 : i32
        scf.if %cond3A_322 {
          %add3A_323 = arith.addi %add3A_9, %add3A_274 : i32
          %add3A_324 = arith.constant 4 : i32
          %add3A_325 = arith.addi %add3A_323, %add3A_324 : i32
          %dma_start3A_326 = arith.constant 1 : i32
          %dma_start3A_327 = arith.constant 3 : i32
          %dma_start3A_328 = arith.constant 0 : i32
          %dma_start3A_329 = arith.constant 0 : i32
          %dma_start3A_330 = tpu.memref_slice %arg7[%dma_start3A_327, %dma_start3A_328, %dma_start3A_329] : memref<4x1x128xi32, #tpu.memory_space<vmem>> -> memref<1x1x128xi32, #tpu.memory_space<vmem>>
          %dma_start3A_331 = tpu.memref_squeeze %dma_start3A_330 : memref<1x1x128xi32, #tpu.memory_space<vmem>> -> memref<1x128xi32, #tpu.memory_space<vmem>>
          %dma_start3A_332 = arith.constant 0 : i32
          %dma_start3A_333 = arith.constant 0 : i32
          %dma_start3A_334 = tpu.memref_slice %arg3[%dma_start3A_326, %add3A_325, %dma_start3A_332, %dma_start3A_333] : memref<2x2560x1x128xi32, #tpu.memory_space<hbm>> -> memref<1x1x1x128xi32, #tpu.memory_space<hbm>>
          %dma_start3A_335 = tpu.memref_squeeze %dma_start3A_334 : memref<1x1x1x128xi32, #tpu.memory_space<hbm>> -> memref<1x128xi32, #tpu.memory_space<hbm>>
          %dma_start3A_336 = arith.constant 0 : i32
          %dma_start3A_337 = arith.constant 0 : i32
          %dma_start3A_338 = tpu.memref_slice %arg7[%dma_start3A_327, %dma_start3A_336, %dma_start3A_337] : memref<4x1x128xi32, #tpu.memory_space<vmem>> -> memref<1x1x128xi32, #tpu.memory_space<vmem>>
          %dma_start3A_339 = tpu.memref_squeeze %dma_start3A_338 : memref<1x1x128xi32, #tpu.memory_space<vmem>> -> memref<1x128xi32, #tpu.memory_space<vmem>>
          %dma_start3A_340 = arith.constant 0 : i32
          %dma_start3A_341 = arith.constant 0 : i32
          %dma_start3A_342 = tpu.memref_slice %arg3[%dma_start3A_326, %add3A_325, %dma_start3A_340, %dma_start3A_341] : memref<2x2560x1x128xi32, #tpu.memory_space<hbm>> -> memref<1x1x1x128xi32, #tpu.memory_space<hbm>>
          %dma_start3A_343 = tpu.memref_squeeze %dma_start3A_342 : memref<1x1x1x128xi32, #tpu.memory_space<hbm>> -> memref<1x128xi32, #tpu.memory_space<hbm>>
          tpu.enqueue_dma source(%dma_start3A_343 : memref<1x128xi32, #tpu.memory_space<hbm>>) target(%dma_start3A_339 : memref<1x128xi32, #tpu.memory_space<vmem>>) target_semaphore(%arg15 : memref<!tpu.dma_semaphore, #tpu.memory_space<semaphore_mem>>)
        } else {
        }
      }
      %scan3A_119 = arith.constant 20 : i32
    } else {
    }
    %barrier3A = arith.constant 0 : index
    tpu.barrier barrier_id(%barrier3A)
    "tpu.region"() ({
      %run_scoped3A = tpu.sem_alloc : memref<!tpu.dma_semaphore, #tpu.memory_space<semaphore_mem>>
      %dma_start3A = arith.constant 0 : i32
      %dma_start3A_7 = tpu.memref_slice %arg5[%arg0, %mul3A_0, %dma_start3A] : memref<2x10240x128xf32, #tpu.memory_space<hbm>> -> memref<1x640x128xf32, #tpu.memory_space<hbm>>
      %dma_start3A_8 = tpu.memref_squeeze %dma_start3A_7 : memref<1x640x128xf32, #tpu.memory_space<hbm>> -> memref<640x128xf32, #tpu.memory_space<hbm>>
      %dma_start3A_9 = arith.constant 0 : i32
      %dma_start3A_10 = tpu.memref_slice %arg9[%mul3A_0, %dma_start3A_9] : memref<10240x128xf32, #tpu.memory_space<vmem_shared>> -> memref<640x128xf32, #tpu.memory_space<vmem_shared>>
      tpu.enqueue_dma source(%dma_start3A_10 : memref<640x128xf32, #tpu.memory_space<vmem_shared>>) target(%dma_start3A_8 : memref<640x128xf32, #tpu.memory_space<hbm>>) target_semaphore(%run_scoped3A : memref<!tpu.dma_semaphore, #tpu.memory_space<semaphore_mem>>)
      %dma_wait3A = arith.constant 0 : i32
      %dma_wait3A_11 = tpu.memref_slice %arg5[%arg0, %mul3A_0, %dma_wait3A] : memref<2x10240x128xf32, #tpu.memory_space<hbm>> -> memref<1x640x128xf32, #tpu.memory_space<hbm>>
      %dma_wait3A_12 = tpu.memref_squeeze %dma_wait3A_11 : memref<1x640x128xf32, #tpu.memory_space<hbm>> -> memref<640x128xf32, #tpu.memory_space<hbm>>
      %dma_wait3A_13 = arith.constant 0 : i32
      %dma_wait3A_14 = tpu.memref_slice %arg9[%mul3A_0, %dma_wait3A_13] : memref<10240x128xf32, #tpu.memory_space<vmem_shared>> -> memref<640x128xf32, #tpu.memory_space<vmem_shared>>
      tpu.wait_dma2 semaphore(%run_scoped3A : memref<!tpu.dma_semaphore, #tpu.memory_space<semaphore_mem>>) src(%dma_wait3A_14 : memref<640x128xf32, #tpu.memory_space<vmem_shared>>) dst(%dma_wait3A_12 : memref<640x128xf32, #tpu.memory_space<hbm>>)
      tpu.yield
    }) : () -> ()
    return
  }
}

#map = affine_map<(d0, d1) -> (0, 0, 0, 0)>
#map1 = affine_map<(d0, d1) -> (0, 0)>
module attributes {stable_mosaic.version = 14 : i64} {
  func.func @_deg_kernel(%arg0: i32, %arg1: i32, %arg2: memref<2x2560x1x128xi32, #tpu.memory_space<hbm>>, %arg3: memref<32x10240xf32, #tpu.memory_space<hbm>>, %arg4: memref<80x1x128xi32, #tpu.memory_space<vmem>>, %arg5: memref<10240xf32, #tpu.memory_space<vmem>>) attributes {dimension_semantics = [#tpu.dimension_semantics<core_parallel>, #tpu.dimension_semantics<subcore_parallel>], iteration_bounds = array<i64: 2, 16>, scalar_prefetch = 0 : i64, scratch_operands = 2 : i64, tpu.core_type = #tpu.core_type<sc_vector_subcore>, window_params = [{transform_indices = #map}, {transform_indices = #map1}]} {
    %mul3A = arith.constant 2 : i32
    %mul3A_0 = arith.muli %arg1, %mul3A : i32
    %add3A = arith.addi %mul3A_0, %arg0 : i32
    %mul3A_1 = arith.constant 80 : i32
    %mul3A_2 = arith.muli %add3A, %mul3A_1 : i32
    %run_scoped3A = arith.constant 1 : i32
    "tpu.region"() ({
      %run_scoped3A_13 = tpu.sem_alloc : memref<!tpu.dma_semaphore, #tpu.memory_space<semaphore_mem>>
      %dma_start3A = arith.constant 0 : i32
      %dma_start3A_14 = arith.constant 0 : i32
      %dma_start3A_15 = tpu.memref_slice %arg2[%run_scoped3A, %mul3A_2, %dma_start3A, %dma_start3A_14] : memref<2x2560x1x128xi32, #tpu.memory_space<hbm>> -> memref<1x80x1x128xi32, #tpu.memory_space<hbm>>
      %dma_start3A_16 = tpu.memref_squeeze %dma_start3A_15 : memref<1x80x1x128xi32, #tpu.memory_space<hbm>> -> memref<80x1x128xi32, #tpu.memory_space<hbm>>
      %dma_start3A_17 = arith.constant 0 : i32
      %dma_start3A_18 = arith.constant 0 : i32
      %dma_start3A_19 = tpu.memref_slice %arg2[%run_scoped3A, %mul3A_2, %dma_start3A_17, %dma_start3A_18] : memref<2x2560x1x128xi32, #tpu.memory_space<hbm>> -> memref<1x80x1x128xi32, #tpu.memory_space<hbm>>
      %dma_start3A_20 = tpu.memref_squeeze %dma_start3A_19 : memref<1x80x1x128xi32, #tpu.memory_space<hbm>> -> memref<80x1x128xi32, #tpu.memory_space<hbm>>
      tpu.enqueue_dma source(%dma_start3A_20 : memref<80x1x128xi32, #tpu.memory_space<hbm>>) target(%arg4 : memref<80x1x128xi32, #tpu.memory_space<vmem>>) target_semaphore(%run_scoped3A_13 : memref<!tpu.dma_semaphore, #tpu.memory_space<semaphore_mem>>)
      %dma_wait3A = arith.constant 0 : i32
      %dma_wait3A_21 = arith.constant 0 : i32
      %dma_wait3A_22 = tpu.memref_slice %arg2[%run_scoped3A, %mul3A_2, %dma_wait3A, %dma_wait3A_21] : memref<2x2560x1x128xi32, #tpu.memory_space<hbm>> -> memref<1x80x1x128xi32, #tpu.memory_space<hbm>>
      %dma_wait3A_23 = tpu.memref_squeeze %dma_wait3A_22 : memref<1x80x1x128xi32, #tpu.memory_space<hbm>> -> memref<80x1x128xi32, #tpu.memory_space<hbm>>
      %dma_wait3A_24 = arith.constant 0 : i32
      %dma_wait3A_25 = arith.constant 0 : i32
      %dma_wait3A_26 = tpu.memref_slice %arg2[%run_scoped3A, %mul3A_2, %dma_wait3A_24, %dma_wait3A_25] : memref<2x2560x1x128xi32, #tpu.memory_space<hbm>> -> memref<1x80x1x128xi32, #tpu.memory_space<hbm>>
      %dma_wait3A_27 = tpu.memref_squeeze %dma_wait3A_26 : memref<1x80x1x128xi32, #tpu.memory_space<hbm>> -> memref<80x1x128xi32, #tpu.memory_space<hbm>>
      tpu.wait_dma2 semaphore(%run_scoped3A_13 : memref<!tpu.dma_semaphore, #tpu.memory_space<semaphore_mem>>) src(%dma_wait3A_27 : memref<80x1x128xi32, #tpu.memory_space<hbm>>) dst(%arg4 : memref<80x1x128xi32, #tpu.memory_space<vmem>>)
      tpu.yield
    }) : () -> ()
    %scan3A = arith.constant 0 : i32
    %scan3A_3 = arith.constant 640 : i32
    %scan3A_4 = arith.addi %scan3A, %scan3A_3 : i32
    %scan3A_5 = arith.constant 1 : i32
    scf.for %scan3A_13 = %scan3A to %scan3A_4 step %scan3A_5  : i32 {
      %mul3A_14 = arith.constant 1 : i32
      %mul3A_15 = arith.muli %scan3A_13, %mul3A_14 : i32
      %add3A_16 = arith.constant 0 : i32
      %add3A_17 = arith.addi %add3A_16, %mul3A_15 : i32
      %broadcast_in_dim3A_18 = arith.constant 0.000000e+00 : f32
      %broadcast_in_dim3A_19 = vector.broadcast %broadcast_in_dim3A_18 : f32 to vector<16xf32>
      %mul3A_20 = arith.constant 16 : i32
      %mul3A_21 = arith.muli %add3A_17, %mul3A_20 : i32
      %swap3A = arith.index_cast %mul3A_21 : i32 to index
      %swap3A_22 = tpu.vector_load %arg5[%swap3A] {strides = array<i32>} : memref<10240xf32, #tpu.memory_space<vmem>>, vector<16xf32>,
      tpu.vector_store %arg5[%swap3A], %broadcast_in_dim3A_19 {strides = array<i32>} : memref<10240xf32, #tpu.memory_space<vmem>>, vector<16xf32>,
    }
    %scan3A_6 = arith.constant 640 : i32
    %broadcast_in_dim3A = arith.constant 1.000000e+00 : f32
    %broadcast_in_dim3A_7 = vector.broadcast %broadcast_in_dim3A : f32 to vector<16xf32>
    %scan3A_8 = arith.constant 0 : i32
    %scan3A_9 = arith.constant 80 : i32
    %scan3A_10 = arith.addi %scan3A_8, %scan3A_9 : i32
    %scan3A_11 = arith.constant 1 : i32
    scf.for %scan3A_13 = %scan3A_8 to %scan3A_10 step %scan3A_11  : i32 {
      %mul3A_14 = arith.constant 1 : i32
      %mul3A_15 = arith.muli %scan3A_13, %mul3A_14 : i32
      %add3A_16 = arith.constant 0 : i32
      %add3A_17 = arith.addi %add3A_16, %mul3A_15 : i32
      %get3A = arith.constant 0 : i32
      %get3A_18 = arith.index_cast %add3A_17 : i32 to index
      %get3A_19 = arith.index_cast %get3A : i32 to index
      %get3A_20 = arith.constant 0 : index
      %get3A_21 = tpu.vector_load %arg4[%get3A_18, %get3A_19, %get3A_20] {strides = array<i32>} : memref<80x1x128xi32, #tpu.memory_space<vmem>>, vector<16xi32>,
      tpu.vector_store_idx %arg5[%get3A_21], %broadcast_in_dim3A_7 {add = true} : memref<10240xf32, #tpu.memory_space<vmem>>[vector<16xi32>], vector<16xf32>,
      %get3A_22 = arith.constant 0 : i32
      %get3A_23 = arith.index_cast %add3A_17 : i32 to index
      %get3A_24 = arith.index_cast %get3A_22 : i32 to index
      %get3A_25 = arith.constant 16 : index
      %get3A_26 = tpu.vector_load %arg4[%get3A_23, %get3A_24, %get3A_25] {strides = array<i32>} : memref<80x1x128xi32, #tpu.memory_space<vmem>>, vector<16xi32>,
      tpu.vector_store_idx %arg5[%get3A_26], %broadcast_in_dim3A_7 {add = true} : memref<10240xf32, #tpu.memory_space<vmem>>[vector<16xi32>], vector<16xf32>,
      %get3A_27 = arith.constant 0 : i32
      %get3A_28 = arith.index_cast %add3A_17 : i32 to index
      %get3A_29 = arith.index_cast %get3A_27 : i32 to index
      %get3A_30 = arith.constant 32 : index
      %get3A_31 = tpu.vector_load %arg4[%get3A_28, %get3A_29, %get3A_30] {strides = array<i32>} : memref<80x1x128xi32, #tpu.memory_space<vmem>>, vector<16xi32>,
      tpu.vector_store_idx %arg5[%get3A_31], %broadcast_in_dim3A_7 {add = true} : memref<10240xf32, #tpu.memory_space<vmem>>[vector<16xi32>], vector<16xf32>,
      %get3A_32 = arith.constant 0 : i32
      %get3A_33 = arith.index_cast %add3A_17 : i32 to index
      %get3A_34 = arith.index_cast %get3A_32 : i32 to index
      %get3A_35 = arith.constant 48 : index
      %get3A_36 = tpu.vector_load %arg4[%get3A_33, %get3A_34, %get3A_35] {strides = array<i32>} : memref<80x1x128xi32, #tpu.memory_space<vmem>>, vector<16xi32>,
      tpu.vector_store_idx %arg5[%get3A_36], %broadcast_in_dim3A_7 {add = true} : memref<10240xf32, #tpu.memory_space<vmem>>[vector<16xi32>], vector<16xf32>,
      %get3A_37 = arith.constant 0 : i32
      %get3A_38 = arith.index_cast %add3A_17 : i32 to index
      %get3A_39 = arith.index_cast %get3A_37 : i32 to index
      %get3A_40 = arith.constant 64 : index
      %get3A_41 = tpu.vector_load %arg4[%get3A_38, %get3A_39, %get3A_40] {strides = array<i32>} : memref<80x1x128xi32, #tpu.memory_space<vmem>>, vector<16xi32>,
      tpu.vector_store_idx %arg5[%get3A_41], %broadcast_in_dim3A_7 {add = true} : memref<10240xf32, #tpu.memory_space<vmem>>[vector<16xi32>], vector<16xf32>,
      %get3A_42 = arith.constant 0 : i32
      %get3A_43 = arith.index_cast %add3A_17 : i32 to index
      %get3A_44 = arith.index_cast %get3A_42 : i32 to index
      %get3A_45 = arith.constant 80 : index
      %get3A_46 = tpu.vector_load %arg4[%get3A_43, %get3A_44, %get3A_45] {strides = array<i32>} : memref<80x1x128xi32, #tpu.memory_space<vmem>>, vector<16xi32>,
      tpu.vector_store_idx %arg5[%get3A_46], %broadcast_in_dim3A_7 {add = true} : memref<10240xf32, #tpu.memory_space<vmem>>[vector<16xi32>], vector<16xf32>,
      %get3A_47 = arith.constant 0 : i32
      %get3A_48 = arith.index_cast %add3A_17 : i32 to index
      %get3A_49 = arith.index_cast %get3A_47 : i32 to index
      %get3A_50 = arith.constant 96 : index
      %get3A_51 = tpu.vector_load %arg4[%get3A_48, %get3A_49, %get3A_50] {strides = array<i32>} : memref<80x1x128xi32, #tpu.memory_space<vmem>>, vector<16xi32>,
      tpu.vector_store_idx %arg5[%get3A_51], %broadcast_in_dim3A_7 {add = true} : memref<10240xf32, #tpu.memory_space<vmem>>[vector<16xi32>], vector<16xf32>,
      %get3A_52 = arith.constant 0 : i32
      %get3A_53 = arith.index_cast %add3A_17 : i32 to index
      %get3A_54 = arith.index_cast %get3A_52 : i32 to index
      %get3A_55 = arith.constant 112 : index
      %get3A_56 = tpu.vector_load %arg4[%get3A_53, %get3A_54, %get3A_55] {strides = array<i32>} : memref<80x1x128xi32, #tpu.memory_space<vmem>>, vector<16xi32>,
      tpu.vector_store_idx %arg5[%get3A_56], %broadcast_in_dim3A_7 {add = true} : memref<10240xf32, #tpu.memory_space<vmem>>[vector<16xi32>], vector<16xf32>,
    }
    %scan3A_12 = arith.constant 80 : i32
    "tpu.region"() ({
      %run_scoped3A_13 = tpu.sem_alloc : memref<!tpu.dma_semaphore, #tpu.memory_space<semaphore_mem>>
      %dma_start3A = arith.constant 0 : i32
      %dma_start3A_14 = tpu.memref_slice %arg3[%add3A, %dma_start3A] : memref<32x10240xf32, #tpu.memory_space<hbm>> -> memref<1x10240xf32, #tpu.memory_space<hbm>>
      %dma_start3A_15 = tpu.memref_squeeze %dma_start3A_14 : memref<1x10240xf32, #tpu.memory_space<hbm>> -> memref<10240xf32, #tpu.memory_space<hbm>>
      %dma_start3A_16 = arith.constant 0 : i32
      %dma_start3A_17 = tpu.memref_slice %arg3[%add3A, %dma_start3A_16] : memref<32x10240xf32, #tpu.memory_space<hbm>> -> memref<1x10240xf32, #tpu.memory_space<hbm>>
      %dma_start3A_18 = tpu.memref_squeeze %dma_start3A_17 : memref<1x10240xf32, #tpu.memory_space<hbm>> -> memref<10240xf32, #tpu.memory_space<hbm>>
      tpu.enqueue_dma source(%arg5 : memref<10240xf32, #tpu.memory_space<vmem>>) target(%dma_start3A_18 : memref<10240xf32, #tpu.memory_space<hbm>>) target_semaphore(%run_scoped3A_13 : memref<!tpu.dma_semaphore, #tpu.memory_space<semaphore_mem>>)
      %dma_wait3A = arith.constant 0 : i32
      %dma_wait3A_19 = tpu.memref_slice %arg3[%add3A, %dma_wait3A] : memref<32x10240xf32, #tpu.memory_space<hbm>> -> memref<1x10240xf32, #tpu.memory_space<hbm>>
      %dma_wait3A_20 = tpu.memref_squeeze %dma_wait3A_19 : memref<1x10240xf32, #tpu.memory_space<hbm>> -> memref<10240xf32, #tpu.memory_space<hbm>>
      %dma_wait3A_21 = arith.constant 0 : i32
      %dma_wait3A_22 = tpu.memref_slice %arg3[%add3A, %dma_wait3A_21] : memref<32x10240xf32, #tpu.memory_space<hbm>> -> memref<1x10240xf32, #tpu.memory_space<hbm>>
      %dma_wait3A_23 = tpu.memref_squeeze %dma_wait3A_22 : memref<1x10240xf32, #tpu.memory_space<hbm>> -> memref<10240xf32, #tpu.memory_space<hbm>>
      tpu.wait_dma2 semaphore(%run_scoped3A_13 : memref<!tpu.dma_semaphore, #tpu.memory_space<semaphore_mem>>) src(%arg5 : memref<10240xf32, #tpu.memory_space<vmem>>) dst(%dma_wait3A_23 : memref<10240xf32, #tpu.memory_space<hbm>>)
      tpu.yield
    }) : () -> ()
    return
  }
}

module attributes {stable_mosaic.version = 14 : i64} {
  func.func @_mm1_body(%arg0: i32, %arg1: memref<1024x128xf32, #tpu.memory_space<vmem>>, %arg2: memref<128x128xf32, #tpu.memory_space<vmem>>, %arg3: memref<32x1024xf32, #tpu.memory_space<vmem>>, %arg4: memref<1024x128xf32, #tpu.memory_space<vmem>>, %arg5: memref<1024x1xf32, #tpu.memory_space<vmem>>) attributes {dimension_semantics = [#tpu.dimension_semantics<arbitrary>], iteration_bounds = array<i64: 10>, scalar_prefetch = 0 : i64, scratch_operands = 0 : i64, tpu.core_type = #tpu.core_type<tc>, window_params = [{transform_indices = @transform_0, window_bounds = array<i64: 1024, 128>}, {pipeline_mode = #tpu.pipeline_mode<synchronous>, transform_indices = @transform_1, window_bounds = array<i64: 128, 128>}, {transform_indices = @transform_2, window_bounds = array<i64: 32, 1024>}, {transform_indices = @transform_3, window_bounds = array<i64: 1024, 128>}, {transform_indices = @transform_4, window_bounds = array<i64: 1024, 1>}]} {
    %get3A = arith.constant 0 : index
    %get3A_0 = arith.constant 0 : index
    %get3A_1 = vector.load %arg3[%get3A, %get3A_0] : memref<32x1024xf32, #tpu.memory_space<vmem>>, vector<32x1024xf32>
    %reduce_sum3A = arith.constant dense<0.000000e+00> : vector<1024xf32>
    %reduce_sum3A_2 = vector.multi_reduction <add>, %get3A_1, %reduce_sum3A [0] : vector<32x1024xf32> to vector<1024xf32>
    %add3A = arith.constant 1.000000e+00 : f32
    %add3A_3 = vector.broadcast %add3A : f32 to vector<1024xf32>
    %add3A_4 = arith.addf %reduce_sum3A_2, %add3A_3 : vector<1024xf32>
    %rsqrt3A = math.rsqrt %add3A_4 : vector<1024xf32>
    %get3A_5 = arith.constant 0 : index
    %get3A_6 = arith.constant 0 : index
    %get3A_7 = vector.load %arg1[%get3A_5, %get3A_6] : memref<1024x128xf32, #tpu.memory_space<vmem>>, vector<1024x128xf32>
    %get3A_8 = arith.constant 0 : index
    %get3A_9 = arith.constant 0 : index
    %get3A_10 = vector.load %arg2[%get3A_8, %get3A_9] : memref<128x128xf32, #tpu.memory_space<vmem>>, vector<128x128xf32>
    %dot_general3A = arith.constant dense<0.000000e+00> : vector<1024x128xf32>
    %dot_general3A_11 = tpu.matmul %get3A_7, %get3A_10, %dot_general3A {dimension_numbers = #tpu.dot_dimension_numbers<[1], [0], [0], [1], [0, 0, 1, 1], [], []>, transpose_lhs_hint = false} : vector<1024x128xf32>, vector<128x128xf32>, vector<1024x128xf32> -> vector<1024x128xf32>
    %broadcast_in_dim3A = vector.shape_cast %rsqrt3A : vector<1024xf32> to vector<1024x1xf32>
    %mul3A = vector.broadcast %broadcast_in_dim3A : vector<1024x1xf32> to vector<1024x128xf32>
    %mul3A_12 = arith.mulf %dot_general3A_11, %mul3A : vector<1024x128xf32>
    %swap3A = arith.constant 0 : index
    %swap3A_13 = arith.constant 0 : index
    %swap3A_14 = vector.load %arg4[%swap3A, %swap3A_13] : memref<1024x128xf32, #tpu.memory_space<vmem>>, vector<1024x128xf32>
    tpu.vector_store %arg4[%swap3A, %swap3A_13], %mul3A_12 {strides = array<i32>} : memref<1024x128xf32, #tpu.memory_space<vmem>>, vector<1024x128xf32>,
    %broadcast_in_dim3A_15 = vector.shape_cast %rsqrt3A : vector<1024xf32> to vector<1024x1xf32>
    %swap3A_16 = arith.constant 0 : index
    %swap3A_17 = arith.constant 0 : index
    %swap3A_18 = vector.load %arg5[%swap3A_16, %swap3A_17] : memref<1024x1xf32, #tpu.memory_space<vmem>>, vector<1024x1xf32>
    tpu.vector_store %arg5[%swap3A_16, %swap3A_17], %broadcast_in_dim3A_15 {strides = array<i32>} : memref<1024x1xf32, #tpu.memory_space<vmem>>, vector<1024x1xf32>,
    return
  }
  func.func @transform_0(%arg0: i32) -> (i32, i32) {
    %c0_i32 = arith.constant 0 : i32
    %c0_i32_0 = arith.constant 0 : i32
    return %arg0, %c0_i32 : i32, i32
  }
  func.func @transform_1(%arg0: i32) -> (i32, i32) {
    %c0_i32 = arith.constant 0 : i32
    %c0_i32_0 = arith.constant 0 : i32
    %c0_i32_1 = arith.constant 0 : i32
    return %c0_i32, %c0_i32_0 : i32, i32
  }
  func.func @transform_2(%arg0: i32) -> (i32, i32) {
    %c0_i32 = arith.constant 0 : i32
    %c0_i32_0 = arith.constant 0 : i32
    return %c0_i32, %arg0 : i32, i32
  }
  func.func @transform_3(%arg0: i32) -> (i32, i32) {
    %c0_i32 = arith.constant 0 : i32
    %c0_i32_0 = arith.constant 0 : i32
    return %arg0, %c0_i32 : i32, i32
  }
  func.func @transform_4(%arg0: i32) -> (i32, i32) {
    %c0_i32 = arith.constant 0 : i32
    %c0_i32_0 = arith.constant 0 : i32
    return %arg0, %c0_i32 : i32, i32
  }
}

module attributes {stable_mosaic.version = 14 : i64} {
  func.func @_mid_body(%arg0: i32, %arg1: memref<2x1024x128xf32, #tpu.memory_space<vmem>>, %arg2: memref<1024x1xf32, #tpu.memory_space<vmem>>, %arg3: memref<128x128xf32, #tpu.memory_space<vmem>>, %arg4: memref<1x128xf32, #tpu.memory_space<vmem>>, %arg5: memref<1024x128xf32, #tpu.memory_space<vmem>>) attributes {dimension_semantics = [#tpu.dimension_semantics<arbitrary>], iteration_bounds = array<i64: 10>, scalar_prefetch = 0 : i64, scratch_operands = 0 : i64, tpu.core_type = #tpu.core_type<tc>, window_params = [{transform_indices = @transform_0, window_bounds = array<i64: 2, 1024, 128>}, {transform_indices = @transform_1, window_bounds = array<i64: 1024, 1>}, {pipeline_mode = #tpu.pipeline_mode<synchronous>, transform_indices = @transform_2, window_bounds = array<i64: 128, 128>}, {pipeline_mode = #tpu.pipeline_mode<synchronous>, transform_indices = @transform_3, window_bounds = array<i64: 1, 128>}, {transform_indices = @transform_4, window_bounds = array<i64: 1024, 128>}]} {
    %get3A = arith.constant 0 : index
    %get3A_0 = arith.constant 0 : index
    %get3A_1 = arith.constant 0 : index
    %get3A_2 = vector.load %arg1[%get3A, %get3A_0, %get3A_1] : memref<2x1024x128xf32, #tpu.memory_space<vmem>>, vector<1x1024x128xf32>
    %get3A_3 = vector.shape_cast %get3A_2 : vector<1x1024x128xf32> to vector<1024x128xf32>
    %get3A_4 = arith.constant 1 : index
    %get3A_5 = arith.constant 0 : index
    %get3A_6 = arith.constant 0 : index
    %get3A_7 = vector.load %arg1[%get3A_4, %get3A_5, %get3A_6] : memref<2x1024x128xf32, #tpu.memory_space<vmem>>, vector<1x1024x128xf32>
    %get3A_8 = vector.shape_cast %get3A_7 : vector<1x1024x128xf32> to vector<1024x128xf32>
    %add3A = arith.addf %get3A_3, %get3A_8 : vector<1024x128xf32>
    %get3A_9 = arith.constant 0 : index
    %get3A_10 = arith.constant 0 : index
    %get3A_11 = vector.load %arg2[%get3A_9, %get3A_10] : memref<1024x1xf32, #tpu.memory_space<vmem>>, vector<1024x1xf32>
    %mul3A = vector.broadcast %get3A_11 : vector<1024x1xf32> to vector<1024x128xf32>
    %mul3A_12 = arith.mulf %add3A, %mul3A : vector<1024x128xf32>
    %get3A_13 = arith.constant 0 : index
    %get3A_14 = arith.constant 0 : index
    %get3A_15 = vector.load %arg4[%get3A_13, %get3A_14] : memref<1x128xf32, #tpu.memory_space<vmem>>, vector<1x128xf32>
    %add3A_16 = vector.broadcast %get3A_15 : vector<1x128xf32> to vector<1024x128xf32>
    %add3A_17 = arith.addf %mul3A_12, %add3A_16 : vector<1024x128xf32>
    %get3A_18 = arith.constant 0 : index
    %get3A_19 = arith.constant 0 : index
    %get3A_20 = vector.load %arg3[%get3A_18, %get3A_19] : memref<128x128xf32, #tpu.memory_space<vmem>>, vector<128x128xf32>
    %dot_general3A = arith.constant dense<0.000000e+00> : vector<1024x128xf32>
    %dot_general3A_21 = tpu.matmul %add3A_17, %get3A_20, %dot_general3A {dimension_numbers = #tpu.dot_dimension_numbers<[1], [0], [0], [1], [0, 0, 1, 1], [], []>, transpose_lhs_hint = false} : vector<1024x128xf32>, vector<128x128xf32>, vector<1024x128xf32> -> vector<1024x128xf32>
    %mul3A_22 = vector.broadcast %get3A_11 : vector<1024x1xf32> to vector<1024x128xf32>
    %mul3A_23 = arith.mulf %dot_general3A_21, %mul3A_22 : vector<1024x128xf32>
    %swap3A = arith.constant 0 : index
    %swap3A_24 = arith.constant 0 : index
    %swap3A_25 = vector.load %arg5[%swap3A, %swap3A_24] : memref<1024x128xf32, #tpu.memory_space<vmem>>, vector<1024x128xf32>
    tpu.vector_store %arg5[%swap3A, %swap3A_24], %mul3A_23 {strides = array<i32>} : memref<1024x128xf32, #tpu.memory_space<vmem>>, vector<1024x128xf32>,
    return
  }
  func.func @transform_0(%arg0: i32) -> (i32, i32, i32) {
    %c0_i32 = arith.constant 0 : i32
    %c0_i32_0 = arith.constant 0 : i32
    %c0_i32_1 = arith.constant 0 : i32
    return %c0_i32, %arg0, %c0_i32_0 : i32, i32, i32
  }
  func.func @transform_1(%arg0: i32) -> (i32, i32) {
    %c0_i32 = arith.constant 0 : i32
    %c0_i32_0 = arith.constant 0 : i32
    return %arg0, %c0_i32 : i32, i32
  }
  func.func @transform_2(%arg0: i32) -> (i32, i32) {
    %c0_i32 = arith.constant 0 : i32
    %c0_i32_0 = arith.constant 0 : i32
    %c0_i32_1 = arith.constant 0 : i32
    return %c0_i32, %c0_i32_0 : i32, i32
  }
  func.func @transform_3(%arg0: i32) -> (i32, i32) {
    %c0_i32 = arith.constant 0 : i32
    %c0_i32_0 = arith.constant 0 : i32
    %c0_i32_1 = arith.constant 0 : i32
    return %c0_i32, %c0_i32_0 : i32, i32
  }
  func.func @transform_4(%arg0: i32) -> (i32, i32) {
    %c0_i32 = arith.constant 0 : i32
    %c0_i32_0 = arith.constant 0 : i32
    return %arg0, %c0_i32 : i32, i32
  }
}

module attributes {stable_mosaic.version = 14 : i64} {
  func.func @_fin_body(%arg0: i32, %arg1: memref<2x400x128xf32, #tpu.memory_space<vmem>>, %arg2: memref<400x1xf32, #tpu.memory_space<vmem>>, %arg3: memref<1x128xf32, #tpu.memory_space<vmem>>, %arg4: memref<400x128xf32, #tpu.memory_space<vmem>>) attributes {dimension_semantics = [#tpu.dimension_semantics<arbitrary>], iteration_bounds = array<i64: 25>, scalar_prefetch = 0 : i64, scratch_operands = 0 : i64, tpu.core_type = #tpu.core_type<tc>, window_params = [{transform_indices = @transform_0, window_bounds = array<i64: 2, 400, 128>}, {transform_indices = @transform_1, window_bounds = array<i64: 400, 1>}, {pipeline_mode = #tpu.pipeline_mode<synchronous>, transform_indices = @transform_2, window_bounds = array<i64: 1, 128>}, {transform_indices = @transform_3, window_bounds = array<i64: 400, 128>}]} {
    %get3A = arith.constant 0 : index
    %get3A_0 = arith.constant 0 : index
    %get3A_1 = arith.constant 0 : index
    %get3A_2 = vector.load %arg1[%get3A, %get3A_0, %get3A_1] : memref<2x400x128xf32, #tpu.memory_space<vmem>>, vector<1x400x128xf32>
    %get3A_3 = vector.shape_cast %get3A_2 : vector<1x400x128xf32> to vector<400x128xf32>
    %get3A_4 = arith.constant 1 : index
    %get3A_5 = arith.constant 0 : index
    %get3A_6 = arith.constant 0 : index
    %get3A_7 = vector.load %arg1[%get3A_4, %get3A_5, %get3A_6] : memref<2x400x128xf32, #tpu.memory_space<vmem>>, vector<1x400x128xf32>
    %get3A_8 = vector.shape_cast %get3A_7 : vector<1x400x128xf32> to vector<400x128xf32>
    %add3A = arith.addf %get3A_3, %get3A_8 : vector<400x128xf32>
    %get3A_9 = arith.constant 0 : index
    %get3A_10 = arith.constant 0 : index
    %get3A_11 = vector.load %arg2[%get3A_9, %get3A_10] : memref<400x1xf32, #tpu.memory_space<vmem>>, vector<400x1xf32>
    %mul3A = vector.broadcast %get3A_11 : vector<400x1xf32> to vector<400x128xf32>
    %mul3A_12 = arith.mulf %add3A, %mul3A : vector<400x128xf32>
    %get3A_13 = arith.constant 0 : index
    %get3A_14 = arith.constant 0 : index
    %get3A_15 = vector.load %arg3[%get3A_13, %get3A_14] : memref<1x128xf32, #tpu.memory_space<vmem>>, vector<1x128xf32>
    %add3A_16 = vector.broadcast %get3A_15 : vector<1x128xf32> to vector<400x128xf32>
    %add3A_17 = arith.addf %mul3A_12, %add3A_16 : vector<400x128xf32>
    %swap3A = arith.constant 0 : index
    %swap3A_18 = arith.constant 0 : index
    %swap3A_19 = vector.load %arg4[%swap3A, %swap3A_18] : memref<400x128xf32, #tpu.memory_space<vmem>>, vector<400x128xf32>
    tpu.vector_store %arg4[%swap3A, %swap3A_18], %add3A_17 {strides = array<i32>} : memref<400x128xf32, #tpu.memory_space<vmem>>, vector<400x128xf32>,
    return
  }
  func.func @transform_0(%arg0: i32) -> (i32, i32, i32) {
    %c0_i32 = arith.constant 0 : i32
    %c0_i32_0 = arith.constant 0 : i32
    %c0_i32_1 = arith.constant 0 : i32
    return %c0_i32, %arg0, %c0_i32_0 : i32, i32, i32
  }
  func.func @transform_1(%arg0: i32) -> (i32, i32) {
    %c0_i32 = arith.constant 0 : i32
    %c0_i32_0 = arith.constant 0 : i32
    return %arg0, %c0_i32 : i32, i32
  }
  func.func @transform_2(%arg0: i32) -> (i32, i32) {
    %c0_i32 = arith.constant 0 : i32
    %c0_i32_0 = arith.constant 0 : i32
    %c0_i32_1 = arith.constant 0 : i32
    return %c0_i32, %c0_i32_0 : i32, i32
  }
  func.func @transform_3(%arg0: i32) -> (i32, i32) {
    %c0_i32 = arith.constant 0 : i32
    %c0_i32_0 = arith.constant 0 : i32
    return %arg0, %c0_i32 : i32, i32
  }
}

</mosaic_0001>

<sc_bundles>
// kernel: kernel.11.cloned.1.call-start
scs
__scs_entry_jumppad:
0x0: {  	(pc) =	sbr.rel $0x88, $3  }
0x1: {  	(tag) =	ssettag $0x0;
	lr =	simm.s32 $0x1  }
0x2: {  	[smem:$0x3F9B] =	sst lr;
	_ =	strace $0xD0000000  }
0x3: {  	_ = 	snop  }
0x4: {  	_ = 	snop  }
0x5: {  	_ = 	snop  }
0x6: {  	_ = 	snop  }
0x7: {  	_ = 	snop  }
__scs_overlays_trampoline_lowered:
0x8: {  	[smem:$0x3FAA] =	sst s0  }
0x9: {  	[smem:$0x3FAB] =	sst s1  }
0xa: {  	[smem:$0x3FAC] =	sst s2  }
0xb: {  	[smem:$0x3FAD] =	sst s3  }
0xc: {  	[smem:$0x3FAE] =	sst s4  }
0xd: {  	[smem:$0x3FAF] =	sst s5  }
0xe: {  	[smem:$0x3FB0] =	sst s6  }
0xf: {  	[smem:$0x3FB1] =	sst s7  }
0x10: {  	[smem:$0x3FB2] =	sst s8  }
0x11: {  	[smem:$0x3FB3] =	sst s9;
	s0 =	simm.s32 @!p0 $0x0  }
0x12: {  	s1 =	sld [smem:$0x3F99];
	s0 =	simm.s32 @p0 $0x1  }
0x13: {  	[smem:$0x3FB4] =	sst s0;
	s0 =	simm.s32 @!p1 $0x0  }
0x14: {  	s2 =	sld [smem:$0x3F98];
	s0 =	simm.s32 @p1 $0x1  }
0x15: {  	[smem:$0x3FB5] =	sst s0;
	s0 =	simm.s32 @!p2 $0x0  }
0x16: {  	s3 =	sld [smem:$0x3FDB];
	s0 =	simm.s32 @p2 $0x1  }
0x17: {  	s4 =	simm.s32 $0x1BF5;
	[smem:$0x3FB7] =	sst s0  }
0x18: {  	s0 =	sld [smem:$0x3F9A];
	_ =	swait.ge [sflag:s4], $0x0  }
0x19: {  	s7 =	sld [smem:$0x3F9B]  }
0x1a: {  	s8 =	sadd.s32 $0xFFFFE003, lr  }
0x1b: {  	s9 =	sadd.s32 $0xFFFFFEF7, lr;
	s5 =	simm.s32 $0xFFFFFFFF;
	p2 =	slt.u32 s8, $0xFFFFF086  }
0x1c: {  	p1 =	slt.u32 s9, $0xF7A;
	s5 =	simm.s32 @!p2 $0x0  }
0x1d: {  	s5 =	simm.s32 @p1 $0x1;
	p0 =	seq.s32 s7, s2  }
0x1e: {  	s7 =	smul.u32 @!p0 $0xF7A, s2;
	p2 =	seq.s32 @!p0 s5, $0x0  }
0x1f: {  	s9 =	smul.u32 $0xF7A, s1;
	s8 =	simm.s32 @!p0 $0x1BF5;
	p2 =	por !p2, p0  }
0x20: {  	[sflag:s8] =	ssyncset.s32 @!p0 $0xFFFFF086;
	s6 =	sadd.s32 @!p0 s3, s7;
	s7 =	simm.s32 @!p0 $0x108  }
0x21: {  	s3 =	sadd.s32 s3, s9;
	s6 =	sadd.s32 @!p0 $0x88, s6;
	s7 =	simm.s32 @p2 $0x1082  }
0x22: {  	[simem:s7], [sflag:s8] =	dma.local @!p0 [hbm:s6], $0xF7A  }
0x23: {  	s9 =	sor.u32 $0xD0000000, s2;
	s6 =	simm.s32 $0x108;
	_ =	swait.ge @!p0 [sflag:s8], $0x0  }
0x24: {  	s3 =	sadd.s32 $0x88, s3;
	s6 =	simm.s32 @!p1 $0x1082;
	[sflag:s4] =	ssyncset.s32 $0xFFFFF086  }
0x25: {  	[simem:s6], [sflag:s4] =	dma.local [hbm:s3], $0xF7A  }
0x26: {  	[smem:$0x3F9B] =	sst s1;
	(tag) =	ssettag s2;
	_ =	strace s9  }
0x27: {  	s1 =	sld [smem:$0x3FAB]  }
0x28: {  	s2 =	sld [smem:$0x3FAC]  }
0x29: {  	s4 =	sld [smem:$0x3FAE]  }
0x2a: {  	p0 =	seq.s32 s5, $0x0;
	s5 =	sld [smem:$0x3FAF]  }
0x2b: {  	s6 =	sld [smem:$0x3FB0]  }
0x2c: {  	s7 =	sld [smem:$0x3FB1]  }
0x2d: {  	s3 =	simm.s32 $0x108;
	s8 =	sld [smem:$0x3FB2]  }
0x2e: {  	s3 =	simm.s32 @!p0 $0x1082;
	s9 =	sld [smem:$0x3FB3]  }
0x2f: {  	lr =	sadd.s32 s0, s3;
	s0 =	sld [smem:$0x3FAA]  }
0x30: {  	s3 =	sld [smem:$0x3FAD]  }
0x31: {  	[smem:$0x3FB6] =	sst s10  }
0x32: {  	s10 =	sld [smem:$0x3FB4];
	_ =	sdelay $0x3  }
0x33: {  	p0 =	seq.s32 s10, $0x1;
	s10 =	sld [smem:$0x3FB6];
	_ =	sdelay $0x3  }
0x34: {  	[smem:$0x3FB6] =	sst s10  }
0x35: {  	s10 =	sld [smem:$0x3FB5];
	_ =	sdelay $0x3  }
0x36: {  	p1 =	seq.s32 s10, $0x1;
	s10 =	sld [smem:$0x3FB6];
	_ =	sdelay $0x3  }
0x37: {  	[smem:$0x3FB6] =	sst s10  }
0x38: {  	s10 =	sld [smem:$0x3FB7]  }
0x39: {  	_ = 	snop;
	(pc) =	sbr.ind lr, $3  }
0x3a: {  	_ = 	snop  }
0x3b: {  	_ = 	snop  }
0x3c: {  	p2 =	seq.s32 s10, $0x1;
	s10 =	sld [smem:$0x3FB6]  }
0x3d: {  	_ =	shalt  }
0x3e: {  	_ =	shalt  }
0x3f: {  	_ =	shalt  }
0x40: {  	_ =	shalt  }
0x41: {  	_ =	shalt  }
0x42: {  	_ =	shalt  }
0x43: {  	_ =	shalt  }
0x44: {  	_ =	shalt  }
0x45: {  	_ =	shalt  }
0x46: {  	_ =	shalt  }
0x47: {  	_ =	shalt  }
0x48: {  	_ =	shalt  }
0x49: {  	_ =	shalt  }
0x4a: {  	_ =	shalt  }
0x4b: {  	_ =	shalt  }
0x4c: {  	_ =	shalt  }
0x4d: {  	_ =	shalt  }
0x4e: {  	_ =	shalt  }
0x4f: {  	_ =	shalt  }
0x50: {  	_ =	shalt  }
0x51: {  	_ =	shalt  }
0x52: {  	_ =	shalt  }
0x53: {  	_ =	shalt  }
0x54: {  	_ =	shalt  }
0x55: {  	_ =	shalt  }
0x56: {  	_ =	shalt  }
0x57: {  	_ =	shalt  }
0x58: {  	_ =	shalt  }
0x59: {  	_ =	shalt  }
0x5a: {  	_ =	shalt  }
0x5b: {  	_ =	shalt  }
0x5c: {  	_ =	shalt  }
0x5d: {  	_ =	shalt  }
0x5e: {  	_ =	shalt  }
0x5f: {  	_ =	shalt  }
0x60: {  	_ =	shalt  }
0x61: {  	_ =	shalt  }
0x62: {  	_ =	shalt  }
0x63: {  	_ =	shalt  }
0x64: {  	_ =	shalt  }
0x65: {  	_ =	shalt  }
0x66: {  	_ =	shalt  }
0x67: {  	_ =	shalt  }
0x68: {  	_ =	shalt  }
0x69: {  	_ =	shalt  }
0x6a: {  	_ =	shalt  }
0x6b: {  	_ =	shalt  }
0x6c: {  	_ =	shalt  }
0x6d: {  	_ =	shalt  }
0x6e: {  	_ =	shalt  }
0x6f: {  	_ =	shalt  }
0x70: {  	_ =	shalt  }
0x71: {  	_ =	shalt  }
0x72: {  	_ =	shalt  }
0x73: {  	_ =	shalt  }
0x74: {  	_ =	shalt  }
0x75: {  	_ =	shalt  }
0x76: {  	_ =	shalt  }
0x77: {  	_ =	shalt  }
0x78: {  	_ =	shalt  }
0x79: {  	_ =	shalt  }
0x7a: {  	_ =	shalt  }
0x7b: {  	_ =	shalt  }
0x7c: {  	_ =	shalt  }
0x7d: {  	_ =	shalt  }
0x7e: {  	_ =	shalt  }
0x7f: {  	_ =	shalt  }
0x80: {  	_ =	shalt  }
0x81: {  	_ =	shalt  }
0x82: {  	_ =	shalt  }
0x83: {  	_ =	shalt  }
0x84: {  	_ =	shalt  }
0x85: {  	_ =	shalt  }
0x86: {  	_ =	shalt  }
0x87: {  	_ =	shalt  }
.Lfunc_end0:
.L_simem_size_0:
called_computation.1_lowered:
.L_overlay_start_0:
0x88: {  	s2 =	sld [smem:$0x3FD9]  }
0x89: {  	s3 =	sld [smem:$0x3FFE];
	_ =	sdelay $0x1  }
0x8a: {  	s1 =	srdreg.scid  }
0x8b: {  	s0 =	sand.u32 $0x1, s1  }
0x8c: {  	s17 =	sshll.u32 s0, $0xA;
	s2 =	sadd.s32 s3, s2  }
0x8d: {  	s2 =	sadd.s32 s2, s17  }
0x8e: {  	[smem:$0x3FC2] =	sst s2  }
0x8f: {  	_ = 	snop  }
0x90: {  	s2 =	sld [smem:$0x3FD0];
	(tm) =	ssettm $0x1  }
0x91: {  	s18 =	sld [smem:$0x3FFB];
	_ =	sdelay $0x3  }
0x92: {  	_ =	strace s18  }
0x93: {  	s3 =	sld [smem:$0x3FFC];
	_ =	sdelay $0x3  }
0x94: {  	_ =	strace s3  }
0x95: {  	s3 =	sld [smem:$0x3FFD];
	_ =	sdelay $0x3  }
0x96: {  	_ =	strace s3  }
0x97: {  	_ =	strace $0x8FFFFFFF  }
0x98: {  	s19 =	sld [smem:$0x3FDB];
	_ =	sdelay $0x1  }
0x99: {  	s4 =	simm.s32 $_scs_section_size  }
0x9a: {  	s5 =	simm.s32 $_size__tile_overlayer_lowered;
	s6 =	simm.s32 $_tile_overlayer_lowered  }
0x9b: {  	s22 =	simm.s32 $0x1BFF;
	s21 =	sshll.u32 s6, $0x1;
	s3 =	sadd.s32 s4, s19  }
0x9c: {  	s7 =	simm.s32 $0x0;
	s20 =	sshll.u32 s5, $0x1;
	s5 =	sadd.s32 s21, s3  }
0x9d: {  	[timem:s7], [sflag:s22] =	dma.local [hbm:s5], s20  }
0x9e: {  	_ =	swait.ge [sflag:s22], s20  }
0x9f: {  	s4 =	ssub.s32 $0x0, s20;
	[sflag:s22] =	ssyncset.done $0x0  }
0xa0: {  	[sflag:s22] =	ssyncadd.s32 s4;
	_ =	sdelay $0x1  }
0xa1: {  	s23 =	simm.s32 $0x1B8B  }
0xa2: {  	_ =	swait.ge [sflag:s23], $0x1  }
0xa3: {  	[sflag:s23] =	ssyncset.done $0x0  }
0xa4: {  	s25 =	simm.s32 $0x1B8E;
	s24 =	sld [smem:$0x3FFE];
	[sflag:s23] =	ssyncadd.s32 $0xFFFFFFFF  }
0xa5: {  	s26 =	simm.s32 $execute0_lowered;
	[smem:$0x3FD2] =	sst s25  }
0xa6: {  	s5 =	sshll.u32 s26, $0x1;
	_ =	strace $0x80000049;
	[dreg:$0x1] =	wrdreg $0xFFFFFFFF  }
0xa7: {  	s28 =	simm.s32 $_size_execute0_lowered;
	s3 =	sadd.s32 s3, s5;
	[dreg:$0x0] =	wrdreg $0x0  }
0xa8: {  	s5 =	sshll.u32 s28, $0x1;
	[dreg:$0x2] =	wrdreg s3  }
0xa9: {  	[dreg:$0x3] =	wrdreg s5  }
0xaa: {  	[dreg:$0x4] =	wrdreg $0xC0  }
0xab: {  	_ =	task [dreg:s7], $0x5FFFF  }
0xac: {  	[dreg:$0x1] =	wrdreg $0xFFFFFFFF  }
0xad: {  	[dreg:$0x0] =	wrdreg $0x60  }
0xae: {  	[dreg:$0x2] =	wrdreg s24  }
0xaf: {  	[dreg:$0x3] =	wrdreg s2  }
0xb0: {  	[dreg:$0x4] =	wrdreg $0xAA000  }
0xb1: {  	[dreg:$0x5] =	wrdreg $0x9  }
0xb2: {  	_ =	task.clear_ibuf [dreg:s7], $0x6FFFF;
	_ =	strace $0x90000049  }
0xb3: {  	s29 =	simm.s32 $0x9;
	_ =	strace $0x8000004B  }
0xb4: {  	_ =	swait.ge [sflag:s29], $0x1  }
0xb5: {  	[sflag:s29] =	ssyncadd.s32 $0xFFFFFFFF  }
0xb6: {  	_ =	strace $0x9000004B  }
0xb7: {  	_ =	sfence  }
0xb8: {  	s30 =	sld [smem:$0x0];
	_ =	sdelay $0x2  }
0xb9: {  	s31 =	sshll.u32 s1, $0xD;
	s1 =	sshrl.u32 s1, $0x2  }
0xba: {  	s3 =	sand.u32 $0x4000, s31;
	s1 =	sadd.s32 s1, s30  }
0xbb: {  	s0 =	sor.u32 s3, s0;
	s1 =	sshll.u32 s1, $0x11  }
0xbc: {  	s0 =	sor.u32 s1, s0  }
0xbd: {  	s0 =	sadd.s32 $0x8F2B, s0  }
0xbe: {  	[sflag:s0] =	ssyncadd.remote.s32 $0x1  }
0xbf: {  	_ =	sfence.sel $0xFFFF  }
0xc0: {  	[dreg:$0x0] =	wrdreg $0xFFFFFFFF;
	(pc) =	sbr.abs _section_cstart, $3  }
0xc1: {  	[dreg:$0x1] =	wrdreg $0xFFFFFFFF  }
0xc2: {  	_ =	task.clear_ibuf [dreg:s7], $0x2FFFF;
	_ =	strace $0x9FFFFFFF  }
0xc3: {  	(tm) =	ssettm $0x7FFFFFFF  }
tec
execute0_lowered:
.L_overlay_start_1:
0x0: {  	(tag) =	ssettag $0x1  }
0x1: {  	s0 =	rddreg [dreg:$0x0]  }
0x2: {  	s2 =	rddreg [dreg:$0x1]  }
0x3: {  	s1 =	rddreg [dreg:$0x2];
	s13 =	stileid.u32  }
0x4: {  	s3 =	srdreg.scid;
	s7 =	smul.u32 $0x14000, s13  }
0x5: {  	s28 =	simm.s32 $0x2980;
	s29 =	simm.s32 $0x80;
	s9 =	smul.u32 $0x2800, s13  }
0x6: {  	s30 =	simm.s32 $0x2A00;
	s31 =	simm.s32 $0x6A00;
	s26 =	smul.u32 $0x50000, s13  }
0x7: {  	s5 =	sand.u32 $0x1, s3;
	s3 =	simm.s32 $0x0;
	s12 =	smul.u32 $0x500, s13  }
0x8: {  	s4 =	sadd.s32 $0x2800, s0;
	s6 =	smul.u32 $0x140000, s5;
	[smem:$0x7FF] =	sst s3  }
0x9: {  	s10 =	ssub.s32 $0x2, s5;
	p0 =	sne.s32 s5, $0x0;
	s5 =	simm.s32 $0x2  }
0xa: {  	_ =	strace $0x8000004A;
	s8 =	sadd.s32 s9, s0;
	s11 =	sshrl.u32 s10, $0x1  }
0xb: {  	s14 =	sadd.s32 s2, s12;
	s15 =	sshrl.u32 s9, $0x3;
	s20 =	sadd.s32 s4, s9  }
0xc: {  	s9 =	simm.s32 $0x0;
	s8 =	sadd.s32 $0x2A800, s8;
	[dreg:$0xa] =	wrdreg s20  }
0xd: {  	s6 =	sadd.s32 s7, s6;
	s16 =	sadd.s32 $0x5000, s14;
	[dreg:$0x4] =	wrdreg s8  }
0xe: {  	s7 =	sshrl.u32 s26, $0x2;
	s17 =	sadd.s32 $0xF000, s14;
	[dreg:$0x5] =	wrdreg s16  }
0xf: {  	s25 =	sadd.s32 $0xF040, s14;
	[dreg:$0x6] =	wrdreg s17;
	s8 =	sadd.s32 s2, s15  }
0x10: {  	s10 =	ssub.s32 s10, s11;
	[dreg:$0xf] =	wrdreg s25;
	s2 =	sadd.s32 $0xF010, s8  }
0x11: {  	s26 =	sshll.u32 s13, $0x6;
	s18 =	sadd.s32 $0xF020, s8;
	[dreg:$0x7] =	wrdreg s2  }
0x12: {  	s11 =	sadd.s32 $0xA040, s14;
	s19 =	sadd.s32 $0xF030, s8;
	[dreg:$0x8] =	wrdreg s18  }
0x13: {  	s6 =	sshrl.u32 s6, $0x3;
	s21 =	sadd.s32 $0xA000, s8;
	[dreg:$0x9] =	wrdreg s19  }
0x14: {  	s7 =	sadd.s32 s7, s1;
	s22 =	sadd.s32 $0xA010, s8;
	[dreg:$0xb] =	wrdreg s21  }
0x15: {  	s25 =	simm.s32 $0x2880;
	s23 =	sadd.s32 $0xA020, s8;
	[dreg:$0xc] =	wrdreg s22  }
.Ltmp0:
0x16: {  	s24 =	sadd.s32 $0xA030, s8;
	[dreg:$0xd] =	wrdreg s23;
	(pc) =	sbr.rel .LBB2_1-.Ltmp0, $4  }
0x17: {  	s0 =	sadd.s32 s6, s0;
	s6 =	simm.s32 $0x4;
	[dreg:$0xe] =	wrdreg s24  }
0x18: {  	s17 =	sadd.s32 $0x52800, s0;
	s18 =	smax.u32 s10, $0x1;
	s21 =	sor.u32 $0x1C07, s26  }
0x19: {  	s22 =	sshrl.u32 s7, $0x3;
	s23 =	simm.s32 $0x7;
	s24 =	simm.s32 $0x2800  }
0x1a: {  	s0 =	simm.s32 $0x1;
	s2 =	simm.s32 $0x3;
	s7 =	simm.s32 $0x6  }
.LBB2_8:
0x1b: {  	s9 =	sadd.s32 $0x1, s9  }
0x1c: {  	p1 =	sne.s32 s9, s18  }
.Ltmp1:
0x1d: {  	[bflag:$0x0] =	sbarrier.arrive $0xFFFF;
	(pc) =	sbr.rel @!p1 .LBB2_9-.Ltmp1, $4  }
0x1e: {  	[hbm:s17], [sflag:s21] =	dma.local [spmem:s22], $0x2800  }
0x1f: {  	_ =	swait.ge [sflag:s23], $0x2800  }
0x20: {  	[sflag:s23] =	ssyncset.done $0x0  }
0x21: {  	[sflag:s23] =	ssyncadd.s32 $0xFFFFD800  }
.LBB2_1:
.Ltmp2:
0x22: {  	(pc) =	sbr.rel @p0 .LBB2_5-.Ltmp2, $1  }
0x23: {  	_ =	sdelay $0x3  }
0x24: {  	s10 =	rddreg [dreg:$0xa]  }
0x25: {  	[spmem:s22], [sflag:s21] =	dma.local [hbm:s10], $0x2800  }
0x26: {  	_ =	swait.ge [sflag:s23], $0x2800  }
0x27: {  	[sflag:s23] =	ssyncset.done $0x0  }
0x28: {  	s10 =	simm.s32 $0x0;
	[sflag:s23] =	ssyncadd.s32 $0xFFFFD800  }
0x29: {  	[tilespmem:s10], [sflag:$0x7] =	stream.linear.gather [hbm4b:s8+s10], $0x2800, $0x38;
	[tilespmem:$0x1EA00] =	vst v63  }
0x2a: {  	_ =	swait.ge [sflag:s23], $0x2800  }
0x2b: {  	[sflag:s23] =	ssyncset.done $0x0  }
0x2c: {  	s12 =	rddreg [dreg:$0xb];
	[sflag:s23] =	ssyncadd.s32 $0xFFFFD800  }
0x2d: {  	[tilespmem:s24], [sflag:$0x3] =	stream.linear.gather [hbm4b:s12+s10], $0x80, $0x38;
	[tilespmem:$0x1EA00] =	vst v63  }
0x2e: {  	s19 =	rddreg [dreg:$0xc]  }
0x2f: {  	[tilespmem:s25], [sflag:$0x4] =	stream.linear.gather [hbm4b:s19+s10], $0x80, $0x38;
	[tilespmem:$0x1EA00] =	vst v63  }
0x30: {  	s13 =	simm.s32 $0x2900;
	s20 =	rddreg [dreg:$0xd]  }
0x31: {  	[tilespmem:s13], [sflag:$0x5] =	stream.linear.gather [hbm4b:s20+s10], $0x80, $0x38;
	[tilespmem:$0x1EA00] =	vst v63  }
0x32: {  	s26 =	rddreg [dreg:$0xe]  }
0x33: {  	[tilespmem:s28], [sflag:$0x6] =	stream.linear.gather [hbm4b:s26+s10], $0x80, $0x38;
	[tilespmem:$0x1EA00] =	vst v63  }
0x34: {  	_ = 	snop  }
0x35: {  	[tilespmem:s30], [sflag:$0x1] =	stream.indirect.gather [hbm4b:s4+s29], $0x80, s10, s29, $0xb8;
	[tilespmem:$0x1EA00] =	vst v63  }
0x36: {  	_ = 	snop  }
0x37: {  	[tilespmem:s31], [sflag:$0x2] =	stream.indirect.gather [hbm4b:s4+s29], $0x80, s29, s29, $0xb8;
	[tilespmem:$0x1EA00] =	vst v63  }
0x38: {  	s20 =	smov.u32 s11;
	[bflag:$0x0] =	sbarrier.arrive $0xFFFF  }
.LBB2_3:
0x39: {  	_ =	swait.ge [sflag:s0], $0x4000  }
0x3a: {  	[sflag:s0] =	ssyncset.done $0x0  }
0x3b: {  	[sflag:s0] =	ssyncadd.s32 $0xFFFFC000  }
0x3c: {  	_ =	swait.ge [sflag:s2], $0x80  }
0x3d: {  	[sflag:s2] =	ssyncset.done $0x0  }
0x3e: {  	[sflag:s2] =	ssyncadd.s32 $0xFFFFFF80  }
0x3f: {  	[spmem:s1] =	stream.indirect.scatter.add.f32 [tilespmem:s30], [sflag:$0x7], $0x80, s24, s29, $0xb8;
	[tilespmem:$0x1EA00] =	vst v63  }
0x40: {  	_ =	swait.ge [sflag:s23], $0x4000  }
0x41: {  	s12 =	sshra.s32 s10, $0x2;
	[sflag:s23] =	ssyncset.done $0x0  }
0x42: {  	p1 =	seq.s32 s10, $0x9800;
	s13 =	sadd.s32 $0x100, s12;
	[sflag:s23] =	ssyncadd.s32 $0xFFFFC000  }
0x43: {  	[tilespmem:s30], [sflag:$0x1] =	stream.indirect.gather [hbm4b:s4+s29], $0x80, s13, s29, $0xb8;
	[tilespmem:$0x1EA00] =	vst v63  }
0x44: {  	s14 =	simm.s32 @!p1 $0x2800;
	s13 =	simm.s32 @!p1 $0x0  }
0x45: {  	[tilespmem:s14], [sflag:$0x3] =	stream.linear.gather @!p1 [hbm4b:s20+s13], $0x80, $0x38;
	[tilespmem:$0x1EA00] =	vst v63  }
0x46: {  	_ =	swait.ge [sflag:s5], $0x4000  }
0x47: {  	[sflag:s5] =	ssyncset.done $0x0  }
0x48: {  	[sflag:s5] =	ssyncadd.s32 $0xFFFFC000  }
0x49: {  	_ =	swait.ge [sflag:s6], $0x80  }
0x4a: {  	[sflag:s6] =	ssyncset.done $0x0  }
0x4b: {  	[sflag:s6] =	ssyncadd.s32 $0xFFFFFF80  }
0x4c: {  	[spmem:s1] =	stream.indirect.scatter.add.f32 [tilespmem:s31], [sflag:$0x7], $0x80, s25, s29, $0xb8;
	[tilespmem:$0x1EA00] =	vst v63  }
0x4d: {  	_ =	swait.ge [sflag:s23], $0x4000  }
0x4e: {  	[sflag:s23] =	ssyncset.done $0x0  }
0x4f: {  	s26 =	sadd.s32 $0x180, s12;
	s14 =	simm.s32 @p1 $0x1;
	[sflag:s23] =	ssyncadd.s32 $0xFFFFC000  }
0x50: {  	[tilespmem:s31], [sflag:$0x2] =	stream.indirect.gather [hbm4b:s4+s29], $0x80, s26, s29, $0xb8;
	[tilespmem:$0x1EA00] =	vst v63  }
0x51: {  	_ =	swait.ge @p1 [sflag:s14], $0x4000  }
0x52: {  	[sflag:s14] =	ssyncset.done @p1 $0x0  }
0x53: {  	[sflag:s14] =	ssyncadd.s32 @p1 $0xFFFFC000;
	s14 =	simm.s32 @p1 $0x5  }
0x54: {  	_ =	swait.ge @p1 [sflag:s14], $0x80  }
0x55: {  	s15 =	simm.s32 @p1 $0x2900;
	[sflag:s14] =	ssyncset.done @p1 $0x0  }
0x56: {  	s16 =	simm.s32 @p1 $0x2A00;
	[sflag:s14] =	ssyncadd.s32 @p1 $0xFFFFFF80;
	s14 =	simm.s32 @p1 $0x80  }
0x57: {  	[spmem:s1] =	stream.indirect.scatter.add.f32 @p1 [tilespmem:s16], [sflag:$0x7], $0x80, s15, s14, $0xb8;
	[tilespmem:$0x1EA00] =	vst v63  }
0x58: {  	s14 =	simm.s32 @p1 $0x7  }
0x59: {  	_ =	swait.ge @p1 [sflag:s14], $0x4000  }
0x5a: {  	[sflag:s14] =	ssyncset.done @p1 $0x0  }
0x5b: {  	s15 =	simm.s32 @!p1 $0x2880;
	[sflag:s14] =	ssyncadd.s32 @p1 $0xFFFFC000;
	s14 =	sadd.s32 @!p1 $0x10, s20  }
0x5c: {  	[tilespmem:s15], [sflag:$0x4] =	stream.linear.gather @!p1 [hbm4b:s14+s13], $0x80, $0x38;
	[tilespmem:$0x1EA00] =	vst v63  }
0x5d: {  	s14 =	simm.s32 @!p1 $0x1  }
0x5e: {  	_ =	swait.ge @!p1 [sflag:s14], $0x4000  }
0x5f: {  	[sflag:s14] =	ssyncset.done @!p1 $0x0  }
0x60: {  	[sflag:s14] =	ssyncadd.s32 @!p1 $0xFFFFC000;
	s14 =	simm.s32 @!p1 $0x5  }
0x61: {  	_ =	swait.ge @!p1 [sflag:s14], $0x80  }
0x62: {  	s26 =	simm.s32 @!p1 $0x7;
	s16 =	simm.s32 @!p1 $0x2A00;
	[sflag:s14] =	ssyncset.done @!p1 $0x0  }
0x63: {  	s15 =	simm.s32 @!p1 $0x2900;
	[sflag:s14] =	ssyncadd.s32 @!p1 $0xFFFFFF80;
	s14 =	simm.s32 @!p1 $0x80  }
0x64: {  	[spmem:s1] =	stream.indirect.scatter.add.f32 @!p1 [tilespmem:s16], [sflag:$0x7], $0x80, s15, s14, $0xb8;
	[tilespmem:$0x1EA00] =	vst v63  }
0x65: {  	_ =	swait.ge @!p1 [sflag:s26], $0x4000  }
0x66: {  	s19 =	sshra.s32 @!p1 s10, $0x2;
	[sflag:s26] =	ssyncset.done @!p1 $0x0  }
0x67: {  	s19 =	sadd.s32 @!p1 $0x200, s19;
	[sflag:s26] =	ssyncadd.s32 @!p1 $0xFFFFC000  }
0x68: {  	[tilespmem:s16], [sflag:$0x1] =	stream.indirect.gather @!p1 [hbm4b:s4+s14], $0x80, s19, s14, $0xb8;
	[tilespmem:$0x1EA00] =	vst v63  }
0x69: {  	s14 =	sadd.s32 @!p1 $0x20, s20  }
0x6a: {  	[tilespmem:s15], [sflag:$0x5] =	stream.linear.gather @!p1 [hbm4b:s14+s13], $0x80, $0x38;
	[tilespmem:$0x1EA00] =	vst v63  }
0x6b: {  	_ =	swait.ge [sflag:s5], $0x4000  }
0x6c: {  	[sflag:s5] =	ssyncset.done $0x0  }
0x6d: {  	[sflag:s5] =	ssyncadd.s32 $0xFFFFC000  }
0x6e: {  	_ =	swait.ge [sflag:s7], $0x80  }
0x6f: {  	[sflag:s7] =	ssyncset.done $0x0  }
.Ltmp3:
0x70: {  	[sflag:s7] =	ssyncadd.s32 $0xFFFFFF80;
	(pc) =	sbr.rel @p1 .LBB2_8-.Ltmp3, $4  }
0x71: {  	[spmem:s1] =	stream.indirect.scatter.add.f32 [tilespmem:s31], [sflag:$0x7], $0x80, s28, s29, $0xb8;
	[tilespmem:$0x1EA00] =	vst v63  }
0x72: {  	_ =	swait.ge [sflag:s23], $0x4000  }
0x73: {  	[sflag:s23] =	ssyncset.done $0x0  }
0x74: {  	[sflag:s23] =	ssyncadd.s32 $0xFFFFC000  }
.Ltmp4:
0x75: {  	(pc) =	sbr.rel .LBB2_3-.Ltmp4, $4  }
0x76: {  	s12 =	sadd.s32 $0x280, s12  }
0x77: {  	[tilespmem:s31], [sflag:$0x2] =	stream.indirect.gather [hbm4b:s4+s29], $0x80, s12, s29, $0xb8;
	[tilespmem:$0x1EA00] =	vst v63  }
0x78: {  	s26 =	sadd.s32 $0x30, s20;
	s10 =	sadd.s32 $0x800, s10;
	s20 =	sadd.s32 $0x40, s20  }
0x79: {  	[tilespmem:s28], [sflag:$0x6] =	stream.linear.gather [hbm4b:s26+s3], $0x80, $0x38;
	[tilespmem:$0x1EA00] =	vst v63  }
.LBB2_5:
0x7a: {  	s10 =	rddreg [dreg:$0x4]  }
0x7b: {  	[spmem:s22], [sflag:s21] =	dma.local [hbm:s10], $0x2800  }
0x7c: {  	_ =	swait.ge [sflag:s23], $0x2800  }
0x7d: {  	[sflag:s23] =	ssyncset.done $0x0  }
0x7e: {  	s10 =	simm.s32 $0x0;
	s12 =	rddreg [dreg:$0x5];
	[sflag:s23] =	ssyncadd.s32 $0xFFFFD800  }
0x7f: {  	[tilespmem:s10], [sflag:$0x7] =	stream.linear.gather [hbm4b:s12+s10], $0x2800, $0x38;
	[tilespmem:$0x1EA00] =	vst v63  }
0x80: {  	_ =	swait.ge [sflag:s23], $0x2800  }
0x81: {  	[sflag:s23] =	ssyncset.done $0x0  }
0x82: {  	s16 =	rddreg [dreg:$0x6];
	[sflag:s23] =	ssyncadd.s32 $0xFFFFD800  }
0x83: {  	[tilespmem:s24], [sflag:$0x3] =	stream.linear.gather [hbm4b:s16+s10], $0x80, $0x38;
	[tilespmem:$0x1EA00] =	vst v63  }
0x84: {  	s19 =	rddreg [dreg:$0x7]  }
0x85: {  	[tilespmem:s25], [sflag:$0x4] =	stream.linear.gather [hbm4b:s19+s10], $0x80, $0x38;
	[tilespmem:$0x1EA00] =	vst v63  }
0x86: {  	s13 =	simm.s32 $0x2900;
	s20 =	rddreg [dreg:$0x8]  }
0x87: {  	[tilespmem:s13], [sflag:$0x5] =	stream.linear.gather [hbm4b:s20+s10], $0x80, $0x38;
	[tilespmem:$0x1EA00] =	vst v63  }
0x88: {  	s26 =	rddreg [dreg:$0x9]  }
0x89: {  	[tilespmem:s28], [sflag:$0x6] =	stream.linear.gather [hbm4b:s26+s10], $0x80, $0x38;
	[tilespmem:$0x1EA00] =	vst v63  }
0x8a: {  	_ = 	snop  }
0x8b: {  	[tilespmem:s30], [sflag:$0x1] =	stream.indirect.gather [hbm4b:s4+s29], $0x80, s10, s29, $0xb8;
	[tilespmem:$0x1EA00] =	vst v63  }
0x8c: {  	_ = 	snop  }
0x8d: {  	[tilespmem:s31], [sflag:$0x2] =	stream.indirect.gather [hbm4b:s4+s29], $0x80, s29, s29, $0xb8;
	[tilespmem:$0x1EA00] =	vst v63  }
0x8e: {  	[bflag:$0x0] =	sbarrier.arrive $0xFFFF  }
0x8f: {  	s20 =	rddreg [dreg:$0xf]  }
.LBB2_6:
0x90: {  	_ =	swait.ge [sflag:s0], $0x4000  }
0x91: {  	[sflag:s0] =	ssyncset.done $0x0  }
0x92: {  	[sflag:s0] =	ssyncadd.s32 $0xFFFFC000  }
0x93: {  	_ =	swait.ge [sflag:s2], $0x80  }
0x94: {  	[sflag:s2] =	ssyncset.done $0x0  }
0x95: {  	[sflag:s2] =	ssyncadd.s32 $0xFFFFFF80  }
0x96: {  	[spmem:s1] =	stream.indirect.scatter.add.f32 [tilespmem:s30], [sflag:$0x7], $0x80, s24, s29, $0xb8;
	[tilespmem:$0x1EA00] =	vst v63  }
0x97: {  	_ =	swait.ge [sflag:s23], $0x4000  }
0x98: {  	s12 =	sshra.s32 s10, $0x2;
	[sflag:s23] =	ssyncset.done $0x0  }
0x99: {  	p1 =	seq.s32 s10, $0x9800;
	s13 =	sadd.s32 $0x100, s12;
	[sflag:s23] =	ssyncadd.s32 $0xFFFFC000  }
0x9a: {  	[tilespmem:s30], [sflag:$0x1] =	stream.indirect.gather [hbm4b:s4+s29], $0x80, s13, s29, $0xb8;
	[tilespmem:$0x1EA00] =	vst v63  }
0x9b: {  	s14 =	simm.s32 @!p1 $0x2800;
	s13 =	simm.s32 @!p1 $0x0  }
0x9c: {  	[tilespmem:s14], [sflag:$0x3] =	stream.linear.gather @!p1 [hbm4b:s20+s13], $0x80, $0x38;
	[tilespmem:$0x1EA00] =	vst v63  }
0x9d: {  	_ =	swait.ge [sflag:s5], $0x4000  }
0x9e: {  	[sflag:s5] =	ssyncset.done $0x0  }
0x9f: {  	[sflag:s5] =	ssyncadd.s32 $0xFFFFC000  }
0xa0: {  	_ =	swait.ge [sflag:s6], $0x80  }
0xa1: {  	[sflag:s6] =	ssyncset.done $0x0  }
0xa2: {  	[sflag:s6] =	ssyncadd.s32 $0xFFFFFF80  }
0xa3: {  	[spmem:s1] =	stream.indirect.scatter.add.f32 [tilespmem:s31], [sflag:$0x7], $0x80, s25, s29, $0xb8;
	[tilespmem:$0x1EA00] =	vst v63  }
0xa4: {  	_ =	swait.ge [sflag:s23], $0x4000  }
0xa5: {  	[sflag:s23] =	ssyncset.done $0x0  }
0xa6: {  	s26 =	sadd.s32 $0x180, s12;
	s14 =	simm.s32 @p1 $0x1;
	[sflag:s23] =	ssyncadd.s32 $0xFFFFC000  }
0xa7: {  	[tilespmem:s31], [sflag:$0x2] =	stream.indirect.gather [hbm4b:s4+s29], $0x80, s26, s29, $0xb8;
	[tilespmem:$0x1EA00] =	vst v63  }
0xa8: {  	_ =	swait.ge @p1 [sflag:s14], $0x4000  }
0xa9: {  	[sflag:s14] =	ssyncset.done @p1 $0x0  }
0xaa: {  	[sflag:s14] =	ssyncadd.s32 @p1 $0xFFFFC000;
	s14 =	simm.s32 @p1 $0x5  }
0xab: {  	_ =	swait.ge @p1 [sflag:s14], $0x80  }
0xac: {  	s15 =	simm.s32 @p1 $0x2900;
	[sflag:s14] =	ssyncset.done @p1 $0x0  }
0xad: {  	s16 =	simm.s32 @p1 $0x2A00;
	[sflag:s14] =	ssyncadd.s32 @p1 $0xFFFFFF80;
	s14 =	simm.s32 @p1 $0x80  }
0xae: {  	[spmem:s1] =	stream.indirect.scatter.add.f32 @p1 [tilespmem:s16], [sflag:$0x7], $0x80, s15, s14, $0xb8;
	[tilespmem:$0x1EA00] =	vst v63  }
0xaf: {  	s14 =	simm.s32 @p1 $0x7  }
0xb0: {  	_ =	swait.ge @p1 [sflag:s14], $0x4000  }
0xb1: {  	[sflag:s14] =	ssyncset.done @p1 $0x0  }
0xb2: {  	s15 =	simm.s32 @!p1 $0x2880;
	[sflag:s14] =	ssyncadd.s32 @p1 $0xFFFFC000;
	s14 =	sadd.s32 @!p1 $0x10, s20  }
0xb3: {  	[tilespmem:s15], [sflag:$0x4] =	stream.linear.gather @!p1 [hbm4b:s14+s13], $0x80, $0x38;
	[tilespmem:$0x1EA00] =	vst v63  }
0xb4: {  	s14 =	simm.s32 @!p1 $0x1  }
0xb5: {  	_ =	swait.ge @!p1 [sflag:s14], $0x4000  }
0xb6: {  	[sflag:s14] =	ssyncset.done @!p1 $0x0  }
0xb7: {  	[sflag:s14] =	ssyncadd.s32 @!p1 $0xFFFFC000;
	s14 =	simm.s32 @!p1 $0x5  }
0xb8: {  	_ =	swait.ge @!p1 [sflag:s14], $0x80  }
0xb9: {  	s19 =	simm.s32 @!p1 $0x7;
	s16 =	simm.s32 @!p1 $0x2A00;
	[sflag:s14] =	ssyncset.done @!p1 $0x0  }
0xba: {  	s15 =	simm.s32 @!p1 $0x2900;
	[sflag:s14] =	ssyncadd.s32 @!p1 $0xFFFFFF80;
	s14 =	simm.s32 @!p1 $0x80  }
0xbb: {  	[spmem:s1] =	stream.indirect.scatter.add.f32 @!p1 [tilespmem:s16], [sflag:$0x7], $0x80, s15, s14, $0xb8;
	[tilespmem:$0x1EA00] =	vst v63  }
0xbc: {  	_ =	swait.ge @!p1 [sflag:s19], $0x4000  }
0xbd: {  	s26 =	sshra.s32 @!p1 s10, $0x2;
	[sflag:s19] =	ssyncset.done @!p1 $0x0  }
0xbe: {  	[sflag:s19] =	ssyncadd.s32 @!p1 $0xFFFFC000;
	s19 =	sadd.s32 @!p1 $0x200, s26  }
0xbf: {  	[tilespmem:s16], [sflag:$0x1] =	stream.indirect.gather @!p1 [hbm4b:s4+s14], $0x80, s19, s14, $0xb8;
	[tilespmem:$0x1EA00] =	vst v63  }
0xc0: {  	s14 =	sadd.s32 @!p1 $0x20, s20  }
0xc1: {  	[tilespmem:s15], [sflag:$0x5] =	stream.linear.gather @!p1 [hbm4b:s14+s13], $0x80, $0x38;
	[tilespmem:$0x1EA00] =	vst v63  }
0xc2: {  	_ =	swait.ge [sflag:s5], $0x4000  }
0xc3: {  	[sflag:s5] =	ssyncset.done $0x0  }
0xc4: {  	[sflag:s5] =	ssyncadd.s32 $0xFFFFC000  }
0xc5: {  	_ =	swait.ge [sflag:s7], $0x80  }
0xc6: {  	[sflag:s7] =	ssyncset.done $0x0  }
.Ltmp5:
0xc7: {  	[sflag:s7] =	ssyncadd.s32 $0xFFFFFF80;
	(pc) =	sbr.rel @p1 .LBB2_8-.Ltmp5, $4  }
0xc8: {  	[spmem:s1] =	stream.indirect.scatter.add.f32 [tilespmem:s31], [sflag:$0x7], $0x80, s28, s29, $0xb8;
	[tilespmem:$0x1EA00] =	vst v63  }
0xc9: {  	_ =	swait.ge [sflag:s23], $0x4000  }
0xca: {  	[sflag:s23] =	ssyncset.done $0x0  }
0xcb: {  	[sflag:s23] =	ssyncadd.s32 $0xFFFFC000  }
.Ltmp6:
0xcc: {  	(pc) =	sbr.rel .LBB2_6-.Ltmp6, $4  }
0xcd: {  	s12 =	sadd.s32 $0x280, s12  }
0xce: {  	[tilespmem:s31], [sflag:$0x2] =	stream.indirect.gather [hbm4b:s4+s29], $0x80, s12, s29, $0xb8;
	[tilespmem:$0x1EA00] =	vst v63  }
0xcf: {  	s26 =	sadd.s32 $0x30, s20;
	s10 =	sadd.s32 $0x800, s10;
	s20 =	sadd.s32 $0x40, s20  }
0xd0: {  	[tilespmem:s28], [sflag:$0x6] =	stream.linear.gather [hbm4b:s26+s3], $0x80, $0x38;
	[tilespmem:$0x1EA00] =	vst v63  }
.LBB2_9:
0xd1: {  	_ =	sfence.sel $0x180000  }
0xd2: {  	[bflag:$0x0] =	sbarrier.arrive $0xFFFF  }
0xd3: {  	_ =	strace $0x9000004A  }
0xd4: {  	s0 =	stileid.u32;
	[bflag:$0x2] =	sbarrier.arrive $0xFFFF  }
0xd5: {  	p0 =	sne.s32 s0, $0x0;
	s0 =	rddreg [dreg:$0x3]  }
0xd6: {  	s0 =	sadd.s32 @!p0 $0x100000, s0  }
0xd7: {  	[sflag:s0] =	ssyncadd.tile.s32 @!p0 $0x1;
	_ =	shalt  }
.Lfunc_end2:
_tile_overlayer_lowered:
.L_overlay_start_2:
0xd8: {  	(tag) =	ssettag $0x2  }
0xd9: {  	s0 =	rddreg [dreg:$0x0];
	s2 =	stileid.u32  }
0xda: {  	s1 =	rddreg [dreg:$0x1];
	p0 =	sne.s32 s2, $0x0  }
0xdb: {  	s3 =	rddreg [dreg:$0x2];
	[bflag:$0x3] =	sbarrier.arrive $0xFFFF;
	s2 =	simm.s32 @!p0 $0x1C07  }
0xdc: {  	[timem:s3], [sflag:s2] =	dma.local @!p0 [hbm:s0], s1  }
0xdd: {  	s0 =	simm.s32 @!p0 $0x7  }
0xde: {  	_ =	swait.ge @!p0 [sflag:s0], s1  }
0xdf: {  	s1 =	ssub.s32 @!p0 $0x0, s1;
	[sflag:s0] =	ssyncset.done @!p0 $0x0  }
0xe0: {  	[sflag:s0] =	ssyncadd.s32 @!p0 s1  }
0xe1: {  	[bflag:$0x3] =	sbarrier.arrive $0xFFFF  }
0xe2: {  	_ =	shalt  }

// kernel: kernel.14.cloned.1.call-start
scs
__scs_entry_jumppad:
0x0: {  	(pc) =	sbr.rel $0x88, $3  }
0x1: {  	(tag) =	ssettag $0x0;
	lr =	simm.s32 $0x1  }
0x2: {  	[smem:$0x3F9B] =	sst lr;
	_ =	strace $0xD0000000  }
0x3: {  	_ = 	snop  }
0x4: {  	_ = 	snop  }
0x5: {  	_ = 	snop  }
0x6: {  	_ = 	snop  }
0x7: {  	_ = 	snop  }
__scs_overlays_trampoline_lowered:
0x8: {  	[smem:$0x3FAA] =	sst s0  }
0x9: {  	[smem:$0x3FAB] =	sst s1  }
0xa: {  	[smem:$0x3FAC] =	sst s2  }
0xb: {  	[smem:$0x3FAD] =	sst s3  }
0xc: {  	[smem:$0x3FAE] =	sst s4  }
0xd: {  	[smem:$0x3FAF] =	sst s5  }
0xe: {  	[smem:$0x3FB0] =	sst s6  }
0xf: {  	[smem:$0x3FB1] =	sst s7  }
0x10: {  	[smem:$0x3FB2] =	sst s8  }
0x11: {  	[smem:$0x3FB3] =	sst s9;
	s0 =	simm.s32 @!p0 $0x0  }
0x12: {  	s1 =	sld [smem:$0x3F99];
	s0 =	simm.s32 @p0 $0x1  }
0x13: {  	[smem:$0x3FB4] =	sst s0;
	s0 =	simm.s32 @!p1 $0x0  }
0x14: {  	s2 =	sld [smem:$0x3F98];
	s0 =	simm.s32 @p1 $0x1  }
0x15: {  	[smem:$0x3FB5] =	sst s0;
	s0 =	simm.s32 @!p2 $0x0  }
0x16: {  	s3 =	sld [smem:$0x3FDB];
	s0 =	simm.s32 @p2 $0x1  }
0x17: {  	s4 =	simm.s32 $0x1BF5;
	[smem:$0x3FB7] =	sst s0  }
0x18: {  	s0 =	sld [smem:$0x3F9A];
	_ =	swait.ge [sflag:s4], $0x0  }
0x19: {  	s7 =	sld [smem:$0x3F9B]  }
0x1a: {  	s8 =	sadd.s32 $0xFFFFE003, lr  }
0x1b: {  	s9 =	sadd.s32 $0xFFFFFEF7, lr;
	s5 =	simm.s32 $0xFFFFFFFF;
	p2 =	slt.u32 s8, $0xFFFFF086  }
0x1c: {  	p1 =	slt.u32 s9, $0xF7A;
	s5 =	simm.s32 @!p2 $0x0  }
0x1d: {  	s5 =	simm.s32 @p1 $0x1;
	p0 =	seq.s32 s7, s2  }
0x1e: {  	s7 =	smul.u32 @!p0 $0xF7A, s2;
	p2 =	seq.s32 @!p0 s5, $0x0  }
0x1f: {  	s9 =	smul.u32 $0xF7A, s1;
	s8 =	simm.s32 @!p0 $0x1BF5;
	p2 =	por !p2, p0  }
0x20: {  	[sflag:s8] =	ssyncset.s32 @!p0 $0xFFFFF086;
	s6 =	sadd.s32 @!p0 s3, s7;
	s7 =	simm.s32 @!p0 $0x108  }
0x21: {  	s3 =	sadd.s32 s3, s9;
	s6 =	sadd.s32 @!p0 $0x88, s6;
	s7 =	simm.s32 @p2 $0x1082  }
0x22: {  	[simem:s7], [sflag:s8] =	dma.local @!p0 [hbm:s6], $0xF7A  }
0x23: {  	s9 =	sor.u32 $0xD0000000, s2;
	s6 =	simm.s32 $0x108;
	_ =	swait.ge @!p0 [sflag:s8], $0x0  }
0x24: {  	s3 =	sadd.s32 $0x88, s3;
	s6 =	simm.s32 @!p1 $0x1082;
	[sflag:s4] =	ssyncset.s32 $0xFFFFF086  }
0x25: {  	[simem:s6], [sflag:s4] =	dma.local [hbm:s3], $0xF7A  }
0x26: {  	[smem:$0x3F9B] =	sst s1;
	(tag) =	ssettag s2;
	_ =	strace s9  }
0x27: {  	s1 =	sld [smem:$0x3FAB]  }
0x28: {  	s2 =	sld [smem:$0x3FAC]  }
0x29: {  	s4 =	sld [smem:$0x3FAE]  }
0x2a: {  	p0 =	seq.s32 s5, $0x0;
	s5 =	sld [smem:$0x3FAF]  }
0x2b: {  	s6 =	sld [smem:$0x3FB0]  }
0x2c: {  	s7 =	sld [smem:$0x3FB1]  }
0x2d: {  	s3 =	simm.s32 $0x108;
	s8 =	sld [smem:$0x3FB2]  }
0x2e: {  	s3 =	simm.s32 @!p0 $0x1082;
	s9 =	sld [smem:$0x3FB3]  }
0x2f: {  	lr =	sadd.s32 s0, s3;
	s0 =	sld [smem:$0x3FAA]  }
0x30: {  	s3 =	sld [smem:$0x3FAD]  }
0x31: {  	[smem:$0x3FB6] =	sst s10  }
0x32: {  	s10 =	sld [smem:$0x3FB4];
	_ =	sdelay $0x3  }
0x33: {  	p0 =	seq.s32 s10, $0x1;
	s10 =	sld [smem:$0x3FB6];
	_ =	sdelay $0x3  }
0x34: {  	[smem:$0x3FB6] =	sst s10  }
0x35: {  	s10 =	sld [smem:$0x3FB5];
	_ =	sdelay $0x3  }
0x36: {  	p1 =	seq.s32 s10, $0x1;
	s10 =	sld [smem:$0x3FB6];
	_ =	sdelay $0x3  }
0x37: {  	[smem:$0x3FB6] =	sst s10  }
0x38: {  	s10 =	sld [smem:$0x3FB7]  }
0x39: {  	_ = 	snop;
	(pc) =	sbr.ind lr, $3  }
0x3a: {  	_ = 	snop  }
0x3b: {  	_ = 	snop  }
0x3c: {  	p2 =	seq.s32 s10, $0x1;
	s10 =	sld [smem:$0x3FB6]  }
0x3d: {  	_ =	shalt  }
0x3e: {  	_ =	shalt  }
0x3f: {  	_ =	shalt  }
0x40: {  	_ =	shalt  }
0x41: {  	_ =	shalt  }
0x42: {  	_ =	shalt  }
0x43: {  	_ =	shalt  }
0x44: {  	_ =	shalt  }
0x45: {  	_ =	shalt  }
0x46: {  	_ =	shalt  }
0x47: {  	_ =	shalt  }
0x48: {  	_ =	shalt  }
0x49: {  	_ =	shalt  }
0x4a: {  	_ =	shalt  }
0x4b: {  	_ =	shalt  }
0x4c: {  	_ =	shalt  }
0x4d: {  	_ =	shalt  }
0x4e: {  	_ =	shalt  }
0x4f: {  	_ =	shalt  }
0x50: {  	_ =	shalt  }
0x51: {  	_ =	shalt  }
0x52: {  	_ =	shalt  }
0x53: {  	_ =	shalt  }
0x54: {  	_ =	shalt  }
0x55: {  	_ =	shalt  }
0x56: {  	_ =	shalt  }
0x57: {  	_ =	shalt  }
0x58: {  	_ =	shalt  }
0x59: {  	_ =	shalt  }
0x5a: {  	_ =	shalt  }
0x5b: {  	_ =	shalt  }
0x5c: {  	_ =	shalt  }
0x5d: {  	_ =	shalt  }
0x5e: {  	_ =	shalt  }
0x5f: {  	_ =	shalt  }
0x60: {  	_ =	shalt  }
0x61: {  	_ =	shalt  }
0x62: {  	_ =	shalt  }
0x63: {  	_ =	shalt  }
0x64: {  	_ =	shalt  }
0x65: {  	_ =	shalt  }
0x66: {  	_ =	shalt  }
0x67: {  	_ =	shalt  }
0x68: {  	_ =	shalt  }
0x69: {  	_ =	shalt  }
0x6a: {  	_ =	shalt  }
0x6b: {  	_ =	shalt  }
0x6c: {  	_ =	shalt  }
0x6d: {  	_ =	shalt  }
0x6e: {  	_ =	shalt  }
0x6f: {  	_ =	shalt  }
0x70: {  	_ =	shalt  }
0x71: {  	_ =	shalt  }
0x72: {  	_ =	shalt  }
0x73: {  	_ =	shalt  }
0x74: {  	_ =	shalt  }
0x75: {  	_ =	shalt  }
0x76: {  	_ =	shalt  }
0x77: {  	_ =	shalt  }
0x78: {  	_ =	shalt  }
0x79: {  	_ =	shalt  }
0x7a: {  	_ =	shalt  }
0x7b: {  	_ =	shalt  }
0x7c: {  	_ =	shalt  }
0x7d: {  	_ =	shalt  }
0x7e: {  	_ =	shalt  }
0x7f: {  	_ =	shalt  }
0x80: {  	_ =	shalt  }
0x81: {  	_ =	shalt  }
0x82: {  	_ =	shalt  }
0x83: {  	_ =	shalt  }
0x84: {  	_ =	shalt  }
0x85: {  	_ =	shalt  }
0x86: {  	_ =	shalt  }
0x87: {  	_ =	shalt  }
.Lfunc_end0:
.L_simem_size_0:
called_computation.2_lowered:
.L_overlay_start_0:
0x88: {  	s2 =	sld [smem:$0x3FD9]  }
0x89: {  	s3 =	sld [smem:$0x3FFE];
	_ =	sdelay $0x1  }
0x8a: {  	s1 =	srdreg.scid  }
0x8b: {  	s0 =	sand.u32 $0x1, s1  }
0x8c: {  	s17 =	sshll.u32 s0, $0xA;
	s2 =	sadd.s32 s3, s2  }
0x8d: {  	s2 =	sadd.s32 s2, s17  }
0x8e: {  	[smem:$0x3FC2] =	sst s2  }
0x8f: {  	_ = 	snop  }
0x90: {  	s2 =	sld [smem:$0x3FD0];
	(tm) =	ssettm $0x1  }
0x91: {  	s18 =	sld [smem:$0x3FFB];
	_ =	sdelay $0x3  }
0x92: {  	_ =	strace s18  }
0x93: {  	s3 =	sld [smem:$0x3FFC];
	_ =	sdelay $0x3  }
0x94: {  	_ =	strace s3  }
0x95: {  	s3 =	sld [smem:$0x3FFD];
	_ =	sdelay $0x3  }
0x96: {  	_ =	strace s3  }
0x97: {  	_ =	strace $0x8FFFFFFF  }
0x98: {  	s19 =	sld [smem:$0x3FDB];
	_ =	sdelay $0x1  }
0x99: {  	s4 =	simm.s32 $_scs_section_size  }
0x9a: {  	s5 =	simm.s32 $_size__tile_overlayer_lowered;
	s6 =	simm.s32 $_tile_overlayer_lowered  }
0x9b: {  	s22 =	simm.s32 $0x1BFF;
	s21 =	sshll.u32 s6, $0x1;
	s3 =	sadd.s32 s4, s19  }
0x9c: {  	s7 =	simm.s32 $0x0;
	s20 =	sshll.u32 s5, $0x1;
	s5 =	sadd.s32 s21, s3  }
0x9d: {  	[timem:s7], [sflag:s22] =	dma.local [hbm:s5], s20  }
0x9e: {  	_ =	swait.ge [sflag:s22], s20  }
0x9f: {  	s4 =	ssub.s32 $0x0, s20;
	[sflag:s22] =	ssyncset.done $0x0  }
0xa0: {  	[sflag:s22] =	ssyncadd.s32 s4;
	_ =	sdelay $0x1  }
0xa1: {  	s23 =	simm.s32 $0x1B8B  }
0xa2: {  	_ =	swait.ge [sflag:s23], $0x1  }
0xa3: {  	[sflag:s23] =	ssyncset.done $0x0  }
0xa4: {  	s25 =	simm.s32 $0x1B8E;
	s24 =	sld [smem:$0x3FFE];
	[sflag:s23] =	ssyncadd.s32 $0xFFFFFFFF  }
0xa5: {  	s26 =	simm.s32 $execute0_lowered;
	[smem:$0x3FD2] =	sst s25  }
0xa6: {  	s5 =	sshll.u32 s26, $0x1;
	_ =	strace $0x8000004C;
	[dreg:$0x1] =	wrdreg $0xFFFFFFFF  }
0xa7: {  	s28 =	simm.s32 $_size_execute0_lowered;
	s3 =	sadd.s32 s3, s5;
	[dreg:$0x0] =	wrdreg $0x0  }
0xa8: {  	s5 =	sshll.u32 s28, $0x1;
	[dreg:$0x2] =	wrdreg s3  }
0xa9: {  	[dreg:$0x3] =	wrdreg s5  }
0xaa: {  	[dreg:$0x4] =	wrdreg $0xC0  }
0xab: {  	_ =	task [dreg:s7], $0x5FFFF  }
0xac: {  	[dreg:$0x1] =	wrdreg $0xFFFFFFFF  }
0xad: {  	[dreg:$0x0] =	wrdreg $0x60  }
0xae: {  	[dreg:$0x2] =	wrdreg s24  }
0xaf: {  	[dreg:$0x3] =	wrdreg s2  }
0xb0: {  	[dreg:$0x4] =	wrdreg $0xAA000  }
0xb1: {  	[dreg:$0x5] =	wrdreg $0x9  }
0xb2: {  	_ =	task.clear_ibuf [dreg:s7], $0x6FFFF;
	_ =	strace $0x9000004C  }
0xb3: {  	s29 =	simm.s32 $0x9;
	_ =	strace $0x8000004E  }
0xb4: {  	_ =	swait.ge [sflag:s29], $0x1  }
0xb5: {  	[sflag:s29] =	ssyncadd.s32 $0xFFFFFFFF  }
0xb6: {  	_ =	strace $0x9000004E  }
0xb7: {  	_ =	sfence  }
0xb8: {  	s30 =	sld [smem:$0x0];
	_ =	sdelay $0x2  }
0xb9: {  	s31 =	sshll.u32 s1, $0xD;
	s1 =	sshrl.u32 s1, $0x2  }
0xba: {  	s3 =	sand.u32 $0x4000, s31;
	s1 =	sadd.s32 s1, s30  }
0xbb: {  	s0 =	sor.u32 s3, s0;
	s1 =	sshll.u32 s1, $0x11  }
0xbc: {  	s0 =	sor.u32 s1, s0  }
0xbd: {  	s0 =	sadd.s32 $0x8F2B, s0  }
0xbe: {  	[sflag:s0] =	ssyncadd.remote.s32 $0x1  }
0xbf: {  	_ =	sfence.sel $0xFFFF  }
0xc0: {  	[dreg:$0x0] =	wrdreg $0xFFFFFFFF;
	(pc) =	sbr.abs _section_cstart, $3  }
0xc1: {  	[dreg:$0x1] =	wrdreg $0xFFFFFFFF  }
0xc2: {  	_ =	task.clear_ibuf [dreg:s7], $0x2FFFF;
	_ =	strace $0x9FFFFFFF  }
0xc3: {  	(tm) =	ssettm $0x7FFFFFFF  }
tec
execute0_lowered:
.L_overlay_start_1:
0x0: {  	(tag) =	ssettag $0x1  }
0x1: {  	s0 =	rddreg [dreg:$0x0]  }
0x2: {  	s2 =	rddreg [dreg:$0x1]  }
0x3: {  	s1 =	rddreg [dreg:$0x2];
	s13 =	stileid.u32  }
0x4: {  	s3 =	srdreg.scid;
	s7 =	smul.u32 $0x14000, s13  }
0x5: {  	s28 =	simm.s32 $0x2980;
	s29 =	simm.s32 $0x80;
	s9 =	smul.u32 $0x2800, s13  }
0x6: {  	s30 =	simm.s32 $0x2A00;
	s31 =	simm.s32 $0x6A00;
	s26 =	smul.u32 $0x50000, s13  }
0x7: {  	s5 =	sand.u32 $0x1, s3;
	s3 =	simm.s32 $0x0;
	s12 =	smul.u32 $0x500, s13  }
0x8: {  	s4 =	sadd.s32 $0x2800, s0;
	s6 =	smul.u32 $0x140000, s5;
	[smem:$0x7FF] =	sst s3  }
0x9: {  	s10 =	ssub.s32 $0x2, s5;
	p0 =	sne.s32 s5, $0x0;
	s5 =	simm.s32 $0x2  }
0xa: {  	_ =	strace $0x8000004D;
	s8 =	sadd.s32 s9, s0;
	s11 =	sshrl.u32 s10, $0x1  }
0xb: {  	s14 =	sadd.s32 s2, s12;
	s15 =	sshrl.u32 s9, $0x3;
	s20 =	sadd.s32 s4, s9  }
0xc: {  	s9 =	simm.s32 $0x0;
	s8 =	sadd.s32 $0x2A800, s8;
	[dreg:$0xa] =	wrdreg s20  }
0xd: {  	s6 =	sadd.s32 s7, s6;
	s16 =	sadd.s32 $0x5000, s14;
	[dreg:$0x4] =	wrdreg s8  }
0xe: {  	s7 =	sshrl.u32 s26, $0x2;
	s17 =	sadd.s32 $0xF000, s14;
	[dreg:$0x5] =	wrdreg s16  }
0xf: {  	s25 =	sadd.s32 $0xF040, s14;
	[dreg:$0x6] =	wrdreg s17;
	s8 =	sadd.s32 s2, s15  }
0x10: {  	s10 =	ssub.s32 s10, s11;
	[dreg:$0xf] =	wrdreg s25;
	s2 =	sadd.s32 $0xF010, s8  }
0x11: {  	s26 =	sshll.u32 s13, $0x6;
	s18 =	sadd.s32 $0xF020, s8;
	[dreg:$0x7] =	wrdreg s2  }
0x12: {  	s11 =	sadd.s32 $0xA040, s14;
	s19 =	sadd.s32 $0xF030, s8;
	[dreg:$0x8] =	wrdreg s18  }
0x13: {  	s6 =	sshrl.u32 s6, $0x3;
	s21 =	sadd.s32 $0xA000, s8;
	[dreg:$0x9] =	wrdreg s19  }
0x14: {  	s7 =	sadd.s32 s7, s1;
	s22 =	sadd.s32 $0xA010, s8;
	[dreg:$0xb] =	wrdreg s21  }
0x15: {  	s25 =	simm.s32 $0x2880;
	s23 =	sadd.s32 $0xA020, s8;
	[dreg:$0xc] =	wrdreg s22  }
.Ltmp0:
0x16: {  	s24 =	sadd.s32 $0xA030, s8;
	[dreg:$0xd] =	wrdreg s23;
	(pc) =	sbr.rel .LBB2_1-.Ltmp0, $4  }
0x17: {  	s0 =	sadd.s32 s6, s0;
	s6 =	simm.s32 $0x4;
	[dreg:$0xe] =	wrdreg s24  }
0x18: {  	s17 =	sadd.s32 $0x52800, s0;
	s18 =	smax.u32 s10, $0x1;
	s21 =	sor.u32 $0x1C07, s26  }
0x19: {  	s22 =	sshrl.u32 s7, $0x3;
	s23 =	simm.s32 $0x7;
	s24 =	simm.s32 $0x2800  }
0x1a: {  	s0 =	simm.s32 $0x1;
	s2 =	simm.s32 $0x3;
	s7 =	simm.s32 $0x6  }
.LBB2_8:
0x1b: {  	s9 =	sadd.s32 $0x1, s9  }
0x1c: {  	p1 =	sne.s32 s9, s18  }
.Ltmp1:
0x1d: {  	[bflag:$0x0] =	sbarrier.arrive $0xFFFF;
	(pc) =	sbr.rel @!p1 .LBB2_9-.Ltmp1, $4  }
0x1e: {  	[hbm:s17], [sflag:s21] =	dma.local [spmem:s22], $0x2800  }
0x1f: {  	_ =	swait.ge [sflag:s23], $0x2800  }
0x20: {  	[sflag:s23] =	ssyncset.done $0x0  }
0x21: {  	[sflag:s23] =	ssyncadd.s32 $0xFFFFD800  }
.LBB2_1:
.Ltmp2:
0x22: {  	(pc) =	sbr.rel @p0 .LBB2_5-.Ltmp2, $1  }
0x23: {  	_ =	sdelay $0x3  }
0x24: {  	s10 =	rddreg [dreg:$0xa]  }
0x25: {  	[spmem:s22], [sflag:s21] =	dma.local [hbm:s10], $0x2800  }
0x26: {  	_ =	swait.ge [sflag:s23], $0x2800  }
0x27: {  	[sflag:s23] =	ssyncset.done $0x0  }
0x28: {  	s10 =	simm.s32 $0x0;
	[sflag:s23] =	ssyncadd.s32 $0xFFFFD800  }
0x29: {  	[tilespmem:s10], [sflag:$0x7] =	stream.linear.gather [hbm4b:s8+s10], $0x2800, $0x38;
	[tilespmem:$0x1EA00] =	vst v63  }
0x2a: {  	_ =	swait.ge [sflag:s23], $0x2800  }
0x2b: {  	[sflag:s23] =	ssyncset.done $0x0  }
0x2c: {  	s12 =	rddreg [dreg:$0xb];
	[sflag:s23] =	ssyncadd.s32 $0xFFFFD800  }
0x2d: {  	[tilespmem:s24], [sflag:$0x3] =	stream.linear.gather [hbm4b:s12+s10], $0x80, $0x38;
	[tilespmem:$0x1EA00] =	vst v63  }
0x2e: {  	s19 =	rddreg [dreg:$0xc]  }
0x2f: {  	[tilespmem:s25], [sflag:$0x4] =	stream.linear.gather [hbm4b:s19+s10], $0x80, $0x38;
	[tilespmem:$0x1EA00] =	vst v63  }
0x30: {  	s13 =	simm.s32 $0x2900;
	s20 =	rddreg [dreg:$0xd]  }
0x31: {  	[tilespmem:s13], [sflag:$0x5] =	stream.linear.gather [hbm4b:s20+s10], $0x80, $0x38;
	[tilespmem:$0x1EA00] =	vst v63  }
0x32: {  	s26 =	rddreg [dreg:$0xe]  }
0x33: {  	[tilespmem:s28], [sflag:$0x6] =	stream.linear.gather [hbm4b:s26+s10], $0x80, $0x38;
	[tilespmem:$0x1EA00] =	vst v63  }
0x34: {  	_ = 	snop  }
0x35: {  	[tilespmem:s30], [sflag:$0x1] =	stream.indirect.gather [hbm4b:s4+s29], $0x80, s10, s29, $0xb8;
	[tilespmem:$0x1EA00] =	vst v63  }
0x36: {  	_ = 	snop  }
0x37: {  	[tilespmem:s31], [sflag:$0x2] =	stream.indirect.gather [hbm4b:s4+s29], $0x80, s29, s29, $0xb8;
	[tilespmem:$0x1EA00] =	vst v63  }
0x38: {  	s20 =	smov.u32 s11;
	[bflag:$0x0] =	sbarrier.arrive $0xFFFF  }
.LBB2_3:
0x39: {  	_ =	swait.ge [sflag:s0], $0x4000  }
0x3a: {  	[sflag:s0] =	ssyncset.done $0x0  }
0x3b: {  	[sflag:s0] =	ssyncadd.s32 $0xFFFFC000  }
0x3c: {  	_ =	swait.ge [sflag:s2], $0x80  }
0x3d: {  	[sflag:s2] =	ssyncset.done $0x0  }
0x3e: {  	[sflag:s2] =	ssyncadd.s32 $0xFFFFFF80  }
0x3f: {  	[spmem:s1] =	stream.indirect.scatter.add.f32 [tilespmem:s30], [sflag:$0x7], $0x80, s24, s29, $0xb8;
	[tilespmem:$0x1EA00] =	vst v63  }
0x40: {  	_ =	swait.ge [sflag:s23], $0x4000  }
0x41: {  	s12 =	sshra.s32 s10, $0x2;
	[sflag:s23] =	ssyncset.done $0x0  }
0x42: {  	p1 =	seq.s32 s10, $0x9800;
	s13 =	sadd.s32 $0x100, s12;
	[sflag:s23] =	ssyncadd.s32 $0xFFFFC000  }
0x43: {  	[tilespmem:s30], [sflag:$0x1] =	stream.indirect.gather [hbm4b:s4+s29], $0x80, s13, s29, $0xb8;
	[tilespmem:$0x1EA00] =	vst v63  }
0x44: {  	s14 =	simm.s32 @!p1 $0x2800;
	s13 =	simm.s32 @!p1 $0x0  }
0x45: {  	[tilespmem:s14], [sflag:$0x3] =	stream.linear.gather @!p1 [hbm4b:s20+s13], $0x80, $0x38;
	[tilespmem:$0x1EA00] =	vst v63  }
0x46: {  	_ =	swait.ge [sflag:s5], $0x4000  }
0x47: {  	[sflag:s5] =	ssyncset.done $0x0  }
0x48: {  	[sflag:s5] =	ssyncadd.s32 $0xFFFFC000  }
0x49: {  	_ =	swait.ge [sflag:s6], $0x80  }
0x4a: {  	[sflag:s6] =	ssyncset.done $0x0  }
0x4b: {  	[sflag:s6] =	ssyncadd.s32 $0xFFFFFF80  }
0x4c: {  	[spmem:s1] =	stream.indirect.scatter.add.f32 [tilespmem:s31], [sflag:$0x7], $0x80, s25, s29, $0xb8;
	[tilespmem:$0x1EA00] =	vst v63  }
0x4d: {  	_ =	swait.ge [sflag:s23], $0x4000  }
0x4e: {  	[sflag:s23] =	ssyncset.done $0x0  }
0x4f: {  	s26 =	sadd.s32 $0x180, s12;
	s14 =	simm.s32 @p1 $0x1;
	[sflag:s23] =	ssyncadd.s32 $0xFFFFC000  }
0x50: {  	[tilespmem:s31], [sflag:$0x2] =	stream.indirect.gather [hbm4b:s4+s29], $0x80, s26, s29, $0xb8;
	[tilespmem:$0x1EA00] =	vst v63  }
0x51: {  	_ =	swait.ge @p1 [sflag:s14], $0x4000  }
0x52: {  	[sflag:s14] =	ssyncset.done @p1 $0x0  }
0x53: {  	[sflag:s14] =	ssyncadd.s32 @p1 $0xFFFFC000;
	s14 =	simm.s32 @p1 $0x5  }
0x54: {  	_ =	swait.ge @p1 [sflag:s14], $0x80  }
0x55: {  	s15 =	simm.s32 @p1 $0x2900;
	[sflag:s14] =	ssyncset.done @p1 $0x0  }
0x56: {  	s16 =	simm.s32 @p1 $0x2A00;
	[sflag:s14] =	ssyncadd.s32 @p1 $0xFFFFFF80;
	s14 =	simm.s32 @p1 $0x80  }
0x57: {  	[spmem:s1] =	stream.indirect.scatter.add.f32 @p1 [tilespmem:s16], [sflag:$0x7], $0x80, s15, s14, $0xb8;
	[tilespmem:$0x1EA00] =	vst v63  }
0x58: {  	s14 =	simm.s32 @p1 $0x7  }
0x59: {  	_ =	swait.ge @p1 [sflag:s14], $0x4000  }
0x5a: {  	[sflag:s14] =	ssyncset.done @p1 $0x0  }
0x5b: {  	s15 =	simm.s32 @!p1 $0x2880;
	[sflag:s14] =	ssyncadd.s32 @p1 $0xFFFFC000;
	s14 =	sadd.s32 @!p1 $0x10, s20  }
0x5c: {  	[tilespmem:s15], [sflag:$0x4] =	stream.linear.gather @!p1 [hbm4b:s14+s13], $0x80, $0x38;
	[tilespmem:$0x1EA00] =	vst v63  }
0x5d: {  	s14 =	simm.s32 @!p1 $0x1  }
0x5e: {  	_ =	swait.ge @!p1 [sflag:s14], $0x4000  }
0x5f: {  	[sflag:s14] =	ssyncset.done @!p1 $0x0  }
0x60: {  	[sflag:s14] =	ssyncadd.s32 @!p1 $0xFFFFC000;
	s14 =	simm.s32 @!p1 $0x5  }
0x61: {  	_ =	swait.ge @!p1 [sflag:s14], $0x80  }
0x62: {  	s26 =	simm.s32 @!p1 $0x7;
	s16 =	simm.s32 @!p1 $0x2A00;
	[sflag:s14] =	ssyncset.done @!p1 $0x0  }
0x63: {  	s15 =	simm.s32 @!p1 $0x2900;
	[sflag:s14] =	ssyncadd.s32 @!p1 $0xFFFFFF80;
	s14 =	simm.s32 @!p1 $0x80  }
0x64: {  	[spmem:s1] =	stream.indirect.scatter.add.f32 @!p1 [tilespmem:s16], [sflag:$0x7], $0x80, s15, s14, $0xb8;
	[tilespmem:$0x1EA00] =	vst v63  }
0x65: {  	_ =	swait.ge @!p1 [sflag:s26], $0x4000  }
0x66: {  	s19 =	sshra.s32 @!p1 s10, $0x2;
	[sflag:s26] =	ssyncset.done @!p1 $0x0  }
0x67: {  	s19 =	sadd.s32 @!p1 $0x200, s19;
	[sflag:s26] =	ssyncadd.s32 @!p1 $0xFFFFC000  }
0x68: {  	[tilespmem:s16], [sflag:$0x1] =	stream.indirect.gather @!p1 [hbm4b:s4+s14], $0x80, s19, s14, $0xb8;
	[tilespmem:$0x1EA00] =	vst v63  }
0x69: {  	s14 =	sadd.s32 @!p1 $0x20, s20  }
0x6a: {  	[tilespmem:s15], [sflag:$0x5] =	stream.linear.gather @!p1 [hbm4b:s14+s13], $0x80, $0x38;
	[tilespmem:$0x1EA00] =	vst v63  }
0x6b: {  	_ =	swait.ge [sflag:s5], $0x4000  }
0x6c: {  	[sflag:s5] =	ssyncset.done $0x0  }
0x6d: {  	[sflag:s5] =	ssyncadd.s32 $0xFFFFC000  }
0x6e: {  	_ =	swait.ge [sflag:s7], $0x80  }
0x6f: {  	[sflag:s7] =	ssyncset.done $0x0  }
.Ltmp3:
0x70: {  	[sflag:s7] =	ssyncadd.s32 $0xFFFFFF80;
	(pc) =	sbr.rel @p1 .LBB2_8-.Ltmp3, $4  }
0x71: {  	[spmem:s1] =	stream.indirect.scatter.add.f32 [tilespmem:s31], [sflag:$0x7], $0x80, s28, s29, $0xb8;
	[tilespmem:$0x1EA00] =	vst v63  }
0x72: {  	_ =	swait.ge [sflag:s23], $0x4000  }
0x73: {  	[sflag:s23] =	ssyncset.done $0x0  }
0x74: {  	[sflag:s23] =	ssyncadd.s32 $0xFFFFC000  }
.Ltmp4:
0x75: {  	(pc) =	sbr.rel .LBB2_3-.Ltmp4, $4  }
0x76: {  	s12 =	sadd.s32 $0x280, s12  }
0x77: {  	[tilespmem:s31], [sflag:$0x2] =	stream.indirect.gather [hbm4b:s4+s29], $0x80, s12, s29, $0xb8;
	[tilespmem:$0x1EA00] =	vst v63  }
0x78: {  	s26 =	sadd.s32 $0x30, s20;
	s10 =	sadd.s32 $0x800, s10;
	s20 =	sadd.s32 $0x40, s20  }
0x79: {  	[tilespmem:s28], [sflag:$0x6] =	stream.linear.gather [hbm4b:s26+s3], $0x80, $0x38;
	[tilespmem:$0x1EA00] =	vst v63  }
.LBB2_5:
0x7a: {  	s10 =	rddreg [dreg:$0x4]  }
0x7b: {  	[spmem:s22], [sflag:s21] =	dma.local [hbm:s10], $0x2800  }
0x7c: {  	_ =	swait.ge [sflag:s23], $0x2800  }
0x7d: {  	[sflag:s23] =	ssyncset.done $0x0  }
0x7e: {  	s10 =	simm.s32 $0x0;
	s12 =	rddreg [dreg:$0x5];
	[sflag:s23] =	ssyncadd.s32 $0xFFFFD800  }
0x7f: {  	[tilespmem:s10], [sflag:$0x7] =	stream.linear.gather [hbm4b:s12+s10], $0x2800, $0x38;
	[tilespmem:$0x1EA00] =	vst v63  }
0x80: {  	_ =	swait.ge [sflag:s23], $0x2800  }
0x81: {  	[sflag:s23] =	ssyncset.done $0x0  }
0x82: {  	s16 =	rddreg [dreg:$0x6];
	[sflag:s23] =	ssyncadd.s32 $0xFFFFD800  }
0x83: {  	[tilespmem:s24], [sflag:$0x3] =	stream.linear.gather [hbm4b:s16+s10], $0x80, $0x38;
	[tilespmem:$0x1EA00] =	vst v63  }
0x84: {  	s19 =	rddreg [dreg:$0x7]  }
0x85: {  	[tilespmem:s25], [sflag:$0x4] =	stream.linear.gather [hbm4b:s19+s10], $0x80, $0x38;
	[tilespmem:$0x1EA00] =	vst v63  }
0x86: {  	s13 =	simm.s32 $0x2900;
	s20 =	rddreg [dreg:$0x8]  }
0x87: {  	[tilespmem:s13], [sflag:$0x5] =	stream.linear.gather [hbm4b:s20+s10], $0x80, $0x38;
	[tilespmem:$0x1EA00] =	vst v63  }
0x88: {  	s26 =	rddreg [dreg:$0x9]  }
0x89: {  	[tilespmem:s28], [sflag:$0x6] =	stream.linear.gather [hbm4b:s26+s10], $0x80, $0x38;
	[tilespmem:$0x1EA00] =	vst v63  }
0x8a: {  	_ = 	snop  }
0x8b: {  	[tilespmem:s30], [sflag:$0x1] =	stream.indirect.gather [hbm4b:s4+s29], $0x80, s10, s29, $0xb8;
	[tilespmem:$0x1EA00] =	vst v63  }
0x8c: {  	_ = 	snop  }
0x8d: {  	[tilespmem:s31], [sflag:$0x2] =	stream.indirect.gather [hbm4b:s4+s29], $0x80, s29, s29, $0xb8;
	[tilespmem:$0x1EA00] =	vst v63  }
0x8e: {  	[bflag:$0x0] =	sbarrier.arrive $0xFFFF  }
0x8f: {  	s20 =	rddreg [dreg:$0xf]  }
.LBB2_6:
0x90: {  	_ =	swait.ge [sflag:s0], $0x4000  }
0x91: {  	[sflag:s0] =	ssyncset.done $0x0  }
0x92: {  	[sflag:s0] =	ssyncadd.s32 $0xFFFFC000  }
0x93: {  	_ =	swait.ge [sflag:s2], $0x80  }
0x94: {  	[sflag:s2] =	ssyncset.done $0x0  }
0x95: {  	[sflag:s2] =	ssyncadd.s32 $0xFFFFFF80  }
0x96: {  	[spmem:s1] =	stream.indirect.scatter.add.f32 [tilespmem:s30], [sflag:$0x7], $0x80, s24, s29, $0xb8;
	[tilespmem:$0x1EA00] =	vst v63  }
0x97: {  	_ =	swait.ge [sflag:s23], $0x4000  }
0x98: {  	s12 =	sshra.s32 s10, $0x2;
	[sflag:s23] =	ssyncset.done $0x0  }
0x99: {  	p1 =	seq.s32 s10, $0x9800;
	s13 =	sadd.s32 $0x100, s12;
	[sflag:s23] =	ssyncadd.s32 $0xFFFFC000  }
0x9a: {  	[tilespmem:s30], [sflag:$0x1] =	stream.indirect.gather [hbm4b:s4+s29], $0x80, s13, s29, $0xb8;
	[tilespmem:$0x1EA00] =	vst v63  }
0x9b: {  	s14 =	simm.s32 @!p1 $0x2800;
	s13 =	simm.s32 @!p1 $0x0  }
0x9c: {  	[tilespmem:s14], [sflag:$0x3] =	stream.linear.gather @!p1 [hbm4b:s20+s13], $0x80, $0x38;
	[tilespmem:$0x1EA00] =	vst v63  }
0x9d: {  	_ =	swait.ge [sflag:s5], $0x4000  }
0x9e: {  	[sflag:s5] =	ssyncset.done $0x0  }
0x9f: {  	[sflag:s5] =	ssyncadd.s32 $0xFFFFC000  }
0xa0: {  	_ =	swait.ge [sflag:s6], $0x80  }
0xa1: {  	[sflag:s6] =	ssyncset.done $0x0  }
0xa2: {  	[sflag:s6] =	ssyncadd.s32 $0xFFFFFF80  }
0xa3: {  	[spmem:s1] =	stream.indirect.scatter.add.f32 [tilespmem:s31], [sflag:$0x7], $0x80, s25, s29, $0xb8;
	[tilespmem:$0x1EA00] =	vst v63  }
0xa4: {  	_ =	swait.ge [sflag:s23], $0x4000  }
0xa5: {  	[sflag:s23] =	ssyncset.done $0x0  }
0xa6: {  	s26 =	sadd.s32 $0x180, s12;
	s14 =	simm.s32 @p1 $0x1;
	[sflag:s23] =	ssyncadd.s32 $0xFFFFC000  }
0xa7: {  	[tilespmem:s31], [sflag:$0x2] =	stream.indirect.gather [hbm4b:s4+s29], $0x80, s26, s29, $0xb8;
	[tilespmem:$0x1EA00] =	vst v63  }
0xa8: {  	_ =	swait.ge @p1 [sflag:s14], $0x4000  }
0xa9: {  	[sflag:s14] =	ssyncset.done @p1 $0x0  }
0xaa: {  	[sflag:s14] =	ssyncadd.s32 @p1 $0xFFFFC000;
	s14 =	simm.s32 @p1 $0x5  }
0xab: {  	_ =	swait.ge @p1 [sflag:s14], $0x80  }
0xac: {  	s15 =	simm.s32 @p1 $0x2900;
	[sflag:s14] =	ssyncset.done @p1 $0x0  }
0xad: {  	s16 =	simm.s32 @p1 $0x2A00;
	[sflag:s14] =	ssyncadd.s32 @p1 $0xFFFFFF80;
	s14 =	simm.s32 @p1 $0x80  }
0xae: {  	[spmem:s1] =	stream.indirect.scatter.add.f32 @p1 [tilespmem:s16], [sflag:$0x7], $0x80, s15, s14, $0xb8;
	[tilespmem:$0x1EA00] =	vst v63  }
0xaf: {  	s14 =	simm.s32 @p1 $0x7  }
0xb0: {  	_ =	swait.ge @p1 [sflag:s14], $0x4000  }
0xb1: {  	[sflag:s14] =	ssyncset.done @p1 $0x0  }
0xb2: {  	s15 =	simm.s32 @!p1 $0x2880;
	[sflag:s14] =	ssyncadd.s32 @p1 $0xFFFFC000;
	s14 =	sadd.s32 @!p1 $0x10, s20  }
0xb3: {  	[tilespmem:s15], [sflag:$0x4] =	stream.linear.gather @!p1 [hbm4b:s14+s13], $0x80, $0x38;
	[tilespmem:$0x1EA00] =	vst v63  }
0xb4: {  	s14 =	simm.s32 @!p1 $0x1  }
0xb5: {  	_ =	swait.ge @!p1 [sflag:s14], $0x4000  }
0xb6: {  	[sflag:s14] =	ssyncset.done @!p1 $0x0  }
0xb7: {  	[sflag:s14] =	ssyncadd.s32 @!p1 $0xFFFFC000;
	s14 =	simm.s32 @!p1 $0x5  }
0xb8: {  	_ =	swait.ge @!p1 [sflag:s14], $0x80  }
0xb9: {  	s19 =	simm.s32 @!p1 $0x7;
	s16 =	simm.s32 @!p1 $0x2A00;
	[sflag:s14] =	ssyncset.done @!p1 $0x0  }
0xba: {  	s15 =	simm.s32 @!p1 $0x2900;
	[sflag:s14] =	ssyncadd.s32 @!p1 $0xFFFFFF80;
	s14 =	simm.s32 @!p1 $0x80  }
0xbb: {  	[spmem:s1] =	stream.indirect.scatter.add.f32 @!p1 [tilespmem:s16], [sflag:$0x7], $0x80, s15, s14, $0xb8;
	[tilespmem:$0x1EA00] =	vst v63  }
0xbc: {  	_ =	swait.ge @!p1 [sflag:s19], $0x4000  }
0xbd: {  	s26 =	sshra.s32 @!p1 s10, $0x2;
	[sflag:s19] =	ssyncset.done @!p1 $0x0  }
0xbe: {  	[sflag:s19] =	ssyncadd.s32 @!p1 $0xFFFFC000;
	s19 =	sadd.s32 @!p1 $0x200, s26  }
0xbf: {  	[tilespmem:s16], [sflag:$0x1] =	stream.indirect.gather @!p1 [hbm4b:s4+s14], $0x80, s19, s14, $0xb8;
	[tilespmem:$0x1EA00] =	vst v63  }
0xc0: {  	s14 =	sadd.s32 @!p1 $0x20, s20  }
0xc1: {  	[tilespmem:s15], [sflag:$0x5] =	stream.linear.gather @!p1 [hbm4b:s14+s13], $0x80, $0x38;
	[tilespmem:$0x1EA00] =	vst v63  }
0xc2: {  	_ =	swait.ge [sflag:s5], $0x4000  }
0xc3: {  	[sflag:s5] =	ssyncset.done $0x0  }
0xc4: {  	[sflag:s5] =	ssyncadd.s32 $0xFFFFC000  }
0xc5: {  	_ =	swait.ge [sflag:s7], $0x80  }
0xc6: {  	[sflag:s7] =	ssyncset.done $0x0  }
.Ltmp5:
0xc7: {  	[sflag:s7] =	ssyncadd.s32 $0xFFFFFF80;
	(pc) =	sbr.rel @p1 .LBB2_8-.Ltmp5, $4  }
0xc8: {  	[spmem:s1] =	stream.indirect.scatter.add.f32 [tilespmem:s31], [sflag:$0x7], $0x80, s28, s29, $0xb8;
	[tilespmem:$0x1EA00] =	vst v63  }
0xc9: {  	_ =	swait.ge [sflag:s23], $0x4000  }
0xca: {  	[sflag:s23] =	ssyncset.done $0x0  }
0xcb: {  	[sflag:s23] =	ssyncadd.s32 $0xFFFFC000  }
.Ltmp6:
0xcc: {  	(pc) =	sbr.rel .LBB2_6-.Ltmp6, $4  }
0xcd: {  	s12 =	sadd.s32 $0x280, s12  }
0xce: {  	[tilespmem:s31], [sflag:$0x2] =	stream.indirect.gather [hbm4b:s4+s29], $0x80, s12, s29, $0xb8;
	[tilespmem:$0x1EA00] =	vst v63  }
0xcf: {  	s26 =	sadd.s32 $0x30, s20;
	s10 =	sadd.s32 $0x800, s10;
	s20 =	sadd.s32 $0x40, s20  }
0xd0: {  	[tilespmem:s28], [sflag:$0x6] =	stream.linear.gather [hbm4b:s26+s3], $0x80, $0x38;
	[tilespmem:$0x1EA00] =	vst v63  }
.LBB2_9:
0xd1: {  	_ =	sfence.sel $0x180000  }
0xd2: {  	[bflag:$0x0] =	sbarrier.arrive $0xFFFF  }
0xd3: {  	_ =	strace $0x9000004D  }
0xd4: {  	s0 =	stileid.u32;
	[bflag:$0x2] =	sbarrier.arrive $0xFFFF  }
0xd5: {  	p0 =	sne.s32 s0, $0x0;
	s0 =	rddreg [dreg:$0x3]  }
0xd6: {  	s0 =	sadd.s32 @!p0 $0x100000, s0  }
0xd7: {  	[sflag:s0] =	ssyncadd.tile.s32 @!p0 $0x1;
	_ =	shalt  }
.Lfunc_end2:
_tile_overlayer_lowered:
.L_overlay_start_2:
0xd8: {  	(tag) =	ssettag $0x2  }
0xd9: {  	s0 =	rddreg [dreg:$0x0];
	s2 =	stileid.u32  }
0xda: {  	s1 =	rddreg [dreg:$0x1];
	p0 =	sne.s32 s2, $0x0  }
0xdb: {  	s3 =	rddreg [dreg:$0x2];
	[bflag:$0x3] =	sbarrier.arrive $0xFFFF;
	s2 =	simm.s32 @!p0 $0x1C07  }
0xdc: {  	[timem:s3], [sflag:s2] =	dma.local @!p0 [hbm:s0], s1  }
0xdd: {  	s0 =	simm.s32 @!p0 $0x7  }
0xde: {  	_ =	swait.ge @!p0 [sflag:s0], s1  }
0xdf: {  	s1 =	ssub.s32 @!p0 $0x0, s1;
	[sflag:s0] =	ssyncset.done @!p0 $0x0  }
0xe0: {  	[sflag:s0] =	ssyncadd.s32 @!p0 s1  }
0xe1: {  	[bflag:$0x3] =	sbarrier.arrive $0xFFFF  }
0xe2: {  	_ =	shalt  }

// kernel: kernel.8.cloned.1.call-start
scs
__scs_entry_jumppad:
0x0: {  	(pc) =	sbr.rel $0x88, $3  }
0x1: {  	(tag) =	ssettag $0x0;
	lr =	simm.s32 $0x1  }
0x2: {  	[smem:$0x3F9B] =	sst lr;
	_ =	strace $0xD0000000  }
0x3: {  	_ = 	snop  }
0x4: {  	_ = 	snop  }
0x5: {  	_ = 	snop  }
0x6: {  	_ = 	snop  }
0x7: {  	_ = 	snop  }
__scs_overlays_trampoline_lowered:
0x8: {  	[smem:$0x3FAA] =	sst s0  }
0x9: {  	[smem:$0x3FAB] =	sst s1  }
0xa: {  	[smem:$0x3FAC] =	sst s2  }
0xb: {  	[smem:$0x3FAD] =	sst s3  }
0xc: {  	[smem:$0x3FAE] =	sst s4  }
0xd: {  	[smem:$0x3FAF] =	sst s5  }
0xe: {  	[smem:$0x3FB0] =	sst s6  }
0xf: {  	[smem:$0x3FB1] =	sst s7  }
0x10: {  	[smem:$0x3FB2] =	sst s8  }
0x11: {  	[smem:$0x3FB3] =	sst s9;
	s0 =	simm.s32 @!p0 $0x0  }
0x12: {  	s1 =	sld [smem:$0x3F99];
	s0 =	simm.s32 @p0 $0x1  }
0x13: {  	[smem:$0x3FB4] =	sst s0;
	s0 =	simm.s32 @!p1 $0x0  }
0x14: {  	s2 =	sld [smem:$0x3F98];
	s0 =	simm.s32 @p1 $0x1  }
0x15: {  	[smem:$0x3FB5] =	sst s0;
	s0 =	simm.s32 @!p2 $0x0  }
0x16: {  	s3 =	sld [smem:$0x3FDB];
	s0 =	simm.s32 @p2 $0x1  }
0x17: {  	s4 =	simm.s32 $0x1BF5;
	[smem:$0x3FB7] =	sst s0  }
0x18: {  	s0 =	sld [smem:$0x3F9A];
	_ =	swait.ge [sflag:s4], $0x0  }
0x19: {  	s7 =	sld [smem:$0x3F9B]  }
0x1a: {  	s8 =	sadd.s32 $0xFFFFE003, lr  }
0x1b: {  	s9 =	sadd.s32 $0xFFFFFEF7, lr;
	s5 =	simm.s32 $0xFFFFFFFF;
	p2 =	slt.u32 s8, $0xFFFFF086  }
0x1c: {  	p1 =	slt.u32 s9, $0xF7A;
	s5 =	simm.s32 @!p2 $0x0  }
0x1d: {  	s5 =	simm.s32 @p1 $0x1;
	p0 =	seq.s32 s7, s2  }
0x1e: {  	s7 =	smul.u32 @!p0 $0xF7A, s2;
	p2 =	seq.s32 @!p0 s5, $0x0  }
0x1f: {  	s9 =	smul.u32 $0xF7A, s1;
	s8 =	simm.s32 @!p0 $0x1BF5;
	p2 =	por !p2, p0  }
0x20: {  	[sflag:s8] =	ssyncset.s32 @!p0 $0xFFFFF086;
	s6 =	sadd.s32 @!p0 s3, s7;
	s7 =	simm.s32 @!p0 $0x108  }
0x21: {  	s3 =	sadd.s32 s3, s9;
	s6 =	sadd.s32 @!p0 $0x88, s6;
	s7 =	simm.s32 @p2 $0x1082  }
0x22: {  	[simem:s7], [sflag:s8] =	dma.local @!p0 [hbm:s6], $0xF7A  }
0x23: {  	s9 =	sor.u32 $0xD0000000, s2;
	s6 =	simm.s32 $0x108;
	_ =	swait.ge @!p0 [sflag:s8], $0x0  }
0x24: {  	s3 =	sadd.s32 $0x88, s3;
	s6 =	simm.s32 @!p1 $0x1082;
	[sflag:s4] =	ssyncset.s32 $0xFFFFF086  }
0x25: {  	[simem:s6], [sflag:s4] =	dma.local [hbm:s3], $0xF7A  }
0x26: {  	[smem:$0x3F9B] =	sst s1;
	(tag) =	ssettag s2;
	_ =	strace s9  }
0x27: {  	s1 =	sld [smem:$0x3FAB]  }
0x28: {  	s2 =	sld [smem:$0x3FAC]  }
0x29: {  	s4 =	sld [smem:$0x3FAE]  }
0x2a: {  	p0 =	seq.s32 s5, $0x0;
	s5 =	sld [smem:$0x3FAF]  }
0x2b: {  	s6 =	sld [smem:$0x3FB0]  }
0x2c: {  	s7 =	sld [smem:$0x3FB1]  }
0x2d: {  	s3 =	simm.s32 $0x108;
	s8 =	sld [smem:$0x3FB2]  }
0x2e: {  	s3 =	simm.s32 @!p0 $0x1082;
	s9 =	sld [smem:$0x3FB3]  }
0x2f: {  	lr =	sadd.s32 s0, s3;
	s0 =	sld [smem:$0x3FAA]  }
0x30: {  	s3 =	sld [smem:$0x3FAD]  }
0x31: {  	[smem:$0x3FB6] =	sst s10  }
0x32: {  	s10 =	sld [smem:$0x3FB4];
	_ =	sdelay $0x3  }
0x33: {  	p0 =	seq.s32 s10, $0x1;
	s10 =	sld [smem:$0x3FB6];
	_ =	sdelay $0x3  }
0x34: {  	[smem:$0x3FB6] =	sst s10  }
0x35: {  	s10 =	sld [smem:$0x3FB5];
	_ =	sdelay $0x3  }
0x36: {  	p1 =	seq.s32 s10, $0x1;
	s10 =	sld [smem:$0x3FB6];
	_ =	sdelay $0x3  }
0x37: {  	[smem:$0x3FB6] =	sst s10  }
0x38: {  	s10 =	sld [smem:$0x3FB7]  }
0x39: {  	_ = 	snop;
	(pc) =	sbr.ind lr, $3  }
0x3a: {  	_ = 	snop  }
0x3b: {  	_ = 	snop  }
0x3c: {  	p2 =	seq.s32 s10, $0x1;
	s10 =	sld [smem:$0x3FB6]  }
0x3d: {  	_ =	shalt  }
0x3e: {  	_ =	shalt  }
0x3f: {  	_ =	shalt  }
0x40: {  	_ =	shalt  }
0x41: {  	_ =	shalt  }
0x42: {  	_ =	shalt  }
0x43: {  	_ =	shalt  }
0x44: {  	_ =	shalt  }
0x45: {  	_ =	shalt  }
0x46: {  	_ =	shalt  }
0x47: {  	_ =	shalt  }
0x48: {  	_ =	shalt  }
0x49: {  	_ =	shalt  }
0x4a: {  	_ =	shalt  }
0x4b: {  	_ =	shalt  }
0x4c: {  	_ =	shalt  }
0x4d: {  	_ =	shalt  }
0x4e: {  	_ =	shalt  }
0x4f: {  	_ =	shalt  }
0x50: {  	_ =	shalt  }
0x51: {  	_ =	shalt  }
0x52: {  	_ =	shalt  }
0x53: {  	_ =	shalt  }
0x54: {  	_ =	shalt  }
0x55: {  	_ =	shalt  }
0x56: {  	_ =	shalt  }
0x57: {  	_ =	shalt  }
0x58: {  	_ =	shalt  }
0x59: {  	_ =	shalt  }
0x5a: {  	_ =	shalt  }
0x5b: {  	_ =	shalt  }
0x5c: {  	_ =	shalt  }
0x5d: {  	_ =	shalt  }
0x5e: {  	_ =	shalt  }
0x5f: {  	_ =	shalt  }
0x60: {  	_ =	shalt  }
0x61: {  	_ =	shalt  }
0x62: {  	_ =	shalt  }
0x63: {  	_ =	shalt  }
0x64: {  	_ =	shalt  }
0x65: {  	_ =	shalt  }
0x66: {  	_ =	shalt  }
0x67: {  	_ =	shalt  }
0x68: {  	_ =	shalt  }
0x69: {  	_ =	shalt  }
0x6a: {  	_ =	shalt  }
0x6b: {  	_ =	shalt  }
0x6c: {  	_ =	shalt  }
0x6d: {  	_ =	shalt  }
0x6e: {  	_ =	shalt  }
0x6f: {  	_ =	shalt  }
0x70: {  	_ =	shalt  }
0x71: {  	_ =	shalt  }
0x72: {  	_ =	shalt  }
0x73: {  	_ =	shalt  }
0x74: {  	_ =	shalt  }
0x75: {  	_ =	shalt  }
0x76: {  	_ =	shalt  }
0x77: {  	_ =	shalt  }
0x78: {  	_ =	shalt  }
0x79: {  	_ =	shalt  }
0x7a: {  	_ =	shalt  }
0x7b: {  	_ =	shalt  }
0x7c: {  	_ =	shalt  }
0x7d: {  	_ =	shalt  }
0x7e: {  	_ =	shalt  }
0x7f: {  	_ =	shalt  }
0x80: {  	_ =	shalt  }
0x81: {  	_ =	shalt  }
0x82: {  	_ =	shalt  }
0x83: {  	_ =	shalt  }
0x84: {  	_ =	shalt  }
0x85: {  	_ =	shalt  }
0x86: {  	_ =	shalt  }
0x87: {  	_ =	shalt  }
.Lfunc_end0:
.L_simem_size_0:
called_computation_lowered:
.L_overlay_start_0:
0x88: {  	s2 =	sld [smem:$0x3FD9]  }
0x89: {  	s3 =	sld [smem:$0x3FFE];
	_ =	sdelay $0x1  }
0x8a: {  	s1 =	srdreg.scid  }
0x8b: {  	s0 =	sand.u32 $0x1, s1  }
0x8c: {  	s17 =	sshll.u32 s0, $0xA;
	s2 =	sadd.s32 s3, s2  }
0x8d: {  	s2 =	sadd.s32 s2, s17  }
0x8e: {  	[smem:$0x3FC2] =	sst s2  }
0x8f: {  	_ = 	snop  }
0x90: {  	s2 =	sld [smem:$0x3FD0];
	(tm) =	ssettm $0x1  }
0x91: {  	s18 =	sld [smem:$0x3FFB];
	_ =	sdelay $0x3  }
0x92: {  	_ =	strace s18  }
0x93: {  	s3 =	sld [smem:$0x3FFC];
	_ =	sdelay $0x3  }
0x94: {  	_ =	strace s3  }
0x95: {  	s3 =	sld [smem:$0x3FFD];
	_ =	sdelay $0x3  }
0x96: {  	_ =	strace s3  }
0x97: {  	_ =	strace $0x8FFFFFFF  }
0x98: {  	s19 =	sld [smem:$0x3FDB];
	_ =	sdelay $0x1  }
0x99: {  	s4 =	simm.s32 $_scs_section_size  }
0x9a: {  	s5 =	simm.s32 $_size__tile_overlayer_lowered;
	s6 =	simm.s32 $_tile_overlayer_lowered  }
0x9b: {  	s22 =	simm.s32 $0x1BFF;
	s21 =	sshll.u32 s6, $0x1;
	s3 =	sadd.s32 s4, s19  }
0x9c: {  	s7 =	simm.s32 $0x0;
	s20 =	sshll.u32 s5, $0x1;
	s5 =	sadd.s32 s21, s3  }
0x9d: {  	[timem:s7], [sflag:s22] =	dma.local [hbm:s5], s20  }
0x9e: {  	_ =	swait.ge [sflag:s22], s20  }
0x9f: {  	s4 =	ssub.s32 $0x0, s20;
	[sflag:s22] =	ssyncset.done $0x0  }
0xa0: {  	[sflag:s22] =	ssyncadd.s32 s4;
	_ =	sdelay $0x1  }
0xa1: {  	s23 =	simm.s32 $0x1B8B  }
0xa2: {  	_ =	swait.ge [sflag:s23], $0x1  }
0xa3: {  	[sflag:s23] =	ssyncset.done $0x0  }
0xa4: {  	s25 =	simm.s32 $0x1B8E;
	s24 =	sld [smem:$0x3FFE];
	[sflag:s23] =	ssyncadd.s32 $0xFFFFFFFF  }
0xa5: {  	s26 =	simm.s32 $execute0_lowered;
	[smem:$0x3FD2] =	sst s25  }
0xa6: {  	s5 =	sshll.u32 s26, $0x1;
	_ =	strace $0x80000046;
	[dreg:$0x1] =	wrdreg $0xFFFFFFFF  }
0xa7: {  	s28 =	simm.s32 $_size_execute0_lowered;
	s3 =	sadd.s32 s3, s5;
	[dreg:$0x0] =	wrdreg $0x0  }
0xa8: {  	s5 =	sshll.u32 s28, $0x1;
	[dreg:$0x2] =	wrdreg s3  }
0xa9: {  	[dreg:$0x3] =	wrdreg s5  }
0xaa: {  	[dreg:$0x4] =	wrdreg $0xC0  }
0xab: {  	_ =	task [dreg:s7], $0x5FFFF  }
0xac: {  	[dreg:$0x1] =	wrdreg $0xFFFFFFFF  }
0xad: {  	[dreg:$0x0] =	wrdreg $0x60  }
0xae: {  	[dreg:$0x2] =	wrdreg s2  }
0xaf: {  	[dreg:$0x3] =	wrdreg s24  }
0xb0: {  	[dreg:$0x4] =	wrdreg $0x9  }
0xb1: {  	_ =	task.clear_ibuf [dreg:s7], $0x5FFFF;
	_ =	strace $0x90000046  }
0xb2: {  	s29 =	simm.s32 $0x9;
	_ =	strace $0x80000048  }
0xb3: {  	_ =	swait.ge [sflag:s29], $0x1  }
0xb4: {  	[sflag:s29] =	ssyncadd.s32 $0xFFFFFFFF  }
0xb5: {  	_ =	strace $0x90000048  }
0xb6: {  	_ =	sfence  }
0xb7: {  	s30 =	sld [smem:$0x0];
	_ =	sdelay $0x2  }
0xb8: {  	s31 =	sshll.u32 s1, $0xD;
	s1 =	sshrl.u32 s1, $0x2  }
0xb9: {  	s3 =	sand.u32 $0x4000, s31;
	s1 =	sadd.s32 s1, s30  }
0xba: {  	s0 =	sor.u32 s3, s0;
	s1 =	sshll.u32 s1, $0x11  }
0xbb: {  	s0 =	sor.u32 s1, s0  }
0xbc: {  	s0 =	sadd.s32 $0x8F2B, s0  }
0xbd: {  	[sflag:s0] =	ssyncadd.remote.s32 $0x1  }
0xbe: {  	_ =	sfence.sel $0xFFFF  }
0xbf: {  	[dreg:$0x0] =	wrdreg $0xFFFFFFFF;
	(pc) =	sbr.abs _section_cstart, $3  }
0xc0: {  	[dreg:$0x1] =	wrdreg $0xFFFFFFFF  }
0xc1: {  	_ =	task.clear_ibuf [dreg:s7], $0x2FFFF;
	_ =	strace $0x9FFFFFFF  }
0xc2: {  	(tm) =	ssettm $0x7FFFFFFF  }
0xc3: {  	_ =	shalt  }
tec
execute0_lowered:
.L_overlay_start_1:
0x0: {  	(tag) =	ssettag $0x1  }
0x1: {  	s3 =	rddreg [dreg:$0x0];
	s1 =	srdreg.scid  }
0x2: {  	s0 =	stileid.u32;
	s4 =	rddreg [dreg:$0x1];
	s9 =	simm.s32 $0x400  }
0x3: {  	s10 =	simm.s32 $0x0;
	s5 =	sand.u32 $0x1, s1;
	s2 =	sshll.u32 s0, $0x1  }
0x4: {  	s1 =	rddreg [dreg:$0x2];
	s7 =	sshrl.u32 s0, $0x2;
	s6 =	sor.u32 s5, s2  }
0x5: {  	s2 =	simm.s32 $0x0;
	s7 =	smul.u32 $0x14000, s7;
	s5 =	ssub.s32 $0x2, s5  }
0x6: {  	s8 =	sshll.u32 s6, $0x7;
	[smem:$0x7FF] =	sst s2;
	s6 =	smul.u32 $0x2800, s6  }
0x7: {  	s31 =	sshrl.u32 s5, $0x1;
	s8 =	sand.u32 $0x380, s8;
	_ =	strace $0x80000047  }
0x8: {  	s5 =	ssub.s32 s5, s31;
	s7 =	sor.u32 s7, s8;
	s6 =	sshrl.u32 s6, $0x3  }
0x9: {  	s5 =	smax.u32 s5, $0x1;
	s8 =	simm.s32 $0x80;
	s7 =	sshrl.u32 s7, $0x3  }
0xa: {  	s3 =	sadd.s32 s3, s6;
	s6 =	simm.s32 $0x1;
	s4 =	sadd.s32 s7, s4  }
0xb: {  	v0 =	vimm.f32 $0.0e+00;
	v1 =	vimm.f32 $1.000000000e+00;
	s3 =	sadd.s32 $0xA000, s3;
	s7 =	simm.s32 $0x2800;
	s4 =	sadd.s32 $0x2800, s4  }
.LBB2_1:
0xc: {  	[tilespmem:s2], [sflag:$0x1] =	stream.linear.gather [hbm4b:s3+s2], $0x2800, $0x38;
	[tilespmem:$0x5000] =	vst v63  }
0xd: {  	_ =	swait.ge [sflag:s6], $0x2800  }
0xe: {  	[sflag:s6] =	ssyncset.done $0x0  }
0xf: {  	s11 =	simm.s32 $0x0;
	[sflag:s6] =	ssyncadd.s32 $0xFFFFD800  }
.LBB2_2:
0x10: {  	p0 =	sne.s32 s11, $0x9FC0  }
.Ltmp0:
0x11: {  	_ = 	snop;
	(pc) =	sbr.rel @p0 .LBB2_2-.Ltmp0, $3  }
0x12: {  	_ =	sdelay $0x1  }
0x13: {  	s12 =	sshra.s32 s11, $0x2  }
0x14: {  	s11 =	sadd.s32 $0x40, s11;
	[tilespmem:s12+$0x2800] =	vst v0  }
0x15: {  	s11 =	simm.s32 $0x0  }
.LBB2_4:
0x16: {  	s12 =	sshra.s32 s11, $0x2  }
0x17: {  	v2 =	vld [tilespmem:s12+$0x0];
	_ =	sdelay $0x7  }
0x18: {  	[tilespmem:v2+s7+$0x0] =	vst.idx.add.f32.msk $0xffff, v1  }
0x19: {  	v2 =	vld [tilespmem:s12+$0x10];
	_ =	sdelay $0x7  }
0x1a: {  	[tilespmem:v2+s7+$0x0] =	vst.idx.add.f32.msk $0xffff, v1  }
0x1b: {  	v2 =	vld [tilespmem:s12+$0x20];
	_ =	sdelay $0x7  }
0x1c: {  	[tilespmem:v2+s7+$0x0] =	vst.idx.add.f32.msk $0xffff, v1  }
0x1d: {  	v2 =	vld [tilespmem:s12+$0x30];
	_ =	sdelay $0x7  }
0x1e: {  	[tilespmem:v2+s7+$0x0] =	vst.idx.add.f32.msk $0xffff, v1  }
0x1f: {  	v2 =	vld [tilespmem:s12+$0x40];
	_ =	sdelay $0x7  }
0x20: {  	[tilespmem:v2+s7+$0x0] =	vst.idx.add.f32.msk $0xffff, v1  }
0x21: {  	v2 =	vld [tilespmem:s12+$0x50];
	_ =	sdelay $0x7  }
0x22: {  	[tilespmem:v2+s7+$0x0] =	vst.idx.add.f32.msk $0xffff, v1  }
0x23: {  	v2 =	vld [tilespmem:s12+$0x60];
	_ =	sdelay $0x7  }
0x24: {  	[tilespmem:v2+s7+$0x0] =	vst.idx.add.f32.msk $0xffff, v1  }
0x25: {  	v2 =	vld [tilespmem:s12+$0x70];
	_ =	sdelay $0x2  }
0x26: {  	p0 =	sne.s32 s11, $0x9E00  }
.Ltmp1:
0x27: {  	_ = 	snop;
	(pc) =	sbr.rel @p0 .LBB2_4-.Ltmp1, $2  }
0x28: {  	_ =	sdelay $0x2  }
0x29: {  	s11 =	sadd.s32 $0x200, s11;
	[tilespmem:v2+s7+$0x0] =	vst.idx.add.f32.msk $0xffff, v1  }
0x2a: {  	s10 =	sadd.s32 $0x1, s10  }
0x2b: {  	p0 =	sne.s32 s10, s5  }
.Ltmp2:
0x2c: {  	_ = 	snop;
	(pc) =	sbr.rel @p0 .LBB2_1-.Ltmp2, $4  }
0x2d: {  	[hbm4b:s4+s8] =	stream.strided.scatter [tilespmem:s7], [sflag:$0x1], $0x2800, s9, s8, $0x38;
	[tilespmem:$0x5000] =	vst v63  }
0x2e: {  	_ =	swait.ge [sflag:s6], $0x2800  }
0x2f: {  	[sflag:s6] =	ssyncset.done $0x0  }
0x30: {  	[sflag:s6] =	ssyncadd.s32 $0xFFFFD800  }
0x31: {  	_ =	sfence.sel $0x180000  }
0x32: {  	[bflag:$0x0] =	sbarrier.arrive $0xFFFF  }
0x33: {  	p0 =	sne.s32 s0, $0x0;
	_ =	strace $0x90000047  }
0x34: {  	s0 =	sadd.s32 @!p0 $0x100000, s1;
	[bflag:$0x2] =	sbarrier.arrive $0xFFFF  }
0x35: {  	[sflag:s0] =	ssyncadd.tile.s32 @!p0 $0x1;
	_ =	shalt  }
.Lfunc_end2:
_tile_overlayer_lowered:
.L_overlay_start_2:
0x36: {  	(tag) =	ssettag $0x2  }
0x37: {  	s0 =	rddreg [dreg:$0x0];
	s2 =	stileid.u32  }
0x38: {  	s1 =	rddreg [dreg:$0x1];
	p0 =	sne.s32 s2, $0x0  }
0x39: {  	s3 =	rddreg [dreg:$0x2];
	[bflag:$0x3] =	sbarrier.arrive $0xFFFF;
	s2 =	simm.s32 @!p0 $0x1C01  }
0x3a: {  	[timem:s3], [sflag:s2] =	dma.local @!p0 [hbm:s0], s1  }
0x3b: {  	s0 =	simm.s32 @!p0 $0x1  }
0x3c: {  	_ =	swait.ge @!p0 [sflag:s0], s1  }
0x3d: {  	s1 =	ssub.s32 @!p0 $0x0, s1;
	[sflag:s0] =	ssyncset.done @!p0 $0x0  }
0x3e: {  	[sflag:s0] =	ssyncadd.s32 @!p0 s1  }
0x3f: {  	[bflag:$0x3] =	sbarrier.arrive $0xFFFF  }
0x40: {  	_ =	shalt  }

</sc_bundles>
